<compile_context>
chip_gen: v7x
topology: tpu7x:2x2x1
jax: 0.10.2.dev20260603
libtpu: 0.0.44.dev20260713+nightly
codegen_flags: <defaults>
</compile_context>

<pallas_src>
import functools

import jax
import jax.numpy as jnp
from jax import lax
from jax.experimental import pallas as pl
from jax.experimental.pallas import tpu as pltpu
from jax.experimental.pallas import tpu_sc as plsc

_LANES = 128
_SUB = 10
_NW = 32
_F = 32


def _round_up(v, m):
    return (v + m - 1) // m * m


@functools.cache
def _sc_aggregate(n_pad, g_chunks):
    chunk_e = _SUB * _LANES
    rows_per_sub = n_pad // 16
    mesh = plsc.VectorSubcoreMesh(core_axis_name="c", subcore_axis_name="s")

    @functools.partial(
        pl.kernel,
        mesh=mesh,
        out_type=jax.ShapeDtypeStruct((2, n_pad, _F), jnp.float32),
        scratch_types=[
            pltpu.VMEM((2, _SUB, _LANES), jnp.int32),
            pltpu.VMEM((2, _SUB, _LANES), jnp.int32),
            pltpu.VMEM((2, chunk_e, _F), jnp.float32),
            pltpu.VMEM_SHARED((n_pad, _F), jnp.float32),
            pltpu.SemaphoreType.DMA,
            pltpu.SemaphoreType.DMA,
        ],
        compiler_params=pltpu.CompilerParams(use_tc_tiling_on_sc=False),
    )
    def agg(t_hbm, src_hbm, dst_hbm, zeros_hbm, out_hbm,
            src_v, dst_v, rows_v, accum, sem_g, sem_s):
        c = lax.axis_index("c")
        s = lax.axis_index("s")
        w = s * 2 + c
        pltpu.sync_copy(zeros_hbm, accum.at[pl.ds(s * rows_per_sub, rows_per_sub)])
        plsc.subcore_barrier()

        def issue_gathers(buf, chunk_src):
            for j in range(_SUB):
                pltpu.async_copy(t_hbm.at[chunk_src.at[j]],
                                 buf.at[pl.ds(j * _LANES, _LANES)], sem_g)

        def drain(sem, ref):
            pltpu.make_async_copy(t_hbm.at[pl.ds(0, chunk_e)], ref, sem).wait()

        pltpu.sync_copy(src_hbm.at[w, 0], src_v.at[0])
        pltpu.sync_copy(dst_hbm.at[w, 0], dst_v.at[0])
        issue_gathers(rows_v.at[0], src_v.at[0])

        def chunk(g, carry):
            b = jnp.bitwise_and(g, 1)
            nb = 1 - b

            @pl.when(g > 0)
            def _():
                drain(sem_s, rows_v.at[nb])

            @pl.when(g + 1 < g_chunks)
            def _():
                pltpu.sync_copy(src_hbm.at[w, g + 1], src_v.at[nb])
                pltpu.sync_copy(dst_hbm.at[w, g + 1], dst_v.at[nb])

            drain(sem_g, rows_v.at[b])

            @pl.when(g + 1 < g_chunks)
            def _():
                issue_gathers(rows_v.at[nb], src_v.at[nb])

            for j in range(_SUB):
                pltpu.async_copy(rows_v.at[b].at[pl.ds(j * _LANES, _LANES)],
                                 accum.at[dst_v.at[b].at[j]], sem_s, add=True)
            return carry

        lax.fori_loop(0, g_chunks, chunk, 0)
        drain(sem_s, rows_v.at[(g_chunks - 1) % 2])
        plsc.subcore_barrier()
        pltpu.sync_copy(accum.at[pl.ds(s * rows_per_sub, rows_per_sub)],
                        out_hbm.at[c, pl.ds(s * rows_per_sub, rows_per_sub)])

    return agg


_DN = (((1,), (1,)), ((), ()))
_DOT = (((1,), (0,)), ((), ()))


def _tc_prep(x, wl, wr, b):
    n = x.shape[0]

    def body(x_ref, wl_ref, wr_ref, b_ref, t_ref, r_ref):
        xb = x_ref[...]
        t = lax.dot_general(xb, wl_ref[...], _DN, preferred_element_type=jnp.float32)
        col = lax.broadcasted_iota(jnp.int32, (n, _F), 1)
        t_ref[...] = t + jnp.where(col == 24, 1.0, 0.0)
        r = lax.dot_general(xb, wr_ref[...], _DN, preferred_element_type=jnp.float32)
        r_ref[...] = r + b_ref[...]

    return pl.pallas_call(
        body,
        out_shape=[jax.ShapeDtypeStruct((n, _F), jnp.float32)] * 2,
    )(x, wl, wr, b)


def _tc_mid(p, cin, bdl, bdr, sel, b_tiled, m31, first):
    r_rows = p.shape[1]

    def body(p_ref, cin_ref, bdl_ref, bdr_ref, sel_ref, bt_ref, m31_ref,
             t_ref, cout_ref):
        sums = p_ref[0] + p_ref[1]
        cinb = cin_ref[...]
        if first:
            deg = lax.dot_general(sums, sel_ref[...], _DOT,
                                  preferred_element_type=jnp.float32)
            invd = 1.0 / jnp.maximum(deg, 1.0)
        else:
            invd = lax.dot_general(cinb, sel_ref[...], _DOT,
                                   preferred_element_type=jnp.float32)
        h = sums * invd + cinb
        h = jnp.where(h > 0, h, 0.01 * h)
        t_ref[...] = lax.dot_general(h, bdl_ref[...], _DOT,
                                     preferred_element_type=jnp.float32)
        cout = lax.dot_general(h, bdr_ref[...], _DOT,
                               preferred_element_type=jnp.float32) + bt_ref[...]
        m31 = m31_ref[...]
        cout_ref[...] = cout * (1.0 - m31) + invd * m31

    return pl.pallas_call(
        body,
        out_shape=[jax.ShapeDtypeStruct((r_rows, 128), jnp.float32)] * 2,
    )(p, cin, bdl, bdr, sel, b_tiled, m31)


def _tc_final(p, cin, bd_out, sel, b_tiled):
    r_rows = p.shape[1]

    def body(p_ref, cin_ref, bd_ref, sel_ref, bt_ref, o_ref):
        sums = p_ref[0] + p_ref[1]
        cinb = cin_ref[...]
        invd = lax.dot_general(cinb, sel_ref[...], _DOT,
                               preferred_element_type=jnp.float32)
        h = sums * invd + cinb
        h = jnp.where(h > 0, h, 0.01 * h)
        logit = lax.dot_general(h, bd_ref[...], _DOT,
                                preferred_element_type=jnp.float32) + bt_ref[...]
        o_ref[...] = jax.nn.sigmoid(logit)

    return pl.pallas_call(
        body,
        out_shape=jax.ShapeDtypeStruct((r_rows, 128), jnp.float32),
    )(p, cin, bd_out, sel, b_tiled)


def kernel(x, edge_index, W_l1, b_l1, W_r1, W_l2, b_l2, W_r2,
           W_l3, b_l3, W_r3, W_out, b_out):
    n, f_in = x.shape
    e = edge_index.shape[1]
    f32 = jnp.float32

    n_pad = _round_up(n, 256)
    if n_pad == n:
        n_pad += 256
    stride = _NW * _LANES * _SUB
    e_pad = _round_up(e, stride)
    g_chunks = e_pad // stride

    src = edge_index[0]
    dst = edge_index[1]
    pad = e_pad - e
    if pad:
        fill = jnp.arange(pad, dtype=jnp.int32)
        src = jnp.concatenate([src, fill % n])
        dst = jnp.concatenate([dst, n + fill % (n_pad - n)])
    src4 = src.reshape(_NW, g_chunks, _SUB, _LANES)
    dst4 = dst.reshape(_NW, g_chunks, _SUB, _LANES)
    zeros = jnp.zeros((n_pad // 16, _F), f32)

    def padw(mat):
        return jnp.pad(mat, ((0, _F - mat.shape[0]), (0, 0)))

    def padb(vec):
        return jnp.pad(vec, (0, _F - vec.shape[0])).reshape(1, _F)

    def bd(mat):
        blk = jnp.pad(mat, ((0, _F - mat.shape[0]), (0, _F - mat.shape[1]))).T
        return jnp.kron(jnp.eye(4, dtype=f32), blk)

    def tile4(row):
        return jnp.tile(row, (1, 4))

    lane = jnp.arange(128)
    m31 = ((lane % _F) == _F - 1).astype(f32).reshape(1, 128)
    s24 = (lane[:, None] == (lane[None, :] // _F) * _F + 24).astype(f32)
    s31 = (lane[:, None] == (lane[None, :] // _F) * _F + (_F - 1)).astype(f32)

    t1, r1 = _tc_prep(x, padw(W_l1), padw(W_r1), padb(b_l1))
    rpad = ((0, n_pad - n), (0, 0))
    t1 = jnp.pad(t1, rpad)
    r1p = jnp.pad(r1, rpad).reshape(n_pad // 4, 128)

    def unpack(a):
        return a.reshape(n_pad, _F)

    def repack(a):
        return a.reshape(2, n_pad // 4, 128)

    agg = _sc_aggregate(n_pad, g_chunks)

    p1 = agg(t1, src4, dst4, zeros)
    t2p, c2p = _tc_mid(repack(p1), r1p, bd(W_l2), bd(W_r2), s24,
                       tile4(padb(b_l2)), m31, first=True)
    p2 = agg(unpack(t2p), src4, dst4, zeros)
    t3p, c3p = _tc_mid(repack(p2), c2p, bd(W_l3), bd(W_r3), s31,
                       tile4(padb(b_l3)), m31, first=False)
    p3 = agg(unpack(t3p), src4, dst4, zeros)
    outp = _tc_final(repack(p3), c3p, bd(W_out), s31,
                     tile4(padb(b_out)))
    return outp.reshape(n_pad, _F)[:n, 0]

# --- scband reference (transcript-rebuilt; emitter-appended) ---
"""Pipeline reference for scband-gnnsdm-52278341927273 (READ-ONLY COPY).

The authoritative reference and input builder live on the scoring server;
editing this copy changes nothing except your own understanding.
"""

import jax, jax.numpy as jnp
import numpy as np


def _sage_conv(x, src, dst, W_l, b_l, W_r, n_nodes):
    # PyG SAGEConv with aggr='mean': out = lin_l(mean_j x_j) + lin_r(x_i)
    msgs = x[src]
    sums = jax.ops.segment_sum(msgs, dst, num_segments=n_nodes)
    deg = jax.ops.segment_sum(jnp.ones((src.shape[0],), x.dtype), dst, num_segments=n_nodes)
    mean = sums / jnp.clip(deg, 1.0)[:, None]
    return mean @ W_l.T + b_l + x @ W_r.T


def setup_inputs(seed: int = 0) -> dict:
    key = jax.random.key(seed)
    ks = jax.random.split(key, 16)
    N, E, F = 10000, 320000, 128
    x = jax.random.normal(ks[0], (N, F), dtype=jnp.float32)
    edge_index = jax.random.randint(ks[1], (2, E), 0, N, dtype=jnp.int32)

    def lin(k, out_d, in_d):
        return jax.random.normal(k, (out_d, in_d), dtype=jnp.float32) * (1.0 / np.sqrt(in_d))

    W_l1 = lin(ks[2], 24, 128); b_l1 = jnp.zeros((24,), jnp.float32); W_r1 = lin(ks[3], 24, 128)
    W_l2 = lin(ks[4], 18, 24);  b_l2 = jnp.zeros((18,), jnp.float32); W_r2 = lin(ks[5], 18, 24)
    W_l3 = lin(ks[6], 8, 18);   b_l3 = jnp.zeros((8,), jnp.float32);  W_r3 = lin(ks[7], 8, 18)
    W_out = lin(ks[8], 1, 8);   b_out = jnp.zeros((1,), jnp.float32)
    return {"x": x, "edge_index": edge_index,
            "W_l1": W_l1, "b_l1": b_l1, "W_r1": W_r1,
            "W_l2": W_l2, "b_l2": b_l2, "W_r2": W_r2,
            "W_l3": W_l3, "b_l3": b_l3, "W_r3": W_r3,
            "W_out": W_out, "b_out": b_out}


def reference(x, edge_index, W_l1, b_l1, W_r1, W_l2, b_l2, W_r2, W_l3, b_l3, W_r3, W_out, b_out):
    src, dst = edge_index[0], edge_index[1]
    n = x.shape[0]
    h = jax.nn.leaky_relu(_sage_conv(x, src, dst, W_l1, b_l1, W_r1, n), negative_slope=0.01)
    # dropout: eval mode -> identity
    h = jax.nn.leaky_relu(_sage_conv(h, src, dst, W_l2, b_l2, W_r2, n), negative_slope=0.01)
    h = jax.nn.leaky_relu(_sage_conv(h, src, dst, W_l3, b_l3, W_r3, n), negative_slope=0.01)
    out = jax.nn.sigmoid(h @ W_out.T + b_out)
    return out.squeeze(-1)

if __name__ == "__main__":
    import jax
    _d = setup_inputs()
    print(jax.jit(kernel)(*tuple(_d.values())))

</pallas_src>

<mosaic_0001>
#map = affine_map<(d0, d1) -> (0, 0)>
#map1 = affine_map<(d0, d1) -> (0, 0, 0, 0)>
#map2 = affine_map<(d0, d1) -> (0, 0, 0)>
module attributes {stable_mosaic.version = 14 : i64} {
  func.func @agg(%arg0: i32, %arg1: i32, %arg2: memref<10240x32xf32, #tpu.memory_space<hbm>>, %arg3: memref<32x8x10x128xi32, #tpu.memory_space<hbm>>, %arg4: memref<32x8x10x128xi32, #tpu.memory_space<hbm>>, %arg5: memref<640x32xf32, #tpu.memory_space<hbm>>, %arg6: memref<2x10240x32xf32, #tpu.memory_space<hbm>>, %arg7: memref<2x10x128xi32, #tpu.memory_space<vmem>>, %arg8: memref<2x10x128xi32, #tpu.memory_space<vmem>>, %arg9: memref<2x1280x32xf32, #tpu.memory_space<vmem>>, %arg10: memref<10240x32xf32, #tpu.memory_space<vmem_shared>>, %arg11: memref<!tpu.dma_semaphore, #tpu.memory_space<semaphore_mem>>, %arg12: memref<!tpu.dma_semaphore, #tpu.memory_space<semaphore_mem>>) attributes {dimension_semantics = [#tpu.dimension_semantics<core_parallel>, #tpu.dimension_semantics<subcore_parallel>], iteration_bounds = array<i64: 2, 16>, scalar_prefetch = 0 : i64, scratch_operands = 6 : i64, tpu.core_type = #tpu.core_type<sc_vector_subcore>, window_params = [{transform_indices = #map}, {transform_indices = #map1}, {transform_indices = #map1}, {transform_indices = #map}, {transform_indices = #map2}]} {
    %mul3A = arith.constant 2 : i32
    %mul3A_0 = arith.muli %arg1, %mul3A : i32
    %add3A = arith.addi %mul3A_0, %arg0 : i32
    %mul3A_1 = arith.constant 640 : i32
    %mul3A_2 = arith.muli %arg1, %mul3A_1 : i32
    "tpu.region"() ({
      %run_scoped3A_229 = tpu.sem_alloc : memref<!tpu.dma_semaphore, #tpu.memory_space<semaphore_mem>>
      %dma_start3A_230 = arith.constant 0 : i32
      %dma_start3A_231 = tpu.memref_slice %arg10[%mul3A_2, %dma_start3A_230] : memref<10240x32xf32, #tpu.memory_space<vmem_shared>> -> memref<640x32xf32, #tpu.memory_space<vmem_shared>>
      tpu.enqueue_dma source(%arg5 : memref<640x32xf32, #tpu.memory_space<hbm>>) target(%dma_start3A_231 : memref<640x32xf32, #tpu.memory_space<vmem_shared>>) target_semaphore(%run_scoped3A_229 : memref<!tpu.dma_semaphore, #tpu.memory_space<semaphore_mem>>)
      %dma_wait3A_232 = arith.constant 0 : i32
      %dma_wait3A_233 = tpu.memref_slice %arg10[%mul3A_2, %dma_wait3A_232] : memref<10240x32xf32, #tpu.memory_space<vmem_shared>> -> memref<640x32xf32, #tpu.memory_space<vmem_shared>>
      tpu.wait_dma2 semaphore(%run_scoped3A_229 : memref<!tpu.dma_semaphore, #tpu.memory_space<semaphore_mem>>) src(%arg5 : memref<640x32xf32, #tpu.memory_space<hbm>>) dst(%dma_wait3A_233 : memref<640x32xf32, #tpu.memory_space<vmem_shared>>)
      tpu.yield
    }) : () -> ()
    %barrier3A = arith.constant 0 : index
    tpu.barrier barrier_id(%barrier3A)
    %run_scoped3A = arith.constant 0 : i32
    %run_scoped3A_3 = arith.constant 0 : i32
    "tpu.region"() ({
      %run_scoped3A_229 = tpu.sem_alloc : memref<!tpu.dma_semaphore, #tpu.memory_space<semaphore_mem>>
      %dma_start3A_230 = arith.constant 0 : i32
      %dma_start3A_231 = arith.constant 0 : i32
      %dma_start3A_232 = tpu.memref_slice %arg7[%run_scoped3A_3, %dma_start3A_230, %dma_start3A_231] : memref<2x10x128xi32, #tpu.memory_space<vmem>> -> memref<1x10x128xi32, #tpu.memory_space<vmem>>
      %dma_start3A_233 = tpu.memref_squeeze %dma_start3A_232 : memref<1x10x128xi32, #tpu.memory_space<vmem>> -> memref<10x128xi32, #tpu.memory_space<vmem>>
      %dma_start3A_234 = arith.constant 0 : i32
      %dma_start3A_235 = arith.constant 0 : i32
      %dma_start3A_236 = tpu.memref_slice %arg3[%add3A, %run_scoped3A, %dma_start3A_234, %dma_start3A_235] : memref<32x8x10x128xi32, #tpu.memory_space<hbm>> -> memref<1x1x10x128xi32, #tpu.memory_space<hbm>>
      %dma_start3A_237 = tpu.memref_squeeze %dma_start3A_236 : memref<1x1x10x128xi32, #tpu.memory_space<hbm>> -> memref<10x128xi32, #tpu.memory_space<hbm>>
      %dma_start3A_238 = arith.constant 0 : i32
      %dma_start3A_239 = arith.constant 0 : i32
      %dma_start3A_240 = tpu.memref_slice %arg7[%run_scoped3A_3, %dma_start3A_238, %dma_start3A_239] : memref<2x10x128xi32, #tpu.memory_space<vmem>> -> memref<1x10x128xi32, #tpu.memory_space<vmem>>
      %dma_start3A_241 = tpu.memref_squeeze %dma_start3A_240 : memref<1x10x128xi32, #tpu.memory_space<vmem>> -> memref<10x128xi32, #tpu.memory_space<vmem>>
      %dma_start3A_242 = arith.constant 0 : i32
      %dma_start3A_243 = arith.constant 0 : i32
      %dma_start3A_244 = tpu.memref_slice %arg3[%add3A, %run_scoped3A, %dma_start3A_242, %dma_start3A_243] : memref<32x8x10x128xi32, #tpu.memory_space<hbm>> -> memref<1x1x10x128xi32, #tpu.memory_space<hbm>>
      %dma_start3A_245 = tpu.memref_squeeze %dma_start3A_244 : memref<1x1x10x128xi32, #tpu.memory_space<hbm>> -> memref<10x128xi32, #tpu.memory_space<hbm>>
      tpu.enqueue_dma source(%dma_start3A_245 : memref<10x128xi32, #tpu.memory_space<hbm>>) target(%dma_start3A_241 : memref<10x128xi32, #tpu.memory_space<vmem>>) target_semaphore(%run_scoped3A_229 : memref<!tpu.dma_semaphore, #tpu.memory_space<semaphore_mem>>)
      %dma_wait3A_246 = arith.constant 0 : i32
      %dma_wait3A_247 = arith.constant 0 : i32
      %dma_wait3A_248 = tpu.memref_slice %arg7[%run_scoped3A_3, %dma_wait3A_246, %dma_wait3A_247] : memref<2x10x128xi32, #tpu.memory_space<vmem>> -> memref<1x10x128xi32, #tpu.memory_space<vmem>>
      %dma_wait3A_249 = tpu.memref_squeeze %dma_wait3A_248 : memref<1x10x128xi32, #tpu.memory_space<vmem>> -> memref<10x128xi32, #tpu.memory_space<vmem>>
      %dma_wait3A_250 = arith.constant 0 : i32
      %dma_wait3A_251 = arith.constant 0 : i32
      %dma_wait3A_252 = tpu.memref_slice %arg3[%add3A, %run_scoped3A, %dma_wait3A_250, %dma_wait3A_251] : memref<32x8x10x128xi32, #tpu.memory_space<hbm>> -> memref<1x1x10x128xi32, #tpu.memory_space<hbm>>
      %dma_wait3A_253 = tpu.memref_squeeze %dma_wait3A_252 : memref<1x1x10x128xi32, #tpu.memory_space<hbm>> -> memref<10x128xi32, #tpu.memory_space<hbm>>
      %dma_wait3A_254 = arith.constant 0 : i32
      %dma_wait3A_255 = arith.constant 0 : i32
      %dma_wait3A_256 = tpu.memref_slice %arg7[%run_scoped3A_3, %dma_wait3A_254, %dma_wait3A_255] : memref<2x10x128xi32, #tpu.memory_space<vmem>> -> memref<1x10x128xi32, #tpu.memory_space<vmem>>
      %dma_wait3A_257 = tpu.memref_squeeze %dma_wait3A_256 : memref<1x10x128xi32, #tpu.memory_space<vmem>> -> memref<10x128xi32, #tpu.memory_space<vmem>>
      %dma_wait3A_258 = arith.constant 0 : i32
      %dma_wait3A_259 = arith.constant 0 : i32
      %dma_wait3A_260 = tpu.memref_slice %arg3[%add3A, %run_scoped3A, %dma_wait3A_258, %dma_wait3A_259] : memref<32x8x10x128xi32, #tpu.memory_space<hbm>> -> memref<1x1x10x128xi32, #tpu.memory_space<hbm>>
      %dma_wait3A_261 = tpu.memref_squeeze %dma_wait3A_260 : memref<1x1x10x128xi32, #tpu.memory_space<hbm>> -> memref<10x128xi32, #tpu.memory_space<hbm>>
      tpu.wait_dma2 semaphore(%run_scoped3A_229 : memref<!tpu.dma_semaphore, #tpu.memory_space<semaphore_mem>>) src(%dma_wait3A_261 : memref<10x128xi32, #tpu.memory_space<hbm>>) dst(%dma_wait3A_257 : memref<10x128xi32, #tpu.memory_space<vmem>>)
      tpu.yield
    }) : () -> ()
    %run_scoped3A_4 = arith.constant 0 : i32
    %run_scoped3A_5 = arith.constant 0 : i32
    "tpu.region"() ({
      %run_scoped3A_229 = tpu.sem_alloc : memref<!tpu.dma_semaphore, #tpu.memory_space<semaphore_mem>>
      %dma_start3A_230 = arith.constant 0 : i32
      %dma_start3A_231 = arith.constant 0 : i32
      %dma_start3A_232 = tpu.memref_slice %arg8[%run_scoped3A_5, %dma_start3A_230, %dma_start3A_231] : memref<2x10x128xi32, #tpu.memory_space<vmem>> -> memref<1x10x128xi32, #tpu.memory_space<vmem>>
      %dma_start3A_233 = tpu.memref_squeeze %dma_start3A_232 : memref<1x10x128xi32, #tpu.memory_space<vmem>> -> memref<10x128xi32, #tpu.memory_space<vmem>>
      %dma_start3A_234 = arith.constant 0 : i32
      %dma_start3A_235 = arith.constant 0 : i32
      %dma_start3A_236 = tpu.memref_slice %arg4[%add3A, %run_scoped3A_4, %dma_start3A_234, %dma_start3A_235] : memref<32x8x10x128xi32, #tpu.memory_space<hbm>> -> memref<1x1x10x128xi32, #tpu.memory_space<hbm>>
      %dma_start3A_237 = tpu.memref_squeeze %dma_start3A_236 : memref<1x1x10x128xi32, #tpu.memory_space<hbm>> -> memref<10x128xi32, #tpu.memory_space<hbm>>
      %dma_start3A_238 = arith.constant 0 : i32
      %dma_start3A_239 = arith.constant 0 : i32
      %dma_start3A_240 = tpu.memref_slice %arg8[%run_scoped3A_5, %dma_start3A_238, %dma_start3A_239] : memref<2x10x128xi32, #tpu.memory_space<vmem>> -> memref<1x10x128xi32, #tpu.memory_space<vmem>>
      %dma_start3A_241 = tpu.memref_squeeze %dma_start3A_240 : memref<1x10x128xi32, #tpu.memory_space<vmem>> -> memref<10x128xi32, #tpu.memory_space<vmem>>
      %dma_start3A_242 = arith.constant 0 : i32
      %dma_start3A_243 = arith.constant 0 : i32
      %dma_start3A_244 = tpu.memref_slice %arg4[%add3A, %run_scoped3A_4, %dma_start3A_242, %dma_start3A_243] : memref<32x8x10x128xi32, #tpu.memory_space<hbm>> -> memref<1x1x10x128xi32, #tpu.memory_space<hbm>>
      %dma_start3A_245 = tpu.memref_squeeze %dma_start3A_244 : memref<1x1x10x128xi32, #tpu.memory_space<hbm>> -> memref<10x128xi32, #tpu.memory_space<hbm>>
      tpu.enqueue_dma source(%dma_start3A_245 : memref<10x128xi32, #tpu.memory_space<hbm>>) target(%dma_start3A_241 : memref<10x128xi32, #tpu.memory_space<vmem>>) target_semaphore(%run_scoped3A_229 : memref<!tpu.dma_semaphore, #tpu.memory_space<semaphore_mem>>)
      %dma_wait3A_246 = arith.constant 0 : i32
      %dma_wait3A_247 = arith.constant 0 : i32
      %dma_wait3A_248 = tpu.memref_slice %arg8[%run_scoped3A_5, %dma_wait3A_246, %dma_wait3A_247] : memref<2x10x128xi32, #tpu.memory_space<vmem>> -> memref<1x10x128xi32, #tpu.memory_space<vmem>>
      %dma_wait3A_249 = tpu.memref_squeeze %dma_wait3A_248 : memref<1x10x128xi32, #tpu.memory_space<vmem>> -> memref<10x128xi32, #tpu.memory_space<vmem>>
      %dma_wait3A_250 = arith.constant 0 : i32
      %dma_wait3A_251 = arith.constant 0 : i32
      %dma_wait3A_252 = tpu.memref_slice %arg4[%add3A, %run_scoped3A_4, %dma_wait3A_250, %dma_wait3A_251] : memref<32x8x10x128xi32, #tpu.memory_space<hbm>> -> memref<1x1x10x128xi32, #tpu.memory_space<hbm>>
      %dma_wait3A_253 = tpu.memref_squeeze %dma_wait3A_252 : memref<1x1x10x128xi32, #tpu.memory_space<hbm>> -> memref<10x128xi32, #tpu.memory_space<hbm>>
      %dma_wait3A_254 = arith.constant 0 : i32
      %dma_wait3A_255 = arith.constant 0 : i32
      %dma_wait3A_256 = tpu.memref_slice %arg8[%run_scoped3A_5, %dma_wait3A_254, %dma_wait3A_255] : memref<2x10x128xi32, #tpu.memory_space<vmem>> -> memref<1x10x128xi32, #tpu.memory_space<vmem>>
      %dma_wait3A_257 = tpu.memref_squeeze %dma_wait3A_256 : memref<1x10x128xi32, #tpu.memory_space<vmem>> -> memref<10x128xi32, #tpu.memory_space<vmem>>
      %dma_wait3A_258 = arith.constant 0 : i32
      %dma_wait3A_259 = arith.constant 0 : i32
      %dma_wait3A_260 = tpu.memref_slice %arg4[%add3A, %run_scoped3A_4, %dma_wait3A_258, %dma_wait3A_259] : memref<32x8x10x128xi32, #tpu.memory_space<hbm>> -> memref<1x1x10x128xi32, #tpu.memory_space<hbm>>
      %dma_wait3A_261 = tpu.memref_squeeze %dma_wait3A_260 : memref<1x1x10x128xi32, #tpu.memory_space<hbm>> -> memref<10x128xi32, #tpu.memory_space<hbm>>
      tpu.wait_dma2 semaphore(%run_scoped3A_229 : memref<!tpu.dma_semaphore, #tpu.memory_space<semaphore_mem>>) src(%dma_wait3A_261 : memref<10x128xi32, #tpu.memory_space<hbm>>) dst(%dma_wait3A_257 : memref<10x128xi32, #tpu.memory_space<vmem>>)
      tpu.yield
    }) : () -> ()
    %dma_start3A = arith.constant 0 : i32
    %dma_start3A_6 = arith.constant 0 : i32
    %dma_start3A_7 = arith.constant 0 : i32
    %dma_start3A_8 = arith.constant 0 : i32
    %dma_start3A_9 = arith.constant 0 : i32
    %dma_start3A_10 = tpu.memref_slice %arg9[%dma_start3A_7, %dma_start3A_8, %dma_start3A_9] : memref<2x1280x32xf32, #tpu.memory_space<vmem>> -> memref<1x1280x32xf32, #tpu.memory_space<vmem>>
    %dma_start3A_11 = tpu.memref_squeeze %dma_start3A_10 : memref<1x1280x32xf32, #tpu.memory_space<vmem>> -> memref<1280x32xf32, #tpu.memory_space<vmem>>
    %dma_start3A_12 = arith.constant 0 : i32
    %dma_start3A_13 = arith.constant 0 : i32
    %dma_start3A_14 = tpu.memref_slice %dma_start3A_11[%dma_start3A_12, %dma_start3A_13] : memref<1280x32xf32, #tpu.memory_space<vmem>> -> memref<128x32xf32, #tpu.memory_space<vmem>>
    %dma_start3A_15 = arith.constant 0 : i32
    %dma_start3A_16 = arith.constant 0 : i32
    %dma_start3A_17 = tpu.memref_slice %arg7[%dma_start3A, %dma_start3A_15, %dma_start3A_16] : memref<2x10x128xi32, #tpu.memory_space<vmem>> -> memref<1x10x128xi32, #tpu.memory_space<vmem>>
    %dma_start3A_18 = tpu.memref_squeeze %dma_start3A_17 : memref<1x10x128xi32, #tpu.memory_space<vmem>> -> memref<10x128xi32, #tpu.memory_space<vmem>>
    %dma_start3A_19 = arith.constant 0 : i32
    %dma_start3A_20 = tpu.memref_slice %dma_start3A_18[%dma_start3A_6, %dma_start3A_19] : memref<10x128xi32, #tpu.memory_space<vmem>> -> memref<1x128xi32, #tpu.memory_space<vmem>>
    %dma_start3A_21 = tpu.memref_squeeze %dma_start3A_20 : memref<1x128xi32, #tpu.memory_space<vmem>> -> memref<128xi32, #tpu.memory_space<vmem>>
    %dma_start3A_22 = arith.constant 0 : i32
    %dma_start3A_23 = arith.constant 0 : i32
    %dma_start3A_24 = tpu.memref_slice %arg2[%dma_start3A_22, %dma_start3A_23] : memref<10240x32xf32, #tpu.memory_space<hbm>> -> memref<10240x32xf32, #tpu.memory_space<hbm>>
    tpu.enqueue_indirect_dma source(%dma_start3A_24 : memref<10240x32xf32, #tpu.memory_space<hbm>>) target(%dma_start3A_14 : memref<128x32xf32, #tpu.memory_space<vmem>>) offsets(%dma_start3A_21 : memref<128xi32, #tpu.memory_space<vmem>>) semaphore(%arg11 : memref<!tpu.dma_semaphore, #tpu.memory_space<semaphore_mem>>)
    %dma_start3A_25 = arith.constant 0 : i32
    %dma_start3A_26 = arith.constant 1 : i32
    %dma_start3A_27 = arith.constant 0 : i32
    %dma_start3A_28 = arith.constant 0 : i32
    %dma_start3A_29 = arith.constant 0 : i32
    %dma_start3A_30 = tpu.memref_slice %arg9[%dma_start3A_27, %dma_start3A_28, %dma_start3A_29] : memref<2x1280x32xf32, #tpu.memory_space<vmem>> -> memref<1x1280x32xf32, #tpu.memory_space<vmem>>
    %dma_start3A_31 = tpu.memref_squeeze %dma_start3A_30 : memref<1x1280x32xf32, #tpu.memory_space<vmem>> -> memref<1280x32xf32, #tpu.memory_space<vmem>>
    %dma_start3A_32 = arith.constant 128 : i32
    %dma_start3A_33 = arith.constant 0 : i32
    %dma_start3A_34 = tpu.memref_slice %dma_start3A_31[%dma_start3A_32, %dma_start3A_33] : memref<1280x32xf32, #tpu.memory_space<vmem>> -> memref<128x32xf32, #tpu.memory_space<vmem>>
    %dma_start3A_35 = arith.constant 0 : i32
    %dma_start3A_36 = arith.constant 0 : i32
    %dma_start3A_37 = tpu.memref_slice %arg7[%dma_start3A_25, %dma_start3A_35, %dma_start3A_36] : memref<2x10x128xi32, #tpu.memory_space<vmem>> -> memref<1x10x128xi32, #tpu.memory_space<vmem>>
    %dma_start3A_38 = tpu.memref_squeeze %dma_start3A_37 : memref<1x10x128xi32, #tpu.memory_space<vmem>> -> memref<10x128xi32, #tpu.memory_space<vmem>>
    %dma_start3A_39 = arith.constant 0 : i32
    %dma_start3A_40 = tpu.memref_slice %dma_start3A_38[%dma_start3A_26, %dma_start3A_39] : memref<10x128xi32, #tpu.memory_space<vmem>> -> memref<1x128xi32, #tpu.memory_space<vmem>>
    %dma_start3A_41 = tpu.memref_squeeze %dma_start3A_40 : memref<1x128xi32, #tpu.memory_space<vmem>> -> memref<128xi32, #tpu.memory_space<vmem>>
    %dma_start3A_42 = arith.constant 0 : i32
    %dma_start3A_43 = arith.constant 0 : i32
    %dma_start3A_44 = tpu.memref_slice %arg2[%dma_start3A_42, %dma_start3A_43] : memref<10240x32xf32, #tpu.memory_space<hbm>> -> memref<10240x32xf32, #tpu.memory_space<hbm>>
    tpu.enqueue_indirect_dma source(%dma_start3A_44 : memref<10240x32xf32, #tpu.memory_space<hbm>>) target(%dma_start3A_34 : memref<128x32xf32, #tpu.memory_space<vmem>>) offsets(%dma_start3A_41 : memref<128xi32, #tpu.memory_space<vmem>>) semaphore(%arg11 : memref<!tpu.dma_semaphore, #tpu.memory_space<semaphore_mem>>)
    %dma_start3A_45 = arith.constant 0 : i32
    %dma_start3A_46 = arith.constant 2 : i32
    %dma_start3A_47 = arith.constant 0 : i32
    %dma_start3A_48 = arith.constant 0 : i32
    %dma_start3A_49 = arith.constant 0 : i32
    %dma_start3A_50 = tpu.memref_slice %arg9[%dma_start3A_47, %dma_start3A_48, %dma_start3A_49] : memref<2x1280x32xf32, #tpu.memory_space<vmem>> -> memref<1x1280x32xf32, #tpu.memory_space<vmem>>
    %dma_start3A_51 = tpu.memref_squeeze %dma_start3A_50 : memref<1x1280x32xf32, #tpu.memory_space<vmem>> -> memref<1280x32xf32, #tpu.memory_space<vmem>>
    %dma_start3A_52 = arith.constant 256 : i32
    %dma_start3A_53 = arith.constant 0 : i32
    %dma_start3A_54 = tpu.memref_slice %dma_start3A_51[%dma_start3A_52, %dma_start3A_53] : memref<1280x32xf32, #tpu.memory_space<vmem>> -> memref<128x32xf32, #tpu.memory_space<vmem>>
    %dma_start3A_55 = arith.constant 0 : i32
    %dma_start3A_56 = arith.constant 0 : i32
    %dma_start3A_57 = tpu.memref_slice %arg7[%dma_start3A_45, %dma_start3A_55, %dma_start3A_56] : memref<2x10x128xi32, #tpu.memory_space<vmem>> -> memref<1x10x128xi32, #tpu.memory_space<vmem>>
    %dma_start3A_58 = tpu.memref_squeeze %dma_start3A_57 : memref<1x10x128xi32, #tpu.memory_space<vmem>> -> memref<10x128xi32, #tpu.memory_space<vmem>>
    %dma_start3A_59 = arith.constant 0 : i32
    %dma_start3A_60 = tpu.memref_slice %dma_start3A_58[%dma_start3A_46, %dma_start3A_59] : memref<10x128xi32, #tpu.memory_space<vmem>> -> memref<1x128xi32, #tpu.memory_space<vmem>>
    %dma_start3A_61 = tpu.memref_squeeze %dma_start3A_60 : memref<1x128xi32, #tpu.memory_space<vmem>> -> memref<128xi32, #tpu.memory_space<vmem>>
    %dma_start3A_62 = arith.constant 0 : i32
    %dma_start3A_63 = arith.constant 0 : i32
    %dma_start3A_64 = tpu.memref_slice %arg2[%dma_start3A_62, %dma_start3A_63] : memref<10240x32xf32, #tpu.memory_space<hbm>> -> memref<10240x32xf32, #tpu.memory_space<hbm>>
    tpu.enqueue_indirect_dma source(%dma_start3A_64 : memref<10240x32xf32, #tpu.memory_space<hbm>>) target(%dma_start3A_54 : memref<128x32xf32, #tpu.memory_space<vmem>>) offsets(%dma_start3A_61 : memref<128xi32, #tpu.memory_space<vmem>>) semaphore(%arg11 : memref<!tpu.dma_semaphore, #tpu.memory_space<semaphore_mem>>)
    %dma_start3A_65 = arith.constant 0 : i32
    %dma_start3A_66 = arith.constant 3 : i32
    %dma_start3A_67 = arith.constant 0 : i32
    %dma_start3A_68 = arith.constant 0 : i32
    %dma_start3A_69 = arith.constant 0 : i32
    %dma_start3A_70 = tpu.memref_slice %arg9[%dma_start3A_67, %dma_start3A_68, %dma_start3A_69] : memref<2x1280x32xf32, #tpu.memory_space<vmem>> -> memref<1x1280x32xf32, #tpu.memory_space<vmem>>
    %dma_start3A_71 = tpu.memref_squeeze %dma_start3A_70 : memref<1x1280x32xf32, #tpu.memory_space<vmem>> -> memref<1280x32xf32, #tpu.memory_space<vmem>>
    %dma_start3A_72 = arith.constant 384 : i32
    %dma_start3A_73 = arith.constant 0 : i32
    %dma_start3A_74 = tpu.memref_slice %dma_start3A_71[%dma_start3A_72, %dma_start3A_73] : memref<1280x32xf32, #tpu.memory_space<vmem>> -> memref<128x32xf32, #tpu.memory_space<vmem>>
    %dma_start3A_75 = arith.constant 0 : i32
    %dma_start3A_76 = arith.constant 0 : i32
    %dma_start3A_77 = tpu.memref_slice %arg7[%dma_start3A_65, %dma_start3A_75, %dma_start3A_76] : memref<2x10x128xi32, #tpu.memory_space<vmem>> -> memref<1x10x128xi32, #tpu.memory_space<vmem>>
    %dma_start3A_78 = tpu.memref_squeeze %dma_start3A_77 : memref<1x10x128xi32, #tpu.memory_space<vmem>> -> memref<10x128xi32, #tpu.memory_space<vmem>>
    %dma_start3A_79 = arith.constant 0 : i32
    %dma_start3A_80 = tpu.memref_slice %dma_start3A_78[%dma_start3A_66, %dma_start3A_79] : memref<10x128xi32, #tpu.memory_space<vmem>> -> memref<1x128xi32, #tpu.memory_space<vmem>>
    %dma_start3A_81 = tpu.memref_squeeze %dma_start3A_80 : memref<1x128xi32, #tpu.memory_space<vmem>> -> memref<128xi32, #tpu.memory_space<vmem>>
    %dma_start3A_82 = arith.constant 0 : i32
    %dma_start3A_83 = arith.constant 0 : i32
    %dma_start3A_84 = tpu.memref_slice %arg2[%dma_start3A_82, %dma_start3A_83] : memref<10240x32xf32, #tpu.memory_space<hbm>> -> memref<10240x32xf32, #tpu.memory_space<hbm>>
    tpu.enqueue_indirect_dma source(%dma_start3A_84 : memref<10240x32xf32, #tpu.memory_space<hbm>>) target(%dma_start3A_74 : memref<128x32xf32, #tpu.memory_space<vmem>>) offsets(%dma_start3A_81 : memref<128xi32, #tpu.memory_space<vmem>>) semaphore(%arg11 : memref<!tpu.dma_semaphore, #tpu.memory_space<semaphore_mem>>)
    %dma_start3A_85 = arith.constant 0 : i32
    %dma_start3A_86 = arith.constant 4 : i32
    %dma_start3A_87 = arith.constant 0 : i32
    %dma_start3A_88 = arith.constant 0 : i32
    %dma_start3A_89 = arith.constant 0 : i32
    %dma_start3A_90 = tpu.memref_slice %arg9[%dma_start3A_87, %dma_start3A_88, %dma_start3A_89] : memref<2x1280x32xf32, #tpu.memory_space<vmem>> -> memref<1x1280x32xf32, #tpu.memory_space<vmem>>
    %dma_start3A_91 = tpu.memref_squeeze %dma_start3A_90 : memref<1x1280x32xf32, #tpu.memory_space<vmem>> -> memref<1280x32xf32, #tpu.memory_space<vmem>>
    %dma_start3A_92 = arith.constant 512 : i32
    %dma_start3A_93 = arith.constant 0 : i32
    %dma_start3A_94 = tpu.memref_slice %dma_start3A_91[%dma_start3A_92, %dma_start3A_93] : memref<1280x32xf32, #tpu.memory_space<vmem>> -> memref<128x32xf32, #tpu.memory_space<vmem>>
    %dma_start3A_95 = arith.constant 0 : i32
    %dma_start3A_96 = arith.constant 0 : i32
    %dma_start3A_97 = tpu.memref_slice %arg7[%dma_start3A_85, %dma_start3A_95, %dma_start3A_96] : memref<2x10x128xi32, #tpu.memory_space<vmem>> -> memref<1x10x128xi32, #tpu.memory_space<vmem>>
    %dma_start3A_98 = tpu.memref_squeeze %dma_start3A_97 : memref<1x10x128xi32, #tpu.memory_space<vmem>> -> memref<10x128xi32, #tpu.memory_space<vmem>>
    %dma_start3A_99 = arith.constant 0 : i32
    %dma_start3A_100 = tpu.memref_slice %dma_start3A_98[%dma_start3A_86, %dma_start3A_99] : memref<10x128xi32, #tpu.memory_space<vmem>> -> memref<1x128xi32, #tpu.memory_space<vmem>>
    %dma_start3A_101 = tpu.memref_squeeze %dma_start3A_100 : memref<1x128xi32, #tpu.memory_space<vmem>> -> memref<128xi32, #tpu.memory_space<vmem>>
    %dma_start3A_102 = arith.constant 0 : i32
    %dma_start3A_103 = arith.constant 0 : i32
    %dma_start3A_104 = tpu.memref_slice %arg2[%dma_start3A_102, %dma_start3A_103] : memref<10240x32xf32, #tpu.memory_space<hbm>> -> memref<10240x32xf32, #tpu.memory_space<hbm>>
    tpu.enqueue_indirect_dma source(%dma_start3A_104 : memref<10240x32xf32, #tpu.memory_space<hbm>>) target(%dma_start3A_94 : memref<128x32xf32, #tpu.memory_space<vmem>>) offsets(%dma_start3A_101 : memref<128xi32, #tpu.memory_space<vmem>>) semaphore(%arg11 : memref<!tpu.dma_semaphore, #tpu.memory_space<semaphore_mem>>)
    %dma_start3A_105 = arith.constant 0 : i32
    %dma_start3A_106 = arith.constant 5 : i32
    %dma_start3A_107 = arith.constant 0 : i32
    %dma_start3A_108 = arith.constant 0 : i32
    %dma_start3A_109 = arith.constant 0 : i32
    %dma_start3A_110 = tpu.memref_slice %arg9[%dma_start3A_107, %dma_start3A_108, %dma_start3A_109] : memref<2x1280x32xf32, #tpu.memory_space<vmem>> -> memref<1x1280x32xf32, #tpu.memory_space<vmem>>
    %dma_start3A_111 = tpu.memref_squeeze %dma_start3A_110 : memref<1x1280x32xf32, #tpu.memory_space<vmem>> -> memref<1280x32xf32, #tpu.memory_space<vmem>>
    %dma_start3A_112 = arith.constant 640 : i32
    %dma_start3A_113 = arith.constant 0 : i32
    %dma_start3A_114 = tpu.memref_slice %dma_start3A_111[%dma_start3A_112, %dma_start3A_113] : memref<1280x32xf32, #tpu.memory_space<vmem>> -> memref<128x32xf32, #tpu.memory_space<vmem>>
    %dma_start3A_115 = arith.constant 0 : i32
    %dma_start3A_116 = arith.constant 0 : i32
    %dma_start3A_117 = tpu.memref_slice %arg7[%dma_start3A_105, %dma_start3A_115, %dma_start3A_116] : memref<2x10x128xi32, #tpu.memory_space<vmem>> -> memref<1x10x128xi32, #tpu.memory_space<vmem>>
    %dma_start3A_118 = tpu.memref_squeeze %dma_start3A_117 : memref<1x10x128xi32, #tpu.memory_space<vmem>> -> memref<10x128xi32, #tpu.memory_space<vmem>>
    %dma_start3A_119 = arith.constant 0 : i32
    %dma_start3A_120 = tpu.memref_slice %dma_start3A_118[%dma_start3A_106, %dma_start3A_119] : memref<10x128xi32, #tpu.memory_space<vmem>> -> memref<1x128xi32, #tpu.memory_space<vmem>>
    %dma_start3A_121 = tpu.memref_squeeze %dma_start3A_120 : memref<1x128xi32, #tpu.memory_space<vmem>> -> memref<128xi32, #tpu.memory_space<vmem>>
    %dma_start3A_122 = arith.constant 0 : i32
    %dma_start3A_123 = arith.constant 0 : i32
    %dma_start3A_124 = tpu.memref_slice %arg2[%dma_start3A_122, %dma_start3A_123] : memref<10240x32xf32, #tpu.memory_space<hbm>> -> memref<10240x32xf32, #tpu.memory_space<hbm>>
    tpu.enqueue_indirect_dma source(%dma_start3A_124 : memref<10240x32xf32, #tpu.memory_space<hbm>>) target(%dma_start3A_114 : memref<128x32xf32, #tpu.memory_space<vmem>>) offsets(%dma_start3A_121 : memref<128xi32, #tpu.memory_space<vmem>>) semaphore(%arg11 : memref<!tpu.dma_semaphore, #tpu.memory_space<semaphore_mem>>)
    %dma_start3A_125 = arith.constant 0 : i32
    %dma_start3A_126 = arith.constant 6 : i32
    %dma_start3A_127 = arith.constant 0 : i32
    %dma_start3A_128 = arith.constant 0 : i32
    %dma_start3A_129 = arith.constant 0 : i32
    %dma_start3A_130 = tpu.memref_slice %arg9[%dma_start3A_127, %dma_start3A_128, %dma_start3A_129] : memref<2x1280x32xf32, #tpu.memory_space<vmem>> -> memref<1x1280x32xf32, #tpu.memory_space<vmem>>
    %dma_start3A_131 = tpu.memref_squeeze %dma_start3A_130 : memref<1x1280x32xf32, #tpu.memory_space<vmem>> -> memref<1280x32xf32, #tpu.memory_space<vmem>>
    %dma_start3A_132 = arith.constant 768 : i32
    %dma_start3A_133 = arith.constant 0 : i32
    %dma_start3A_134 = tpu.memref_slice %dma_start3A_131[%dma_start3A_132, %dma_start3A_133] : memref<1280x32xf32, #tpu.memory_space<vmem>> -> memref<128x32xf32, #tpu.memory_space<vmem>>
    %dma_start3A_135 = arith.constant 0 : i32
    %dma_start3A_136 = arith.constant 0 : i32
    %dma_start3A_137 = tpu.memref_slice %arg7[%dma_start3A_125, %dma_start3A_135, %dma_start3A_136] : memref<2x10x128xi32, #tpu.memory_space<vmem>> -> memref<1x10x128xi32, #tpu.memory_space<vmem>>
    %dma_start3A_138 = tpu.memref_squeeze %dma_start3A_137 : memref<1x10x128xi32, #tpu.memory_space<vmem>> -> memref<10x128xi32, #tpu.memory_space<vmem>>
    %dma_start3A_139 = arith.constant 0 : i32
    %dma_start3A_140 = tpu.memref_slice %dma_start3A_138[%dma_start3A_126, %dma_start3A_139] : memref<10x128xi32, #tpu.memory_space<vmem>> -> memref<1x128xi32, #tpu.memory_space<vmem>>
    %dma_start3A_141 = tpu.memref_squeeze %dma_start3A_140 : memref<1x128xi32, #tpu.memory_space<vmem>> -> memref<128xi32, #tpu.memory_space<vmem>>
    %dma_start3A_142 = arith.constant 0 : i32
    %dma_start3A_143 = arith.constant 0 : i32
    %dma_start3A_144 = tpu.memref_slice %arg2[%dma_start3A_142, %dma_start3A_143] : memref<10240x32xf32, #tpu.memory_space<hbm>> -> memref<10240x32xf32, #tpu.memory_space<hbm>>
    tpu.enqueue_indirect_dma source(%dma_start3A_144 : memref<10240x32xf32, #tpu.memory_space<hbm>>) target(%dma_start3A_134 : memref<128x32xf32, #tpu.memory_space<vmem>>) offsets(%dma_start3A_141 : memref<128xi32, #tpu.memory_space<vmem>>) semaphore(%arg11 : memref<!tpu.dma_semaphore, #tpu.memory_space<semaphore_mem>>)
    %dma_start3A_145 = arith.constant 0 : i32
    %dma_start3A_146 = arith.constant 7 : i32
    %dma_start3A_147 = arith.constant 0 : i32
    %dma_start3A_148 = arith.constant 0 : i32
    %dma_start3A_149 = arith.constant 0 : i32
    %dma_start3A_150 = tpu.memref_slice %arg9[%dma_start3A_147, %dma_start3A_148, %dma_start3A_149] : memref<2x1280x32xf32, #tpu.memory_space<vmem>> -> memref<1x1280x32xf32, #tpu.memory_space<vmem>>
    %dma_start3A_151 = tpu.memref_squeeze %dma_start3A_150 : memref<1x1280x32xf32, #tpu.memory_space<vmem>> -> memref<1280x32xf32, #tpu.memory_space<vmem>>
    %dma_start3A_152 = arith.constant 896 : i32
    %dma_start3A_153 = arith.constant 0 : i32
    %dma_start3A_154 = tpu.memref_slice %dma_start3A_151[%dma_start3A_152, %dma_start3A_153] : memref<1280x32xf32, #tpu.memory_space<vmem>> -> memref<128x32xf32, #tpu.memory_space<vmem>>
    %dma_start3A_155 = arith.constant 0 : i32
    %dma_start3A_156 = arith.constant 0 : i32
    %dma_start3A_157 = tpu.memref_slice %arg7[%dma_start3A_145, %dma_start3A_155, %dma_start3A_156] : memref<2x10x128xi32, #tpu.memory_space<vmem>> -> memref<1x10x128xi32, #tpu.memory_space<vmem>>
    %dma_start3A_158 = tpu.memref_squeeze %dma_start3A_157 : memref<1x10x128xi32, #tpu.memory_space<vmem>> -> memref<10x128xi32, #tpu.memory_space<vmem>>
    %dma_start3A_159 = arith.constant 0 : i32
    %dma_start3A_160 = tpu.memref_slice %dma_start3A_158[%dma_start3A_146, %dma_start3A_159] : memref<10x128xi32, #tpu.memory_space<vmem>> -> memref<1x128xi32, #tpu.memory_space<vmem>>
    %dma_start3A_161 = tpu.memref_squeeze %dma_start3A_160 : memref<1x128xi32, #tpu.memory_space<vmem>> -> memref<128xi32, #tpu.memory_space<vmem>>
    %dma_start3A_162 = arith.constant 0 : i32
    %dma_start3A_163 = arith.constant 0 : i32
    %dma_start3A_164 = tpu.memref_slice %arg2[%dma_start3A_162, %dma_start3A_163] : memref<10240x32xf32, #tpu.memory_space<hbm>> -> memref<10240x32xf32, #tpu.memory_space<hbm>>
    tpu.enqueue_indirect_dma source(%dma_start3A_164 : memref<10240x32xf32, #tpu.memory_space<hbm>>) target(%dma_start3A_154 : memref<128x32xf32, #tpu.memory_space<vmem>>) offsets(%dma_start3A_161 : memref<128xi32, #tpu.memory_space<vmem>>) semaphore(%arg11 : memref<!tpu.dma_semaphore, #tpu.memory_space<semaphore_mem>>)
    %dma_start3A_165 = arith.constant 0 : i32
    %dma_start3A_166 = arith.constant 8 : i32
    %dma_start3A_167 = arith.constant 0 : i32
    %dma_start3A_168 = arith.constant 0 : i32
    %dma_start3A_169 = arith.constant 0 : i32
    %dma_start3A_170 = tpu.memref_slice %arg9[%dma_start3A_167, %dma_start3A_168, %dma_start3A_169] : memref<2x1280x32xf32, #tpu.memory_space<vmem>> -> memref<1x1280x32xf32, #tpu.memory_space<vmem>>
    %dma_start3A_171 = tpu.memref_squeeze %dma_start3A_170 : memref<1x1280x32xf32, #tpu.memory_space<vmem>> -> memref<1280x32xf32, #tpu.memory_space<vmem>>
    %dma_start3A_172 = arith.constant 1024 : i32
    %dma_start3A_173 = arith.constant 0 : i32
    %dma_start3A_174 = tpu.memref_slice %dma_start3A_171[%dma_start3A_172, %dma_start3A_173] : memref<1280x32xf32, #tpu.memory_space<vmem>> -> memref<128x32xf32, #tpu.memory_space<vmem>>
    %dma_start3A_175 = arith.constant 0 : i32
    %dma_start3A_176 = arith.constant 0 : i32
    %dma_start3A_177 = tpu.memref_slice %arg7[%dma_start3A_165, %dma_start3A_175, %dma_start3A_176] : memref<2x10x128xi32, #tpu.memory_space<vmem>> -> memref<1x10x128xi32, #tpu.memory_space<vmem>>
    %dma_start3A_178 = tpu.memref_squeeze %dma_start3A_177 : memref<1x10x128xi32, #tpu.memory_space<vmem>> -> memref<10x128xi32, #tpu.memory_space<vmem>>
    %dma_start3A_179 = arith.constant 0 : i32
    %dma_start3A_180 = tpu.memref_slice %dma_start3A_178[%dma_start3A_166, %dma_start3A_179] : memref<10x128xi32, #tpu.memory_space<vmem>> -> memref<1x128xi32, #tpu.memory_space<vmem>>
    %dma_start3A_181 = tpu.memref_squeeze %dma_start3A_180 : memref<1x128xi32, #tpu.memory_space<vmem>> -> memref<128xi32, #tpu.memory_space<vmem>>
    %dma_start3A_182 = arith.constant 0 : i32
    %dma_start3A_183 = arith.constant 0 : i32
    %dma_start3A_184 = tpu.memref_slice %arg2[%dma_start3A_182, %dma_start3A_183] : memref<10240x32xf32, #tpu.memory_space<hbm>> -> memref<10240x32xf32, #tpu.memory_space<hbm>>
    tpu.enqueue_indirect_dma source(%dma_start3A_184 : memref<10240x32xf32, #tpu.memory_space<hbm>>) target(%dma_start3A_174 : memref<128x32xf32, #tpu.memory_space<vmem>>) offsets(%dma_start3A_181 : memref<128xi32, #tpu.memory_space<vmem>>) semaphore(%arg11 : memref<!tpu.dma_semaphore, #tpu.memory_space<semaphore_mem>>)
    %dma_start3A_185 = arith.constant 0 : i32
    %dma_start3A_186 = arith.constant 9 : i32
    %dma_start3A_187 = arith.constant 0 : i32
    %dma_start3A_188 = arith.constant 0 : i32
    %dma_start3A_189 = arith.constant 0 : i32
    %dma_start3A_190 = tpu.memref_slice %arg9[%dma_start3A_187, %dma_start3A_188, %dma_start3A_189] : memref<2x1280x32xf32, #tpu.memory_space<vmem>> -> memref<1x1280x32xf32, #tpu.memory_space<vmem>>
    %dma_start3A_191 = tpu.memref_squeeze %dma_start3A_190 : memref<1x1280x32xf32, #tpu.memory_space<vmem>> -> memref<1280x32xf32, #tpu.memory_space<vmem>>
    %dma_start3A_192 = arith.constant 1152 : i32
    %dma_start3A_193 = arith.constant 0 : i32
    %dma_start3A_194 = tpu.memref_slice %dma_start3A_191[%dma_start3A_192, %dma_start3A_193] : memref<1280x32xf32, #tpu.memory_space<vmem>> -> memref<128x32xf32, #tpu.memory_space<vmem>>
    %dma_start3A_195 = arith.constant 0 : i32
    %dma_start3A_196 = arith.constant 0 : i32
    %dma_start3A_197 = tpu.memref_slice %arg7[%dma_start3A_185, %dma_start3A_195, %dma_start3A_196] : memref<2x10x128xi32, #tpu.memory_space<vmem>> -> memref<1x10x128xi32, #tpu.memory_space<vmem>>
    %dma_start3A_198 = tpu.memref_squeeze %dma_start3A_197 : memref<1x10x128xi32, #tpu.memory_space<vmem>> -> memref<10x128xi32, #tpu.memory_space<vmem>>
    %dma_start3A_199 = arith.constant 0 : i32
    %dma_start3A_200 = tpu.memref_slice %dma_start3A_198[%dma_start3A_186, %dma_start3A_199] : memref<10x128xi32, #tpu.memory_space<vmem>> -> memref<1x128xi32, #tpu.memory_space<vmem>>
    %dma_start3A_201 = tpu.memref_squeeze %dma_start3A_200 : memref<1x128xi32, #tpu.memory_space<vmem>> -> memref<128xi32, #tpu.memory_space<vmem>>
    %dma_start3A_202 = arith.constant 0 : i32
    %dma_start3A_203 = arith.constant 0 : i32
    %dma_start3A_204 = tpu.memref_slice %arg2[%dma_start3A_202, %dma_start3A_203] : memref<10240x32xf32, #tpu.memory_space<hbm>> -> memref<10240x32xf32, #tpu.memory_space<hbm>>
    tpu.enqueue_indirect_dma source(%dma_start3A_204 : memref<10240x32xf32, #tpu.memory_space<hbm>>) target(%dma_start3A_194 : memref<128x32xf32, #tpu.memory_space<vmem>>) offsets(%dma_start3A_201 : memref<128xi32, #tpu.memory_space<vmem>>) semaphore(%arg11 : memref<!tpu.dma_semaphore, #tpu.memory_space<semaphore_mem>>)
    %scan3A = arith.constant 0 : i32
    %scan3A_205 = arith.constant 0 : i32
    %scan3A_206 = arith.constant 8 : i32
    %scan3A_207 = arith.addi %scan3A_205, %scan3A_206 : i32
    %scan3A_208 = arith.constant 1 : i32
    scf.for %scan3A_229 = %scan3A_205 to %scan3A_207 step %scan3A_208  : i32 {
      %and3A = arith.constant 1 : i32
      %and3A_230 = arith.andi %scan3A_229, %and3A : i32
      %sub3A = arith.constant 1 : i32
      %sub3A_231 = arith.subi %sub3A, %and3A_230 : i32
      %gt3A = arith.constant 0 : i32
      %gt3A_232 = arith.cmpi sgt, %scan3A_229, %gt3A : i32
      %convert_element_type3A = arith.extui %gt3A_232 : i1 to i32
      %cond3A = arith.constant 0 : i32
      %cond3A_233 = arith.cmpi ne, %convert_element_type3A, %cond3A : i32
      scf.if %cond3A_233 {
        %dma_wait3A_441 = arith.constant 0 : i32
        %dma_wait3A_442 = arith.constant 0 : i32
        %dma_wait3A_443 = tpu.memref_slice %arg9[%sub3A_231, %dma_wait3A_441, %dma_wait3A_442] : memref<2x1280x32xf32, #tpu.memory_space<vmem>> -> memref<1x1280x32xf32, #tpu.memory_space<vmem>>
        %dma_wait3A_444 = tpu.memref_squeeze %dma_wait3A_443 : memref<1x1280x32xf32, #tpu.memory_space<vmem>> -> memref<1280x32xf32, #tpu.memory_space<vmem>>
        %dma_wait3A_445 = arith.constant 0 : i32
        %dma_wait3A_446 = arith.constant 0 : i32
        %dma_wait3A_447 = tpu.memref_slice %arg2[%dma_wait3A_445, %dma_wait3A_446] : memref<10240x32xf32, #tpu.memory_space<hbm>> -> memref<1280x32xf32, #tpu.memory_space<hbm>>
        %dma_wait3A_448 = arith.constant 0 : i32
        %dma_wait3A_449 = arith.constant 0 : i32
        %dma_wait3A_450 = tpu.memref_slice %arg9[%sub3A_231, %dma_wait3A_448, %dma_wait3A_449] : memref<2x1280x32xf32, #tpu.memory_space<vmem>> -> memref<1x1280x32xf32, #tpu.memory_space<vmem>>
        %dma_wait3A_451 = tpu.memref_squeeze %dma_wait3A_450 : memref<1x1280x32xf32, #tpu.memory_space<vmem>> -> memref<1280x32xf32, #tpu.memory_space<vmem>>
        %dma_wait3A_452 = arith.constant 0 : i32
        %dma_wait3A_453 = arith.constant 0 : i32
        %dma_wait3A_454 = tpu.memref_slice %arg2[%dma_wait3A_452, %dma_wait3A_453] : memref<10240x32xf32, #tpu.memory_space<hbm>> -> memref<1280x32xf32, #tpu.memory_space<hbm>>
        tpu.wait_dma2 semaphore(%arg12 : memref<!tpu.dma_semaphore, #tpu.memory_space<semaphore_mem>>) src(%dma_wait3A_454 : memref<1280x32xf32, #tpu.memory_space<hbm>>) dst(%dma_wait3A_451 : memref<1280x32xf32, #tpu.memory_space<vmem>>)
      } else {
      }
      %add3A_234 = arith.constant 1 : i32
      %add3A_235 = arith.addi %scan3A_229, %add3A_234 : i32
      %lt3A = arith.constant 8 : i32
      %lt3A_236 = arith.cmpi slt, %add3A_235, %lt3A : i32
      %convert_element_type3A_237 = arith.extui %lt3A_236 : i1 to i32
      %cond3A_238 = arith.constant 0 : i32
      %cond3A_239 = arith.cmpi ne, %convert_element_type3A_237, %cond3A_238 : i32
      scf.if %cond3A_239 {
        %add3A_441 = arith.constant 1 : i32
        %add3A_442 = arith.addi %scan3A_229, %add3A_441 : i32
        "tpu.region"() ({
          %run_scoped3A_445 = tpu.sem_alloc : memref<!tpu.dma_semaphore, #tpu.memory_space<semaphore_mem>>
          %dma_start3A_446 = arith.constant 0 : i32
          %dma_start3A_447 = arith.constant 0 : i32
          %dma_start3A_448 = tpu.memref_slice %arg7[%sub3A_231, %dma_start3A_446, %dma_start3A_447] : memref<2x10x128xi32, #tpu.memory_space<vmem>> -> memref<1x10x128xi32, #tpu.memory_space<vmem>>
          %dma_start3A_449 = tpu.memref_squeeze %dma_start3A_448 : memref<1x10x128xi32, #tpu.memory_space<vmem>> -> memref<10x128xi32, #tpu.memory_space<vmem>>
          %dma_start3A_450 = arith.constant 0 : i32
          %dma_start3A_451 = arith.constant 0 : i32
          %dma_start3A_452 = tpu.memref_slice %arg3[%add3A, %add3A_442, %dma_start3A_450, %dma_start3A_451] : memref<32x8x10x128xi32, #tpu.memory_space<hbm>> -> memref<1x1x10x128xi32, #tpu.memory_space<hbm>>
          %dma_start3A_453 = tpu.memref_squeeze %dma_start3A_452 : memref<1x1x10x128xi32, #tpu.memory_space<hbm>> -> memref<10x128xi32, #tpu.memory_space<hbm>>
          %dma_start3A_454 = arith.constant 0 : i32
          %dma_start3A_455 = arith.constant 0 : i32
          %dma_start3A_456 = tpu.memref_slice %arg7[%sub3A_231, %dma_start3A_454, %dma_start3A_455] : memref<2x10x128xi32, #tpu.memory_space<vmem>> -> memref<1x10x128xi32, #tpu.memory_space<vmem>>
          %dma_start3A_457 = tpu.memref_squeeze %dma_start3A_456 : memref<1x10x128xi32, #tpu.memory_space<vmem>> -> memref<10x128xi32, #tpu.memory_space<vmem>>
          %dma_start3A_458 = arith.constant 0 : i32
          %dma_start3A_459 = arith.constant 0 : i32
          %dma_start3A_460 = tpu.memref_slice %arg3[%add3A, %add3A_442, %dma_start3A_458, %dma_start3A_459] : memref<32x8x10x128xi32, #tpu.memory_space<hbm>> -> memref<1x1x10x128xi32, #tpu.memory_space<hbm>>
          %dma_start3A_461 = tpu.memref_squeeze %dma_start3A_460 : memref<1x1x10x128xi32, #tpu.memory_space<hbm>> -> memref<10x128xi32, #tpu.memory_space<hbm>>
          tpu.enqueue_dma source(%dma_start3A_461 : memref<10x128xi32, #tpu.memory_space<hbm>>) target(%dma_start3A_457 : memref<10x128xi32, #tpu.memory_space<vmem>>) target_semaphore(%run_scoped3A_445 : memref<!tpu.dma_semaphore, #tpu.memory_space<semaphore_mem>>)
          %dma_wait3A_462 = arith.constant 0 : i32
          %dma_wait3A_463 = arith.constant 0 : i32
          %dma_wait3A_464 = tpu.memref_slice %arg7[%sub3A_231, %dma_wait3A_462, %dma_wait3A_463] : memref<2x10x128xi32, #tpu.memory_space<vmem>> -> memref<1x10x128xi32, #tpu.memory_space<vmem>>
          %dma_wait3A_465 = tpu.memref_squeeze %dma_wait3A_464 : memref<1x10x128xi32, #tpu.memory_space<vmem>> -> memref<10x128xi32, #tpu.memory_space<vmem>>
          %dma_wait3A_466 = arith.constant 0 : i32
          %dma_wait3A_467 = arith.constant 0 : i32
          %dma_wait3A_468 = tpu.memref_slice %arg3[%add3A, %add3A_442, %dma_wait3A_466, %dma_wait3A_467] : memref<32x8x10x128xi32, #tpu.memory_space<hbm>> -> memref<1x1x10x128xi32, #tpu.memory_space<hbm>>
          %dma_wait3A_469 = tpu.memref_squeeze %dma_wait3A_468 : memref<1x1x10x128xi32, #tpu.memory_space<hbm>> -> memref<10x128xi32, #tpu.memory_space<hbm>>
          %dma_wait3A_470 = arith.constant 0 : i32
          %dma_wait3A_471 = arith.constant 0 : i32
          %dma_wait3A_472 = tpu.memref_slice %arg7[%sub3A_231, %dma_wait3A_470, %dma_wait3A_471] : memref<2x10x128xi32, #tpu.memory_space<vmem>> -> memref<1x10x128xi32, #tpu.memory_space<vmem>>
          %dma_wait3A_473 = tpu.memref_squeeze %dma_wait3A_472 : memref<1x10x128xi32, #tpu.memory_space<vmem>> -> memref<10x128xi32, #tpu.memory_space<vmem>>
          %dma_wait3A_474 = arith.constant 0 : i32
          %dma_wait3A_475 = arith.constant 0 : i32
          %dma_wait3A_476 = tpu.memref_slice %arg3[%add3A, %add3A_442, %dma_wait3A_474, %dma_wait3A_475] : memref<32x8x10x128xi32, #tpu.memory_space<hbm>> -> memref<1x1x10x128xi32, #tpu.memory_space<hbm>>
          %dma_wait3A_477 = tpu.memref_squeeze %dma_wait3A_476 : memref<1x1x10x128xi32, #tpu.memory_space<hbm>> -> memref<10x128xi32, #tpu.memory_space<hbm>>
          tpu.wait_dma2 semaphore(%run_scoped3A_445 : memref<!tpu.dma_semaphore, #tpu.memory_space<semaphore_mem>>) src(%dma_wait3A_477 : memref<10x128xi32, #tpu.memory_space<hbm>>) dst(%dma_wait3A_473 : memref<10x128xi32, #tpu.memory_space<vmem>>)
          tpu.yield
        }) : () -> ()
        %add3A_443 = arith.constant 1 : i32
        %add3A_444 = arith.addi %scan3A_229, %add3A_443 : i32
        "tpu.region"() ({
          %run_scoped3A_445 = tpu.sem_alloc : memref<!tpu.dma_semaphore, #tpu.memory_space<semaphore_mem>>
          %dma_start3A_446 = arith.constant 0 : i32
          %dma_start3A_447 = arith.constant 0 : i32
          %dma_start3A_448 = tpu.memref_slice %arg8[%sub3A_231, %dma_start3A_446, %dma_start3A_447] : memref<2x10x128xi32, #tpu.memory_space<vmem>> -> memref<1x10x128xi32, #tpu.memory_space<vmem>>
          %dma_start3A_449 = tpu.memref_squeeze %dma_start3A_448 : memref<1x10x128xi32, #tpu.memory_space<vmem>> -> memref<10x128xi32, #tpu.memory_space<vmem>>
          %dma_start3A_450 = arith.constant 0 : i32
          %dma_start3A_451 = arith.constant 0 : i32
          %dma_start3A_452 = tpu.memref_slice %arg4[%add3A, %add3A_444, %dma_start3A_450, %dma_start3A_451] : memref<32x8x10x128xi32, #tpu.memory_space<hbm>> -> memref<1x1x10x128xi32, #tpu.memory_space<hbm>>
          %dma_start3A_453 = tpu.memref_squeeze %dma_start3A_452 : memref<1x1x10x128xi32, #tpu.memory_space<hbm>> -> memref<10x128xi32, #tpu.memory_space<hbm>>
          %dma_start3A_454 = arith.constant 0 : i32
          %dma_start3A_455 = arith.constant 0 : i32
          %dma_start3A_456 = tpu.memref_slice %arg8[%sub3A_231, %dma_start3A_454, %dma_start3A_455] : memref<2x10x128xi32, #tpu.memory_space<vmem>> -> memref<1x10x128xi32, #tpu.memory_space<vmem>>
          %dma_start3A_457 = tpu.memref_squeeze %dma_start3A_456 : memref<1x10x128xi32, #tpu.memory_space<vmem>> -> memref<10x128xi32, #tpu.memory_space<vmem>>
          %dma_start3A_458 = arith.constant 0 : i32
          %dma_start3A_459 = arith.constant 0 : i32
          %dma_start3A_460 = tpu.memref_slice %arg4[%add3A, %add3A_444, %dma_start3A_458, %dma_start3A_459] : memref<32x8x10x128xi32, #tpu.memory_space<hbm>> -> memref<1x1x10x128xi32, #tpu.memory_space<hbm>>
          %dma_start3A_461 = tpu.memref_squeeze %dma_start3A_460 : memref<1x1x10x128xi32, #tpu.memory_space<hbm>> -> memref<10x128xi32, #tpu.memory_space<hbm>>
          tpu.enqueue_dma source(%dma_start3A_461 : memref<10x128xi32, #tpu.memory_space<hbm>>) target(%dma_start3A_457 : memref<10x128xi32, #tpu.memory_space<vmem>>) target_semaphore(%run_scoped3A_445 : memref<!tpu.dma_semaphore, #tpu.memory_space<semaphore_mem>>)
          %dma_wait3A_462 = arith.constant 0 : i32
          %dma_wait3A_463 = arith.constant 0 : i32
          %dma_wait3A_464 = tpu.memref_slice %arg8[%sub3A_231, %dma_wait3A_462, %dma_wait3A_463] : memref<2x10x128xi32, #tpu.memory_space<vmem>> -> memref<1x10x128xi32, #tpu.memory_space<vmem>>
          %dma_wait3A_465 = tpu.memref_squeeze %dma_wait3A_464 : memref<1x10x128xi32, #tpu.memory_space<vmem>> -> memref<10x128xi32, #tpu.memory_space<vmem>>
          %dma_wait3A_466 = arith.constant 0 : i32
          %dma_wait3A_467 = arith.constant 0 : i32
          %dma_wait3A_468 = tpu.memref_slice %arg4[%add3A, %add3A_444, %dma_wait3A_466, %dma_wait3A_467] : memref<32x8x10x128xi32, #tpu.memory_space<hbm>> -> memref<1x1x10x128xi32, #tpu.memory_space<hbm>>
          %dma_wait3A_469 = tpu.memref_squeeze %dma_wait3A_468 : memref<1x1x10x128xi32, #tpu.memory_space<hbm>> -> memref<10x128xi32, #tpu.memory_space<hbm>>
          %dma_wait3A_470 = arith.constant 0 : i32
          %dma_wait3A_471 = arith.constant 0 : i32
          %dma_wait3A_472 = tpu.memref_slice %arg8[%sub3A_231, %dma_wait3A_470, %dma_wait3A_471] : memref<2x10x128xi32, #tpu.memory_space<vmem>> -> memref<1x10x128xi32, #tpu.memory_space<vmem>>
          %dma_wait3A_473 = tpu.memref_squeeze %dma_wait3A_472 : memref<1x10x128xi32, #tpu.memory_space<vmem>> -> memref<10x128xi32, #tpu.memory_space<vmem>>
          %dma_wait3A_474 = arith.constant 0 : i32
          %dma_wait3A_475 = arith.constant 0 : i32
          %dma_wait3A_476 = tpu.memref_slice %arg4[%add3A, %add3A_444, %dma_wait3A_474, %dma_wait3A_475] : memref<32x8x10x128xi32, #tpu.memory_space<hbm>> -> memref<1x1x10x128xi32, #tpu.memory_space<hbm>>
          %dma_wait3A_477 = tpu.memref_squeeze %dma_wait3A_476 : memref<1x1x10x128xi32, #tpu.memory_space<hbm>> -> memref<10x128xi32, #tpu.memory_space<hbm>>
          tpu.wait_dma2 semaphore(%run_scoped3A_445 : memref<!tpu.dma_semaphore, #tpu.memory_space<semaphore_mem>>) src(%dma_wait3A_477 : memref<10x128xi32, #tpu.memory_space<hbm>>) dst(%dma_wait3A_473 : memref<10x128xi32, #tpu.memory_space<vmem>>)
          tpu.yield
        }) : () -> ()
      } else {
      }
      %dma_wait3A_240 = arith.constant 0 : i32
      %dma_wait3A_241 = arith.constant 0 : i32
      %dma_wait3A_242 = tpu.memref_slice %arg9[%and3A_230, %dma_wait3A_240, %dma_wait3A_241] : memref<2x1280x32xf32, #tpu.memory_space<vmem>> -> memref<1x1280x32xf32, #tpu.memory_space<vmem>>
      %dma_wait3A_243 = tpu.memref_squeeze %dma_wait3A_242 : memref<1x1280x32xf32, #tpu.memory_space<vmem>> -> memref<1280x32xf32, #tpu.memory_space<vmem>>
      %dma_wait3A_244 = arith.constant 0 : i32
      %dma_wait3A_245 = arith.constant 0 : i32
      %dma_wait3A_246 = tpu.memref_slice %arg2[%dma_wait3A_244, %dma_wait3A_245] : memref<10240x32xf32, #tpu.memory_space<hbm>> -> memref<1280x32xf32, #tpu.memory_space<hbm>>
      %dma_wait3A_247 = arith.constant 0 : i32
      %dma_wait3A_248 = arith.constant 0 : i32
      %dma_wait3A_249 = tpu.memref_slice %arg9[%and3A_230, %dma_wait3A_247, %dma_wait3A_248] : memref<2x1280x32xf32, #tpu.memory_space<vmem>> -> memref<1x1280x32xf32, #tpu.memory_space<vmem>>
      %dma_wait3A_250 = tpu.memref_squeeze %dma_wait3A_249 : memref<1x1280x32xf32, #tpu.memory_space<vmem>> -> memref<1280x32xf32, #tpu.memory_space<vmem>>
      %dma_wait3A_251 = arith.constant 0 : i32
      %dma_wait3A_252 = arith.constant 0 : i32
      %dma_wait3A_253 = tpu.memref_slice %arg2[%dma_wait3A_251, %dma_wait3A_252] : memref<10240x32xf32, #tpu.memory_space<hbm>> -> memref<1280x32xf32, #tpu.memory_space<hbm>>
      tpu.wait_dma2 semaphore(%arg11 : memref<!tpu.dma_semaphore, #tpu.memory_space<semaphore_mem>>) src(%dma_wait3A_253 : memref<1280x32xf32, #tpu.memory_space<hbm>>) dst(%dma_wait3A_250 : memref<1280x32xf32, #tpu.memory_space<vmem>>)
      %add3A_254 = arith.constant 1 : i32
      %add3A_255 = arith.addi %scan3A_229, %add3A_254 : i32
      %lt3A_256 = arith.constant 8 : i32
      %lt3A_257 = arith.cmpi slt, %add3A_255, %lt3A_256 : i32
      %convert_element_type3A_258 = arith.extui %lt3A_257 : i1 to i32
      %cond3A_259 = arith.constant 0 : i32
      %cond3A_260 = arith.cmpi ne, %convert_element_type3A_258, %cond3A_259 : i32
      scf.if %cond3A_260 {
        %dma_start3A_441 = arith.constant 0 : i32
        %dma_start3A_442 = arith.constant 0 : i32
        %dma_start3A_443 = arith.constant 0 : i32
        %dma_start3A_444 = tpu.memref_slice %arg9[%sub3A_231, %dma_start3A_442, %dma_start3A_443] : memref<2x1280x32xf32, #tpu.memory_space<vmem>> -> memref<1x1280x32xf32, #tpu.memory_space<vmem>>
        %dma_start3A_445 = tpu.memref_squeeze %dma_start3A_444 : memref<1x1280x32xf32, #tpu.memory_space<vmem>> -> memref<1280x32xf32, #tpu.memory_space<vmem>>
        %dma_start3A_446 = arith.constant 0 : i32
        %dma_start3A_447 = arith.constant 0 : i32
        %dma_start3A_448 = tpu.memref_slice %dma_start3A_445[%dma_start3A_446, %dma_start3A_447] : memref<1280x32xf32, #tpu.memory_space<vmem>> -> memref<128x32xf32, #tpu.memory_space<vmem>>
        %dma_start3A_449 = arith.constant 0 : i32
        %dma_start3A_450 = arith.constant 0 : i32
        %dma_start3A_451 = tpu.memref_slice %arg7[%sub3A_231, %dma_start3A_449, %dma_start3A_450] : memref<2x10x128xi32, #tpu.memory_space<vmem>> -> memref<1x10x128xi32, #tpu.memory_space<vmem>>
        %dma_start3A_452 = tpu.memref_squeeze %dma_start3A_451 : memref<1x10x128xi32, #tpu.memory_space<vmem>> -> memref<10x128xi32, #tpu.memory_space<vmem>>
        %dma_start3A_453 = arith.constant 0 : i32
        %dma_start3A_454 = tpu.memref_slice %dma_start3A_452[%dma_start3A_441, %dma_start3A_453] : memref<10x128xi32, #tpu.memory_space<vmem>> -> memref<1x128xi32, #tpu.memory_space<vmem>>
        %dma_start3A_455 = tpu.memref_squeeze %dma_start3A_454 : memref<1x128xi32, #tpu.memory_space<vmem>> -> memref<128xi32, #tpu.memory_space<vmem>>
        %dma_start3A_456 = arith.constant 0 : i32
        %dma_start3A_457 = arith.constant 0 : i32
        %dma_start3A_458 = tpu.memref_slice %arg2[%dma_start3A_456, %dma_start3A_457] : memref<10240x32xf32, #tpu.memory_space<hbm>> -> memref<10240x32xf32, #tpu.memory_space<hbm>>
        tpu.enqueue_indirect_dma source(%dma_start3A_458 : memref<10240x32xf32, #tpu.memory_space<hbm>>) target(%dma_start3A_448 : memref<128x32xf32, #tpu.memory_space<vmem>>) offsets(%dma_start3A_455 : memref<128xi32, #tpu.memory_space<vmem>>) semaphore(%arg11 : memref<!tpu.dma_semaphore, #tpu.memory_space<semaphore_mem>>)
        %dma_start3A_459 = arith.constant 1 : i32
        %dma_start3A_460 = arith.constant 0 : i32
        %dma_start3A_461 = arith.constant 0 : i32
        %dma_start3A_462 = tpu.memref_slice %arg9[%sub3A_231, %dma_start3A_460, %dma_start3A_461] : memref<2x1280x32xf32, #tpu.memory_space<vmem>> -> memref<1x1280x32xf32, #tpu.memory_space<vmem>>
        %dma_start3A_463 = tpu.memref_squeeze %dma_start3A_462 : memref<1x1280x32xf32, #tpu.memory_space<vmem>> -> memref<1280x32xf32, #tpu.memory_space<vmem>>
        %dma_start3A_464 = arith.constant 128 : i32
        %dma_start3A_465 = arith.constant 0 : i32
        %dma_start3A_466 = tpu.memref_slice %dma_start3A_463[%dma_start3A_464, %dma_start3A_465] : memref<1280x32xf32, #tpu.memory_space<vmem>> -> memref<128x32xf32, #tpu.memory_space<vmem>>
        %dma_start3A_467 = arith.constant 0 : i32
        %dma_start3A_468 = arith.constant 0 : i32
        %dma_start3A_469 = tpu.memref_slice %arg7[%sub3A_231, %dma_start3A_467, %dma_start3A_468] : memref<2x10x128xi32, #tpu.memory_space<vmem>> -> memref<1x10x128xi32, #tpu.memory_space<vmem>>
        %dma_start3A_470 = tpu.memref_squeeze %dma_start3A_469 : memref<1x10x128xi32, #tpu.memory_space<vmem>> -> memref<10x128xi32, #tpu.memory_space<vmem>>
        %dma_start3A_471 = arith.constant 0 : i32
        %dma_start3A_472 = tpu.memref_slice %dma_start3A_470[%dma_start3A_459, %dma_start3A_471] : memref<10x128xi32, #tpu.memory_space<vmem>> -> memref<1x128xi32, #tpu.memory_space<vmem>>
        %dma_start3A_473 = tpu.memref_squeeze %dma_start3A_472 : memref<1x128xi32, #tpu.memory_space<vmem>> -> memref<128xi32, #tpu.memory_space<vmem>>
        %dma_start3A_474 = arith.constant 0 : i32
        %dma_start3A_475 = arith.constant 0 : i32
        %dma_start3A_476 = tpu.memref_slice %arg2[%dma_start3A_474, %dma_start3A_475] : memref<10240x32xf32, #tpu.memory_space<hbm>> -> memref<10240x32xf32, #tpu.memory_space<hbm>>
        tpu.enqueue_indirect_dma source(%dma_start3A_476 : memref<10240x32xf32, #tpu.memory_space<hbm>>) target(%dma_start3A_466 : memref<128x32xf32, #tpu.memory_space<vmem>>) offsets(%dma_start3A_473 : memref<128xi32, #tpu.memory_space<vmem>>) semaphore(%arg11 : memref<!tpu.dma_semaphore, #tpu.memory_space<semaphore_mem>>)
        %dma_start3A_477 = arith.constant 2 : i32
        %dma_start3A_478 = arith.constant 0 : i32
        %dma_start3A_479 = arith.constant 0 : i32
        %dma_start3A_480 = tpu.memref_slice %arg9[%sub3A_231, %dma_start3A_478, %dma_start3A_479] : memref<2x1280x32xf32, #tpu.memory_space<vmem>> -> memref<1x1280x32xf32, #tpu.memory_space<vmem>>
        %dma_start3A_481 = tpu.memref_squeeze %dma_start3A_480 : memref<1x1280x32xf32, #tpu.memory_space<vmem>> -> memref<1280x32xf32, #tpu.memory_space<vmem>>
        %dma_start3A_482 = arith.constant 256 : i32
        %dma_start3A_483 = arith.constant 0 : i32
        %dma_start3A_484 = tpu.memref_slice %dma_start3A_481[%dma_start3A_482, %dma_start3A_483] : memref<1280x32xf32, #tpu.memory_space<vmem>> -> memref<128x32xf32, #tpu.memory_space<vmem>>
        %dma_start3A_485 = arith.constant 0 : i32
        %dma_start3A_486 = arith.constant 0 : i32
        %dma_start3A_487 = tpu.memref_slice %arg7[%sub3A_231, %dma_start3A_485, %dma_start3A_486] : memref<2x10x128xi32, #tpu.memory_space<vmem>> -> memref<1x10x128xi32, #tpu.memory_space<vmem>>
        %dma_start3A_488 = tpu.memref_squeeze %dma_start3A_487 : memref<1x10x128xi32, #tpu.memory_space<vmem>> -> memref<10x128xi32, #tpu.memory_space<vmem>>
        %dma_start3A_489 = arith.constant 0 : i32
        %dma_start3A_490 = tpu.memref_slice %dma_start3A_488[%dma_start3A_477, %dma_start3A_489] : memref<10x128xi32, #tpu.memory_space<vmem>> -> memref<1x128xi32, #tpu.memory_space<vmem>>
        %dma_start3A_491 = tpu.memref_squeeze %dma_start3A_490 : memref<1x128xi32, #tpu.memory_space<vmem>> -> memref<128xi32, #tpu.memory_space<vmem>>
        %dma_start3A_492 = arith.constant 0 : i32
        %dma_start3A_493 = arith.constant 0 : i32
        %dma_start3A_494 = tpu.memref_slice %arg2[%dma_start3A_492, %dma_start3A_493] : memref<10240x32xf32, #tpu.memory_space<hbm>> -> memref<10240x32xf32, #tpu.memory_space<hbm>>
        tpu.enqueue_indirect_dma source(%dma_start3A_494 : memref<10240x32xf32, #tpu.memory_space<hbm>>) target(%dma_start3A_484 : memref<128x32xf32, #tpu.memory_space<vmem>>) offsets(%dma_start3A_491 : memref<128xi32, #tpu.memory_space<vmem>>) semaphore(%arg11 : memref<!tpu.dma_semaphore, #tpu.memory_space<semaphore_mem>>)
        %dma_start3A_495 = arith.constant 3 : i32
        %dma_start3A_496 = arith.constant 0 : i32
        %dma_start3A_497 = arith.constant 0 : i32
        %dma_start3A_498 = tpu.memref_slice %arg9[%sub3A_231, %dma_start3A_496, %dma_start3A_497] : memref<2x1280x32xf32, #tpu.memory_space<vmem>> -> memref<1x1280x32xf32, #tpu.memory_space<vmem>>
        %dma_start3A_499 = tpu.memref_squeeze %dma_start3A_498 : memref<1x1280x32xf32, #tpu.memory_space<vmem>> -> memref<1280x32xf32, #tpu.memory_space<vmem>>
        %dma_start3A_500 = arith.constant 384 : i32
        %dma_start3A_501 = arith.constant 0 : i32
        %dma_start3A_502 = tpu.memref_slice %dma_start3A_499[%dma_start3A_500, %dma_start3A_501] : memref<1280x32xf32, #tpu.memory_space<vmem>> -> memref<128x32xf32, #tpu.memory_space<vmem>>
        %dma_start3A_503 = arith.constant 0 : i32
        %dma_start3A_504 = arith.constant 0 : i32
        %dma_start3A_505 = tpu.memref_slice %arg7[%sub3A_231, %dma_start3A_503, %dma_start3A_504] : memref<2x10x128xi32, #tpu.memory_space<vmem>> -> memref<1x10x128xi32, #tpu.memory_space<vmem>>
        %dma_start3A_506 = tpu.memref_squeeze %dma_start3A_505 : memref<1x10x128xi32, #tpu.memory_space<vmem>> -> memref<10x128xi32, #tpu.memory_space<vmem>>
        %dma_start3A_507 = arith.constant 0 : i32
        %dma_start3A_508 = tpu.memref_slice %dma_start3A_506[%dma_start3A_495, %dma_start3A_507] : memref<10x128xi32, #tpu.memory_space<vmem>> -> memref<1x128xi32, #tpu.memory_space<vmem>>
        %dma_start3A_509 = tpu.memref_squeeze %dma_start3A_508 : memref<1x128xi32, #tpu.memory_space<vmem>> -> memref<128xi32, #tpu.memory_space<vmem>>
        %dma_start3A_510 = arith.constant 0 : i32
        %dma_start3A_511 = arith.constant 0 : i32
        %dma_start3A_512 = tpu.memref_slice %arg2[%dma_start3A_510, %dma_start3A_511] : memref<10240x32xf32, #tpu.memory_space<hbm>> -> memref<10240x32xf32, #tpu.memory_space<hbm>>
        tpu.enqueue_indirect_dma source(%dma_start3A_512 : memref<10240x32xf32, #tpu.memory_space<hbm>>) target(%dma_start3A_502 : memref<128x32xf32, #tpu.memory_space<vmem>>) offsets(%dma_start3A_509 : memref<128xi32, #tpu.memory_space<vmem>>) semaphore(%arg11 : memref<!tpu.dma_semaphore, #tpu.memory_space<semaphore_mem>>)
        %dma_start3A_513 = arith.constant 4 : i32
        %dma_start3A_514 = arith.constant 0 : i32
        %dma_start3A_515 = arith.constant 0 : i32
        %dma_start3A_516 = tpu.memref_slice %arg9[%sub3A_231, %dma_start3A_514, %dma_start3A_515] : memref<2x1280x32xf32, #tpu.memory_space<vmem>> -> memref<1x1280x32xf32, #tpu.memory_space<vmem>>
        %dma_start3A_517 = tpu.memref_squeeze %dma_start3A_516 : memref<1x1280x32xf32, #tpu.memory_space<vmem>> -> memref<1280x32xf32, #tpu.memory_space<vmem>>
        %dma_start3A_518 = arith.constant 512 : i32
        %dma_start3A_519 = arith.constant 0 : i32
        %dma_start3A_520 = tpu.memref_slice %dma_start3A_517[%dma_start3A_518, %dma_start3A_519] : memref<1280x32xf32, #tpu.memory_space<vmem>> -> memref<128x32xf32, #tpu.memory_space<vmem>>
        %dma_start3A_521 = arith.constant 0 : i32
        %dma_start3A_522 = arith.constant 0 : i32
        %dma_start3A_523 = tpu.memref_slice %arg7[%sub3A_231, %dma_start3A_521, %dma_start3A_522] : memref<2x10x128xi32, #tpu.memory_space<vmem>> -> memref<1x10x128xi32, #tpu.memory_space<vmem>>
        %dma_start3A_524 = tpu.memref_squeeze %dma_start3A_523 : memref<1x10x128xi32, #tpu.memory_space<vmem>> -> memref<10x128xi32, #tpu.memory_space<vmem>>
        %dma_start3A_525 = arith.constant 0 : i32
        %dma_start3A_526 = tpu.memref_slice %dma_start3A_524[%dma_start3A_513, %dma_start3A_525] : memref<10x128xi32, #tpu.memory_space<vmem>> -> memref<1x128xi32, #tpu.memory_space<vmem>>
        %dma_start3A_527 = tpu.memref_squeeze %dma_start3A_526 : memref<1x128xi32, #tpu.memory_space<vmem>> -> memref<128xi32, #tpu.memory_space<vmem>>
        %dma_start3A_528 = arith.constant 0 : i32
        %dma_start3A_529 = arith.constant 0 : i32
        %dma_start3A_530 = tpu.memref_slice %arg2[%dma_start3A_528, %dma_start3A_529] : memref<10240x32xf32, #tpu.memory_space<hbm>> -> memref<10240x32xf32, #tpu.memory_space<hbm>>
        tpu.enqueue_indirect_dma source(%dma_start3A_530 : memref<10240x32xf32, #tpu.memory_space<hbm>>) target(%dma_start3A_520 : memref<128x32xf32, #tpu.memory_space<vmem>>) offsets(%dma_start3A_527 : memref<128xi32, #tpu.memory_space<vmem>>) semaphore(%arg11 : memref<!tpu.dma_semaphore, #tpu.memory_space<semaphore_mem>>)
        %dma_start3A_531 = arith.constant 5 : i32
        %dma_start3A_532 = arith.constant 0 : i32
        %dma_start3A_533 = arith.constant 0 : i32
        %dma_start3A_534 = tpu.memref_slice %arg9[%sub3A_231, %dma_start3A_532, %dma_start3A_533] : memref<2x1280x32xf32, #tpu.memory_space<vmem>> -> memref<1x1280x32xf32, #tpu.memory_space<vmem>>
        %dma_start3A_535 = tpu.memref_squeeze %dma_start3A_534 : memref<1x1280x32xf32, #tpu.memory_space<vmem>> -> memref<1280x32xf32, #tpu.memory_space<vmem>>
        %dma_start3A_536 = arith.constant 640 : i32
        %dma_start3A_537 = arith.constant 0 : i32
        %dma_start3A_538 = tpu.memref_slice %dma_start3A_535[%dma_start3A_536, %dma_start3A_537] : memref<1280x32xf32, #tpu.memory_space<vmem>> -> memref<128x32xf32, #tpu.memory_space<vmem>>
        %dma_start3A_539 = arith.constant 0 : i32
        %dma_start3A_540 = arith.constant 0 : i32
        %dma_start3A_541 = tpu.memref_slice %arg7[%sub3A_231, %dma_start3A_539, %dma_start3A_540] : memref<2x10x128xi32, #tpu.memory_space<vmem>> -> memref<1x10x128xi32, #tpu.memory_space<vmem>>
        %dma_start3A_542 = tpu.memref_squeeze %dma_start3A_541 : memref<1x10x128xi32, #tpu.memory_space<vmem>> -> memref<10x128xi32, #tpu.memory_space<vmem>>
        %dma_start3A_543 = arith.constant 0 : i32
        %dma_start3A_544 = tpu.memref_slice %dma_start3A_542[%dma_start3A_531, %dma_start3A_543] : memref<10x128xi32, #tpu.memory_space<vmem>> -> memref<1x128xi32, #tpu.memory_space<vmem>>
        %dma_start3A_545 = tpu.memref_squeeze %dma_start3A_544 : memref<1x128xi32, #tpu.memory_space<vmem>> -> memref<128xi32, #tpu.memory_space<vmem>>
        %dma_start3A_546 = arith.constant 0 : i32
        %dma_start3A_547 = arith.constant 0 : i32
        %dma_start3A_548 = tpu.memref_slice %arg2[%dma_start3A_546, %dma_start3A_547] : memref<10240x32xf32, #tpu.memory_space<hbm>> -> memref<10240x32xf32, #tpu.memory_space<hbm>>
        tpu.enqueue_indirect_dma source(%dma_start3A_548 : memref<10240x32xf32, #tpu.memory_space<hbm>>) target(%dma_start3A_538 : memref<128x32xf32, #tpu.memory_space<vmem>>) offsets(%dma_start3A_545 : memref<128xi32, #tpu.memory_space<vmem>>) semaphore(%arg11 : memref<!tpu.dma_semaphore, #tpu.memory_space<semaphore_mem>>)
        %dma_start3A_549 = arith.constant 6 : i32
        %dma_start3A_550 = arith.constant 0 : i32
        %dma_start3A_551 = arith.constant 0 : i32
        %dma_start3A_552 = tpu.memref_slice %arg9[%sub3A_231, %dma_start3A_550, %dma_start3A_551] : memref<2x1280x32xf32, #tpu.memory_space<vmem>> -> memref<1x1280x32xf32, #tpu.memory_space<vmem>>
        %dma_start3A_553 = tpu.memref_squeeze %dma_start3A_552 : memref<1x1280x32xf32, #tpu.memory_space<vmem>> -> memref<1280x32xf32, #tpu.memory_space<vmem>>
        %dma_start3A_554 = arith.constant 768 : i32
        %dma_start3A_555 = arith.constant 0 : i32
        %dma_start3A_556 = tpu.memref_slice %dma_start3A_553[%dma_start3A_554, %dma_start3A_555] : memref<1280x32xf32, #tpu.memory_space<vmem>> -> memref<128x32xf32, #tpu.memory_space<vmem>>
        %dma_start3A_557 = arith.constant 0 : i32
        %dma_start3A_558 = arith.constant 0 : i32
        %dma_start3A_559 = tpu.memref_slice %arg7[%sub3A_231, %dma_start3A_557, %dma_start3A_558] : memref<2x10x128xi32, #tpu.memory_space<vmem>> -> memref<1x10x128xi32, #tpu.memory_space<vmem>>
        %dma_start3A_560 = tpu.memref_squeeze %dma_start3A_559 : memref<1x10x128xi32, #tpu.memory_space<vmem>> -> memref<10x128xi32, #tpu.memory_space<vmem>>
        %dma_start3A_561 = arith.constant 0 : i32
        %dma_start3A_562 = tpu.memref_slice %dma_start3A_560[%dma_start3A_549, %dma_start3A_561] : memref<10x128xi32, #tpu.memory_space<vmem>> -> memref<1x128xi32, #tpu.memory_space<vmem>>
        %dma_start3A_563 = tpu.memref_squeeze %dma_start3A_562 : memref<1x128xi32, #tpu.memory_space<vmem>> -> memref<128xi32, #tpu.memory_space<vmem>>
        %dma_start3A_564 = arith.constant 0 : i32
        %dma_start3A_565 = arith.constant 0 : i32
        %dma_start3A_566 = tpu.memref_slice %arg2[%dma_start3A_564, %dma_start3A_565] : memref<10240x32xf32, #tpu.memory_space<hbm>> -> memref<10240x32xf32, #tpu.memory_space<hbm>>
        tpu.enqueue_indirect_dma source(%dma_start3A_566 : memref<10240x32xf32, #tpu.memory_space<hbm>>) target(%dma_start3A_556 : memref<128x32xf32, #tpu.memory_space<vmem>>) offsets(%dma_start3A_563 : memref<128xi32, #tpu.memory_space<vmem>>) semaphore(%arg11 : memref<!tpu.dma_semaphore, #tpu.memory_space<semaphore_mem>>)
        %dma_start3A_567 = arith.constant 7 : i32
        %dma_start3A_568 = arith.constant 0 : i32
        %dma_start3A_569 = arith.constant 0 : i32
        %dma_start3A_570 = tpu.memref_slice %arg9[%sub3A_231, %dma_start3A_568, %dma_start3A_569] : memref<2x1280x32xf32, #tpu.memory_space<vmem>> -> memref<1x1280x32xf32, #tpu.memory_space<vmem>>
        %dma_start3A_571 = tpu.memref_squeeze %dma_start3A_570 : memref<1x1280x32xf32, #tpu.memory_space<vmem>> -> memref<1280x32xf32, #tpu.memory_space<vmem>>
        %dma_start3A_572 = arith.constant 896 : i32
        %dma_start3A_573 = arith.constant 0 : i32
        %dma_start3A_574 = tpu.memref_slice %dma_start3A_571[%dma_start3A_572, %dma_start3A_573] : memref<1280x32xf32, #tpu.memory_space<vmem>> -> memref<128x32xf32, #tpu.memory_space<vmem>>
        %dma_start3A_575 = arith.constant 0 : i32
        %dma_start3A_576 = arith.constant 0 : i32
        %dma_start3A_577 = tpu.memref_slice %arg7[%sub3A_231, %dma_start3A_575, %dma_start3A_576] : memref<2x10x128xi32, #tpu.memory_space<vmem>> -> memref<1x10x128xi32, #tpu.memory_space<vmem>>
        %dma_start3A_578 = tpu.memref_squeeze %dma_start3A_577 : memref<1x10x128xi32, #tpu.memory_space<vmem>> -> memref<10x128xi32, #tpu.memory_space<vmem>>
        %dma_start3A_579 = arith.constant 0 : i32
        %dma_start3A_580 = tpu.memref_slice %dma_start3A_578[%dma_start3A_567, %dma_start3A_579] : memref<10x128xi32, #tpu.memory_space<vmem>> -> memref<1x128xi32, #tpu.memory_space<vmem>>
        %dma_start3A_581 = tpu.memref_squeeze %dma_start3A_580 : memref<1x128xi32, #tpu.memory_space<vmem>> -> memref<128xi32, #tpu.memory_space<vmem>>
        %dma_start3A_582 = arith.constant 0 : i32
        %dma_start3A_583 = arith.constant 0 : i32
        %dma_start3A_584 = tpu.memref_slice %arg2[%dma_start3A_582, %dma_start3A_583] : memref<10240x32xf32, #tpu.memory_space<hbm>> -> memref<10240x32xf32, #tpu.memory_space<hbm>>
        tpu.enqueue_indirect_dma source(%dma_start3A_584 : memref<10240x32xf32, #tpu.memory_space<hbm>>) target(%dma_start3A_574 : memref<128x32xf32, #tpu.memory_space<vmem>>) offsets(%dma_start3A_581 : memref<128xi32, #tpu.memory_space<vmem>>) semaphore(%arg11 : memref<!tpu.dma_semaphore, #tpu.memory_space<semaphore_mem>>)
        %dma_start3A_585 = arith.constant 8 : i32
        %dma_start3A_586 = arith.constant 0 : i32
        %dma_start3A_587 = arith.constant 0 : i32
        %dma_start3A_588 = tpu.memref_slice %arg9[%sub3A_231, %dma_start3A_586, %dma_start3A_587] : memref<2x1280x32xf32, #tpu.memory_space<vmem>> -> memref<1x1280x32xf32, #tpu.memory_space<vmem>>
        %dma_start3A_589 = tpu.memref_squeeze %dma_start3A_588 : memref<1x1280x32xf32, #tpu.memory_space<vmem>> -> memref<1280x32xf32, #tpu.memory_space<vmem>>
        %dma_start3A_590 = arith.constant 1024 : i32
        %dma_start3A_591 = arith.constant 0 : i32
        %dma_start3A_592 = tpu.memref_slice %dma_start3A_589[%dma_start3A_590, %dma_start3A_591] : memref<1280x32xf32, #tpu.memory_space<vmem>> -> memref<128x32xf32, #tpu.memory_space<vmem>>
        %dma_start3A_593 = arith.constant 0 : i32
        %dma_start3A_594 = arith.constant 0 : i32
        %dma_start3A_595 = tpu.memref_slice %arg7[%sub3A_231, %dma_start3A_593, %dma_start3A_594] : memref<2x10x128xi32, #tpu.memory_space<vmem>> -> memref<1x10x128xi32, #tpu.memory_space<vmem>>
        %dma_start3A_596 = tpu.memref_squeeze %dma_start3A_595 : memref<1x10x128xi32, #tpu.memory_space<vmem>> -> memref<10x128xi32, #tpu.memory_space<vmem>>
        %dma_start3A_597 = arith.constant 0 : i32
        %dma_start3A_598 = tpu.memref_slice %dma_start3A_596[%dma_start3A_585, %dma_start3A_597] : memref<10x128xi32, #tpu.memory_space<vmem>> -> memref<1x128xi32, #tpu.memory_space<vmem>>
        %dma_start3A_599 = tpu.memref_squeeze %dma_start3A_598 : memref<1x128xi32, #tpu.memory_space<vmem>> -> memref<128xi32, #tpu.memory_space<vmem>>
        %dma_start3A_600 = arith.constant 0 : i32
        %dma_start3A_601 = arith.constant 0 : i32
        %dma_start3A_602 = tpu.memref_slice %arg2[%dma_start3A_600, %dma_start3A_601] : memref<10240x32xf32, #tpu.memory_space<hbm>> -> memref<10240x32xf32, #tpu.memory_space<hbm>>
        tpu.enqueue_indirect_dma source(%dma_start3A_602 : memref<10240x32xf32, #tpu.memory_space<hbm>>) target(%dma_start3A_592 : memref<128x32xf32, #tpu.memory_space<vmem>>) offsets(%dma_start3A_599 : memref<128xi32, #tpu.memory_space<vmem>>) semaphore(%arg11 : memref<!tpu.dma_semaphore, #tpu.memory_space<semaphore_mem>>)
        %dma_start3A_603 = arith.constant 9 : i32
        %dma_start3A_604 = arith.constant 0 : i32
        %dma_start3A_605 = arith.constant 0 : i32
        %dma_start3A_606 = tpu.memref_slice %arg9[%sub3A_231, %dma_start3A_604, %dma_start3A_605] : memref<2x1280x32xf32, #tpu.memory_space<vmem>> -> memref<1x1280x32xf32, #tpu.memory_space<vmem>>
        %dma_start3A_607 = tpu.memref_squeeze %dma_start3A_606 : memref<1x1280x32xf32, #tpu.memory_space<vmem>> -> memref<1280x32xf32, #tpu.memory_space<vmem>>
        %dma_start3A_608 = arith.constant 1152 : i32
        %dma_start3A_609 = arith.constant 0 : i32
        %dma_start3A_610 = tpu.memref_slice %dma_start3A_607[%dma_start3A_608, %dma_start3A_609] : memref<1280x32xf32, #tpu.memory_space<vmem>> -> memref<128x32xf32, #tpu.memory_space<vmem>>
        %dma_start3A_611 = arith.constant 0 : i32
        %dma_start3A_612 = arith.constant 0 : i32
        %dma_start3A_613 = tpu.memref_slice %arg7[%sub3A_231, %dma_start3A_611, %dma_start3A_612] : memref<2x10x128xi32, #tpu.memory_space<vmem>> -> memref<1x10x128xi32, #tpu.memory_space<vmem>>
        %dma_start3A_614 = tpu.memref_squeeze %dma_start3A_613 : memref<1x10x128xi32, #tpu.memory_space<vmem>> -> memref<10x128xi32, #tpu.memory_space<vmem>>
        %dma_start3A_615 = arith.constant 0 : i32
        %dma_start3A_616 = tpu.memref_slice %dma_start3A_614[%dma_start3A_603, %dma_start3A_615] : memref<10x128xi32, #tpu.memory_space<vmem>> -> memref<1x128xi32, #tpu.memory_space<vmem>>
        %dma_start3A_617 = tpu.memref_squeeze %dma_start3A_616 : memref<1x128xi32, #tpu.memory_space<vmem>> -> memref<128xi32, #tpu.memory_space<vmem>>
        %dma_start3A_618 = arith.constant 0 : i32
        %dma_start3A_619 = arith.constant 0 : i32
        %dma_start3A_620 = tpu.memref_slice %arg2[%dma_start3A_618, %dma_start3A_619] : memref<10240x32xf32, #tpu.memory_space<hbm>> -> memref<10240x32xf32, #tpu.memory_space<hbm>>
        tpu.enqueue_indirect_dma source(%dma_start3A_620 : memref<10240x32xf32, #tpu.memory_space<hbm>>) target(%dma_start3A_610 : memref<128x32xf32, #tpu.memory_space<vmem>>) offsets(%dma_start3A_617 : memref<128xi32, #tpu.memory_space<vmem>>) semaphore(%arg11 : memref<!tpu.dma_semaphore, #tpu.memory_space<semaphore_mem>>)
      } else {
      }
      %dma_start3A_261 = arith.constant 0 : i32
      %dma_start3A_262 = arith.constant 0 : i32
      %dma_start3A_263 = arith.constant 0 : i32
      %dma_start3A_264 = tpu.memref_slice %arg9[%and3A_230, %dma_start3A_262, %dma_start3A_263] : memref<2x1280x32xf32, #tpu.memory_space<vmem>> -> memref<1x1280x32xf32, #tpu.memory_space<vmem>>
      %dma_start3A_265 = tpu.memref_squeeze %dma_start3A_264 : memref<1x1280x32xf32, #tpu.memory_space<vmem>> -> memref<1280x32xf32, #tpu.memory_space<vmem>>
      %dma_start3A_266 = arith.constant 0 : i32
      %dma_start3A_267 = arith.constant 0 : i32
      %dma_start3A_268 = tpu.memref_slice %dma_start3A_265[%dma_start3A_266, %dma_start3A_267] : memref<1280x32xf32, #tpu.memory_space<vmem>> -> memref<128x32xf32, #tpu.memory_space<vmem>>
      %dma_start3A_269 = arith.constant 0 : i32
      %dma_start3A_270 = arith.constant 0 : i32
      %dma_start3A_271 = tpu.memref_slice %arg8[%and3A_230, %dma_start3A_269, %dma_start3A_270] : memref<2x10x128xi32, #tpu.memory_space<vmem>> -> memref<1x10x128xi32, #tpu.memory_space<vmem>>
      %dma_start3A_272 = tpu.memref_squeeze %dma_start3A_271 : memref<1x10x128xi32, #tpu.memory_space<vmem>> -> memref<10x128xi32, #tpu.memory_space<vmem>>
      %dma_start3A_273 = arith.constant 0 : i32
      %dma_start3A_274 = tpu.memref_slice %dma_start3A_272[%dma_start3A_261, %dma_start3A_273] : memref<10x128xi32, #tpu.memory_space<vmem>> -> memref<1x128xi32, #tpu.memory_space<vmem>>
      %dma_start3A_275 = tpu.memref_squeeze %dma_start3A_274 : memref<1x128xi32, #tpu.memory_space<vmem>> -> memref<128xi32, #tpu.memory_space<vmem>>
      %dma_start3A_276 = arith.constant 0 : i32
      %dma_start3A_277 = arith.constant 0 : i32
      %dma_start3A_278 = tpu.memref_slice %arg10[%dma_start3A_276, %dma_start3A_277] : memref<10240x32xf32, #tpu.memory_space<vmem_shared>> -> memref<10240x32xf32, #tpu.memory_space<vmem_shared>>
      tpu.enqueue_indirect_dma source(%dma_start3A_268 : memref<128x32xf32, #tpu.memory_space<vmem>>) target(%dma_start3A_278 : memref<10240x32xf32, #tpu.memory_space<vmem_shared>>) offsets(%dma_start3A_275 : memref<128xi32, #tpu.memory_space<vmem>>) semaphore(%arg12 : memref<!tpu.dma_semaphore, #tpu.memory_space<semaphore_mem>>) {add = true}
      %dma_start3A_279 = arith.constant 1 : i32
      %dma_start3A_280 = arith.constant 0 : i32
      %dma_start3A_281 = arith.constant 0 : i32
      %dma_start3A_282 = tpu.memref_slice %arg9[%and3A_230, %dma_start3A_280, %dma_start3A_281] : memref<2x1280x32xf32, #tpu.memory_space<vmem>> -> memref<1x1280x32xf32, #tpu.memory_space<vmem>>
      %dma_start3A_283 = tpu.memref_squeeze %dma_start3A_282 : memref<1x1280x32xf32, #tpu.memory_space<vmem>> -> memref<1280x32xf32, #tpu.memory_space<vmem>>
      %dma_start3A_284 = arith.constant 128 : i32
      %dma_start3A_285 = arith.constant 0 : i32
      %dma_start3A_286 = tpu.memref_slice %dma_start3A_283[%dma_start3A_284, %dma_start3A_285] : memref<1280x32xf32, #tpu.memory_space<vmem>> -> memref<128x32xf32, #tpu.memory_space<vmem>>
      %dma_start3A_287 = arith.constant 0 : i32
      %dma_start3A_288 = arith.constant 0 : i32
      %dma_start3A_289 = tpu.memref_slice %arg8[%and3A_230, %dma_start3A_287, %dma_start3A_288] : memref<2x10x128xi32, #tpu.memory_space<vmem>> -> memref<1x10x128xi32, #tpu.memory_space<vmem>>
      %dma_start3A_290 = tpu.memref_squeeze %dma_start3A_289 : memref<1x10x128xi32, #tpu.memory_space<vmem>> -> memref<10x128xi32, #tpu.memory_space<vmem>>
      %dma_start3A_291 = arith.constant 0 : i32
      %dma_start3A_292 = tpu.memref_slice %dma_start3A_290[%dma_start3A_279, %dma_start3A_291] : memref<10x128xi32, #tpu.memory_space<vmem>> -> memref<1x128xi32, #tpu.memory_space<vmem>>
      %dma_start3A_293 = tpu.memref_squeeze %dma_start3A_292 : memref<1x128xi32, #tpu.memory_space<vmem>> -> memref<128xi32, #tpu.memory_space<vmem>>
      %dma_start3A_294 = arith.constant 0 : i32
      %dma_start3A_295 = arith.constant 0 : i32
      %dma_start3A_296 = tpu.memref_slice %arg10[%dma_start3A_294, %dma_start3A_295] : memref<10240x32xf32, #tpu.memory_space<vmem_shared>> -> memref<10240x32xf32, #tpu.memory_space<vmem_shared>>
      tpu.enqueue_indirect_dma source(%dma_start3A_286 : memref<128x32xf32, #tpu.memory_space<vmem>>) target(%dma_start3A_296 : memref<10240x32xf32, #tpu.memory_space<vmem_shared>>) offsets(%dma_start3A_293 : memref<128xi32, #tpu.memory_space<vmem>>) semaphore(%arg12 : memref<!tpu.dma_semaphore, #tpu.memory_space<semaphore_mem>>) {add = true}
      %dma_start3A_297 = arith.constant 2 : i32
      %dma_start3A_298 = arith.constant 0 : i32
      %dma_start3A_299 = arith.constant 0 : i32
      %dma_start3A_300 = tpu.memref_slice %arg9[%and3A_230, %dma_start3A_298, %dma_start3A_299] : memref<2x1280x32xf32, #tpu.memory_space<vmem>> -> memref<1x1280x32xf32, #tpu.memory_space<vmem>>
      %dma_start3A_301 = tpu.memref_squeeze %dma_start3A_300 : memref<1x1280x32xf32, #tpu.memory_space<vmem>> -> memref<1280x32xf32, #tpu.memory_space<vmem>>
      %dma_start3A_302 = arith.constant 256 : i32
      %dma_start3A_303 = arith.constant 0 : i32
      %dma_start3A_304 = tpu.memref_slice %dma_start3A_301[%dma_start3A_302, %dma_start3A_303] : memref<1280x32xf32, #tpu.memory_space<vmem>> -> memref<128x32xf32, #tpu.memory_space<vmem>>
      %dma_start3A_305 = arith.constant 0 : i32
      %dma_start3A_306 = arith.constant 0 : i32
      %dma_start3A_307 = tpu.memref_slice %arg8[%and3A_230, %dma_start3A_305, %dma_start3A_306] : memref<2x10x128xi32, #tpu.memory_space<vmem>> -> memref<1x10x128xi32, #tpu.memory_space<vmem>>
      %dma_start3A_308 = tpu.memref_squeeze %dma_start3A_307 : memref<1x10x128xi32, #tpu.memory_space<vmem>> -> memref<10x128xi32, #tpu.memory_space<vmem>>
      %dma_start3A_309 = arith.constant 0 : i32
      %dma_start3A_310 = tpu.memref_slice %dma_start3A_308[%dma_start3A_297, %dma_start3A_309] : memref<10x128xi32, #tpu.memory_space<vmem>> -> memref<1x128xi32, #tpu.memory_space<vmem>>
      %dma_start3A_311 = tpu.memref_squeeze %dma_start3A_310 : memref<1x128xi32, #tpu.memory_space<vmem>> -> memref<128xi32, #tpu.memory_space<vmem>>
      %dma_start3A_312 = arith.constant 0 : i32
      %dma_start3A_313 = arith.constant 0 : i32
      %dma_start3A_314 = tpu.memref_slice %arg10[%dma_start3A_312, %dma_start3A_313] : memref<10240x32xf32, #tpu.memory_space<vmem_shared>> -> memref<10240x32xf32, #tpu.memory_space<vmem_shared>>
      tpu.enqueue_indirect_dma source(%dma_start3A_304 : memref<128x32xf32, #tpu.memory_space<vmem>>) target(%dma_start3A_314 : memref<10240x32xf32, #tpu.memory_space<vmem_shared>>) offsets(%dma_start3A_311 : memref<128xi32, #tpu.memory_space<vmem>>) semaphore(%arg12 : memref<!tpu.dma_semaphore, #tpu.memory_space<semaphore_mem>>) {add = true}
      %dma_start3A_315 = arith.constant 3 : i32
      %dma_start3A_316 = arith.constant 0 : i32
      %dma_start3A_317 = arith.constant 0 : i32
      %dma_start3A_318 = tpu.memref_slice %arg9[%and3A_230, %dma_start3A_316, %dma_start3A_317] : memref<2x1280x32xf32, #tpu.memory_space<vmem>> -> memref<1x1280x32xf32, #tpu.memory_space<vmem>>
      %dma_start3A_319 = tpu.memref_squeeze %dma_start3A_318 : memref<1x1280x32xf32, #tpu.memory_space<vmem>> -> memref<1280x32xf32, #tpu.memory_space<vmem>>
      %dma_start3A_320 = arith.constant 384 : i32
      %dma_start3A_321 = arith.constant 0 : i32
      %dma_start3A_322 = tpu.memref_slice %dma_start3A_319[%dma_start3A_320, %dma_start3A_321] : memref<1280x32xf32, #tpu.memory_space<vmem>> -> memref<128x32xf32, #tpu.memory_space<vmem>>
      %dma_start3A_323 = arith.constant 0 : i32
      %dma_start3A_324 = arith.constant 0 : i32
      %dma_start3A_325 = tpu.memref_slice %arg8[%and3A_230, %dma_start3A_323, %dma_start3A_324] : memref<2x10x128xi32, #tpu.memory_space<vmem>> -> memref<1x10x128xi32, #tpu.memory_space<vmem>>
      %dma_start3A_326 = tpu.memref_squeeze %dma_start3A_325 : memref<1x10x128xi32, #tpu.memory_space<vmem>> -> memref<10x128xi32, #tpu.memory_space<vmem>>
      %dma_start3A_327 = arith.constant 0 : i32
      %dma_start3A_328 = tpu.memref_slice %dma_start3A_326[%dma_start3A_315, %dma_start3A_327] : memref<10x128xi32, #tpu.memory_space<vmem>> -> memref<1x128xi32, #tpu.memory_space<vmem>>
      %dma_start3A_329 = tpu.memref_squeeze %dma_start3A_328 : memref<1x128xi32, #tpu.memory_space<vmem>> -> memref<128xi32, #tpu.memory_space<vmem>>
      %dma_start3A_330 = arith.constant 0 : i32
      %dma_start3A_331 = arith.constant 0 : i32
      %dma_start3A_332 = tpu.memref_slice %arg10[%dma_start3A_330, %dma_start3A_331] : memref<10240x32xf32, #tpu.memory_space<vmem_shared>> -> memref<10240x32xf32, #tpu.memory_space<vmem_shared>>
      tpu.enqueue_indirect_dma source(%dma_start3A_322 : memref<128x32xf32, #tpu.memory_space<vmem>>) target(%dma_start3A_332 : memref<10240x32xf32, #tpu.memory_space<vmem_shared>>) offsets(%dma_start3A_329 : memref<128xi32, #tpu.memory_space<vmem>>) semaphore(%arg12 : memref<!tpu.dma_semaphore, #tpu.memory_space<semaphore_mem>>) {add = true}
      %dma_start3A_333 = arith.constant 4 : i32
      %dma_start3A_334 = arith.constant 0 : i32
      %dma_start3A_335 = arith.constant 0 : i32
      %dma_start3A_336 = tpu.memref_slice %arg9[%and3A_230, %dma_start3A_334, %dma_start3A_335] : memref<2x1280x32xf32, #tpu.memory_space<vmem>> -> memref<1x1280x32xf32, #tpu.memory_space<vmem>>
      %dma_start3A_337 = tpu.memref_squeeze %dma_start3A_336 : memref<1x1280x32xf32, #tpu.memory_space<vmem>> -> memref<1280x32xf32, #tpu.memory_space<vmem>>
      %dma_start3A_338 = arith.constant 512 : i32
      %dma_start3A_339 = arith.constant 0 : i32
      %dma_start3A_340 = tpu.memref_slice %dma_start3A_337[%dma_start3A_338, %dma_start3A_339] : memref<1280x32xf32, #tpu.memory_space<vmem>> -> memref<128x32xf32, #tpu.memory_space<vmem>>
      %dma_start3A_341 = arith.constant 0 : i32
      %dma_start3A_342 = arith.constant 0 : i32
      %dma_start3A_343 = tpu.memref_slice %arg8[%and3A_230, %dma_start3A_341, %dma_start3A_342] : memref<2x10x128xi32, #tpu.memory_space<vmem>> -> memref<1x10x128xi32, #tpu.memory_space<vmem>>
      %dma_start3A_344 = tpu.memref_squeeze %dma_start3A_343 : memref<1x10x128xi32, #tpu.memory_space<vmem>> -> memref<10x128xi32, #tpu.memory_space<vmem>>
      %dma_start3A_345 = arith.constant 0 : i32
      %dma_start3A_346 = tpu.memref_slice %dma_start3A_344[%dma_start3A_333, %dma_start3A_345] : memref<10x128xi32, #tpu.memory_space<vmem>> -> memref<1x128xi32, #tpu.memory_space<vmem>>
      %dma_start3A_347 = tpu.memref_squeeze %dma_start3A_346 : memref<1x128xi32, #tpu.memory_space<vmem>> -> memref<128xi32, #tpu.memory_space<vmem>>
      %dma_start3A_348 = arith.constant 0 : i32
      %dma_start3A_349 = arith.constant 0 : i32
      %dma_start3A_350 = tpu.memref_slice %arg10[%dma_start3A_348, %dma_start3A_349] : memref<10240x32xf32, #tpu.memory_space<vmem_shared>> -> memref<10240x32xf32, #tpu.memory_space<vmem_shared>>
      tpu.enqueue_indirect_dma source(%dma_start3A_340 : memref<128x32xf32, #tpu.memory_space<vmem>>) target(%dma_start3A_350 : memref<10240x32xf32, #tpu.memory_space<vmem_shared>>) offsets(%dma_start3A_347 : memref<128xi32, #tpu.memory_space<vmem>>) semaphore(%arg12 : memref<!tpu.dma_semaphore, #tpu.memory_space<semaphore_mem>>) {add = true}
      %dma_start3A_351 = arith.constant 5 : i32
      %dma_start3A_352 = arith.constant 0 : i32
      %dma_start3A_353 = arith.constant 0 : i32
      %dma_start3A_354 = tpu.memref_slice %arg9[%and3A_230, %dma_start3A_352, %dma_start3A_353] : memref<2x1280x32xf32, #tpu.memory_space<vmem>> -> memref<1x1280x32xf32, #tpu.memory_space<vmem>>
      %dma_start3A_355 = tpu.memref_squeeze %dma_start3A_354 : memref<1x1280x32xf32, #tpu.memory_space<vmem>> -> memref<1280x32xf32, #tpu.memory_space<vmem>>
      %dma_start3A_356 = arith.constant 640 : i32
      %dma_start3A_357 = arith.constant 0 : i32
      %dma_start3A_358 = tpu.memref_slice %dma_start3A_355[%dma_start3A_356, %dma_start3A_357] : memref<1280x32xf32, #tpu.memory_space<vmem>> -> memref<128x32xf32, #tpu.memory_space<vmem>>
      %dma_start3A_359 = arith.constant 0 : i32
      %dma_start3A_360 = arith.constant 0 : i32
      %dma_start3A_361 = tpu.memref_slice %arg8[%and3A_230, %dma_start3A_359, %dma_start3A_360] : memref<2x10x128xi32, #tpu.memory_space<vmem>> -> memref<1x10x128xi32, #tpu.memory_space<vmem>>
      %dma_start3A_362 = tpu.memref_squeeze %dma_start3A_361 : memref<1x10x128xi32, #tpu.memory_space<vmem>> -> memref<10x128xi32, #tpu.memory_space<vmem>>
      %dma_start3A_363 = arith.constant 0 : i32
      %dma_start3A_364 = tpu.memref_slice %dma_start3A_362[%dma_start3A_351, %dma_start3A_363] : memref<10x128xi32, #tpu.memory_space<vmem>> -> memref<1x128xi32, #tpu.memory_space<vmem>>
      %dma_start3A_365 = tpu.memref_squeeze %dma_start3A_364 : memref<1x128xi32, #tpu.memory_space<vmem>> -> memref<128xi32, #tpu.memory_space<vmem>>
      %dma_start3A_366 = arith.constant 0 : i32
      %dma_start3A_367 = arith.constant 0 : i32
      %dma_start3A_368 = tpu.memref_slice %arg10[%dma_start3A_366, %dma_start3A_367] : memref<10240x32xf32, #tpu.memory_space<vmem_shared>> -> memref<10240x32xf32, #tpu.memory_space<vmem_shared>>
      tpu.enqueue_indirect_dma source(%dma_start3A_358 : memref<128x32xf32, #tpu.memory_space<vmem>>) target(%dma_start3A_368 : memref<10240x32xf32, #tpu.memory_space<vmem_shared>>) offsets(%dma_start3A_365 : memref<128xi32, #tpu.memory_space<vmem>>) semaphore(%arg12 : memref<!tpu.dma_semaphore, #tpu.memory_space<semaphore_mem>>) {add = true}
      %dma_start3A_369 = arith.constant 6 : i32
      %dma_start3A_370 = arith.constant 0 : i32
      %dma_start3A_371 = arith.constant 0 : i32
      %dma_start3A_372 = tpu.memref_slice %arg9[%and3A_230, %dma_start3A_370, %dma_start3A_371] : memref<2x1280x32xf32, #tpu.memory_space<vmem>> -> memref<1x1280x32xf32, #tpu.memory_space<vmem>>
      %dma_start3A_373 = tpu.memref_squeeze %dma_start3A_372 : memref<1x1280x32xf32, #tpu.memory_space<vmem>> -> memref<1280x32xf32, #tpu.memory_space<vmem>>
      %dma_start3A_374 = arith.constant 768 : i32
      %dma_start3A_375 = arith.constant 0 : i32
      %dma_start3A_376 = tpu.memref_slice %dma_start3A_373[%dma_start3A_374, %dma_start3A_375] : memref<1280x32xf32, #tpu.memory_space<vmem>> -> memref<128x32xf32, #tpu.memory_space<vmem>>
      %dma_start3A_377 = arith.constant 0 : i32
      %dma_start3A_378 = arith.constant 0 : i32
      %dma_start3A_379 = tpu.memref_slice %arg8[%and3A_230, %dma_start3A_377, %dma_start3A_378] : memref<2x10x128xi32, #tpu.memory_space<vmem>> -> memref<1x10x128xi32, #tpu.memory_space<vmem>>
      %dma_start3A_380 = tpu.memref_squeeze %dma_start3A_379 : memref<1x10x128xi32, #tpu.memory_space<vmem>> -> memref<10x128xi32, #tpu.memory_space<vmem>>
      %dma_start3A_381 = arith.constant 0 : i32
      %dma_start3A_382 = tpu.memref_slice %dma_start3A_380[%dma_start3A_369, %dma_start3A_381] : memref<10x128xi32, #tpu.memory_space<vmem>> -> memref<1x128xi32, #tpu.memory_space<vmem>>
      %dma_start3A_383 = tpu.memref_squeeze %dma_start3A_382 : memref<1x128xi32, #tpu.memory_space<vmem>> -> memref<128xi32, #tpu.memory_space<vmem>>
      %dma_start3A_384 = arith.constant 0 : i32
      %dma_start3A_385 = arith.constant 0 : i32
      %dma_start3A_386 = tpu.memref_slice %arg10[%dma_start3A_384, %dma_start3A_385] : memref<10240x32xf32, #tpu.memory_space<vmem_shared>> -> memref<10240x32xf32, #tpu.memory_space<vmem_shared>>
      tpu.enqueue_indirect_dma source(%dma_start3A_376 : memref<128x32xf32, #tpu.memory_space<vmem>>) target(%dma_start3A_386 : memref<10240x32xf32, #tpu.memory_space<vmem_shared>>) offsets(%dma_start3A_383 : memref<128xi32, #tpu.memory_space<vmem>>) semaphore(%arg12 : memref<!tpu.dma_semaphore, #tpu.memory_space<semaphore_mem>>) {add = true}
      %dma_start3A_387 = arith.constant 7 : i32
      %dma_start3A_388 = arith.constant 0 : i32
      %dma_start3A_389 = arith.constant 0 : i32
      %dma_start3A_390 = tpu.memref_slice %arg9[%and3A_230, %dma_start3A_388, %dma_start3A_389] : memref<2x1280x32xf32, #tpu.memory_space<vmem>> -> memref<1x1280x32xf32, #tpu.memory_space<vmem>>
      %dma_start3A_391 = tpu.memref_squeeze %dma_start3A_390 : memref<1x1280x32xf32, #tpu.memory_space<vmem>> -> memref<1280x32xf32, #tpu.memory_space<vmem>>
      %dma_start3A_392 = arith.constant 896 : i32
      %dma_start3A_393 = arith.constant 0 : i32
      %dma_start3A_394 = tpu.memref_slice %dma_start3A_391[%dma_start3A_392, %dma_start3A_393] : memref<1280x32xf32, #tpu.memory_space<vmem>> -> memref<128x32xf32, #tpu.memory_space<vmem>>
      %dma_start3A_395 = arith.constant 0 : i32
      %dma_start3A_396 = arith.constant 0 : i32
      %dma_start3A_397 = tpu.memref_slice %arg8[%and3A_230, %dma_start3A_395, %dma_start3A_396] : memref<2x10x128xi32, #tpu.memory_space<vmem>> -> memref<1x10x128xi32, #tpu.memory_space<vmem>>
      %dma_start3A_398 = tpu.memref_squeeze %dma_start3A_397 : memref<1x10x128xi32, #tpu.memory_space<vmem>> -> memref<10x128xi32, #tpu.memory_space<vmem>>
      %dma_start3A_399 = arith.constant 0 : i32
      %dma_start3A_400 = tpu.memref_slice %dma_start3A_398[%dma_start3A_387, %dma_start3A_399] : memref<10x128xi32, #tpu.memory_space<vmem>> -> memref<1x128xi32, #tpu.memory_space<vmem>>
      %dma_start3A_401 = tpu.memref_squeeze %dma_start3A_400 : memref<1x128xi32, #tpu.memory_space<vmem>> -> memref<128xi32, #tpu.memory_space<vmem>>
      %dma_start3A_402 = arith.constant 0 : i32
      %dma_start3A_403 = arith.constant 0 : i32
      %dma_start3A_404 = tpu.memref_slice %arg10[%dma_start3A_402, %dma_start3A_403] : memref<10240x32xf32, #tpu.memory_space<vmem_shared>> -> memref<10240x32xf32, #tpu.memory_space<vmem_shared>>
      tpu.enqueue_indirect_dma source(%dma_start3A_394 : memref<128x32xf32, #tpu.memory_space<vmem>>) target(%dma_start3A_404 : memref<10240x32xf32, #tpu.memory_space<vmem_shared>>) offsets(%dma_start3A_401 : memref<128xi32, #tpu.memory_space<vmem>>) semaphore(%arg12 : memref<!tpu.dma_semaphore, #tpu.memory_space<semaphore_mem>>) {add = true}
      %dma_start3A_405 = arith.constant 8 : i32
      %dma_start3A_406 = arith.constant 0 : i32
      %dma_start3A_407 = arith.constant 0 : i32
      %dma_start3A_408 = tpu.memref_slice %arg9[%and3A_230, %dma_start3A_406, %dma_start3A_407] : memref<2x1280x32xf32, #tpu.memory_space<vmem>> -> memref<1x1280x32xf32, #tpu.memory_space<vmem>>
      %dma_start3A_409 = tpu.memref_squeeze %dma_start3A_408 : memref<1x1280x32xf32, #tpu.memory_space<vmem>> -> memref<1280x32xf32, #tpu.memory_space<vmem>>
      %dma_start3A_410 = arith.constant 1024 : i32
      %dma_start3A_411 = arith.constant 0 : i32
      %dma_start3A_412 = tpu.memref_slice %dma_start3A_409[%dma_start3A_410, %dma_start3A_411] : memref<1280x32xf32, #tpu.memory_space<vmem>> -> memref<128x32xf32, #tpu.memory_space<vmem>>
      %dma_start3A_413 = arith.constant 0 : i32
      %dma_start3A_414 = arith.constant 0 : i32
      %dma_start3A_415 = tpu.memref_slice %arg8[%and3A_230, %dma_start3A_413, %dma_start3A_414] : memref<2x10x128xi32, #tpu.memory_space<vmem>> -> memref<1x10x128xi32, #tpu.memory_space<vmem>>
      %dma_start3A_416 = tpu.memref_squeeze %dma_start3A_415 : memref<1x10x128xi32, #tpu.memory_space<vmem>> -> memref<10x128xi32, #tpu.memory_space<vmem>>
      %dma_start3A_417 = arith.constant 0 : i32
      %dma_start3A_418 = tpu.memref_slice %dma_start3A_416[%dma_start3A_405, %dma_start3A_417] : memref<10x128xi32, #tpu.memory_space<vmem>> -> memref<1x128xi32, #tpu.memory_space<vmem>>
      %dma_start3A_419 = tpu.memref_squeeze %dma_start3A_418 : memref<1x128xi32, #tpu.memory_space<vmem>> -> memref<128xi32, #tpu.memory_space<vmem>>
      %dma_start3A_420 = arith.constant 0 : i32
      %dma_start3A_421 = arith.constant 0 : i32
      %dma_start3A_422 = tpu.memref_slice %arg10[%dma_start3A_420, %dma_start3A_421] : memref<10240x32xf32, #tpu.memory_space<vmem_shared>> -> memref<10240x32xf32, #tpu.memory_space<vmem_shared>>
      tpu.enqueue_indirect_dma source(%dma_start3A_412 : memref<128x32xf32, #tpu.memory_space<vmem>>) target(%dma_start3A_422 : memref<10240x32xf32, #tpu.memory_space<vmem_shared>>) offsets(%dma_start3A_419 : memref<128xi32, #tpu.memory_space<vmem>>) semaphore(%arg12 : memref<!tpu.dma_semaphore, #tpu.memory_space<semaphore_mem>>) {add = true}
      %dma_start3A_423 = arith.constant 9 : i32
      %dma_start3A_424 = arith.constant 0 : i32
      %dma_start3A_425 = arith.constant 0 : i32
      %dma_start3A_426 = tpu.memref_slice %arg9[%and3A_230, %dma_start3A_424, %dma_start3A_425] : memref<2x1280x32xf32, #tpu.memory_space<vmem>> -> memref<1x1280x32xf32, #tpu.memory_space<vmem>>
      %dma_start3A_427 = tpu.memref_squeeze %dma_start3A_426 : memref<1x1280x32xf32, #tpu.memory_space<vmem>> -> memref<1280x32xf32, #tpu.memory_space<vmem>>
      %dma_start3A_428 = arith.constant 1152 : i32
      %dma_start3A_429 = arith.constant 0 : i32
      %dma_start3A_430 = tpu.memref_slice %dma_start3A_427[%dma_start3A_428, %dma_start3A_429] : memref<1280x32xf32, #tpu.memory_space<vmem>> -> memref<128x32xf32, #tpu.memory_space<vmem>>
      %dma_start3A_431 = arith.constant 0 : i32
      %dma_start3A_432 = arith.constant 0 : i32
      %dma_start3A_433 = tpu.memref_slice %arg8[%and3A_230, %dma_start3A_431, %dma_start3A_432] : memref<2x10x128xi32, #tpu.memory_space<vmem>> -> memref<1x10x128xi32, #tpu.memory_space<vmem>>
      %dma_start3A_434 = tpu.memref_squeeze %dma_start3A_433 : memref<1x10x128xi32, #tpu.memory_space<vmem>> -> memref<10x128xi32, #tpu.memory_space<vmem>>
      %dma_start3A_435 = arith.constant 0 : i32
      %dma_start3A_436 = tpu.memref_slice %dma_start3A_434[%dma_start3A_423, %dma_start3A_435] : memref<10x128xi32, #tpu.memory_space<vmem>> -> memref<1x128xi32, #tpu.memory_space<vmem>>
      %dma_start3A_437 = tpu.memref_squeeze %dma_start3A_436 : memref<1x128xi32, #tpu.memory_space<vmem>> -> memref<128xi32, #tpu.memory_space<vmem>>
      %dma_start3A_438 = arith.constant 0 : i32
      %dma_start3A_439 = arith.constant 0 : i32
      %dma_start3A_440 = tpu.memref_slice %arg10[%dma_start3A_438, %dma_start3A_439] : memref<10240x32xf32, #tpu.memory_space<vmem_shared>> -> memref<10240x32xf32, #tpu.memory_space<vmem_shared>>
      tpu.enqueue_indirect_dma source(%dma_start3A_430 : memref<128x32xf32, #tpu.memory_space<vmem>>) target(%dma_start3A_440 : memref<10240x32xf32, #tpu.memory_space<vmem_shared>>) offsets(%dma_start3A_437 : memref<128xi32, #tpu.memory_space<vmem>>) semaphore(%arg12 : memref<!tpu.dma_semaphore, #tpu.memory_space<semaphore_mem>>) {add = true}
    }
    %scan3A_209 = arith.constant 8 : i32
    %dma_wait3A = arith.constant 1 : i32
    %dma_wait3A_210 = arith.constant 0 : i32
    %dma_wait3A_211 = arith.constant 0 : i32
    %dma_wait3A_212 = tpu.memref_slice %arg9[%dma_wait3A, %dma_wait3A_210, %dma_wait3A_211] : memref<2x1280x32xf32, #tpu.memory_space<vmem>> -> memref<1x1280x32xf32, #tpu.memory_space<vmem>>
    %dma_wait3A_213 = tpu.memref_squeeze %dma_wait3A_212 : memref<1x1280x32xf32, #tpu.memory_space<vmem>> -> memref<1280x32xf32, #tpu.memory_space<vmem>>
    %dma_wait3A_214 = arith.constant 0 : i32
    %dma_wait3A_215 = arith.constant 0 : i32
    %dma_wait3A_216 = tpu.memref_slice %arg2[%dma_wait3A_214, %dma_wait3A_215] : memref<10240x32xf32, #tpu.memory_space<hbm>> -> memref<1280x32xf32, #tpu.memory_space<hbm>>
    %dma_wait3A_217 = arith.constant 0 : i32
    %dma_wait3A_218 = arith.constant 0 : i32
    %dma_wait3A_219 = tpu.memref_slice %arg9[%dma_wait3A, %dma_wait3A_217, %dma_wait3A_218] : memref<2x1280x32xf32, #tpu.memory_space<vmem>> -> memref<1x1280x32xf32, #tpu.memory_space<vmem>>
    %dma_wait3A_220 = tpu.memref_squeeze %dma_wait3A_219 : memref<1x1280x32xf32, #tpu.memory_space<vmem>> -> memref<1280x32xf32, #tpu.memory_space<vmem>>
    %dma_wait3A_221 = arith.constant 0 : i32
    %dma_wait3A_222 = arith.constant 0 : i32
    %dma_wait3A_223 = tpu.memref_slice %arg2[%dma_wait3A_221, %dma_wait3A_222] : memref<10240x32xf32, #tpu.memory_space<hbm>> -> memref<1280x32xf32, #tpu.memory_space<hbm>>
    tpu.wait_dma2 semaphore(%arg12 : memref<!tpu.dma_semaphore, #tpu.memory_space<semaphore_mem>>) src(%dma_wait3A_223 : memref<1280x32xf32, #tpu.memory_space<hbm>>) dst(%dma_wait3A_220 : memref<1280x32xf32, #tpu.memory_space<vmem>>)
    %barrier3A_224 = arith.constant 0 : index
    tpu.barrier barrier_id(%barrier3A_224)
    %mul3A_225 = arith.constant 640 : i32
    %mul3A_226 = arith.muli %arg1, %mul3A_225 : i32
    %mul3A_227 = arith.constant 640 : i32
    %mul3A_228 = arith.muli %arg1, %mul3A_227 : i32
    "tpu.region"() ({
      %run_scoped3A_229 = tpu.sem_alloc : memref<!tpu.dma_semaphore, #tpu.memory_space<semaphore_mem>>
      %dma_start3A_230 = arith.constant 0 : i32
      %dma_start3A_231 = tpu.memref_slice %arg6[%arg0, %mul3A_228, %dma_start3A_230] : memref<2x10240x32xf32, #tpu.memory_space<hbm>> -> memref<1x640x32xf32, #tpu.memory_space<hbm>>
      %dma_start3A_232 = tpu.memref_squeeze %dma_start3A_231 : memref<1x640x32xf32, #tpu.memory_space<hbm>> -> memref<640x32xf32, #tpu.memory_space<hbm>>
      %dma_start3A_233 = arith.constant 0 : i32
      %dma_start3A_234 = tpu.memref_slice %arg10[%mul3A_226, %dma_start3A_233] : memref<10240x32xf32, #tpu.memory_space<vmem_shared>> -> memref<640x32xf32, #tpu.memory_space<vmem_shared>>
      tpu.enqueue_dma source(%dma_start3A_234 : memref<640x32xf32, #tpu.memory_space<vmem_shared>>) target(%dma_start3A_232 : memref<640x32xf32, #tpu.memory_space<hbm>>) target_semaphore(%run_scoped3A_229 : memref<!tpu.dma_semaphore, #tpu.memory_space<semaphore_mem>>)
      %dma_wait3A_235 = arith.constant 0 : i32
      %dma_wait3A_236 = tpu.memref_slice %arg6[%arg0, %mul3A_228, %dma_wait3A_235] : memref<2x10240x32xf32, #tpu.memory_space<hbm>> -> memref<1x640x32xf32, #tpu.memory_space<hbm>>
      %dma_wait3A_237 = tpu.memref_squeeze %dma_wait3A_236 : memref<1x640x32xf32, #tpu.memory_space<hbm>> -> memref<640x32xf32, #tpu.memory_space<hbm>>
      %dma_wait3A_238 = arith.constant 0 : i32
      %dma_wait3A_239 = tpu.memref_slice %arg10[%mul3A_226, %dma_wait3A_238] : memref<10240x32xf32, #tpu.memory_space<vmem_shared>> -> memref<640x32xf32, #tpu.memory_space<vmem_shared>>
      tpu.wait_dma2 semaphore(%run_scoped3A_229 : memref<!tpu.dma_semaphore, #tpu.memory_space<semaphore_mem>>) src(%dma_wait3A_239 : memref<640x32xf32, #tpu.memory_space<vmem_shared>>) dst(%dma_wait3A_237 : memref<640x32xf32, #tpu.memory_space<hbm>>)
      tpu.yield
    }) : () -> ()
    return
  }
}

#map = affine_map<(d0, d1) -> (0, 0)>
#map1 = affine_map<(d0, d1) -> (0, 0, 0, 0)>
#map2 = affine_map<(d0, d1) -> (0, 0, 0)>
module attributes {stable_mosaic.version = 14 : i64} {
  func.func @agg(%arg0: i32, %arg1: i32, %arg2: memref<10240x32xf32, #tpu.memory_space<hbm>>, %arg3: memref<32x8x10x128xi32, #tpu.memory_space<hbm>>, %arg4: memref<32x8x10x128xi32, #tpu.memory_space<hbm>>, %arg5: memref<640x32xf32, #tpu.memory_space<hbm>>, %arg6: memref<2x10240x32xf32, #tpu.memory_space<hbm>>, %arg7: memref<2x10x128xi32, #tpu.memory_space<vmem>>, %arg8: memref<2x10x128xi32, #tpu.memory_space<vmem>>, %arg9: memref<2x1280x32xf32, #tpu.memory_space<vmem>>, %arg10: memref<10240x32xf32, #tpu.memory_space<vmem_shared>>, %arg11: memref<!tpu.dma_semaphore, #tpu.memory_space<semaphore_mem>>, %arg12: memref<!tpu.dma_semaphore, #tpu.memory_space<semaphore_mem>>) attributes {dimension_semantics = [#tpu.dimension_semantics<core_parallel>, #tpu.dimension_semantics<subcore_parallel>], iteration_bounds = array<i64: 2, 16>, scalar_prefetch = 0 : i64, scratch_operands = 6 : i64, tpu.core_type = #tpu.core_type<sc_vector_subcore>, window_params = [{transform_indices = #map}, {transform_indices = #map1}, {transform_indices = #map1}, {transform_indices = #map}, {transform_indices = #map2}]} {
    %mul3A = arith.constant 2 : i32
    %mul3A_0 = arith.muli %arg1, %mul3A : i32
    %add3A = arith.addi %mul3A_0, %arg0 : i32
    %mul3A_1 = arith.constant 640 : i32
    %mul3A_2 = arith.muli %arg1, %mul3A_1 : i32
    "tpu.region"() ({
      %run_scoped3A_229 = tpu.sem_alloc : memref<!tpu.dma_semaphore, #tpu.memory_space<semaphore_mem>>
      %dma_start3A_230 = arith.constant 0 : i32
      %dma_start3A_231 = tpu.memref_slice %arg10[%mul3A_2, %dma_start3A_230] : memref<10240x32xf32, #tpu.memory_space<vmem_shared>> -> memref<640x32xf32, #tpu.memory_space<vmem_shared>>
      tpu.enqueue_dma source(%arg5 : memref<640x32xf32, #tpu.memory_space<hbm>>) target(%dma_start3A_231 : memref<640x32xf32, #tpu.memory_space<vmem_shared>>) target_semaphore(%run_scoped3A_229 : memref<!tpu.dma_semaphore, #tpu.memory_space<semaphore_mem>>)
      %dma_wait3A_232 = arith.constant 0 : i32
      %dma_wait3A_233 = tpu.memref_slice %arg10[%mul3A_2, %dma_wait3A_232] : memref<10240x32xf32, #tpu.memory_space<vmem_shared>> -> memref<640x32xf32, #tpu.memory_space<vmem_shared>>
      tpu.wait_dma2 semaphore(%run_scoped3A_229 : memref<!tpu.dma_semaphore, #tpu.memory_space<semaphore_mem>>) src(%arg5 : memref<640x32xf32, #tpu.memory_space<hbm>>) dst(%dma_wait3A_233 : memref<640x32xf32, #tpu.memory_space<vmem_shared>>)
      tpu.yield
    }) : () -> ()
    %barrier3A = arith.constant 0 : index
    tpu.barrier barrier_id(%barrier3A)
    %run_scoped3A = arith.constant 0 : i32
    %run_scoped3A_3 = arith.constant 0 : i32
    "tpu.region"() ({
      %run_scoped3A_229 = tpu.sem_alloc : memref<!tpu.dma_semaphore, #tpu.memory_space<semaphore_mem>>
      %dma_start3A_230 = arith.constant 0 : i32
      %dma_start3A_231 = arith.constant 0 : i32
      %dma_start3A_232 = tpu.memref_slice %arg7[%run_scoped3A_3, %dma_start3A_230, %dma_start3A_231] : memref<2x10x128xi32, #tpu.memory_space<vmem>> -> memref<1x10x128xi32, #tpu.memory_space<vmem>>
      %dma_start3A_233 = tpu.memref_squeeze %dma_start3A_232 : memref<1x10x128xi32, #tpu.memory_space<vmem>> -> memref<10x128xi32, #tpu.memory_space<vmem>>
      %dma_start3A_234 = arith.constant 0 : i32
      %dma_start3A_235 = arith.constant 0 : i32
      %dma_start3A_236 = tpu.memref_slice %arg3[%add3A, %run_scoped3A, %dma_start3A_234, %dma_start3A_235] : memref<32x8x10x128xi32, #tpu.memory_space<hbm>> -> memref<1x1x10x128xi32, #tpu.memory_space<hbm>>
      %dma_start3A_237 = tpu.memref_squeeze %dma_start3A_236 : memref<1x1x10x128xi32, #tpu.memory_space<hbm>> -> memref<10x128xi32, #tpu.memory_space<hbm>>
      %dma_start3A_238 = arith.constant 0 : i32
      %dma_start3A_239 = arith.constant 0 : i32
      %dma_start3A_240 = tpu.memref_slice %arg7[%run_scoped3A_3, %dma_start3A_238, %dma_start3A_239] : memref<2x10x128xi32, #tpu.memory_space<vmem>> -> memref<1x10x128xi32, #tpu.memory_space<vmem>>
      %dma_start3A_241 = tpu.memref_squeeze %dma_start3A_240 : memref<1x10x128xi32, #tpu.memory_space<vmem>> -> memref<10x128xi32, #tpu.memory_space<vmem>>
      %dma_start3A_242 = arith.constant 0 : i32
      %dma_start3A_243 = arith.constant 0 : i32
      %dma_start3A_244 = tpu.memref_slice %arg3[%add3A, %run_scoped3A, %dma_start3A_242, %dma_start3A_243] : memref<32x8x10x128xi32, #tpu.memory_space<hbm>> -> memref<1x1x10x128xi32, #tpu.memory_space<hbm>>
      %dma_start3A_245 = tpu.memref_squeeze %dma_start3A_244 : memref<1x1x10x128xi32, #tpu.memory_space<hbm>> -> memref<10x128xi32, #tpu.memory_space<hbm>>
      tpu.enqueue_dma source(%dma_start3A_245 : memref<10x128xi32, #tpu.memory_space<hbm>>) target(%dma_start3A_241 : memref<10x128xi32, #tpu.memory_space<vmem>>) target_semaphore(%run_scoped3A_229 : memref<!tpu.dma_semaphore, #tpu.memory_space<semaphore_mem>>)
      %dma_wait3A_246 = arith.constant 0 : i32
      %dma_wait3A_247 = arith.constant 0 : i32
      %dma_wait3A_248 = tpu.memref_slice %arg7[%run_scoped3A_3, %dma_wait3A_246, %dma_wait3A_247] : memref<2x10x128xi32, #tpu.memory_space<vmem>> -> memref<1x10x128xi32, #tpu.memory_space<vmem>>
      %dma_wait3A_249 = tpu.memref_squeeze %dma_wait3A_248 : memref<1x10x128xi32, #tpu.memory_space<vmem>> -> memref<10x128xi32, #tpu.memory_space<vmem>>
      %dma_wait3A_250 = arith.constant 0 : i32
      %dma_wait3A_251 = arith.constant 0 : i32
      %dma_wait3A_252 = tpu.memref_slice %arg3[%add3A, %run_scoped3A, %dma_wait3A_250, %dma_wait3A_251] : memref<32x8x10x128xi32, #tpu.memory_space<hbm>> -> memref<1x1x10x128xi32, #tpu.memory_space<hbm>>
      %dma_wait3A_253 = tpu.memref_squeeze %dma_wait3A_252 : memref<1x1x10x128xi32, #tpu.memory_space<hbm>> -> memref<10x128xi32, #tpu.memory_space<hbm>>
      %dma_wait3A_254 = arith.constant 0 : i32
      %dma_wait3A_255 = arith.constant 0 : i32
      %dma_wait3A_256 = tpu.memref_slice %arg7[%run_scoped3A_3, %dma_wait3A_254, %dma_wait3A_255] : memref<2x10x128xi32, #tpu.memory_space<vmem>> -> memref<1x10x128xi32, #tpu.memory_space<vmem>>
      %dma_wait3A_257 = tpu.memref_squeeze %dma_wait3A_256 : memref<1x10x128xi32, #tpu.memory_space<vmem>> -> memref<10x128xi32, #tpu.memory_space<vmem>>
      %dma_wait3A_258 = arith.constant 0 : i32
      %dma_wait3A_259 = arith.constant 0 : i32
      %dma_wait3A_260 = tpu.memref_slice %arg3[%add3A, %run_scoped3A, %dma_wait3A_258, %dma_wait3A_259] : memref<32x8x10x128xi32, #tpu.memory_space<hbm>> -> memref<1x1x10x128xi32, #tpu.memory_space<hbm>>
      %dma_wait3A_261 = tpu.memref_squeeze %dma_wait3A_260 : memref<1x1x10x128xi32, #tpu.memory_space<hbm>> -> memref<10x128xi32, #tpu.memory_space<hbm>>
      tpu.wait_dma2 semaphore(%run_scoped3A_229 : memref<!tpu.dma_semaphore, #tpu.memory_space<semaphore_mem>>) src(%dma_wait3A_261 : memref<10x128xi32, #tpu.memory_space<hbm>>) dst(%dma_wait3A_257 : memref<10x128xi32, #tpu.memory_space<vmem>>)
      tpu.yield
    }) : () -> ()
    %run_scoped3A_4 = arith.constant 0 : i32
    %run_scoped3A_5 = arith.constant 0 : i32
    "tpu.region"() ({
      %run_scoped3A_229 = tpu.sem_alloc : memref<!tpu.dma_semaphore, #tpu.memory_space<semaphore_mem>>
      %dma_start3A_230 = arith.constant 0 : i32
      %dma_start3A_231 = arith.constant 0 : i32
      %dma_start3A_232 = tpu.memref_slice %arg8[%run_scoped3A_5, %dma_start3A_230, %dma_start3A_231] : memref<2x10x128xi32, #tpu.memory_space<vmem>> -> memref<1x10x128xi32, #tpu.memory_space<vmem>>
      %dma_start3A_233 = tpu.memref_squeeze %dma_start3A_232 : memref<1x10x128xi32, #tpu.memory_space<vmem>> -> memref<10x128xi32, #tpu.memory_space<vmem>>
      %dma_start3A_234 = arith.constant 0 : i32
      %dma_start3A_235 = arith.constant 0 : i32
      %dma_start3A_236 = tpu.memref_slice %arg4[%add3A, %run_scoped3A_4, %dma_start3A_234, %dma_start3A_235] : memref<32x8x10x128xi32, #tpu.memory_space<hbm>> -> memref<1x1x10x128xi32, #tpu.memory_space<hbm>>
      %dma_start3A_237 = tpu.memref_squeeze %dma_start3A_236 : memref<1x1x10x128xi32, #tpu.memory_space<hbm>> -> memref<10x128xi32, #tpu.memory_space<hbm>>
      %dma_start3A_238 = arith.constant 0 : i32
      %dma_start3A_239 = arith.constant 0 : i32
      %dma_start3A_240 = tpu.memref_slice %arg8[%run_scoped3A_5, %dma_start3A_238, %dma_start3A_239] : memref<2x10x128xi32, #tpu.memory_space<vmem>> -> memref<1x10x128xi32, #tpu.memory_space<vmem>>
      %dma_start3A_241 = tpu.memref_squeeze %dma_start3A_240 : memref<1x10x128xi32, #tpu.memory_space<vmem>> -> memref<10x128xi32, #tpu.memory_space<vmem>>
      %dma_start3A_242 = arith.constant 0 : i32
      %dma_start3A_243 = arith.constant 0 : i32
      %dma_start3A_244 = tpu.memref_slice %arg4[%add3A, %run_scoped3A_4, %dma_start3A_242, %dma_start3A_243] : memref<32x8x10x128xi32, #tpu.memory_space<hbm>> -> memref<1x1x10x128xi32, #tpu.memory_space<hbm>>
      %dma_start3A_245 = tpu.memref_squeeze %dma_start3A_244 : memref<1x1x10x128xi32, #tpu.memory_space<hbm>> -> memref<10x128xi32, #tpu.memory_space<hbm>>
      tpu.enqueue_dma source(%dma_start3A_245 : memref<10x128xi32, #tpu.memory_space<hbm>>) target(%dma_start3A_241 : memref<10x128xi32, #tpu.memory_space<vmem>>) target_semaphore(%run_scoped3A_229 : memref<!tpu.dma_semaphore, #tpu.memory_space<semaphore_mem>>)
      %dma_wait3A_246 = arith.constant 0 : i32
      %dma_wait3A_247 = arith.constant 0 : i32
      %dma_wait3A_248 = tpu.memref_slice %arg8[%run_scoped3A_5, %dma_wait3A_246, %dma_wait3A_247] : memref<2x10x128xi32, #tpu.memory_space<vmem>> -> memref<1x10x128xi32, #tpu.memory_space<vmem>>
      %dma_wait3A_249 = tpu.memref_squeeze %dma_wait3A_248 : memref<1x10x128xi32, #tpu.memory_space<vmem>> -> memref<10x128xi32, #tpu.memory_space<vmem>>
      %dma_wait3A_250 = arith.constant 0 : i32
      %dma_wait3A_251 = arith.constant 0 : i32
      %dma_wait3A_252 = tpu.memref_slice %arg4[%add3A, %run_scoped3A_4, %dma_wait3A_250, %dma_wait3A_251] : memref<32x8x10x128xi32, #tpu.memory_space<hbm>> -> memref<1x1x10x128xi32, #tpu.memory_space<hbm>>
      %dma_wait3A_253 = tpu.memref_squeeze %dma_wait3A_252 : memref<1x1x10x128xi32, #tpu.memory_space<hbm>> -> memref<10x128xi32, #tpu.memory_space<hbm>>
      %dma_wait3A_254 = arith.constant 0 : i32
      %dma_wait3A_255 = arith.constant 0 : i32
      %dma_wait3A_256 = tpu.memref_slice %arg8[%run_scoped3A_5, %dma_wait3A_254, %dma_wait3A_255] : memref<2x10x128xi32, #tpu.memory_space<vmem>> -> memref<1x10x128xi32, #tpu.memory_space<vmem>>
      %dma_wait3A_257 = tpu.memref_squeeze %dma_wait3A_256 : memref<1x10x128xi32, #tpu.memory_space<vmem>> -> memref<10x128xi32, #tpu.memory_space<vmem>>
      %dma_wait3A_258 = arith.constant 0 : i32
      %dma_wait3A_259 = arith.constant 0 : i32
      %dma_wait3A_260 = tpu.memref_slice %arg4[%add3A, %run_scoped3A_4, %dma_wait3A_258, %dma_wait3A_259] : memref<32x8x10x128xi32, #tpu.memory_space<hbm>> -> memref<1x1x10x128xi32, #tpu.memory_space<hbm>>
      %dma_wait3A_261 = tpu.memref_squeeze %dma_wait3A_260 : memref<1x1x10x128xi32, #tpu.memory_space<hbm>> -> memref<10x128xi32, #tpu.memory_space<hbm>>
      tpu.wait_dma2 semaphore(%run_scoped3A_229 : memref<!tpu.dma_semaphore, #tpu.memory_space<semaphore_mem>>) src(%dma_wait3A_261 : memref<10x128xi32, #tpu.memory_space<hbm>>) dst(%dma_wait3A_257 : memref<10x128xi32, #tpu.memory_space<vmem>>)
      tpu.yield
    }) : () -> ()
    %dma_start3A = arith.constant 0 : i32
    %dma_start3A_6 = arith.constant 0 : i32
    %dma_start3A_7 = arith.constant 0 : i32
    %dma_start3A_8 = arith.constant 0 : i32
    %dma_start3A_9 = arith.constant 0 : i32
    %dma_start3A_10 = tpu.memref_slice %arg9[%dma_start3A_7, %dma_start3A_8, %dma_start3A_9] : memref<2x1280x32xf32, #tpu.memory_space<vmem>> -> memref<1x1280x32xf32, #tpu.memory_space<vmem>>
    %dma_start3A_11 = tpu.memref_squeeze %dma_start3A_10 : memref<1x1280x32xf32, #tpu.memory_space<vmem>> -> memref<1280x32xf32, #tpu.memory_space<vmem>>
    %dma_start3A_12 = arith.constant 0 : i32
    %dma_start3A_13 = arith.constant 0 : i32
    %dma_start3A_14 = tpu.memref_slice %dma_start3A_11[%dma_start3A_12, %dma_start3A_13] : memref<1280x32xf32, #tpu.memory_space<vmem>> -> memref<128x32xf32, #tpu.memory_space<vmem>>
    %dma_start3A_15 = arith.constant 0 : i32
    %dma_start3A_16 = arith.constant 0 : i32
    %dma_start3A_17 = tpu.memref_slice %arg7[%dma_start3A, %dma_start3A_15, %dma_start3A_16] : memref<2x10x128xi32, #tpu.memory_space<vmem>> -> memref<1x10x128xi32, #tpu.memory_space<vmem>>
    %dma_start3A_18 = tpu.memref_squeeze %dma_start3A_17 : memref<1x10x128xi32, #tpu.memory_space<vmem>> -> memref<10x128xi32, #tpu.memory_space<vmem>>
    %dma_start3A_19 = arith.constant 0 : i32
    %dma_start3A_20 = tpu.memref_slice %dma_start3A_18[%dma_start3A_6, %dma_start3A_19] : memref<10x128xi32, #tpu.memory_space<vmem>> -> memref<1x128xi32, #tpu.memory_space<vmem>>
    %dma_start3A_21 = tpu.memref_squeeze %dma_start3A_20 : memref<1x128xi32, #tpu.memory_space<vmem>> -> memref<128xi32, #tpu.memory_space<vmem>>
    %dma_start3A_22 = arith.constant 0 : i32
    %dma_start3A_23 = arith.constant 0 : i32
    %dma_start3A_24 = tpu.memref_slice %arg2[%dma_start3A_22, %dma_start3A_23] : memref<10240x32xf32, #tpu.memory_space<hbm>> -> memref<10240x32xf32, #tpu.memory_space<hbm>>
    tpu.enqueue_indirect_dma source(%dma_start3A_24 : memref<10240x32xf32, #tpu.memory_space<hbm>>) target(%dma_start3A_14 : memref<128x32xf32, #tpu.memory_space<vmem>>) offsets(%dma_start3A_21 : memref<128xi32, #tpu.memory_space<vmem>>) semaphore(%arg11 : memref<!tpu.dma_semaphore, #tpu.memory_space<semaphore_mem>>)
    %dma_start3A_25 = arith.constant 0 : i32
    %dma_start3A_26 = arith.constant 1 : i32
    %dma_start3A_27 = arith.constant 0 : i32
    %dma_start3A_28 = arith.constant 0 : i32
    %dma_start3A_29 = arith.constant 0 : i32
    %dma_start3A_30 = tpu.memref_slice %arg9[%dma_start3A_27, %dma_start3A_28, %dma_start3A_29] : memref<2x1280x32xf32, #tpu.memory_space<vmem>> -> memref<1x1280x32xf32, #tpu.memory_space<vmem>>
    %dma_start3A_31 = tpu.memref_squeeze %dma_start3A_30 : memref<1x1280x32xf32, #tpu.memory_space<vmem>> -> memref<1280x32xf32, #tpu.memory_space<vmem>>
    %dma_start3A_32 = arith.constant 128 : i32
    %dma_start3A_33 = arith.constant 0 : i32
    %dma_start3A_34 = tpu.memref_slice %dma_start3A_31[%dma_start3A_32, %dma_start3A_33] : memref<1280x32xf32, #tpu.memory_space<vmem>> -> memref<128x32xf32, #tpu.memory_space<vmem>>
    %dma_start3A_35 = arith.constant 0 : i32
    %dma_start3A_36 = arith.constant 0 : i32
    %dma_start3A_37 = tpu.memref_slice %arg7[%dma_start3A_25, %dma_start3A_35, %dma_start3A_36] : memref<2x10x128xi32, #tpu.memory_space<vmem>> -> memref<1x10x128xi32, #tpu.memory_space<vmem>>
    %dma_start3A_38 = tpu.memref_squeeze %dma_start3A_37 : memref<1x10x128xi32, #tpu.memory_space<vmem>> -> memref<10x128xi32, #tpu.memory_space<vmem>>
    %dma_start3A_39 = arith.constant 0 : i32
    %dma_start3A_40 = tpu.memref_slice %dma_start3A_38[%dma_start3A_26, %dma_start3A_39] : memref<10x128xi32, #tpu.memory_space<vmem>> -> memref<1x128xi32, #tpu.memory_space<vmem>>
    %dma_start3A_41 = tpu.memref_squeeze %dma_start3A_40 : memref<1x128xi32, #tpu.memory_space<vmem>> -> memref<128xi32, #tpu.memory_space<vmem>>
    %dma_start3A_42 = arith.constant 0 : i32
    %dma_start3A_43 = arith.constant 0 : i32
    %dma_start3A_44 = tpu.memref_slice %arg2[%dma_start3A_42, %dma_start3A_43] : memref<10240x32xf32, #tpu.memory_space<hbm>> -> memref<10240x32xf32, #tpu.memory_space<hbm>>
    tpu.enqueue_indirect_dma source(%dma_start3A_44 : memref<10240x32xf32, #tpu.memory_space<hbm>>) target(%dma_start3A_34 : memref<128x32xf32, #tpu.memory_space<vmem>>) offsets(%dma_start3A_41 : memref<128xi32, #tpu.memory_space<vmem>>) semaphore(%arg11 : memref<!tpu.dma_semaphore, #tpu.memory_space<semaphore_mem>>)
    %dma_start3A_45 = arith.constant 0 : i32
    %dma_start3A_46 = arith.constant 2 : i32
    %dma_start3A_47 = arith.constant 0 : i32
    %dma_start3A_48 = arith.constant 0 : i32
    %dma_start3A_49 = arith.constant 0 : i32
    %dma_start3A_50 = tpu.memref_slice %arg9[%dma_start3A_47, %dma_start3A_48, %dma_start3A_49] : memref<2x1280x32xf32, #tpu.memory_space<vmem>> -> memref<1x1280x32xf32, #tpu.memory_space<vmem>>
    %dma_start3A_51 = tpu.memref_squeeze %dma_start3A_50 : memref<1x1280x32xf32, #tpu.memory_space<vmem>> -> memref<1280x32xf32, #tpu.memory_space<vmem>>
    %dma_start3A_52 = arith.constant 256 : i32
    %dma_start3A_53 = arith.constant 0 : i32
    %dma_start3A_54 = tpu.memref_slice %dma_start3A_51[%dma_start3A_52, %dma_start3A_53] : memref<1280x32xf32, #tpu.memory_space<vmem>> -> memref<128x32xf32, #tpu.memory_space<vmem>>
    %dma_start3A_55 = arith.constant 0 : i32
    %dma_start3A_56 = arith.constant 0 : i32
    %dma_start3A_57 = tpu.memref_slice %arg7[%dma_start3A_45, %dma_start3A_55, %dma_start3A_56] : memref<2x10x128xi32, #tpu.memory_space<vmem>> -> memref<1x10x128xi32, #tpu.memory_space<vmem>>
    %dma_start3A_58 = tpu.memref_squeeze %dma_start3A_57 : memref<1x10x128xi32, #tpu.memory_space<vmem>> -> memref<10x128xi32, #tpu.memory_space<vmem>>
    %dma_start3A_59 = arith.constant 0 : i32
    %dma_start3A_60 = tpu.memref_slice %dma_start3A_58[%dma_start3A_46, %dma_start3A_59] : memref<10x128xi32, #tpu.memory_space<vmem>> -> memref<1x128xi32, #tpu.memory_space<vmem>>
    %dma_start3A_61 = tpu.memref_squeeze %dma_start3A_60 : memref<1x128xi32, #tpu.memory_space<vmem>> -> memref<128xi32, #tpu.memory_space<vmem>>
    %dma_start3A_62 = arith.constant 0 : i32
    %dma_start3A_63 = arith.constant 0 : i32
    %dma_start3A_64 = tpu.memref_slice %arg2[%dma_start3A_62, %dma_start3A_63] : memref<10240x32xf32, #tpu.memory_space<hbm>> -> memref<10240x32xf32, #tpu.memory_space<hbm>>
    tpu.enqueue_indirect_dma source(%dma_start3A_64 : memref<10240x32xf32, #tpu.memory_space<hbm>>) target(%dma_start3A_54 : memref<128x32xf32, #tpu.memory_space<vmem>>) offsets(%dma_start3A_61 : memref<128xi32, #tpu.memory_space<vmem>>) semaphore(%arg11 : memref<!tpu.dma_semaphore, #tpu.memory_space<semaphore_mem>>)
    %dma_start3A_65 = arith.constant 0 : i32
    %dma_start3A_66 = arith.constant 3 : i32
    %dma_start3A_67 = arith.constant 0 : i32
    %dma_start3A_68 = arith.constant 0 : i32
    %dma_start3A_69 = arith.constant 0 : i32
    %dma_start3A_70 = tpu.memref_slice %arg9[%dma_start3A_67, %dma_start3A_68, %dma_start3A_69] : memref<2x1280x32xf32, #tpu.memory_space<vmem>> -> memref<1x1280x32xf32, #tpu.memory_space<vmem>>
    %dma_start3A_71 = tpu.memref_squeeze %dma_start3A_70 : memref<1x1280x32xf32, #tpu.memory_space<vmem>> -> memref<1280x32xf32, #tpu.memory_space<vmem>>
    %dma_start3A_72 = arith.constant 384 : i32
    %dma_start3A_73 = arith.constant 0 : i32
    %dma_start3A_74 = tpu.memref_slice %dma_start3A_71[%dma_start3A_72, %dma_start3A_73] : memref<1280x32xf32, #tpu.memory_space<vmem>> -> memref<128x32xf32, #tpu.memory_space<vmem>>
    %dma_start3A_75 = arith.constant 0 : i32
    %dma_start3A_76 = arith.constant 0 : i32
    %dma_start3A_77 = tpu.memref_slice %arg7[%dma_start3A_65, %dma_start3A_75, %dma_start3A_76] : memref<2x10x128xi32, #tpu.memory_space<vmem>> -> memref<1x10x128xi32, #tpu.memory_space<vmem>>
    %dma_start3A_78 = tpu.memref_squeeze %dma_start3A_77 : memref<1x10x128xi32, #tpu.memory_space<vmem>> -> memref<10x128xi32, #tpu.memory_space<vmem>>
    %dma_start3A_79 = arith.constant 0 : i32
    %dma_start3A_80 = tpu.memref_slice %dma_start3A_78[%dma_start3A_66, %dma_start3A_79] : memref<10x128xi32, #tpu.memory_space<vmem>> -> memref<1x128xi32, #tpu.memory_space<vmem>>
    %dma_start3A_81 = tpu.memref_squeeze %dma_start3A_80 : memref<1x128xi32, #tpu.memory_space<vmem>> -> memref<128xi32, #tpu.memory_space<vmem>>
    %dma_start3A_82 = arith.constant 0 : i32
    %dma_start3A_83 = arith.constant 0 : i32
    %dma_start3A_84 = tpu.memref_slice %arg2[%dma_start3A_82, %dma_start3A_83] : memref<10240x32xf32, #tpu.memory_space<hbm>> -> memref<10240x32xf32, #tpu.memory_space<hbm>>
    tpu.enqueue_indirect_dma source(%dma_start3A_84 : memref<10240x32xf32, #tpu.memory_space<hbm>>) target(%dma_start3A_74 : memref<128x32xf32, #tpu.memory_space<vmem>>) offsets(%dma_start3A_81 : memref<128xi32, #tpu.memory_space<vmem>>) semaphore(%arg11 : memref<!tpu.dma_semaphore, #tpu.memory_space<semaphore_mem>>)
    %dma_start3A_85 = arith.constant 0 : i32
    %dma_start3A_86 = arith.constant 4 : i32
    %dma_start3A_87 = arith.constant 0 : i32
    %dma_start3A_88 = arith.constant 0 : i32
    %dma_start3A_89 = arith.constant 0 : i32
    %dma_start3A_90 = tpu.memref_slice %arg9[%dma_start3A_87, %dma_start3A_88, %dma_start3A_89] : memref<2x1280x32xf32, #tpu.memory_space<vmem>> -> memref<1x1280x32xf32, #tpu.memory_space<vmem>>
    %dma_start3A_91 = tpu.memref_squeeze %dma_start3A_90 : memref<1x1280x32xf32, #tpu.memory_space<vmem>> -> memref<1280x32xf32, #tpu.memory_space<vmem>>
    %dma_start3A_92 = arith.constant 512 : i32
    %dma_start3A_93 = arith.constant 0 : i32
    %dma_start3A_94 = tpu.memref_slice %dma_start3A_91[%dma_start3A_92, %dma_start3A_93] : memref<1280x32xf32, #tpu.memory_space<vmem>> -> memref<128x32xf32, #tpu.memory_space<vmem>>
    %dma_start3A_95 = arith.constant 0 : i32
    %dma_start3A_96 = arith.constant 0 : i32
    %dma_start3A_97 = tpu.memref_slice %arg7[%dma_start3A_85, %dma_start3A_95, %dma_start3A_96] : memref<2x10x128xi32, #tpu.memory_space<vmem>> -> memref<1x10x128xi32, #tpu.memory_space<vmem>>
    %dma_start3A_98 = tpu.memref_squeeze %dma_start3A_97 : memref<1x10x128xi32, #tpu.memory_space<vmem>> -> memref<10x128xi32, #tpu.memory_space<vmem>>
    %dma_start3A_99 = arith.constant 0 : i32
    %dma_start3A_100 = tpu.memref_slice %dma_start3A_98[%dma_start3A_86, %dma_start3A_99] : memref<10x128xi32, #tpu.memory_space<vmem>> -> memref<1x128xi32, #tpu.memory_space<vmem>>
    %dma_start3A_101 = tpu.memref_squeeze %dma_start3A_100 : memref<1x128xi32, #tpu.memory_space<vmem>> -> memref<128xi32, #tpu.memory_space<vmem>>
    %dma_start3A_102 = arith.constant 0 : i32
    %dma_start3A_103 = arith.constant 0 : i32
    %dma_start3A_104 = tpu.memref_slice %arg2[%dma_start3A_102, %dma_start3A_103] : memref<10240x32xf32, #tpu.memory_space<hbm>> -> memref<10240x32xf32, #tpu.memory_space<hbm>>
    tpu.enqueue_indirect_dma source(%dma_start3A_104 : memref<10240x32xf32, #tpu.memory_space<hbm>>) target(%dma_start3A_94 : memref<128x32xf32, #tpu.memory_space<vmem>>) offsets(%dma_start3A_101 : memref<128xi32, #tpu.memory_space<vmem>>) semaphore(%arg11 : memref<!tpu.dma_semaphore, #tpu.memory_space<semaphore_mem>>)
    %dma_start3A_105 = arith.constant 0 : i32
    %dma_start3A_106 = arith.constant 5 : i32
    %dma_start3A_107 = arith.constant 0 : i32
    %dma_start3A_108 = arith.constant 0 : i32
    %dma_start3A_109 = arith.constant 0 : i32
    %dma_start3A_110 = tpu.memref_slice %arg9[%dma_start3A_107, %dma_start3A_108, %dma_start3A_109] : memref<2x1280x32xf32, #tpu.memory_space<vmem>> -> memref<1x1280x32xf32, #tpu.memory_space<vmem>>
    %dma_start3A_111 = tpu.memref_squeeze %dma_start3A_110 : memref<1x1280x32xf32, #tpu.memory_space<vmem>> -> memref<1280x32xf32, #tpu.memory_space<vmem>>
    %dma_start3A_112 = arith.constant 640 : i32
    %dma_start3A_113 = arith.constant 0 : i32
    %dma_start3A_114 = tpu.memref_slice %dma_start3A_111[%dma_start3A_112, %dma_start3A_113] : memref<1280x32xf32, #tpu.memory_space<vmem>> -> memref<128x32xf32, #tpu.memory_space<vmem>>
    %dma_start3A_115 = arith.constant 0 : i32
    %dma_start3A_116 = arith.constant 0 : i32
    %dma_start3A_117 = tpu.memref_slice %arg7[%dma_start3A_105, %dma_start3A_115, %dma_start3A_116] : memref<2x10x128xi32, #tpu.memory_space<vmem>> -> memref<1x10x128xi32, #tpu.memory_space<vmem>>
    %dma_start3A_118 = tpu.memref_squeeze %dma_start3A_117 : memref<1x10x128xi32, #tpu.memory_space<vmem>> -> memref<10x128xi32, #tpu.memory_space<vmem>>
    %dma_start3A_119 = arith.constant 0 : i32
    %dma_start3A_120 = tpu.memref_slice %dma_start3A_118[%dma_start3A_106, %dma_start3A_119] : memref<10x128xi32, #tpu.memory_space<vmem>> -> memref<1x128xi32, #tpu.memory_space<vmem>>
    %dma_start3A_121 = tpu.memref_squeeze %dma_start3A_120 : memref<1x128xi32, #tpu.memory_space<vmem>> -> memref<128xi32, #tpu.memory_space<vmem>>
    %dma_start3A_122 = arith.constant 0 : i32
    %dma_start3A_123 = arith.constant 0 : i32
    %dma_start3A_124 = tpu.memref_slice %arg2[%dma_start3A_122, %dma_start3A_123] : memref<10240x32xf32, #tpu.memory_space<hbm>> -> memref<10240x32xf32, #tpu.memory_space<hbm>>
    tpu.enqueue_indirect_dma source(%dma_start3A_124 : memref<10240x32xf32, #tpu.memory_space<hbm>>) target(%dma_start3A_114 : memref<128x32xf32, #tpu.memory_space<vmem>>) offsets(%dma_start3A_121 : memref<128xi32, #tpu.memory_space<vmem>>) semaphore(%arg11 : memref<!tpu.dma_semaphore, #tpu.memory_space<semaphore_mem>>)
    %dma_start3A_125 = arith.constant 0 : i32
    %dma_start3A_126 = arith.constant 6 : i32
    %dma_start3A_127 = arith.constant 0 : i32
    %dma_start3A_128 = arith.constant 0 : i32
    %dma_start3A_129 = arith.constant 0 : i32
    %dma_start3A_130 = tpu.memref_slice %arg9[%dma_start3A_127, %dma_start3A_128, %dma_start3A_129] : memref<2x1280x32xf32, #tpu.memory_space<vmem>> -> memref<1x1280x32xf32, #tpu.memory_space<vmem>>
    %dma_start3A_131 = tpu.memref_squeeze %dma_start3A_130 : memref<1x1280x32xf32, #tpu.memory_space<vmem>> -> memref<1280x32xf32, #tpu.memory_space<vmem>>
    %dma_start3A_132 = arith.constant 768 : i32
    %dma_start3A_133 = arith.constant 0 : i32
    %dma_start3A_134 = tpu.memref_slice %dma_start3A_131[%dma_start3A_132, %dma_start3A_133] : memref<1280x32xf32, #tpu.memory_space<vmem>> -> memref<128x32xf32, #tpu.memory_space<vmem>>
    %dma_start3A_135 = arith.constant 0 : i32
    %dma_start3A_136 = arith.constant 0 : i32
    %dma_start3A_137 = tpu.memref_slice %arg7[%dma_start3A_125, %dma_start3A_135, %dma_start3A_136] : memref<2x10x128xi32, #tpu.memory_space<vmem>> -> memref<1x10x128xi32, #tpu.memory_space<vmem>>
    %dma_start3A_138 = tpu.memref_squeeze %dma_start3A_137 : memref<1x10x128xi32, #tpu.memory_space<vmem>> -> memref<10x128xi32, #tpu.memory_space<vmem>>
    %dma_start3A_139 = arith.constant 0 : i32
    %dma_start3A_140 = tpu.memref_slice %dma_start3A_138[%dma_start3A_126, %dma_start3A_139] : memref<10x128xi32, #tpu.memory_space<vmem>> -> memref<1x128xi32, #tpu.memory_space<vmem>>
    %dma_start3A_141 = tpu.memref_squeeze %dma_start3A_140 : memref<1x128xi32, #tpu.memory_space<vmem>> -> memref<128xi32, #tpu.memory_space<vmem>>
    %dma_start3A_142 = arith.constant 0 : i32
    %dma_start3A_143 = arith.constant 0 : i32
    %dma_start3A_144 = tpu.memref_slice %arg2[%dma_start3A_142, %dma_start3A_143] : memref<10240x32xf32, #tpu.memory_space<hbm>> -> memref<10240x32xf32, #tpu.memory_space<hbm>>
    tpu.enqueue_indirect_dma source(%dma_start3A_144 : memref<10240x32xf32, #tpu.memory_space<hbm>>) target(%dma_start3A_134 : memref<128x32xf32, #tpu.memory_space<vmem>>) offsets(%dma_start3A_141 : memref<128xi32, #tpu.memory_space<vmem>>) semaphore(%arg11 : memref<!tpu.dma_semaphore, #tpu.memory_space<semaphore_mem>>)
    %dma_start3A_145 = arith.constant 0 : i32
    %dma_start3A_146 = arith.constant 7 : i32
    %dma_start3A_147 = arith.constant 0 : i32
    %dma_start3A_148 = arith.constant 0 : i32
    %dma_start3A_149 = arith.constant 0 : i32
    %dma_start3A_150 = tpu.memref_slice %arg9[%dma_start3A_147, %dma_start3A_148, %dma_start3A_149] : memref<2x1280x32xf32, #tpu.memory_space<vmem>> -> memref<1x1280x32xf32, #tpu.memory_space<vmem>>
    %dma_start3A_151 = tpu.memref_squeeze %dma_start3A_150 : memref<1x1280x32xf32, #tpu.memory_space<vmem>> -> memref<1280x32xf32, #tpu.memory_space<vmem>>
    %dma_start3A_152 = arith.constant 896 : i32
    %dma_start3A_153 = arith.constant 0 : i32
    %dma_start3A_154 = tpu.memref_slice %dma_start3A_151[%dma_start3A_152, %dma_start3A_153] : memref<1280x32xf32, #tpu.memory_space<vmem>> -> memref<128x32xf32, #tpu.memory_space<vmem>>
    %dma_start3A_155 = arith.constant 0 : i32
    %dma_start3A_156 = arith.constant 0 : i32
    %dma_start3A_157 = tpu.memref_slice %arg7[%dma_start3A_145, %dma_start3A_155, %dma_start3A_156] : memref<2x10x128xi32, #tpu.memory_space<vmem>> -> memref<1x10x128xi32, #tpu.memory_space<vmem>>
    %dma_start3A_158 = tpu.memref_squeeze %dma_start3A_157 : memref<1x10x128xi32, #tpu.memory_space<vmem>> -> memref<10x128xi32, #tpu.memory_space<vmem>>
    %dma_start3A_159 = arith.constant 0 : i32
    %dma_start3A_160 = tpu.memref_slice %dma_start3A_158[%dma_start3A_146, %dma_start3A_159] : memref<10x128xi32, #tpu.memory_space<vmem>> -> memref<1x128xi32, #tpu.memory_space<vmem>>
    %dma_start3A_161 = tpu.memref_squeeze %dma_start3A_160 : memref<1x128xi32, #tpu.memory_space<vmem>> -> memref<128xi32, #tpu.memory_space<vmem>>
    %dma_start3A_162 = arith.constant 0 : i32
    %dma_start3A_163 = arith.constant 0 : i32
    %dma_start3A_164 = tpu.memref_slice %arg2[%dma_start3A_162, %dma_start3A_163] : memref<10240x32xf32, #tpu.memory_space<hbm>> -> memref<10240x32xf32, #tpu.memory_space<hbm>>
    tpu.enqueue_indirect_dma source(%dma_start3A_164 : memref<10240x32xf32, #tpu.memory_space<hbm>>) target(%dma_start3A_154 : memref<128x32xf32, #tpu.memory_space<vmem>>) offsets(%dma_start3A_161 : memref<128xi32, #tpu.memory_space<vmem>>) semaphore(%arg11 : memref<!tpu.dma_semaphore, #tpu.memory_space<semaphore_mem>>)
    %dma_start3A_165 = arith.constant 0 : i32
    %dma_start3A_166 = arith.constant 8 : i32
    %dma_start3A_167 = arith.constant 0 : i32
    %dma_start3A_168 = arith.constant 0 : i32
    %dma_start3A_169 = arith.constant 0 : i32
    %dma_start3A_170 = tpu.memref_slice %arg9[%dma_start3A_167, %dma_start3A_168, %dma_start3A_169] : memref<2x1280x32xf32, #tpu.memory_space<vmem>> -> memref<1x1280x32xf32, #tpu.memory_space<vmem>>
    %dma_start3A_171 = tpu.memref_squeeze %dma_start3A_170 : memref<1x1280x32xf32, #tpu.memory_space<vmem>> -> memref<1280x32xf32, #tpu.memory_space<vmem>>
    %dma_start3A_172 = arith.constant 1024 : i32
    %dma_start3A_173 = arith.constant 0 : i32
    %dma_start3A_174 = tpu.memref_slice %dma_start3A_171[%dma_start3A_172, %dma_start3A_173] : memref<1280x32xf32, #tpu.memory_space<vmem>> -> memref<128x32xf32, #tpu.memory_space<vmem>>
    %dma_start3A_175 = arith.constant 0 : i32
    %dma_start3A_176 = arith.constant 0 : i32
    %dma_start3A_177 = tpu.memref_slice %arg7[%dma_start3A_165, %dma_start3A_175, %dma_start3A_176] : memref<2x10x128xi32, #tpu.memory_space<vmem>> -> memref<1x10x128xi32, #tpu.memory_space<vmem>>
    %dma_start3A_178 = tpu.memref_squeeze %dma_start3A_177 : memref<1x10x128xi32, #tpu.memory_space<vmem>> -> memref<10x128xi32, #tpu.memory_space<vmem>>
    %dma_start3A_179 = arith.constant 0 : i32
    %dma_start3A_180 = tpu.memref_slice %dma_start3A_178[%dma_start3A_166, %dma_start3A_179] : memref<10x128xi32, #tpu.memory_space<vmem>> -> memref<1x128xi32, #tpu.memory_space<vmem>>
    %dma_start3A_181 = tpu.memref_squeeze %dma_start3A_180 : memref<1x128xi32, #tpu.memory_space<vmem>> -> memref<128xi32, #tpu.memory_space<vmem>>
    %dma_start3A_182 = arith.constant 0 : i32
    %dma_start3A_183 = arith.constant 0 : i32
    %dma_start3A_184 = tpu.memref_slice %arg2[%dma_start3A_182, %dma_start3A_183] : memref<10240x32xf32, #tpu.memory_space<hbm>> -> memref<10240x32xf32, #tpu.memory_space<hbm>>
    tpu.enqueue_indirect_dma source(%dma_start3A_184 : memref<10240x32xf32, #tpu.memory_space<hbm>>) target(%dma_start3A_174 : memref<128x32xf32, #tpu.memory_space<vmem>>) offsets(%dma_start3A_181 : memref<128xi32, #tpu.memory_space<vmem>>) semaphore(%arg11 : memref<!tpu.dma_semaphore, #tpu.memory_space<semaphore_mem>>)
    %dma_start3A_185 = arith.constant 0 : i32
    %dma_start3A_186 = arith.constant 9 : i32
    %dma_start3A_187 = arith.constant 0 : i32
    %dma_start3A_188 = arith.constant 0 : i32
    %dma_start3A_189 = arith.constant 0 : i32
    %dma_start3A_190 = tpu.memref_slice %arg9[%dma_start3A_187, %dma_start3A_188, %dma_start3A_189] : memref<2x1280x32xf32, #tpu.memory_space<vmem>> -> memref<1x1280x32xf32, #tpu.memory_space<vmem>>
    %dma_start3A_191 = tpu.memref_squeeze %dma_start3A_190 : memref<1x1280x32xf32, #tpu.memory_space<vmem>> -> memref<1280x32xf32, #tpu.memory_space<vmem>>
    %dma_start3A_192 = arith.constant 1152 : i32
    %dma_start3A_193 = arith.constant 0 : i32
    %dma_start3A_194 = tpu.memref_slice %dma_start3A_191[%dma_start3A_192, %dma_start3A_193] : memref<1280x32xf32, #tpu.memory_space<vmem>> -> memref<128x32xf32, #tpu.memory_space<vmem>>
    %dma_start3A_195 = arith.constant 0 : i32
    %dma_start3A_196 = arith.constant 0 : i32
    %dma_start3A_197 = tpu.memref_slice %arg7[%dma_start3A_185, %dma_start3A_195, %dma_start3A_196] : memref<2x10x128xi32, #tpu.memory_space<vmem>> -> memref<1x10x128xi32, #tpu.memory_space<vmem>>
    %dma_start3A_198 = tpu.memref_squeeze %dma_start3A_197 : memref<1x10x128xi32, #tpu.memory_space<vmem>> -> memref<10x128xi32, #tpu.memory_space<vmem>>
    %dma_start3A_199 = arith.constant 0 : i32
    %dma_start3A_200 = tpu.memref_slice %dma_start3A_198[%dma_start3A_186, %dma_start3A_199] : memref<10x128xi32, #tpu.memory_space<vmem>> -> memref<1x128xi32, #tpu.memory_space<vmem>>
    %dma_start3A_201 = tpu.memref_squeeze %dma_start3A_200 : memref<1x128xi32, #tpu.memory_space<vmem>> -> memref<128xi32, #tpu.memory_space<vmem>>
    %dma_start3A_202 = arith.constant 0 : i32
    %dma_start3A_203 = arith.constant 0 : i32
    %dma_start3A_204 = tpu.memref_slice %arg2[%dma_start3A_202, %dma_start3A_203] : memref<10240x32xf32, #tpu.memory_space<hbm>> -> memref<10240x32xf32, #tpu.memory_space<hbm>>
    tpu.enqueue_indirect_dma source(%dma_start3A_204 : memref<10240x32xf32, #tpu.memory_space<hbm>>) target(%dma_start3A_194 : memref<128x32xf32, #tpu.memory_space<vmem>>) offsets(%dma_start3A_201 : memref<128xi32, #tpu.memory_space<vmem>>) semaphore(%arg11 : memref<!tpu.dma_semaphore, #tpu.memory_space<semaphore_mem>>)
    %scan3A = arith.constant 0 : i32
    %scan3A_205 = arith.constant 0 : i32
    %scan3A_206 = arith.constant 8 : i32
    %scan3A_207 = arith.addi %scan3A_205, %scan3A_206 : i32
    %scan3A_208 = arith.constant 1 : i32
    scf.for %scan3A_229 = %scan3A_205 to %scan3A_207 step %scan3A_208  : i32 {
      %and3A = arith.constant 1 : i32
      %and3A_230 = arith.andi %scan3A_229, %and3A : i32
      %sub3A = arith.constant 1 : i32
      %sub3A_231 = arith.subi %sub3A, %and3A_230 : i32
      %gt3A = arith.constant 0 : i32
      %gt3A_232 = arith.cmpi sgt, %scan3A_229, %gt3A : i32
      %convert_element_type3A = arith.extui %gt3A_232 : i1 to i32
      %cond3A = arith.constant 0 : i32
      %cond3A_233 = arith.cmpi ne, %convert_element_type3A, %cond3A : i32
      scf.if %cond3A_233 {
        %dma_wait3A_441 = arith.constant 0 : i32
        %dma_wait3A_442 = arith.constant 0 : i32
        %dma_wait3A_443 = tpu.memref_slice %arg9[%sub3A_231, %dma_wait3A_441, %dma_wait3A_442] : memref<2x1280x32xf32, #tpu.memory_space<vmem>> -> memref<1x1280x32xf32, #tpu.memory_space<vmem>>
        %dma_wait3A_444 = tpu.memref_squeeze %dma_wait3A_443 : memref<1x1280x32xf32, #tpu.memory_space<vmem>> -> memref<1280x32xf32, #tpu.memory_space<vmem>>
        %dma_wait3A_445 = arith.constant 0 : i32
        %dma_wait3A_446 = arith.constant 0 : i32
        %dma_wait3A_447 = tpu.memref_slice %arg2[%dma_wait3A_445, %dma_wait3A_446] : memref<10240x32xf32, #tpu.memory_space<hbm>> -> memref<1280x32xf32, #tpu.memory_space<hbm>>
        %dma_wait3A_448 = arith.constant 0 : i32
        %dma_wait3A_449 = arith.constant 0 : i32
        %dma_wait3A_450 = tpu.memref_slice %arg9[%sub3A_231, %dma_wait3A_448, %dma_wait3A_449] : memref<2x1280x32xf32, #tpu.memory_space<vmem>> -> memref<1x1280x32xf32, #tpu.memory_space<vmem>>
        %dma_wait3A_451 = tpu.memref_squeeze %dma_wait3A_450 : memref<1x1280x32xf32, #tpu.memory_space<vmem>> -> memref<1280x32xf32, #tpu.memory_space<vmem>>
        %dma_wait3A_452 = arith.constant 0 : i32
        %dma_wait3A_453 = arith.constant 0 : i32
        %dma_wait3A_454 = tpu.memref_slice %arg2[%dma_wait3A_452, %dma_wait3A_453] : memref<10240x32xf32, #tpu.memory_space<hbm>> -> memref<1280x32xf32, #tpu.memory_space<hbm>>
        tpu.wait_dma2 semaphore(%arg12 : memref<!tpu.dma_semaphore, #tpu.memory_space<semaphore_mem>>) src(%dma_wait3A_454 : memref<1280x32xf32, #tpu.memory_space<hbm>>) dst(%dma_wait3A_451 : memref<1280x32xf32, #tpu.memory_space<vmem>>)
      } else {
      }
      %add3A_234 = arith.constant 1 : i32
      %add3A_235 = arith.addi %scan3A_229, %add3A_234 : i32
      %lt3A = arith.constant 8 : i32
      %lt3A_236 = arith.cmpi slt, %add3A_235, %lt3A : i32
      %convert_element_type3A_237 = arith.extui %lt3A_236 : i1 to i32
      %cond3A_238 = arith.constant 0 : i32
      %cond3A_239 = arith.cmpi ne, %convert_element_type3A_237, %cond3A_238 : i32
      scf.if %cond3A_239 {
        %add3A_441 = arith.constant 1 : i32
        %add3A_442 = arith.addi %scan3A_229, %add3A_441 : i32
        "tpu.region"() ({
          %run_scoped3A_445 = tpu.sem_alloc : memref<!tpu.dma_semaphore, #tpu.memory_space<semaphore_mem>>
          %dma_start3A_446 = arith.constant 0 : i32
          %dma_start3A_447 = arith.constant 0 : i32
          %dma_start3A_448 = tpu.memref_slice %arg7[%sub3A_231, %dma_start3A_446, %dma_start3A_447] : memref<2x10x128xi32, #tpu.memory_space<vmem>> -> memref<1x10x128xi32, #tpu.memory_space<vmem>>
          %dma_start3A_449 = tpu.memref_squeeze %dma_start3A_448 : memref<1x10x128xi32, #tpu.memory_space<vmem>> -> memref<10x128xi32, #tpu.memory_space<vmem>>
          %dma_start3A_450 = arith.constant 0 : i32
          %dma_start3A_451 = arith.constant 0 : i32
          %dma_start3A_452 = tpu.memref_slice %arg3[%add3A, %add3A_442, %dma_start3A_450, %dma_start3A_451] : memref<32x8x10x128xi32, #tpu.memory_space<hbm>> -> memref<1x1x10x128xi32, #tpu.memory_space<hbm>>
          %dma_start3A_453 = tpu.memref_squeeze %dma_start3A_452 : memref<1x1x10x128xi32, #tpu.memory_space<hbm>> -> memref<10x128xi32, #tpu.memory_space<hbm>>
          %dma_start3A_454 = arith.constant 0 : i32
          %dma_start3A_455 = arith.constant 0 : i32
          %dma_start3A_456 = tpu.memref_slice %arg7[%sub3A_231, %dma_start3A_454, %dma_start3A_455] : memref<2x10x128xi32, #tpu.memory_space<vmem>> -> memref<1x10x128xi32, #tpu.memory_space<vmem>>
          %dma_start3A_457 = tpu.memref_squeeze %dma_start3A_456 : memref<1x10x128xi32, #tpu.memory_space<vmem>> -> memref<10x128xi32, #tpu.memory_space<vmem>>
          %dma_start3A_458 = arith.constant 0 : i32
          %dma_start3A_459 = arith.constant 0 : i32
          %dma_start3A_460 = tpu.memref_slice %arg3[%add3A, %add3A_442, %dma_start3A_458, %dma_start3A_459] : memref<32x8x10x128xi32, #tpu.memory_space<hbm>> -> memref<1x1x10x128xi32, #tpu.memory_space<hbm>>
          %dma_start3A_461 = tpu.memref_squeeze %dma_start3A_460 : memref<1x1x10x128xi32, #tpu.memory_space<hbm>> -> memref<10x128xi32, #tpu.memory_space<hbm>>
          tpu.enqueue_dma source(%dma_start3A_461 : memref<10x128xi32, #tpu.memory_space<hbm>>) target(%dma_start3A_457 : memref<10x128xi32, #tpu.memory_space<vmem>>) target_semaphore(%run_scoped3A_445 : memref<!tpu.dma_semaphore, #tpu.memory_space<semaphore_mem>>)
          %dma_wait3A_462 = arith.constant 0 : i32
          %dma_wait3A_463 = arith.constant 0 : i32
          %dma_wait3A_464 = tpu.memref_slice %arg7[%sub3A_231, %dma_wait3A_462, %dma_wait3A_463] : memref<2x10x128xi32, #tpu.memory_space<vmem>> -> memref<1x10x128xi32, #tpu.memory_space<vmem>>
          %dma_wait3A_465 = tpu.memref_squeeze %dma_wait3A_464 : memref<1x10x128xi32, #tpu.memory_space<vmem>> -> memref<10x128xi32, #tpu.memory_space<vmem>>
          %dma_wait3A_466 = arith.constant 0 : i32
          %dma_wait3A_467 = arith.constant 0 : i32
          %dma_wait3A_468 = tpu.memref_slice %arg3[%add3A, %add3A_442, %dma_wait3A_466, %dma_wait3A_467] : memref<32x8x10x128xi32, #tpu.memory_space<hbm>> -> memref<1x1x10x128xi32, #tpu.memory_space<hbm>>
          %dma_wait3A_469 = tpu.memref_squeeze %dma_wait3A_468 : memref<1x1x10x128xi32, #tpu.memory_space<hbm>> -> memref<10x128xi32, #tpu.memory_space<hbm>>
          %dma_wait3A_470 = arith.constant 0 : i32
          %dma_wait3A_471 = arith.constant 0 : i32
          %dma_wait3A_472 = tpu.memref_slice %arg7[%sub3A_231, %dma_wait3A_470, %dma_wait3A_471] : memref<2x10x128xi32, #tpu.memory_space<vmem>> -> memref<1x10x128xi32, #tpu.memory_space<vmem>>
          %dma_wait3A_473 = tpu.memref_squeeze %dma_wait3A_472 : memref<1x10x128xi32, #tpu.memory_space<vmem>> -> memref<10x128xi32, #tpu.memory_space<vmem>>
          %dma_wait3A_474 = arith.constant 0 : i32
          %dma_wait3A_475 = arith.constant 0 : i32
          %dma_wait3A_476 = tpu.memref_slice %arg3[%add3A, %add3A_442, %dma_wait3A_474, %dma_wait3A_475] : memref<32x8x10x128xi32, #tpu.memory_space<hbm>> -> memref<1x1x10x128xi32, #tpu.memory_space<hbm>>
          %dma_wait3A_477 = tpu.memref_squeeze %dma_wait3A_476 : memref<1x1x10x128xi32, #tpu.memory_space<hbm>> -> memref<10x128xi32, #tpu.memory_space<hbm>>
          tpu.wait_dma2 semaphore(%run_scoped3A_445 : memref<!tpu.dma_semaphore, #tpu.memory_space<semaphore_mem>>) src(%dma_wait3A_477 : memref<10x128xi32, #tpu.memory_space<hbm>>) dst(%dma_wait3A_473 : memref<10x128xi32, #tpu.memory_space<vmem>>)
          tpu.yield
        }) : () -> ()
        %add3A_443 = arith.constant 1 : i32
        %add3A_444 = arith.addi %scan3A_229, %add3A_443 : i32
        "tpu.region"() ({
          %run_scoped3A_445 = tpu.sem_alloc : memref<!tpu.dma_semaphore, #tpu.memory_space<semaphore_mem>>
          %dma_start3A_446 = arith.constant 0 : i32
          %dma_start3A_447 = arith.constant 0 : i32
          %dma_start3A_448 = tpu.memref_slice %arg8[%sub3A_231, %dma_start3A_446, %dma_start3A_447] : memref<2x10x128xi32, #tpu.memory_space<vmem>> -> memref<1x10x128xi32, #tpu.memory_space<vmem>>
          %dma_start3A_449 = tpu.memref_squeeze %dma_start3A_448 : memref<1x10x128xi32, #tpu.memory_space<vmem>> -> memref<10x128xi32, #tpu.memory_space<vmem>>
          %dma_start3A_450 = arith.constant 0 : i32
          %dma_start3A_451 = arith.constant 0 : i32
          %dma_start3A_452 = tpu.memref_slice %arg4[%add3A, %add3A_444, %dma_start3A_450, %dma_start3A_451] : memref<32x8x10x128xi32, #tpu.memory_space<hbm>> -> memref<1x1x10x128xi32, #tpu.memory_space<hbm>>
          %dma_start3A_453 = tpu.memref_squeeze %dma_start3A_452 : memref<1x1x10x128xi32, #tpu.memory_space<hbm>> -> memref<10x128xi32, #tpu.memory_space<hbm>>
          %dma_start3A_454 = arith.constant 0 : i32
          %dma_start3A_455 = arith.constant 0 : i32
          %dma_start3A_456 = tpu.memref_slice %arg8[%sub3A_231, %dma_start3A_454, %dma_start3A_455] : memref<2x10x128xi32, #tpu.memory_space<vmem>> -> memref<1x10x128xi32, #tpu.memory_space<vmem>>
          %dma_start3A_457 = tpu.memref_squeeze %dma_start3A_456 : memref<1x10x128xi32, #tpu.memory_space<vmem>> -> memref<10x128xi32, #tpu.memory_space<vmem>>
          %dma_start3A_458 = arith.constant 0 : i32
          %dma_start3A_459 = arith.constant 0 : i32
          %dma_start3A_460 = tpu.memref_slice %arg4[%add3A, %add3A_444, %dma_start3A_458, %dma_start3A_459] : memref<32x8x10x128xi32, #tpu.memory_space<hbm>> -> memref<1x1x10x128xi32, #tpu.memory_space<hbm>>
          %dma_start3A_461 = tpu.memref_squeeze %dma_start3A_460 : memref<1x1x10x128xi32, #tpu.memory_space<hbm>> -> memref<10x128xi32, #tpu.memory_space<hbm>>
          tpu.enqueue_dma source(%dma_start3A_461 : memref<10x128xi32, #tpu.memory_space<hbm>>) target(%dma_start3A_457 : memref<10x128xi32, #tpu.memory_space<vmem>>) target_semaphore(%run_scoped3A_445 : memref<!tpu.dma_semaphore, #tpu.memory_space<semaphore_mem>>)
          %dma_wait3A_462 = arith.constant 0 : i32
          %dma_wait3A_463 = arith.constant 0 : i32
          %dma_wait3A_464 = tpu.memref_slice %arg8[%sub3A_231, %dma_wait3A_462, %dma_wait3A_463] : memref<2x10x128xi32, #tpu.memory_space<vmem>> -> memref<1x10x128xi32, #tpu.memory_space<vmem>>
          %dma_wait3A_465 = tpu.memref_squeeze %dma_wait3A_464 : memref<1x10x128xi32, #tpu.memory_space<vmem>> -> memref<10x128xi32, #tpu.memory_space<vmem>>
          %dma_wait3A_466 = arith.constant 0 : i32
          %dma_wait3A_467 = arith.constant 0 : i32
          %dma_wait3A_468 = tpu.memref_slice %arg4[%add3A, %add3A_444, %dma_wait3A_466, %dma_wait3A_467] : memref<32x8x10x128xi32, #tpu.memory_space<hbm>> -> memref<1x1x10x128xi32, #tpu.memory_space<hbm>>
          %dma_wait3A_469 = tpu.memref_squeeze %dma_wait3A_468 : memref<1x1x10x128xi32, #tpu.memory_space<hbm>> -> memref<10x128xi32, #tpu.memory_space<hbm>>
          %dma_wait3A_470 = arith.constant 0 : i32
          %dma_wait3A_471 = arith.constant 0 : i32
          %dma_wait3A_472 = tpu.memref_slice %arg8[%sub3A_231, %dma_wait3A_470, %dma_wait3A_471] : memref<2x10x128xi32, #tpu.memory_space<vmem>> -> memref<1x10x128xi32, #tpu.memory_space<vmem>>
          %dma_wait3A_473 = tpu.memref_squeeze %dma_wait3A_472 : memref<1x10x128xi32, #tpu.memory_space<vmem>> -> memref<10x128xi32, #tpu.memory_space<vmem>>
          %dma_wait3A_474 = arith.constant 0 : i32
          %dma_wait3A_475 = arith.constant 0 : i32
          %dma_wait3A_476 = tpu.memref_slice %arg4[%add3A, %add3A_444, %dma_wait3A_474, %dma_wait3A_475] : memref<32x8x10x128xi32, #tpu.memory_space<hbm>> -> memref<1x1x10x128xi32, #tpu.memory_space<hbm>>
          %dma_wait3A_477 = tpu.memref_squeeze %dma_wait3A_476 : memref<1x1x10x128xi32, #tpu.memory_space<hbm>> -> memref<10x128xi32, #tpu.memory_space<hbm>>
          tpu.wait_dma2 semaphore(%run_scoped3A_445 : memref<!tpu.dma_semaphore, #tpu.memory_space<semaphore_mem>>) src(%dma_wait3A_477 : memref<10x128xi32, #tpu.memory_space<hbm>>) dst(%dma_wait3A_473 : memref<10x128xi32, #tpu.memory_space<vmem>>)
          tpu.yield
        }) : () -> ()
      } else {
      }
      %dma_wait3A_240 = arith.constant 0 : i32
      %dma_wait3A_241 = arith.constant 0 : i32
      %dma_wait3A_242 = tpu.memref_slice %arg9[%and3A_230, %dma_wait3A_240, %dma_wait3A_241] : memref<2x1280x32xf32, #tpu.memory_space<vmem>> -> memref<1x1280x32xf32, #tpu.memory_space<vmem>>
      %dma_wait3A_243 = tpu.memref_squeeze %dma_wait3A_242 : memref<1x1280x32xf32, #tpu.memory_space<vmem>> -> memref<1280x32xf32, #tpu.memory_space<vmem>>
      %dma_wait3A_244 = arith.constant 0 : i32
      %dma_wait3A_245 = arith.constant 0 : i32
      %dma_wait3A_246 = tpu.memref_slice %arg2[%dma_wait3A_244, %dma_wait3A_245] : memref<10240x32xf32, #tpu.memory_space<hbm>> -> memref<1280x32xf32, #tpu.memory_space<hbm>>
      %dma_wait3A_247 = arith.constant 0 : i32
      %dma_wait3A_248 = arith.constant 0 : i32
      %dma_wait3A_249 = tpu.memref_slice %arg9[%and3A_230, %dma_wait3A_247, %dma_wait3A_248] : memref<2x1280x32xf32, #tpu.memory_space<vmem>> -> memref<1x1280x32xf32, #tpu.memory_space<vmem>>
      %dma_wait3A_250 = tpu.memref_squeeze %dma_wait3A_249 : memref<1x1280x32xf32, #tpu.memory_space<vmem>> -> memref<1280x32xf32, #tpu.memory_space<vmem>>
      %dma_wait3A_251 = arith.constant 0 : i32
      %dma_wait3A_252 = arith.constant 0 : i32
      %dma_wait3A_253 = tpu.memref_slice %arg2[%dma_wait3A_251, %dma_wait3A_252] : memref<10240x32xf32, #tpu.memory_space<hbm>> -> memref<1280x32xf32, #tpu.memory_space<hbm>>
      tpu.wait_dma2 semaphore(%arg11 : memref<!tpu.dma_semaphore, #tpu.memory_space<semaphore_mem>>) src(%dma_wait3A_253 : memref<1280x32xf32, #tpu.memory_space<hbm>>) dst(%dma_wait3A_250 : memref<1280x32xf32, #tpu.memory_space<vmem>>)
      %add3A_254 = arith.constant 1 : i32
      %add3A_255 = arith.addi %scan3A_229, %add3A_254 : i32
      %lt3A_256 = arith.constant 8 : i32
      %lt3A_257 = arith.cmpi slt, %add3A_255, %lt3A_256 : i32
      %convert_element_type3A_258 = arith.extui %lt3A_257 : i1 to i32
      %cond3A_259 = arith.constant 0 : i32
      %cond3A_260 = arith.cmpi ne, %convert_element_type3A_258, %cond3A_259 : i32
      scf.if %cond3A_260 {
        %dma_start3A_441 = arith.constant 0 : i32
        %dma_start3A_442 = arith.constant 0 : i32
        %dma_start3A_443 = arith.constant 0 : i32
        %dma_start3A_444 = tpu.memref_slice %arg9[%sub3A_231, %dma_start3A_442, %dma_start3A_443] : memref<2x1280x32xf32, #tpu.memory_space<vmem>> -> memref<1x1280x32xf32, #tpu.memory_space<vmem>>
        %dma_start3A_445 = tpu.memref_squeeze %dma_start3A_444 : memref<1x1280x32xf32, #tpu.memory_space<vmem>> -> memref<1280x32xf32, #tpu.memory_space<vmem>>
        %dma_start3A_446 = arith.constant 0 : i32
        %dma_start3A_447 = arith.constant 0 : i32
        %dma_start3A_448 = tpu.memref_slice %dma_start3A_445[%dma_start3A_446, %dma_start3A_447] : memref<1280x32xf32, #tpu.memory_space<vmem>> -> memref<128x32xf32, #tpu.memory_space<vmem>>
        %dma_start3A_449 = arith.constant 0 : i32
        %dma_start3A_450 = arith.constant 0 : i32
        %dma_start3A_451 = tpu.memref_slice %arg7[%sub3A_231, %dma_start3A_449, %dma_start3A_450] : memref<2x10x128xi32, #tpu.memory_space<vmem>> -> memref<1x10x128xi32, #tpu.memory_space<vmem>>
        %dma_start3A_452 = tpu.memref_squeeze %dma_start3A_451 : memref<1x10x128xi32, #tpu.memory_space<vmem>> -> memref<10x128xi32, #tpu.memory_space<vmem>>
        %dma_start3A_453 = arith.constant 0 : i32
        %dma_start3A_454 = tpu.memref_slice %dma_start3A_452[%dma_start3A_441, %dma_start3A_453] : memref<10x128xi32, #tpu.memory_space<vmem>> -> memref<1x128xi32, #tpu.memory_space<vmem>>
        %dma_start3A_455 = tpu.memref_squeeze %dma_start3A_454 : memref<1x128xi32, #tpu.memory_space<vmem>> -> memref<128xi32, #tpu.memory_space<vmem>>
        %dma_start3A_456 = arith.constant 0 : i32
        %dma_start3A_457 = arith.constant 0 : i32
        %dma_start3A_458 = tpu.memref_slice %arg2[%dma_start3A_456, %dma_start3A_457] : memref<10240x32xf32, #tpu.memory_space<hbm>> -> memref<10240x32xf32, #tpu.memory_space<hbm>>
        tpu.enqueue_indirect_dma source(%dma_start3A_458 : memref<10240x32xf32, #tpu.memory_space<hbm>>) target(%dma_start3A_448 : memref<128x32xf32, #tpu.memory_space<vmem>>) offsets(%dma_start3A_455 : memref<128xi32, #tpu.memory_space<vmem>>) semaphore(%arg11 : memref<!tpu.dma_semaphore, #tpu.memory_space<semaphore_mem>>)
        %dma_start3A_459 = arith.constant 1 : i32
        %dma_start3A_460 = arith.constant 0 : i32
        %dma_start3A_461 = arith.constant 0 : i32
        %dma_start3A_462 = tpu.memref_slice %arg9[%sub3A_231, %dma_start3A_460, %dma_start3A_461] : memref<2x1280x32xf32, #tpu.memory_space<vmem>> -> memref<1x1280x32xf32, #tpu.memory_space<vmem>>
        %dma_start3A_463 = tpu.memref_squeeze %dma_start3A_462 : memref<1x1280x32xf32, #tpu.memory_space<vmem>> -> memref<1280x32xf32, #tpu.memory_space<vmem>>
        %dma_start3A_464 = arith.constant 128 : i32
        %dma_start3A_465 = arith.constant 0 : i32
        %dma_start3A_466 = tpu.memref_slice %dma_start3A_463[%dma_start3A_464, %dma_start3A_465] : memref<1280x32xf32, #tpu.memory_space<vmem>> -> memref<128x32xf32, #tpu.memory_space<vmem>>
        %dma_start3A_467 = arith.constant 0 : i32
        %dma_start3A_468 = arith.constant 0 : i32
        %dma_start3A_469 = tpu.memref_slice %arg7[%sub3A_231, %dma_start3A_467, %dma_start3A_468] : memref<2x10x128xi32, #tpu.memory_space<vmem>> -> memref<1x10x128xi32, #tpu.memory_space<vmem>>
        %dma_start3A_470 = tpu.memref_squeeze %dma_start3A_469 : memref<1x10x128xi32, #tpu.memory_space<vmem>> -> memref<10x128xi32, #tpu.memory_space<vmem>>
        %dma_start3A_471 = arith.constant 0 : i32
        %dma_start3A_472 = tpu.memref_slice %dma_start3A_470[%dma_start3A_459, %dma_start3A_471] : memref<10x128xi32, #tpu.memory_space<vmem>> -> memref<1x128xi32, #tpu.memory_space<vmem>>
        %dma_start3A_473 = tpu.memref_squeeze %dma_start3A_472 : memref<1x128xi32, #tpu.memory_space<vmem>> -> memref<128xi32, #tpu.memory_space<vmem>>
        %dma_start3A_474 = arith.constant 0 : i32
        %dma_start3A_475 = arith.constant 0 : i32
        %dma_start3A_476 = tpu.memref_slice %arg2[%dma_start3A_474, %dma_start3A_475] : memref<10240x32xf32, #tpu.memory_space<hbm>> -> memref<10240x32xf32, #tpu.memory_space<hbm>>
        tpu.enqueue_indirect_dma source(%dma_start3A_476 : memref<10240x32xf32, #tpu.memory_space<hbm>>) target(%dma_start3A_466 : memref<128x32xf32, #tpu.memory_space<vmem>>) offsets(%dma_start3A_473 : memref<128xi32, #tpu.memory_space<vmem>>) semaphore(%arg11 : memref<!tpu.dma_semaphore, #tpu.memory_space<semaphore_mem>>)
        %dma_start3A_477 = arith.constant 2 : i32
        %dma_start3A_478 = arith.constant 0 : i32
        %dma_start3A_479 = arith.constant 0 : i32
        %dma_start3A_480 = tpu.memref_slice %arg9[%sub3A_231, %dma_start3A_478, %dma_start3A_479] : memref<2x1280x32xf32, #tpu.memory_space<vmem>> -> memref<1x1280x32xf32, #tpu.memory_space<vmem>>
        %dma_start3A_481 = tpu.memref_squeeze %dma_start3A_480 : memref<1x1280x32xf32, #tpu.memory_space<vmem>> -> memref<1280x32xf32, #tpu.memory_space<vmem>>
        %dma_start3A_482 = arith.constant 256 : i32
        %dma_start3A_483 = arith.constant 0 : i32
        %dma_start3A_484 = tpu.memref_slice %dma_start3A_481[%dma_start3A_482, %dma_start3A_483] : memref<1280x32xf32, #tpu.memory_space<vmem>> -> memref<128x32xf32, #tpu.memory_space<vmem>>
        %dma_start3A_485 = arith.constant 0 : i32
        %dma_start3A_486 = arith.constant 0 : i32
        %dma_start3A_487 = tpu.memref_slice %arg7[%sub3A_231, %dma_start3A_485, %dma_start3A_486] : memref<2x10x128xi32, #tpu.memory_space<vmem>> -> memref<1x10x128xi32, #tpu.memory_space<vmem>>
        %dma_start3A_488 = tpu.memref_squeeze %dma_start3A_487 : memref<1x10x128xi32, #tpu.memory_space<vmem>> -> memref<10x128xi32, #tpu.memory_space<vmem>>
        %dma_start3A_489 = arith.constant 0 : i32
        %dma_start3A_490 = tpu.memref_slice %dma_start3A_488[%dma_start3A_477, %dma_start3A_489] : memref<10x128xi32, #tpu.memory_space<vmem>> -> memref<1x128xi32, #tpu.memory_space<vmem>>
        %dma_start3A_491 = tpu.memref_squeeze %dma_start3A_490 : memref<1x128xi32, #tpu.memory_space<vmem>> -> memref<128xi32, #tpu.memory_space<vmem>>
        %dma_start3A_492 = arith.constant 0 : i32
        %dma_start3A_493 = arith.constant 0 : i32
        %dma_start3A_494 = tpu.memref_slice %arg2[%dma_start3A_492, %dma_start3A_493] : memref<10240x32xf32, #tpu.memory_space<hbm>> -> memref<10240x32xf32, #tpu.memory_space<hbm>>
        tpu.enqueue_indirect_dma source(%dma_start3A_494 : memref<10240x32xf32, #tpu.memory_space<hbm>>) target(%dma_start3A_484 : memref<128x32xf32, #tpu.memory_space<vmem>>) offsets(%dma_start3A_491 : memref<128xi32, #tpu.memory_space<vmem>>) semaphore(%arg11 : memref<!tpu.dma_semaphore, #tpu.memory_space<semaphore_mem>>)
        %dma_start3A_495 = arith.constant 3 : i32
        %dma_start3A_496 = arith.constant 0 : i32
        %dma_start3A_497 = arith.constant 0 : i32
        %dma_start3A_498 = tpu.memref_slice %arg9[%sub3A_231, %dma_start3A_496, %dma_start3A_497] : memref<2x1280x32xf32, #tpu.memory_space<vmem>> -> memref<1x1280x32xf32, #tpu.memory_space<vmem>>
        %dma_start3A_499 = tpu.memref_squeeze %dma_start3A_498 : memref<1x1280x32xf32, #tpu.memory_space<vmem>> -> memref<1280x32xf32, #tpu.memory_space<vmem>>
        %dma_start3A_500 = arith.constant 384 : i32
        %dma_start3A_501 = arith.constant 0 : i32
        %dma_start3A_502 = tpu.memref_slice %dma_start3A_499[%dma_start3A_500, %dma_start3A_501] : memref<1280x32xf32, #tpu.memory_space<vmem>> -> memref<128x32xf32, #tpu.memory_space<vmem>>
        %dma_start3A_503 = arith.constant 0 : i32
        %dma_start3A_504 = arith.constant 0 : i32
        %dma_start3A_505 = tpu.memref_slice %arg7[%sub3A_231, %dma_start3A_503, %dma_start3A_504] : memref<2x10x128xi32, #tpu.memory_space<vmem>> -> memref<1x10x128xi32, #tpu.memory_space<vmem>>
        %dma_start3A_506 = tpu.memref_squeeze %dma_start3A_505 : memref<1x10x128xi32, #tpu.memory_space<vmem>> -> memref<10x128xi32, #tpu.memory_space<vmem>>
        %dma_start3A_507 = arith.constant 0 : i32
        %dma_start3A_508 = tpu.memref_slice %dma_start3A_506[%dma_start3A_495, %dma_start3A_507] : memref<10x128xi32, #tpu.memory_space<vmem>> -> memref<1x128xi32, #tpu.memory_space<vmem>>
        %dma_start3A_509 = tpu.memref_squeeze %dma_start3A_508 : memref<1x128xi32, #tpu.memory_space<vmem>> -> memref<128xi32, #tpu.memory_space<vmem>>
        %dma_start3A_510 = arith.constant 0 : i32
        %dma_start3A_511 = arith.constant 0 : i32
        %dma_start3A_512 = tpu.memref_slice %arg2[%dma_start3A_510, %dma_start3A_511] : memref<10240x32xf32, #tpu.memory_space<hbm>> -> memref<10240x32xf32, #tpu.memory_space<hbm>>
        tpu.enqueue_indirect_dma source(%dma_start3A_512 : memref<10240x32xf32, #tpu.memory_space<hbm>>) target(%dma_start3A_502 : memref<128x32xf32, #tpu.memory_space<vmem>>) offsets(%dma_start3A_509 : memref<128xi32, #tpu.memory_space<vmem>>) semaphore(%arg11 : memref<!tpu.dma_semaphore, #tpu.memory_space<semaphore_mem>>)
        %dma_start3A_513 = arith.constant 4 : i32
        %dma_start3A_514 = arith.constant 0 : i32
        %dma_start3A_515 = arith.constant 0 : i32
        %dma_start3A_516 = tpu.memref_slice %arg9[%sub3A_231, %dma_start3A_514, %dma_start3A_515] : memref<2x1280x32xf32, #tpu.memory_space<vmem>> -> memref<1x1280x32xf32, #tpu.memory_space<vmem>>
        %dma_start3A_517 = tpu.memref_squeeze %dma_start3A_516 : memref<1x1280x32xf32, #tpu.memory_space<vmem>> -> memref<1280x32xf32, #tpu.memory_space<vmem>>
        %dma_start3A_518 = arith.constant 512 : i32
        %dma_start3A_519 = arith.constant 0 : i32
        %dma_start3A_520 = tpu.memref_slice %dma_start3A_517[%dma_start3A_518, %dma_start3A_519] : memref<1280x32xf32, #tpu.memory_space<vmem>> -> memref<128x32xf32, #tpu.memory_space<vmem>>
        %dma_start3A_521 = arith.constant 0 : i32
        %dma_start3A_522 = arith.constant 0 : i32
        %dma_start3A_523 = tpu.memref_slice %arg7[%sub3A_231, %dma_start3A_521, %dma_start3A_522] : memref<2x10x128xi32, #tpu.memory_space<vmem>> -> memref<1x10x128xi32, #tpu.memory_space<vmem>>
        %dma_start3A_524 = tpu.memref_squeeze %dma_start3A_523 : memref<1x10x128xi32, #tpu.memory_space<vmem>> -> memref<10x128xi32, #tpu.memory_space<vmem>>
        %dma_start3A_525 = arith.constant 0 : i32
        %dma_start3A_526 = tpu.memref_slice %dma_start3A_524[%dma_start3A_513, %dma_start3A_525] : memref<10x128xi32, #tpu.memory_space<vmem>> -> memref<1x128xi32, #tpu.memory_space<vmem>>
        %dma_start3A_527 = tpu.memref_squeeze %dma_start3A_526 : memref<1x128xi32, #tpu.memory_space<vmem>> -> memref<128xi32, #tpu.memory_space<vmem>>
        %dma_start3A_528 = arith.constant 0 : i32
        %dma_start3A_529 = arith.constant 0 : i32
        %dma_start3A_530 = tpu.memref_slice %arg2[%dma_start3A_528, %dma_start3A_529] : memref<10240x32xf32, #tpu.memory_space<hbm>> -> memref<10240x32xf32, #tpu.memory_space<hbm>>
        tpu.enqueue_indirect_dma source(%dma_start3A_530 : memref<10240x32xf32, #tpu.memory_space<hbm>>) target(%dma_start3A_520 : memref<128x32xf32, #tpu.memory_space<vmem>>) offsets(%dma_start3A_527 : memref<128xi32, #tpu.memory_space<vmem>>) semaphore(%arg11 : memref<!tpu.dma_semaphore, #tpu.memory_space<semaphore_mem>>)
        %dma_start3A_531 = arith.constant 5 : i32
        %dma_start3A_532 = arith.constant 0 : i32
        %dma_start3A_533 = arith.constant 0 : i32
        %dma_start3A_534 = tpu.memref_slice %arg9[%sub3A_231, %dma_start3A_532, %dma_start3A_533] : memref<2x1280x32xf32, #tpu.memory_space<vmem>> -> memref<1x1280x32xf32, #tpu.memory_space<vmem>>
        %dma_start3A_535 = tpu.memref_squeeze %dma_start3A_534 : memref<1x1280x32xf32, #tpu.memory_space<vmem>> -> memref<1280x32xf32, #tpu.memory_space<vmem>>
        %dma_start3A_536 = arith.constant 640 : i32
        %dma_start3A_537 = arith.constant 0 : i32
        %dma_start3A_538 = tpu.memref_slice %dma_start3A_535[%dma_start3A_536, %dma_start3A_537] : memref<1280x32xf32, #tpu.memory_space<vmem>> -> memref<128x32xf32, #tpu.memory_space<vmem>>
        %dma_start3A_539 = arith.constant 0 : i32
        %dma_start3A_540 = arith.constant 0 : i32
        %dma_start3A_541 = tpu.memref_slice %arg7[%sub3A_231, %dma_start3A_539, %dma_start3A_540] : memref<2x10x128xi32, #tpu.memory_space<vmem>> -> memref<1x10x128xi32, #tpu.memory_space<vmem>>
        %dma_start3A_542 = tpu.memref_squeeze %dma_start3A_541 : memref<1x10x128xi32, #tpu.memory_space<vmem>> -> memref<10x128xi32, #tpu.memory_space<vmem>>
        %dma_start3A_543 = arith.constant 0 : i32
        %dma_start3A_544 = tpu.memref_slice %dma_start3A_542[%dma_start3A_531, %dma_start3A_543] : memref<10x128xi32, #tpu.memory_space<vmem>> -> memref<1x128xi32, #tpu.memory_space<vmem>>
        %dma_start3A_545 = tpu.memref_squeeze %dma_start3A_544 : memref<1x128xi32, #tpu.memory_space<vmem>> -> memref<128xi32, #tpu.memory_space<vmem>>
        %dma_start3A_546 = arith.constant 0 : i32
        %dma_start3A_547 = arith.constant 0 : i32
        %dma_start3A_548 = tpu.memref_slice %arg2[%dma_start3A_546, %dma_start3A_547] : memref<10240x32xf32, #tpu.memory_space<hbm>> -> memref<10240x32xf32, #tpu.memory_space<hbm>>
        tpu.enqueue_indirect_dma source(%dma_start3A_548 : memref<10240x32xf32, #tpu.memory_space<hbm>>) target(%dma_start3A_538 : memref<128x32xf32, #tpu.memory_space<vmem>>) offsets(%dma_start3A_545 : memref<128xi32, #tpu.memory_space<vmem>>) semaphore(%arg11 : memref<!tpu.dma_semaphore, #tpu.memory_space<semaphore_mem>>)
        %dma_start3A_549 = arith.constant 6 : i32
        %dma_start3A_550 = arith.constant 0 : i32
        %dma_start3A_551 = arith.constant 0 : i32
        %dma_start3A_552 = tpu.memref_slice %arg9[%sub3A_231, %dma_start3A_550, %dma_start3A_551] : memref<2x1280x32xf32, #tpu.memory_space<vmem>> -> memref<1x1280x32xf32, #tpu.memory_space<vmem>>
        %dma_start3A_553 = tpu.memref_squeeze %dma_start3A_552 : memref<1x1280x32xf32, #tpu.memory_space<vmem>> -> memref<1280x32xf32, #tpu.memory_space<vmem>>
        %dma_start3A_554 = arith.constant 768 : i32
        %dma_start3A_555 = arith.constant 0 : i32
        %dma_start3A_556 = tpu.memref_slice %dma_start3A_553[%dma_start3A_554, %dma_start3A_555] : memref<1280x32xf32, #tpu.memory_space<vmem>> -> memref<128x32xf32, #tpu.memory_space<vmem>>
        %dma_start3A_557 = arith.constant 0 : i32
        %dma_start3A_558 = arith.constant 0 : i32
        %dma_start3A_559 = tpu.memref_slice %arg7[%sub3A_231, %dma_start3A_557, %dma_start3A_558] : memref<2x10x128xi32, #tpu.memory_space<vmem>> -> memref<1x10x128xi32, #tpu.memory_space<vmem>>
        %dma_start3A_560 = tpu.memref_squeeze %dma_start3A_559 : memref<1x10x128xi32, #tpu.memory_space<vmem>> -> memref<10x128xi32, #tpu.memory_space<vmem>>
        %dma_start3A_561 = arith.constant 0 : i32
        %dma_start3A_562 = tpu.memref_slice %dma_start3A_560[%dma_start3A_549, %dma_start3A_561] : memref<10x128xi32, #tpu.memory_space<vmem>> -> memref<1x128xi32, #tpu.memory_space<vmem>>
        %dma_start3A_563 = tpu.memref_squeeze %dma_start3A_562 : memref<1x128xi32, #tpu.memory_space<vmem>> -> memref<128xi32, #tpu.memory_space<vmem>>
        %dma_start3A_564 = arith.constant 0 : i32
        %dma_start3A_565 = arith.constant 0 : i32
        %dma_start3A_566 = tpu.memref_slice %arg2[%dma_start3A_564, %dma_start3A_565] : memref<10240x32xf32, #tpu.memory_space<hbm>> -> memref<10240x32xf32, #tpu.memory_space<hbm>>
        tpu.enqueue_indirect_dma source(%dma_start3A_566 : memref<10240x32xf32, #tpu.memory_space<hbm>>) target(%dma_start3A_556 : memref<128x32xf32, #tpu.memory_space<vmem>>) offsets(%dma_start3A_563 : memref<128xi32, #tpu.memory_space<vmem>>) semaphore(%arg11 : memref<!tpu.dma_semaphore, #tpu.memory_space<semaphore_mem>>)
        %dma_start3A_567 = arith.constant 7 : i32
        %dma_start3A_568 = arith.constant 0 : i32
        %dma_start3A_569 = arith.constant 0 : i32
        %dma_start3A_570 = tpu.memref_slice %arg9[%sub3A_231, %dma_start3A_568, %dma_start3A_569] : memref<2x1280x32xf32, #tpu.memory_space<vmem>> -> memref<1x1280x32xf32, #tpu.memory_space<vmem>>
        %dma_start3A_571 = tpu.memref_squeeze %dma_start3A_570 : memref<1x1280x32xf32, #tpu.memory_space<vmem>> -> memref<1280x32xf32, #tpu.memory_space<vmem>>
        %dma_start3A_572 = arith.constant 896 : i32
        %dma_start3A_573 = arith.constant 0 : i32
        %dma_start3A_574 = tpu.memref_slice %dma_start3A_571[%dma_start3A_572, %dma_start3A_573] : memref<1280x32xf32, #tpu.memory_space<vmem>> -> memref<128x32xf32, #tpu.memory_space<vmem>>
        %dma_start3A_575 = arith.constant 0 : i32
        %dma_start3A_576 = arith.constant 0 : i32
        %dma_start3A_577 = tpu.memref_slice %arg7[%sub3A_231, %dma_start3A_575, %dma_start3A_576] : memref<2x10x128xi32, #tpu.memory_space<vmem>> -> memref<1x10x128xi32, #tpu.memory_space<vmem>>
        %dma_start3A_578 = tpu.memref_squeeze %dma_start3A_577 : memref<1x10x128xi32, #tpu.memory_space<vmem>> -> memref<10x128xi32, #tpu.memory_space<vmem>>
        %dma_start3A_579 = arith.constant 0 : i32
        %dma_start3A_580 = tpu.memref_slice %dma_start3A_578[%dma_start3A_567, %dma_start3A_579] : memref<10x128xi32, #tpu.memory_space<vmem>> -> memref<1x128xi32, #tpu.memory_space<vmem>>
        %dma_start3A_581 = tpu.memref_squeeze %dma_start3A_580 : memref<1x128xi32, #tpu.memory_space<vmem>> -> memref<128xi32, #tpu.memory_space<vmem>>
        %dma_start3A_582 = arith.constant 0 : i32
        %dma_start3A_583 = arith.constant 0 : i32
        %dma_start3A_584 = tpu.memref_slice %arg2[%dma_start3A_582, %dma_start3A_583] : memref<10240x32xf32, #tpu.memory_space<hbm>> -> memref<10240x32xf32, #tpu.memory_space<hbm>>
        tpu.enqueue_indirect_dma source(%dma_start3A_584 : memref<10240x32xf32, #tpu.memory_space<hbm>>) target(%dma_start3A_574 : memref<128x32xf32, #tpu.memory_space<vmem>>) offsets(%dma_start3A_581 : memref<128xi32, #tpu.memory_space<vmem>>) semaphore(%arg11 : memref<!tpu.dma_semaphore, #tpu.memory_space<semaphore_mem>>)
        %dma_start3A_585 = arith.constant 8 : i32
        %dma_start3A_586 = arith.constant 0 : i32
        %dma_start3A_587 = arith.constant 0 : i32
        %dma_start3A_588 = tpu.memref_slice %arg9[%sub3A_231, %dma_start3A_586, %dma_start3A_587] : memref<2x1280x32xf32, #tpu.memory_space<vmem>> -> memref<1x1280x32xf32, #tpu.memory_space<vmem>>
        %dma_start3A_589 = tpu.memref_squeeze %dma_start3A_588 : memref<1x1280x32xf32, #tpu.memory_space<vmem>> -> memref<1280x32xf32, #tpu.memory_space<vmem>>
        %dma_start3A_590 = arith.constant 1024 : i32
        %dma_start3A_591 = arith.constant 0 : i32
        %dma_start3A_592 = tpu.memref_slice %dma_start3A_589[%dma_start3A_590, %dma_start3A_591] : memref<1280x32xf32, #tpu.memory_space<vmem>> -> memref<128x32xf32, #tpu.memory_space<vmem>>
        %dma_start3A_593 = arith.constant 0 : i32
        %dma_start3A_594 = arith.constant 0 : i32
        %dma_start3A_595 = tpu.memref_slice %arg7[%sub3A_231, %dma_start3A_593, %dma_start3A_594] : memref<2x10x128xi32, #tpu.memory_space<vmem>> -> memref<1x10x128xi32, #tpu.memory_space<vmem>>
        %dma_start3A_596 = tpu.memref_squeeze %dma_start3A_595 : memref<1x10x128xi32, #tpu.memory_space<vmem>> -> memref<10x128xi32, #tpu.memory_space<vmem>>
        %dma_start3A_597 = arith.constant 0 : i32
        %dma_start3A_598 = tpu.memref_slice %dma_start3A_596[%dma_start3A_585, %dma_start3A_597] : memref<10x128xi32, #tpu.memory_space<vmem>> -> memref<1x128xi32, #tpu.memory_space<vmem>>
        %dma_start3A_599 = tpu.memref_squeeze %dma_start3A_598 : memref<1x128xi32, #tpu.memory_space<vmem>> -> memref<128xi32, #tpu.memory_space<vmem>>
        %dma_start3A_600 = arith.constant 0 : i32
        %dma_start3A_601 = arith.constant 0 : i32
        %dma_start3A_602 = tpu.memref_slice %arg2[%dma_start3A_600, %dma_start3A_601] : memref<10240x32xf32, #tpu.memory_space<hbm>> -> memref<10240x32xf32, #tpu.memory_space<hbm>>
        tpu.enqueue_indirect_dma source(%dma_start3A_602 : memref<10240x32xf32, #tpu.memory_space<hbm>>) target(%dma_start3A_592 : memref<128x32xf32, #tpu.memory_space<vmem>>) offsets(%dma_start3A_599 : memref<128xi32, #tpu.memory_space<vmem>>) semaphore(%arg11 : memref<!tpu.dma_semaphore, #tpu.memory_space<semaphore_mem>>)
        %dma_start3A_603 = arith.constant 9 : i32
        %dma_start3A_604 = arith.constant 0 : i32
        %dma_start3A_605 = arith.constant 0 : i32
        %dma_start3A_606 = tpu.memref_slice %arg9[%sub3A_231, %dma_start3A_604, %dma_start3A_605] : memref<2x1280x32xf32, #tpu.memory_space<vmem>> -> memref<1x1280x32xf32, #tpu.memory_space<vmem>>
        %dma_start3A_607 = tpu.memref_squeeze %dma_start3A_606 : memref<1x1280x32xf32, #tpu.memory_space<vmem>> -> memref<1280x32xf32, #tpu.memory_space<vmem>>
        %dma_start3A_608 = arith.constant 1152 : i32
        %dma_start3A_609 = arith.constant 0 : i32
        %dma_start3A_610 = tpu.memref_slice %dma_start3A_607[%dma_start3A_608, %dma_start3A_609] : memref<1280x32xf32, #tpu.memory_space<vmem>> -> memref<128x32xf32, #tpu.memory_space<vmem>>
        %dma_start3A_611 = arith.constant 0 : i32
        %dma_start3A_612 = arith.constant 0 : i32
        %dma_start3A_613 = tpu.memref_slice %arg7[%sub3A_231, %dma_start3A_611, %dma_start3A_612] : memref<2x10x128xi32, #tpu.memory_space<vmem>> -> memref<1x10x128xi32, #tpu.memory_space<vmem>>
        %dma_start3A_614 = tpu.memref_squeeze %dma_start3A_613 : memref<1x10x128xi32, #tpu.memory_space<vmem>> -> memref<10x128xi32, #tpu.memory_space<vmem>>
        %dma_start3A_615 = arith.constant 0 : i32
        %dma_start3A_616 = tpu.memref_slice %dma_start3A_614[%dma_start3A_603, %dma_start3A_615] : memref<10x128xi32, #tpu.memory_space<vmem>> -> memref<1x128xi32, #tpu.memory_space<vmem>>
        %dma_start3A_617 = tpu.memref_squeeze %dma_start3A_616 : memref<1x128xi32, #tpu.memory_space<vmem>> -> memref<128xi32, #tpu.memory_space<vmem>>
        %dma_start3A_618 = arith.constant 0 : i32
        %dma_start3A_619 = arith.constant 0 : i32
        %dma_start3A_620 = tpu.memref_slice %arg2[%dma_start3A_618, %dma_start3A_619] : memref<10240x32xf32, #tpu.memory_space<hbm>> -> memref<10240x32xf32, #tpu.memory_space<hbm>>
        tpu.enqueue_indirect_dma source(%dma_start3A_620 : memref<10240x32xf32, #tpu.memory_space<hbm>>) target(%dma_start3A_610 : memref<128x32xf32, #tpu.memory_space<vmem>>) offsets(%dma_start3A_617 : memref<128xi32, #tpu.memory_space<vmem>>) semaphore(%arg11 : memref<!tpu.dma_semaphore, #tpu.memory_space<semaphore_mem>>)
      } else {
      }
      %dma_start3A_261 = arith.constant 0 : i32
      %dma_start3A_262 = arith.constant 0 : i32
      %dma_start3A_263 = arith.constant 0 : i32
      %dma_start3A_264 = tpu.memref_slice %arg9[%and3A_230, %dma_start3A_262, %dma_start3A_263] : memref<2x1280x32xf32, #tpu.memory_space<vmem>> -> memref<1x1280x32xf32, #tpu.memory_space<vmem>>
      %dma_start3A_265 = tpu.memref_squeeze %dma_start3A_264 : memref<1x1280x32xf32, #tpu.memory_space<vmem>> -> memref<1280x32xf32, #tpu.memory_space<vmem>>
      %dma_start3A_266 = arith.constant 0 : i32
      %dma_start3A_267 = arith.constant 0 : i32
      %dma_start3A_268 = tpu.memref_slice %dma_start3A_265[%dma_start3A_266, %dma_start3A_267] : memref<1280x32xf32, #tpu.memory_space<vmem>> -> memref<128x32xf32, #tpu.memory_space<vmem>>
      %dma_start3A_269 = arith.constant 0 : i32
      %dma_start3A_270 = arith.constant 0 : i32
      %dma_start3A_271 = tpu.memref_slice %arg8[%and3A_230, %dma_start3A_269, %dma_start3A_270] : memref<2x10x128xi32, #tpu.memory_space<vmem>> -> memref<1x10x128xi32, #tpu.memory_space<vmem>>
      %dma_start3A_272 = tpu.memref_squeeze %dma_start3A_271 : memref<1x10x128xi32, #tpu.memory_space<vmem>> -> memref<10x128xi32, #tpu.memory_space<vmem>>
      %dma_start3A_273 = arith.constant 0 : i32
      %dma_start3A_274 = tpu.memref_slice %dma_start3A_272[%dma_start3A_261, %dma_start3A_273] : memref<10x128xi32, #tpu.memory_space<vmem>> -> memref<1x128xi32, #tpu.memory_space<vmem>>
      %dma_start3A_275 = tpu.memref_squeeze %dma_start3A_274 : memref<1x128xi32, #tpu.memory_space<vmem>> -> memref<128xi32, #tpu.memory_space<vmem>>
      %dma_start3A_276 = arith.constant 0 : i32
      %dma_start3A_277 = arith.constant 0 : i32
      %dma_start3A_278 = tpu.memref_slice %arg10[%dma_start3A_276, %dma_start3A_277] : memref<10240x32xf32, #tpu.memory_space<vmem_shared>> -> memref<10240x32xf32, #tpu.memory_space<vmem_shared>>
      tpu.enqueue_indirect_dma source(%dma_start3A_268 : memref<128x32xf32, #tpu.memory_space<vmem>>) target(%dma_start3A_278 : memref<10240x32xf32, #tpu.memory_space<vmem_shared>>) offsets(%dma_start3A_275 : memref<128xi32, #tpu.memory_space<vmem>>) semaphore(%arg12 : memref<!tpu.dma_semaphore, #tpu.memory_space<semaphore_mem>>) {add = true}
      %dma_start3A_279 = arith.constant 1 : i32
      %dma_start3A_280 = arith.constant 0 : i32
      %dma_start3A_281 = arith.constant 0 : i32
      %dma_start3A_282 = tpu.memref_slice %arg9[%and3A_230, %dma_start3A_280, %dma_start3A_281] : memref<2x1280x32xf32, #tpu.memory_space<vmem>> -> memref<1x1280x32xf32, #tpu.memory_space<vmem>>
      %dma_start3A_283 = tpu.memref_squeeze %dma_start3A_282 : memref<1x1280x32xf32, #tpu.memory_space<vmem>> -> memref<1280x32xf32, #tpu.memory_space<vmem>>
      %dma_start3A_284 = arith.constant 128 : i32
      %dma_start3A_285 = arith.constant 0 : i32
      %dma_start3A_286 = tpu.memref_slice %dma_start3A_283[%dma_start3A_284, %dma_start3A_285] : memref<1280x32xf32, #tpu.memory_space<vmem>> -> memref<128x32xf32, #tpu.memory_space<vmem>>
      %dma_start3A_287 = arith.constant 0 : i32
      %dma_start3A_288 = arith.constant 0 : i32
      %dma_start3A_289 = tpu.memref_slice %arg8[%and3A_230, %dma_start3A_287, %dma_start3A_288] : memref<2x10x128xi32, #tpu.memory_space<vmem>> -> memref<1x10x128xi32, #tpu.memory_space<vmem>>
      %dma_start3A_290 = tpu.memref_squeeze %dma_start3A_289 : memref<1x10x128xi32, #tpu.memory_space<vmem>> -> memref<10x128xi32, #tpu.memory_space<vmem>>
      %dma_start3A_291 = arith.constant 0 : i32
      %dma_start3A_292 = tpu.memref_slice %dma_start3A_290[%dma_start3A_279, %dma_start3A_291] : memref<10x128xi32, #tpu.memory_space<vmem>> -> memref<1x128xi32, #tpu.memory_space<vmem>>
      %dma_start3A_293 = tpu.memref_squeeze %dma_start3A_292 : memref<1x128xi32, #tpu.memory_space<vmem>> -> memref<128xi32, #tpu.memory_space<vmem>>
      %dma_start3A_294 = arith.constant 0 : i32
      %dma_start3A_295 = arith.constant 0 : i32
      %dma_start3A_296 = tpu.memref_slice %arg10[%dma_start3A_294, %dma_start3A_295] : memref<10240x32xf32, #tpu.memory_space<vmem_shared>> -> memref<10240x32xf32, #tpu.memory_space<vmem_shared>>
      tpu.enqueue_indirect_dma source(%dma_start3A_286 : memref<128x32xf32, #tpu.memory_space<vmem>>) target(%dma_start3A_296 : memref<10240x32xf32, #tpu.memory_space<vmem_shared>>) offsets(%dma_start3A_293 : memref<128xi32, #tpu.memory_space<vmem>>) semaphore(%arg12 : memref<!tpu.dma_semaphore, #tpu.memory_space<semaphore_mem>>) {add = true}
      %dma_start3A_297 = arith.constant 2 : i32
      %dma_start3A_298 = arith.constant 0 : i32
      %dma_start3A_299 = arith.constant 0 : i32
      %dma_start3A_300 = tpu.memref_slice %arg9[%and3A_230, %dma_start3A_298, %dma_start3A_299] : memref<2x1280x32xf32, #tpu.memory_space<vmem>> -> memref<1x1280x32xf32, #tpu.memory_space<vmem>>
      %dma_start3A_301 = tpu.memref_squeeze %dma_start3A_300 : memref<1x1280x32xf32, #tpu.memory_space<vmem>> -> memref<1280x32xf32, #tpu.memory_space<vmem>>
      %dma_start3A_302 = arith.constant 256 : i32
      %dma_start3A_303 = arith.constant 0 : i32
      %dma_start3A_304 = tpu.memref_slice %dma_start3A_301[%dma_start3A_302, %dma_start3A_303] : memref<1280x32xf32, #tpu.memory_space<vmem>> -> memref<128x32xf32, #tpu.memory_space<vmem>>
      %dma_start3A_305 = arith.constant 0 : i32
      %dma_start3A_306 = arith.constant 0 : i32
      %dma_start3A_307 = tpu.memref_slice %arg8[%and3A_230, %dma_start3A_305, %dma_start3A_306] : memref<2x10x128xi32, #tpu.memory_space<vmem>> -> memref<1x10x128xi32, #tpu.memory_space<vmem>>
      %dma_start3A_308 = tpu.memref_squeeze %dma_start3A_307 : memref<1x10x128xi32, #tpu.memory_space<vmem>> -> memref<10x128xi32, #tpu.memory_space<vmem>>
      %dma_start3A_309 = arith.constant 0 : i32
      %dma_start3A_310 = tpu.memref_slice %dma_start3A_308[%dma_start3A_297, %dma_start3A_309] : memref<10x128xi32, #tpu.memory_space<vmem>> -> memref<1x128xi32, #tpu.memory_space<vmem>>
      %dma_start3A_311 = tpu.memref_squeeze %dma_start3A_310 : memref<1x128xi32, #tpu.memory_space<vmem>> -> memref<128xi32, #tpu.memory_space<vmem>>
      %dma_start3A_312 = arith.constant 0 : i32
      %dma_start3A_313 = arith.constant 0 : i32
      %dma_start3A_314 = tpu.memref_slice %arg10[%dma_start3A_312, %dma_start3A_313] : memref<10240x32xf32, #tpu.memory_space<vmem_shared>> -> memref<10240x32xf32, #tpu.memory_space<vmem_shared>>
      tpu.enqueue_indirect_dma source(%dma_start3A_304 : memref<128x32xf32, #tpu.memory_space<vmem>>) target(%dma_start3A_314 : memref<10240x32xf32, #tpu.memory_space<vmem_shared>>) offsets(%dma_start3A_311 : memref<128xi32, #tpu.memory_space<vmem>>) semaphore(%arg12 : memref<!tpu.dma_semaphore, #tpu.memory_space<semaphore_mem>>) {add = true}
      %dma_start3A_315 = arith.constant 3 : i32
      %dma_start3A_316 = arith.constant 0 : i32
      %dma_start3A_317 = arith.constant 0 : i32
      %dma_start3A_318 = tpu.memref_slice %arg9[%and3A_230, %dma_start3A_316, %dma_start3A_317] : memref<2x1280x32xf32, #tpu.memory_space<vmem>> -> memref<1x1280x32xf32, #tpu.memory_space<vmem>>
      %dma_start3A_319 = tpu.memref_squeeze %dma_start3A_318 : memref<1x1280x32xf32, #tpu.memory_space<vmem>> -> memref<1280x32xf32, #tpu.memory_space<vmem>>
      %dma_start3A_320 = arith.constant 384 : i32
      %dma_start3A_321 = arith.constant 0 : i32
      %dma_start3A_322 = tpu.memref_slice %dma_start3A_319[%dma_start3A_320, %dma_start3A_321] : memref<1280x32xf32, #tpu.memory_space<vmem>> -> memref<128x32xf32, #tpu.memory_space<vmem>>
      %dma_start3A_323 = arith.constant 0 : i32
      %dma_start3A_324 = arith.constant 0 : i32
      %dma_start3A_325 = tpu.memref_slice %arg8[%and3A_230, %dma_start3A_323, %dma_start3A_324] : memref<2x10x128xi32, #tpu.memory_space<vmem>> -> memref<1x10x128xi32, #tpu.memory_space<vmem>>
      %dma_start3A_326 = tpu.memref_squeeze %dma_start3A_325 : memref<1x10x128xi32, #tpu.memory_space<vmem>> -> memref<10x128xi32, #tpu.memory_space<vmem>>
      %dma_start3A_327 = arith.constant 0 : i32
      %dma_start3A_328 = tpu.memref_slice %dma_start3A_326[%dma_start3A_315, %dma_start3A_327] : memref<10x128xi32, #tpu.memory_space<vmem>> -> memref<1x128xi32, #tpu.memory_space<vmem>>
      %dma_start3A_329 = tpu.memref_squeeze %dma_start3A_328 : memref<1x128xi32, #tpu.memory_space<vmem>> -> memref<128xi32, #tpu.memory_space<vmem>>
      %dma_start3A_330 = arith.constant 0 : i32
      %dma_start3A_331 = arith.constant 0 : i32
      %dma_start3A_332 = tpu.memref_slice %arg10[%dma_start3A_330, %dma_start3A_331] : memref<10240x32xf32, #tpu.memory_space<vmem_shared>> -> memref<10240x32xf32, #tpu.memory_space<vmem_shared>>
      tpu.enqueue_indirect_dma source(%dma_start3A_322 : memref<128x32xf32, #tpu.memory_space<vmem>>) target(%dma_start3A_332 : memref<10240x32xf32, #tpu.memory_space<vmem_shared>>) offsets(%dma_start3A_329 : memref<128xi32, #tpu.memory_space<vmem>>) semaphore(%arg12 : memref<!tpu.dma_semaphore, #tpu.memory_space<semaphore_mem>>) {add = true}
      %dma_start3A_333 = arith.constant 4 : i32
      %dma_start3A_334 = arith.constant 0 : i32
      %dma_start3A_335 = arith.constant 0 : i32
      %dma_start3A_336 = tpu.memref_slice %arg9[%and3A_230, %dma_start3A_334, %dma_start3A_335] : memref<2x1280x32xf32, #tpu.memory_space<vmem>> -> memref<1x1280x32xf32, #tpu.memory_space<vmem>>
      %dma_start3A_337 = tpu.memref_squeeze %dma_start3A_336 : memref<1x1280x32xf32, #tpu.memory_space<vmem>> -> memref<1280x32xf32, #tpu.memory_space<vmem>>
      %dma_start3A_338 = arith.constant 512 : i32
      %dma_start3A_339 = arith.constant 0 : i32
      %dma_start3A_340 = tpu.memref_slice %dma_start3A_337[%dma_start3A_338, %dma_start3A_339] : memref<1280x32xf32, #tpu.memory_space<vmem>> -> memref<128x32xf32, #tpu.memory_space<vmem>>
      %dma_start3A_341 = arith.constant 0 : i32
      %dma_start3A_342 = arith.constant 0 : i32
      %dma_start3A_343 = tpu.memref_slice %arg8[%and3A_230, %dma_start3A_341, %dma_start3A_342] : memref<2x10x128xi32, #tpu.memory_space<vmem>> -> memref<1x10x128xi32, #tpu.memory_space<vmem>>
      %dma_start3A_344 = tpu.memref_squeeze %dma_start3A_343 : memref<1x10x128xi32, #tpu.memory_space<vmem>> -> memref<10x128xi32, #tpu.memory_space<vmem>>
      %dma_start3A_345 = arith.constant 0 : i32
      %dma_start3A_346 = tpu.memref_slice %dma_start3A_344[%dma_start3A_333, %dma_start3A_345] : memref<10x128xi32, #tpu.memory_space<vmem>> -> memref<1x128xi32, #tpu.memory_space<vmem>>
      %dma_start3A_347 = tpu.memref_squeeze %dma_start3A_346 : memref<1x128xi32, #tpu.memory_space<vmem>> -> memref<128xi32, #tpu.memory_space<vmem>>
      %dma_start3A_348 = arith.constant 0 : i32
      %dma_start3A_349 = arith.constant 0 : i32
      %dma_start3A_350 = tpu.memref_slice %arg10[%dma_start3A_348, %dma_start3A_349] : memref<10240x32xf32, #tpu.memory_space<vmem_shared>> -> memref<10240x32xf32, #tpu.memory_space<vmem_shared>>
      tpu.enqueue_indirect_dma source(%dma_start3A_340 : memref<128x32xf32, #tpu.memory_space<vmem>>) target(%dma_start3A_350 : memref<10240x32xf32, #tpu.memory_space<vmem_shared>>) offsets(%dma_start3A_347 : memref<128xi32, #tpu.memory_space<vmem>>) semaphore(%arg12 : memref<!tpu.dma_semaphore, #tpu.memory_space<semaphore_mem>>) {add = true}
      %dma_start3A_351 = arith.constant 5 : i32
      %dma_start3A_352 = arith.constant 0 : i32
      %dma_start3A_353 = arith.constant 0 : i32
      %dma_start3A_354 = tpu.memref_slice %arg9[%and3A_230, %dma_start3A_352, %dma_start3A_353] : memref<2x1280x32xf32, #tpu.memory_space<vmem>> -> memref<1x1280x32xf32, #tpu.memory_space<vmem>>
      %dma_start3A_355 = tpu.memref_squeeze %dma_start3A_354 : memref<1x1280x32xf32, #tpu.memory_space<vmem>> -> memref<1280x32xf32, #tpu.memory_space<vmem>>
      %dma_start3A_356 = arith.constant 640 : i32
      %dma_start3A_357 = arith.constant 0 : i32
      %dma_start3A_358 = tpu.memref_slice %dma_start3A_355[%dma_start3A_356, %dma_start3A_357] : memref<1280x32xf32, #tpu.memory_space<vmem>> -> memref<128x32xf32, #tpu.memory_space<vmem>>
      %dma_start3A_359 = arith.constant 0 : i32
      %dma_start3A_360 = arith.constant 0 : i32
      %dma_start3A_361 = tpu.memref_slice %arg8[%and3A_230, %dma_start3A_359, %dma_start3A_360] : memref<2x10x128xi32, #tpu.memory_space<vmem>> -> memref<1x10x128xi32, #tpu.memory_space<vmem>>
      %dma_start3A_362 = tpu.memref_squeeze %dma_start3A_361 : memref<1x10x128xi32, #tpu.memory_space<vmem>> -> memref<10x128xi32, #tpu.memory_space<vmem>>
      %dma_start3A_363 = arith.constant 0 : i32
      %dma_start3A_364 = tpu.memref_slice %dma_start3A_362[%dma_start3A_351, %dma_start3A_363] : memref<10x128xi32, #tpu.memory_space<vmem>> -> memref<1x128xi32, #tpu.memory_space<vmem>>
      %dma_start3A_365 = tpu.memref_squeeze %dma_start3A_364 : memref<1x128xi32, #tpu.memory_space<vmem>> -> memref<128xi32, #tpu.memory_space<vmem>>
      %dma_start3A_366 = arith.constant 0 : i32
      %dma_start3A_367 = arith.constant 0 : i32
      %dma_start3A_368 = tpu.memref_slice %arg10[%dma_start3A_366, %dma_start3A_367] : memref<10240x32xf32, #tpu.memory_space<vmem_shared>> -> memref<10240x32xf32, #tpu.memory_space<vmem_shared>>
      tpu.enqueue_indirect_dma source(%dma_start3A_358 : memref<128x32xf32, #tpu.memory_space<vmem>>) target(%dma_start3A_368 : memref<10240x32xf32, #tpu.memory_space<vmem_shared>>) offsets(%dma_start3A_365 : memref<128xi32, #tpu.memory_space<vmem>>) semaphore(%arg12 : memref<!tpu.dma_semaphore, #tpu.memory_space<semaphore_mem>>) {add = true}
      %dma_start3A_369 = arith.constant 6 : i32
      %dma_start3A_370 = arith.constant 0 : i32
      %dma_start3A_371 = arith.constant 0 : i32
      %dma_start3A_372 = tpu.memref_slice %arg9[%and3A_230, %dma_start3A_370, %dma_start3A_371] : memref<2x1280x32xf32, #tpu.memory_space<vmem>> -> memref<1x1280x32xf32, #tpu.memory_space<vmem>>
      %dma_start3A_373 = tpu.memref_squeeze %dma_start3A_372 : memref<1x1280x32xf32, #tpu.memory_space<vmem>> -> memref<1280x32xf32, #tpu.memory_space<vmem>>
      %dma_start3A_374 = arith.constant 768 : i32
      %dma_start3A_375 = arith.constant 0 : i32
      %dma_start3A_376 = tpu.memref_slice %dma_start3A_373[%dma_start3A_374, %dma_start3A_375] : memref<1280x32xf32, #tpu.memory_space<vmem>> -> memref<128x32xf32, #tpu.memory_space<vmem>>
      %dma_start3A_377 = arith.constant 0 : i32
      %dma_start3A_378 = arith.constant 0 : i32
      %dma_start3A_379 = tpu.memref_slice %arg8[%and3A_230, %dma_start3A_377, %dma_start3A_378] : memref<2x10x128xi32, #tpu.memory_space<vmem>> -> memref<1x10x128xi32, #tpu.memory_space<vmem>>
      %dma_start3A_380 = tpu.memref_squeeze %dma_start3A_379 : memref<1x10x128xi32, #tpu.memory_space<vmem>> -> memref<10x128xi32, #tpu.memory_space<vmem>>
      %dma_start3A_381 = arith.constant 0 : i32
      %dma_start3A_382 = tpu.memref_slice %dma_start3A_380[%dma_start3A_369, %dma_start3A_381] : memref<10x128xi32, #tpu.memory_space<vmem>> -> memref<1x128xi32, #tpu.memory_space<vmem>>
      %dma_start3A_383 = tpu.memref_squeeze %dma_start3A_382 : memref<1x128xi32, #tpu.memory_space<vmem>> -> memref<128xi32, #tpu.memory_space<vmem>>
      %dma_start3A_384 = arith.constant 0 : i32
      %dma_start3A_385 = arith.constant 0 : i32
      %dma_start3A_386 = tpu.memref_slice %arg10[%dma_start3A_384, %dma_start3A_385] : memref<10240x32xf32, #tpu.memory_space<vmem_shared>> -> memref<10240x32xf32, #tpu.memory_space<vmem_shared>>
      tpu.enqueue_indirect_dma source(%dma_start3A_376 : memref<128x32xf32, #tpu.memory_space<vmem>>) target(%dma_start3A_386 : memref<10240x32xf32, #tpu.memory_space<vmem_shared>>) offsets(%dma_start3A_383 : memref<128xi32, #tpu.memory_space<vmem>>) semaphore(%arg12 : memref<!tpu.dma_semaphore, #tpu.memory_space<semaphore_mem>>) {add = true}
      %dma_start3A_387 = arith.constant 7 : i32
      %dma_start3A_388 = arith.constant 0 : i32
      %dma_start3A_389 = arith.constant 0 : i32
      %dma_start3A_390 = tpu.memref_slice %arg9[%and3A_230, %dma_start3A_388, %dma_start3A_389] : memref<2x1280x32xf32, #tpu.memory_space<vmem>> -> memref<1x1280x32xf32, #tpu.memory_space<vmem>>
      %dma_start3A_391 = tpu.memref_squeeze %dma_start3A_390 : memref<1x1280x32xf32, #tpu.memory_space<vmem>> -> memref<1280x32xf32, #tpu.memory_space<vmem>>
      %dma_start3A_392 = arith.constant 896 : i32
      %dma_start3A_393 = arith.constant 0 : i32
      %dma_start3A_394 = tpu.memref_slice %dma_start3A_391[%dma_start3A_392, %dma_start3A_393] : memref<1280x32xf32, #tpu.memory_space<vmem>> -> memref<128x32xf32, #tpu.memory_space<vmem>>
      %dma_start3A_395 = arith.constant 0 : i32
      %dma_start3A_396 = arith.constant 0 : i32
      %dma_start3A_397 = tpu.memref_slice %arg8[%and3A_230, %dma_start3A_395, %dma_start3A_396] : memref<2x10x128xi32, #tpu.memory_space<vmem>> -> memref<1x10x128xi32, #tpu.memory_space<vmem>>
      %dma_start3A_398 = tpu.memref_squeeze %dma_start3A_397 : memref<1x10x128xi32, #tpu.memory_space<vmem>> -> memref<10x128xi32, #tpu.memory_space<vmem>>
      %dma_start3A_399 = arith.constant 0 : i32
      %dma_start3A_400 = tpu.memref_slice %dma_start3A_398[%dma_start3A_387, %dma_start3A_399] : memref<10x128xi32, #tpu.memory_space<vmem>> -> memref<1x128xi32, #tpu.memory_space<vmem>>
      %dma_start3A_401 = tpu.memref_squeeze %dma_start3A_400 : memref<1x128xi32, #tpu.memory_space<vmem>> -> memref<128xi32, #tpu.memory_space<vmem>>
      %dma_start3A_402 = arith.constant 0 : i32
      %dma_start3A_403 = arith.constant 0 : i32
      %dma_start3A_404 = tpu.memref_slice %arg10[%dma_start3A_402, %dma_start3A_403] : memref<10240x32xf32, #tpu.memory_space<vmem_shared>> -> memref<10240x32xf32, #tpu.memory_space<vmem_shared>>
      tpu.enqueue_indirect_dma source(%dma_start3A_394 : memref<128x32xf32, #tpu.memory_space<vmem>>) target(%dma_start3A_404 : memref<10240x32xf32, #tpu.memory_space<vmem_shared>>) offsets(%dma_start3A_401 : memref<128xi32, #tpu.memory_space<vmem>>) semaphore(%arg12 : memref<!tpu.dma_semaphore, #tpu.memory_space<semaphore_mem>>) {add = true}
      %dma_start3A_405 = arith.constant 8 : i32
      %dma_start3A_406 = arith.constant 0 : i32
      %dma_start3A_407 = arith.constant 0 : i32
      %dma_start3A_408 = tpu.memref_slice %arg9[%and3A_230, %dma_start3A_406, %dma_start3A_407] : memref<2x1280x32xf32, #tpu.memory_space<vmem>> -> memref<1x1280x32xf32, #tpu.memory_space<vmem>>
      %dma_start3A_409 = tpu.memref_squeeze %dma_start3A_408 : memref<1x1280x32xf32, #tpu.memory_space<vmem>> -> memref<1280x32xf32, #tpu.memory_space<vmem>>
      %dma_start3A_410 = arith.constant 1024 : i32
      %dma_start3A_411 = arith.constant 0 : i32
      %dma_start3A_412 = tpu.memref_slice %dma_start3A_409[%dma_start3A_410, %dma_start3A_411] : memref<1280x32xf32, #tpu.memory_space<vmem>> -> memref<128x32xf32, #tpu.memory_space<vmem>>
      %dma_start3A_413 = arith.constant 0 : i32
      %dma_start3A_414 = arith.constant 0 : i32
      %dma_start3A_415 = tpu.memref_slice %arg8[%and3A_230, %dma_start3A_413, %dma_start3A_414] : memref<2x10x128xi32, #tpu.memory_space<vmem>> -> memref<1x10x128xi32, #tpu.memory_space<vmem>>
      %dma_start3A_416 = tpu.memref_squeeze %dma_start3A_415 : memref<1x10x128xi32, #tpu.memory_space<vmem>> -> memref<10x128xi32, #tpu.memory_space<vmem>>
      %dma_start3A_417 = arith.constant 0 : i32
      %dma_start3A_418 = tpu.memref_slice %dma_start3A_416[%dma_start3A_405, %dma_start3A_417] : memref<10x128xi32, #tpu.memory_space<vmem>> -> memref<1x128xi32, #tpu.memory_space<vmem>>
      %dma_start3A_419 = tpu.memref_squeeze %dma_start3A_418 : memref<1x128xi32, #tpu.memory_space<vmem>> -> memref<128xi32, #tpu.memory_space<vmem>>
      %dma_start3A_420 = arith.constant 0 : i32
      %dma_start3A_421 = arith.constant 0 : i32
      %dma_start3A_422 = tpu.memref_slice %arg10[%dma_start3A_420, %dma_start3A_421] : memref<10240x32xf32, #tpu.memory_space<vmem_shared>> -> memref<10240x32xf32, #tpu.memory_space<vmem_shared>>
      tpu.enqueue_indirect_dma source(%dma_start3A_412 : memref<128x32xf32, #tpu.memory_space<vmem>>) target(%dma_start3A_422 : memref<10240x32xf32, #tpu.memory_space<vmem_shared>>) offsets(%dma_start3A_419 : memref<128xi32, #tpu.memory_space<vmem>>) semaphore(%arg12 : memref<!tpu.dma_semaphore, #tpu.memory_space<semaphore_mem>>) {add = true}
      %dma_start3A_423 = arith.constant 9 : i32
      %dma_start3A_424 = arith.constant 0 : i32
      %dma_start3A_425 = arith.constant 0 : i32
      %dma_start3A_426 = tpu.memref_slice %arg9[%and3A_230, %dma_start3A_424, %dma_start3A_425] : memref<2x1280x32xf32, #tpu.memory_space<vmem>> -> memref<1x1280x32xf32, #tpu.memory_space<vmem>>
      %dma_start3A_427 = tpu.memref_squeeze %dma_start3A_426 : memref<1x1280x32xf32, #tpu.memory_space<vmem>> -> memref<1280x32xf32, #tpu.memory_space<vmem>>
      %dma_start3A_428 = arith.constant 1152 : i32
      %dma_start3A_429 = arith.constant 0 : i32
      %dma_start3A_430 = tpu.memref_slice %dma_start3A_427[%dma_start3A_428, %dma_start3A_429] : memref<1280x32xf32, #tpu.memory_space<vmem>> -> memref<128x32xf32, #tpu.memory_space<vmem>>
      %dma_start3A_431 = arith.constant 0 : i32
      %dma_start3A_432 = arith.constant 0 : i32
      %dma_start3A_433 = tpu.memref_slice %arg8[%and3A_230, %dma_start3A_431, %dma_start3A_432] : memref<2x10x128xi32, #tpu.memory_space<vmem>> -> memref<1x10x128xi32, #tpu.memory_space<vmem>>
      %dma_start3A_434 = tpu.memref_squeeze %dma_start3A_433 : memref<1x10x128xi32, #tpu.memory_space<vmem>> -> memref<10x128xi32, #tpu.memory_space<vmem>>
      %dma_start3A_435 = arith.constant 0 : i32
      %dma_start3A_436 = tpu.memref_slice %dma_start3A_434[%dma_start3A_423, %dma_start3A_435] : memref<10x128xi32, #tpu.memory_space<vmem>> -> memref<1x128xi32, #tpu.memory_space<vmem>>
      %dma_start3A_437 = tpu.memref_squeeze %dma_start3A_436 : memref<1x128xi32, #tpu.memory_space<vmem>> -> memref<128xi32, #tpu.memory_space<vmem>>
      %dma_start3A_438 = arith.constant 0 : i32
      %dma_start3A_439 = arith.constant 0 : i32
      %dma_start3A_440 = tpu.memref_slice %arg10[%dma_start3A_438, %dma_start3A_439] : memref<10240x32xf32, #tpu.memory_space<vmem_shared>> -> memref<10240x32xf32, #tpu.memory_space<vmem_shared>>
      tpu.enqueue_indirect_dma source(%dma_start3A_430 : memref<128x32xf32, #tpu.memory_space<vmem>>) target(%dma_start3A_440 : memref<10240x32xf32, #tpu.memory_space<vmem_shared>>) offsets(%dma_start3A_437 : memref<128xi32, #tpu.memory_space<vmem>>) semaphore(%arg12 : memref<!tpu.dma_semaphore, #tpu.memory_space<semaphore_mem>>) {add = true}
    }
    %scan3A_209 = arith.constant 8 : i32
    %dma_wait3A = arith.constant 1 : i32
    %dma_wait3A_210 = arith.constant 0 : i32
    %dma_wait3A_211 = arith.constant 0 : i32
    %dma_wait3A_212 = tpu.memref_slice %arg9[%dma_wait3A, %dma_wait3A_210, %dma_wait3A_211] : memref<2x1280x32xf32, #tpu.memory_space<vmem>> -> memref<1x1280x32xf32, #tpu.memory_space<vmem>>
    %dma_wait3A_213 = tpu.memref_squeeze %dma_wait3A_212 : memref<1x1280x32xf32, #tpu.memory_space<vmem>> -> memref<1280x32xf32, #tpu.memory_space<vmem>>
    %dma_wait3A_214 = arith.constant 0 : i32
    %dma_wait3A_215 = arith.constant 0 : i32
    %dma_wait3A_216 = tpu.memref_slice %arg2[%dma_wait3A_214, %dma_wait3A_215] : memref<10240x32xf32, #tpu.memory_space<hbm>> -> memref<1280x32xf32, #tpu.memory_space<hbm>>
    %dma_wait3A_217 = arith.constant 0 : i32
    %dma_wait3A_218 = arith.constant 0 : i32
    %dma_wait3A_219 = tpu.memref_slice %arg9[%dma_wait3A, %dma_wait3A_217, %dma_wait3A_218] : memref<2x1280x32xf32, #tpu.memory_space<vmem>> -> memref<1x1280x32xf32, #tpu.memory_space<vmem>>
    %dma_wait3A_220 = tpu.memref_squeeze %dma_wait3A_219 : memref<1x1280x32xf32, #tpu.memory_space<vmem>> -> memref<1280x32xf32, #tpu.memory_space<vmem>>
    %dma_wait3A_221 = arith.constant 0 : i32
    %dma_wait3A_222 = arith.constant 0 : i32
    %dma_wait3A_223 = tpu.memref_slice %arg2[%dma_wait3A_221, %dma_wait3A_222] : memref<10240x32xf32, #tpu.memory_space<hbm>> -> memref<1280x32xf32, #tpu.memory_space<hbm>>
    tpu.wait_dma2 semaphore(%arg12 : memref<!tpu.dma_semaphore, #tpu.memory_space<semaphore_mem>>) src(%dma_wait3A_223 : memref<1280x32xf32, #tpu.memory_space<hbm>>) dst(%dma_wait3A_220 : memref<1280x32xf32, #tpu.memory_space<vmem>>)
    %barrier3A_224 = arith.constant 0 : index
    tpu.barrier barrier_id(%barrier3A_224)
    %mul3A_225 = arith.constant 640 : i32
    %mul3A_226 = arith.muli %arg1, %mul3A_225 : i32
    %mul3A_227 = arith.constant 640 : i32
    %mul3A_228 = arith.muli %arg1, %mul3A_227 : i32
    "tpu.region"() ({
      %run_scoped3A_229 = tpu.sem_alloc : memref<!tpu.dma_semaphore, #tpu.memory_space<semaphore_mem>>
      %dma_start3A_230 = arith.constant 0 : i32
      %dma_start3A_231 = tpu.memref_slice %arg6[%arg0, %mul3A_228, %dma_start3A_230] : memref<2x10240x32xf32, #tpu.memory_space<hbm>> -> memref<1x640x32xf32, #tpu.memory_space<hbm>>
      %dma_start3A_232 = tpu.memref_squeeze %dma_start3A_231 : memref<1x640x32xf32, #tpu.memory_space<hbm>> -> memref<640x32xf32, #tpu.memory_space<hbm>>
      %dma_start3A_233 = arith.constant 0 : i32
      %dma_start3A_234 = tpu.memref_slice %arg10[%mul3A_226, %dma_start3A_233] : memref<10240x32xf32, #tpu.memory_space<vmem_shared>> -> memref<640x32xf32, #tpu.memory_space<vmem_shared>>
      tpu.enqueue_dma source(%dma_start3A_234 : memref<640x32xf32, #tpu.memory_space<vmem_shared>>) target(%dma_start3A_232 : memref<640x32xf32, #tpu.memory_space<hbm>>) target_semaphore(%run_scoped3A_229 : memref<!tpu.dma_semaphore, #tpu.memory_space<semaphore_mem>>)
      %dma_wait3A_235 = arith.constant 0 : i32
      %dma_wait3A_236 = tpu.memref_slice %arg6[%arg0, %mul3A_228, %dma_wait3A_235] : memref<2x10240x32xf32, #tpu.memory_space<hbm>> -> memref<1x640x32xf32, #tpu.memory_space<hbm>>
      %dma_wait3A_237 = tpu.memref_squeeze %dma_wait3A_236 : memref<1x640x32xf32, #tpu.memory_space<hbm>> -> memref<640x32xf32, #tpu.memory_space<hbm>>
      %dma_wait3A_238 = arith.constant 0 : i32
      %dma_wait3A_239 = tpu.memref_slice %arg10[%mul3A_226, %dma_wait3A_238] : memref<10240x32xf32, #tpu.memory_space<vmem_shared>> -> memref<640x32xf32, #tpu.memory_space<vmem_shared>>
      tpu.wait_dma2 semaphore(%run_scoped3A_229 : memref<!tpu.dma_semaphore, #tpu.memory_space<semaphore_mem>>) src(%dma_wait3A_239 : memref<640x32xf32, #tpu.memory_space<vmem_shared>>) dst(%dma_wait3A_237 : memref<640x32xf32, #tpu.memory_space<hbm>>)
      tpu.yield
    }) : () -> ()
    return
  }
}

#map = affine_map<(d0, d1) -> (0, 0)>
#map1 = affine_map<(d0, d1) -> (0, 0, 0, 0)>
#map2 = affine_map<(d0, d1) -> (0, 0, 0)>
module attributes {stable_mosaic.version = 14 : i64} {
  func.func @agg(%arg0: i32, %arg1: i32, %arg2: memref<10240x32xf32, #tpu.memory_space<hbm>>, %arg3: memref<32x8x10x128xi32, #tpu.memory_space<hbm>>, %arg4: memref<32x8x10x128xi32, #tpu.memory_space<hbm>>, %arg5: memref<640x32xf32, #tpu.memory_space<hbm>>, %arg6: memref<2x10240x32xf32, #tpu.memory_space<hbm>>, %arg7: memref<2x10x128xi32, #tpu.memory_space<vmem>>, %arg8: memref<2x10x128xi32, #tpu.memory_space<vmem>>, %arg9: memref<2x1280x32xf32, #tpu.memory_space<vmem>>, %arg10: memref<10240x32xf32, #tpu.memory_space<vmem_shared>>, %arg11: memref<!tpu.dma_semaphore, #tpu.memory_space<semaphore_mem>>, %arg12: memref<!tpu.dma_semaphore, #tpu.memory_space<semaphore_mem>>) attributes {dimension_semantics = [#tpu.dimension_semantics<core_parallel>, #tpu.dimension_semantics<subcore_parallel>], iteration_bounds = array<i64: 2, 16>, scalar_prefetch = 0 : i64, scratch_operands = 6 : i64, tpu.core_type = #tpu.core_type<sc_vector_subcore>, window_params = [{transform_indices = #map}, {transform_indices = #map1}, {transform_indices = #map1}, {transform_indices = #map}, {transform_indices = #map2}]} {
    %mul3A = arith.constant 2 : i32
    %mul3A_0 = arith.muli %arg1, %mul3A : i32
    %add3A = arith.addi %mul3A_0, %arg0 : i32
    %mul3A_1 = arith.constant 640 : i32
    %mul3A_2 = arith.muli %arg1, %mul3A_1 : i32
    "tpu.region"() ({
      %run_scoped3A_229 = tpu.sem_alloc : memref<!tpu.dma_semaphore, #tpu.memory_space<semaphore_mem>>
      %dma_start3A_230 = arith.constant 0 : i32
      %dma_start3A_231 = tpu.memref_slice %arg10[%mul3A_2, %dma_start3A_230] : memref<10240x32xf32, #tpu.memory_space<vmem_shared>> -> memref<640x32xf32, #tpu.memory_space<vmem_shared>>
      tpu.enqueue_dma source(%arg5 : memref<640x32xf32, #tpu.memory_space<hbm>>) target(%dma_start3A_231 : memref<640x32xf32, #tpu.memory_space<vmem_shared>>) target_semaphore(%run_scoped3A_229 : memref<!tpu.dma_semaphore, #tpu.memory_space<semaphore_mem>>)
      %dma_wait3A_232 = arith.constant 0 : i32
      %dma_wait3A_233 = tpu.memref_slice %arg10[%mul3A_2, %dma_wait3A_232] : memref<10240x32xf32, #tpu.memory_space<vmem_shared>> -> memref<640x32xf32, #tpu.memory_space<vmem_shared>>
      tpu.wait_dma2 semaphore(%run_scoped3A_229 : memref<!tpu.dma_semaphore, #tpu.memory_space<semaphore_mem>>) src(%arg5 : memref<640x32xf32, #tpu.memory_space<hbm>>) dst(%dma_wait3A_233 : memref<640x32xf32, #tpu.memory_space<vmem_shared>>)
      tpu.yield
    }) : () -> ()
    %barrier3A = arith.constant 0 : index
    tpu.barrier barrier_id(%barrier3A)
    %run_scoped3A = arith.constant 0 : i32
    %run_scoped3A_3 = arith.constant 0 : i32
    "tpu.region"() ({
      %run_scoped3A_229 = tpu.sem_alloc : memref<!tpu.dma_semaphore, #tpu.memory_space<semaphore_mem>>
      %dma_start3A_230 = arith.constant 0 : i32
      %dma_start3A_231 = arith.constant 0 : i32
      %dma_start3A_232 = tpu.memref_slice %arg7[%run_scoped3A_3, %dma_start3A_230, %dma_start3A_231] : memref<2x10x128xi32, #tpu.memory_space<vmem>> -> memref<1x10x128xi32, #tpu.memory_space<vmem>>
      %dma_start3A_233 = tpu.memref_squeeze %dma_start3A_232 : memref<1x10x128xi32, #tpu.memory_space<vmem>> -> memref<10x128xi32, #tpu.memory_space<vmem>>
      %dma_start3A_234 = arith.constant 0 : i32
      %dma_start3A_235 = arith.constant 0 : i32
      %dma_start3A_236 = tpu.memref_slice %arg3[%add3A, %run_scoped3A, %dma_start3A_234, %dma_start3A_235] : memref<32x8x10x128xi32, #tpu.memory_space<hbm>> -> memref<1x1x10x128xi32, #tpu.memory_space<hbm>>
      %dma_start3A_237 = tpu.memref_squeeze %dma_start3A_236 : memref<1x1x10x128xi32, #tpu.memory_space<hbm>> -> memref<10x128xi32, #tpu.memory_space<hbm>>
      %dma_start3A_238 = arith.constant 0 : i32
      %dma_start3A_239 = arith.constant 0 : i32
      %dma_start3A_240 = tpu.memref_slice %arg7[%run_scoped3A_3, %dma_start3A_238, %dma_start3A_239] : memref<2x10x128xi32, #tpu.memory_space<vmem>> -> memref<1x10x128xi32, #tpu.memory_space<vmem>>
      %dma_start3A_241 = tpu.memref_squeeze %dma_start3A_240 : memref<1x10x128xi32, #tpu.memory_space<vmem>> -> memref<10x128xi32, #tpu.memory_space<vmem>>
      %dma_start3A_242 = arith.constant 0 : i32
      %dma_start3A_243 = arith.constant 0 : i32
      %dma_start3A_244 = tpu.memref_slice %arg3[%add3A, %run_scoped3A, %dma_start3A_242, %dma_start3A_243] : memref<32x8x10x128xi32, #tpu.memory_space<hbm>> -> memref<1x1x10x128xi32, #tpu.memory_space<hbm>>
      %dma_start3A_245 = tpu.memref_squeeze %dma_start3A_244 : memref<1x1x10x128xi32, #tpu.memory_space<hbm>> -> memref<10x128xi32, #tpu.memory_space<hbm>>
      tpu.enqueue_dma source(%dma_start3A_245 : memref<10x128xi32, #tpu.memory_space<hbm>>) target(%dma_start3A_241 : memref<10x128xi32, #tpu.memory_space<vmem>>) target_semaphore(%run_scoped3A_229 : memref<!tpu.dma_semaphore, #tpu.memory_space<semaphore_mem>>)
      %dma_wait3A_246 = arith.constant 0 : i32
      %dma_wait3A_247 = arith.constant 0 : i32
      %dma_wait3A_248 = tpu.memref_slice %arg7[%run_scoped3A_3, %dma_wait3A_246, %dma_wait3A_247] : memref<2x10x128xi32, #tpu.memory_space<vmem>> -> memref<1x10x128xi32, #tpu.memory_space<vmem>>
      %dma_wait3A_249 = tpu.memref_squeeze %dma_wait3A_248 : memref<1x10x128xi32, #tpu.memory_space<vmem>> -> memref<10x128xi32, #tpu.memory_space<vmem>>
      %dma_wait3A_250 = arith.constant 0 : i32
      %dma_wait3A_251 = arith.constant 0 : i32
      %dma_wait3A_252 = tpu.memref_slice %arg3[%add3A, %run_scoped3A, %dma_wait3A_250, %dma_wait3A_251] : memref<32x8x10x128xi32, #tpu.memory_space<hbm>> -> memref<1x1x10x128xi32, #tpu.memory_space<hbm>>
      %dma_wait3A_253 = tpu.memref_squeeze %dma_wait3A_252 : memref<1x1x10x128xi32, #tpu.memory_space<hbm>> -> memref<10x128xi32, #tpu.memory_space<hbm>>
      %dma_wait3A_254 = arith.constant 0 : i32
      %dma_wait3A_255 = arith.constant 0 : i32
      %dma_wait3A_256 = tpu.memref_slice %arg7[%run_scoped3A_3, %dma_wait3A_254, %dma_wait3A_255] : memref<2x10x128xi32, #tpu.memory_space<vmem>> -> memref<1x10x128xi32, #tpu.memory_space<vmem>>
      %dma_wait3A_257 = tpu.memref_squeeze %dma_wait3A_256 : memref<1x10x128xi32, #tpu.memory_space<vmem>> -> memref<10x128xi32, #tpu.memory_space<vmem>>
      %dma_wait3A_258 = arith.constant 0 : i32
      %dma_wait3A_259 = arith.constant 0 : i32
      %dma_wait3A_260 = tpu.memref_slice %arg3[%add3A, %run_scoped3A, %dma_wait3A_258, %dma_wait3A_259] : memref<32x8x10x128xi32, #tpu.memory_space<hbm>> -> memref<1x1x10x128xi32, #tpu.memory_space<hbm>>
      %dma_wait3A_261 = tpu.memref_squeeze %dma_wait3A_260 : memref<1x1x10x128xi32, #tpu.memory_space<hbm>> -> memref<10x128xi32, #tpu.memory_space<hbm>>
      tpu.wait_dma2 semaphore(%run_scoped3A_229 : memref<!tpu.dma_semaphore, #tpu.memory_space<semaphore_mem>>) src(%dma_wait3A_261 : memref<10x128xi32, #tpu.memory_space<hbm>>) dst(%dma_wait3A_257 : memref<10x128xi32, #tpu.memory_space<vmem>>)
      tpu.yield
    }) : () -> ()
    %run_scoped3A_4 = arith.constant 0 : i32
    %run_scoped3A_5 = arith.constant 0 : i32
    "tpu.region"() ({
      %run_scoped3A_229 = tpu.sem_alloc : memref<!tpu.dma_semaphore, #tpu.memory_space<semaphore_mem>>
      %dma_start3A_230 = arith.constant 0 : i32
      %dma_start3A_231 = arith.constant 0 : i32
      %dma_start3A_232 = tpu.memref_slice %arg8[%run_scoped3A_5, %dma_start3A_230, %dma_start3A_231] : memref<2x10x128xi32, #tpu.memory_space<vmem>> -> memref<1x10x128xi32, #tpu.memory_space<vmem>>
      %dma_start3A_233 = tpu.memref_squeeze %dma_start3A_232 : memref<1x10x128xi32, #tpu.memory_space<vmem>> -> memref<10x128xi32, #tpu.memory_space<vmem>>
      %dma_start3A_234 = arith.constant 0 : i32
      %dma_start3A_235 = arith.constant 0 : i32
      %dma_start3A_236 = tpu.memref_slice %arg4[%add3A, %run_scoped3A_4, %dma_start3A_234, %dma_start3A_235] : memref<32x8x10x128xi32, #tpu.memory_space<hbm>> -> memref<1x1x10x128xi32, #tpu.memory_space<hbm>>
      %dma_start3A_237 = tpu.memref_squeeze %dma_start3A_236 : memref<1x1x10x128xi32, #tpu.memory_space<hbm>> -> memref<10x128xi32, #tpu.memory_space<hbm>>
      %dma_start3A_238 = arith.constant 0 : i32
      %dma_start3A_239 = arith.constant 0 : i32
      %dma_start3A_240 = tpu.memref_slice %arg8[%run_scoped3A_5, %dma_start3A_238, %dma_start3A_239] : memref<2x10x128xi32, #tpu.memory_space<vmem>> -> memref<1x10x128xi32, #tpu.memory_space<vmem>>
      %dma_start3A_241 = tpu.memref_squeeze %dma_start3A_240 : memref<1x10x128xi32, #tpu.memory_space<vmem>> -> memref<10x128xi32, #tpu.memory_space<vmem>>
      %dma_start3A_242 = arith.constant 0 : i32
      %dma_start3A_243 = arith.constant 0 : i32
      %dma_start3A_244 = tpu.memref_slice %arg4[%add3A, %run_scoped3A_4, %dma_start3A_242, %dma_start3A_243] : memref<32x8x10x128xi32, #tpu.memory_space<hbm>> -> memref<1x1x10x128xi32, #tpu.memory_space<hbm>>
      %dma_start3A_245 = tpu.memref_squeeze %dma_start3A_244 : memref<1x1x10x128xi32, #tpu.memory_space<hbm>> -> memref<10x128xi32, #tpu.memory_space<hbm>>
      tpu.enqueue_dma source(%dma_start3A_245 : memref<10x128xi32, #tpu.memory_space<hbm>>) target(%dma_start3A_241 : memref<10x128xi32, #tpu.memory_space<vmem>>) target_semaphore(%run_scoped3A_229 : memref<!tpu.dma_semaphore, #tpu.memory_space<semaphore_mem>>)
      %dma_wait3A_246 = arith.constant 0 : i32
      %dma_wait3A_247 = arith.constant 0 : i32
      %dma_wait3A_248 = tpu.memref_slice %arg8[%run_scoped3A_5, %dma_wait3A_246, %dma_wait3A_247] : memref<2x10x128xi32, #tpu.memory_space<vmem>> -> memref<1x10x128xi32, #tpu.memory_space<vmem>>
      %dma_wait3A_249 = tpu.memref_squeeze %dma_wait3A_248 : memref<1x10x128xi32, #tpu.memory_space<vmem>> -> memref<10x128xi32, #tpu.memory_space<vmem>>
      %dma_wait3A_250 = arith.constant 0 : i32
      %dma_wait3A_251 = arith.constant 0 : i32
      %dma_wait3A_252 = tpu.memref_slice %arg4[%add3A, %run_scoped3A_4, %dma_wait3A_250, %dma_wait3A_251] : memref<32x8x10x128xi32, #tpu.memory_space<hbm>> -> memref<1x1x10x128xi32, #tpu.memory_space<hbm>>
      %dma_wait3A_253 = tpu.memref_squeeze %dma_wait3A_252 : memref<1x1x10x128xi32, #tpu.memory_space<hbm>> -> memref<10x128xi32, #tpu.memory_space<hbm>>
      %dma_wait3A_254 = arith.constant 0 : i32
      %dma_wait3A_255 = arith.constant 0 : i32
      %dma_wait3A_256 = tpu.memref_slice %arg8[%run_scoped3A_5, %dma_wait3A_254, %dma_wait3A_255] : memref<2x10x128xi32, #tpu.memory_space<vmem>> -> memref<1x10x128xi32, #tpu.memory_space<vmem>>
      %dma_wait3A_257 = tpu.memref_squeeze %dma_wait3A_256 : memref<1x10x128xi32, #tpu.memory_space<vmem>> -> memref<10x128xi32, #tpu.memory_space<vmem>>
      %dma_wait3A_258 = arith.constant 0 : i32
      %dma_wait3A_259 = arith.constant 0 : i32
      %dma_wait3A_260 = tpu.memref_slice %arg4[%add3A, %run_scoped3A_4, %dma_wait3A_258, %dma_wait3A_259] : memref<32x8x10x128xi32, #tpu.memory_space<hbm>> -> memref<1x1x10x128xi32, #tpu.memory_space<hbm>>
      %dma_wait3A_261 = tpu.memref_squeeze %dma_wait3A_260 : memref<1x1x10x128xi32, #tpu.memory_space<hbm>> -> memref<10x128xi32, #tpu.memory_space<hbm>>
      tpu.wait_dma2 semaphore(%run_scoped3A_229 : memref<!tpu.dma_semaphore, #tpu.memory_space<semaphore_mem>>) src(%dma_wait3A_261 : memref<10x128xi32, #tpu.memory_space<hbm>>) dst(%dma_wait3A_257 : memref<10x128xi32, #tpu.memory_space<vmem>>)
      tpu.yield
    }) : () -> ()
    %dma_start3A = arith.constant 0 : i32
    %dma_start3A_6 = arith.constant 0 : i32
    %dma_start3A_7 = arith.constant 0 : i32
    %dma_start3A_8 = arith.constant 0 : i32
    %dma_start3A_9 = arith.constant 0 : i32
    %dma_start3A_10 = tpu.memref_slice %arg9[%dma_start3A_7, %dma_start3A_8, %dma_start3A_9] : memref<2x1280x32xf32, #tpu.memory_space<vmem>> -> memref<1x1280x32xf32, #tpu.memory_space<vmem>>
    %dma_start3A_11 = tpu.memref_squeeze %dma_start3A_10 : memref<1x1280x32xf32, #tpu.memory_space<vmem>> -> memref<1280x32xf32, #tpu.memory_space<vmem>>
    %dma_start3A_12 = arith.constant 0 : i32
    %dma_start3A_13 = arith.constant 0 : i32
    %dma_start3A_14 = tpu.memref_slice %dma_start3A_11[%dma_start3A_12, %dma_start3A_13] : memref<1280x32xf32, #tpu.memory_space<vmem>> -> memref<128x32xf32, #tpu.memory_space<vmem>>
    %dma_start3A_15 = arith.constant 0 : i32
    %dma_start3A_16 = arith.constant 0 : i32
    %dma_start3A_17 = tpu.memref_slice %arg7[%dma_start3A, %dma_start3A_15, %dma_start3A_16] : memref<2x10x128xi32, #tpu.memory_space<vmem>> -> memref<1x10x128xi32, #tpu.memory_space<vmem>>
    %dma_start3A_18 = tpu.memref_squeeze %dma_start3A_17 : memref<1x10x128xi32, #tpu.memory_space<vmem>> -> memref<10x128xi32, #tpu.memory_space<vmem>>
    %dma_start3A_19 = arith.constant 0 : i32
    %dma_start3A_20 = tpu.memref_slice %dma_start3A_18[%dma_start3A_6, %dma_start3A_19] : memref<10x128xi32, #tpu.memory_space<vmem>> -> memref<1x128xi32, #tpu.memory_space<vmem>>
    %dma_start3A_21 = tpu.memref_squeeze %dma_start3A_20 : memref<1x128xi32, #tpu.memory_space<vmem>> -> memref<128xi32, #tpu.memory_space<vmem>>
    %dma_start3A_22 = arith.constant 0 : i32
    %dma_start3A_23 = arith.constant 0 : i32
    %dma_start3A_24 = tpu.memref_slice %arg2[%dma_start3A_22, %dma_start3A_23] : memref<10240x32xf32, #tpu.memory_space<hbm>> -> memref<10240x32xf32, #tpu.memory_space<hbm>>
    tpu.enqueue_indirect_dma source(%dma_start3A_24 : memref<10240x32xf32, #tpu.memory_space<hbm>>) target(%dma_start3A_14 : memref<128x32xf32, #tpu.memory_space<vmem>>) offsets(%dma_start3A_21 : memref<128xi32, #tpu.memory_space<vmem>>) semaphore(%arg11 : memref<!tpu.dma_semaphore, #tpu.memory_space<semaphore_mem>>)
    %dma_start3A_25 = arith.constant 0 : i32
    %dma_start3A_26 = arith.constant 1 : i32
    %dma_start3A_27 = arith.constant 0 : i32
    %dma_start3A_28 = arith.constant 0 : i32
    %dma_start3A_29 = arith.constant 0 : i32
    %dma_start3A_30 = tpu.memref_slice %arg9[%dma_start3A_27, %dma_start3A_28, %dma_start3A_29] : memref<2x1280x32xf32, #tpu.memory_space<vmem>> -> memref<1x1280x32xf32, #tpu.memory_space<vmem>>
    %dma_start3A_31 = tpu.memref_squeeze %dma_start3A_30 : memref<1x1280x32xf32, #tpu.memory_space<vmem>> -> memref<1280x32xf32, #tpu.memory_space<vmem>>
    %dma_start3A_32 = arith.constant 128 : i32
    %dma_start3A_33 = arith.constant 0 : i32
    %dma_start3A_34 = tpu.memref_slice %dma_start3A_31[%dma_start3A_32, %dma_start3A_33] : memref<1280x32xf32, #tpu.memory_space<vmem>> -> memref<128x32xf32, #tpu.memory_space<vmem>>
    %dma_start3A_35 = arith.constant 0 : i32
    %dma_start3A_36 = arith.constant 0 : i32
    %dma_start3A_37 = tpu.memref_slice %arg7[%dma_start3A_25, %dma_start3A_35, %dma_start3A_36] : memref<2x10x128xi32, #tpu.memory_space<vmem>> -> memref<1x10x128xi32, #tpu.memory_space<vmem>>
    %dma_start3A_38 = tpu.memref_squeeze %dma_start3A_37 : memref<1x10x128xi32, #tpu.memory_space<vmem>> -> memref<10x128xi32, #tpu.memory_space<vmem>>
    %dma_start3A_39 = arith.constant 0 : i32
    %dma_start3A_40 = tpu.memref_slice %dma_start3A_38[%dma_start3A_26, %dma_start3A_39] : memref<10x128xi32, #tpu.memory_space<vmem>> -> memref<1x128xi32, #tpu.memory_space<vmem>>
    %dma_start3A_41 = tpu.memref_squeeze %dma_start3A_40 : memref<1x128xi32, #tpu.memory_space<vmem>> -> memref<128xi32, #tpu.memory_space<vmem>>
    %dma_start3A_42 = arith.constant 0 : i32
    %dma_start3A_43 = arith.constant 0 : i32
    %dma_start3A_44 = tpu.memref_slice %arg2[%dma_start3A_42, %dma_start3A_43] : memref<10240x32xf32, #tpu.memory_space<hbm>> -> memref<10240x32xf32, #tpu.memory_space<hbm>>
    tpu.enqueue_indirect_dma source(%dma_start3A_44 : memref<10240x32xf32, #tpu.memory_space<hbm>>) target(%dma_start3A_34 : memref<128x32xf32, #tpu.memory_space<vmem>>) offsets(%dma_start3A_41 : memref<128xi32, #tpu.memory_space<vmem>>) semaphore(%arg11 : memref<!tpu.dma_semaphore, #tpu.memory_space<semaphore_mem>>)
    %dma_start3A_45 = arith.constant 0 : i32
    %dma_start3A_46 = arith.constant 2 : i32
    %dma_start3A_47 = arith.constant 0 : i32
    %dma_start3A_48 = arith.constant 0 : i32
    %dma_start3A_49 = arith.constant 0 : i32
    %dma_start3A_50 = tpu.memref_slice %arg9[%dma_start3A_47, %dma_start3A_48, %dma_start3A_49] : memref<2x1280x32xf32, #tpu.memory_space<vmem>> -> memref<1x1280x32xf32, #tpu.memory_space<vmem>>
    %dma_start3A_51 = tpu.memref_squeeze %dma_start3A_50 : memref<1x1280x32xf32, #tpu.memory_space<vmem>> -> memref<1280x32xf32, #tpu.memory_space<vmem>>
    %dma_start3A_52 = arith.constant 256 : i32
    %dma_start3A_53 = arith.constant 0 : i32
    %dma_start3A_54 = tpu.memref_slice %dma_start3A_51[%dma_start3A_52, %dma_start3A_53] : memref<1280x32xf32, #tpu.memory_space<vmem>> -> memref<128x32xf32, #tpu.memory_space<vmem>>
    %dma_start3A_55 = arith.constant 0 : i32
    %dma_start3A_56 = arith.constant 0 : i32
    %dma_start3A_57 = tpu.memref_slice %arg7[%dma_start3A_45, %dma_start3A_55, %dma_start3A_56] : memref<2x10x128xi32, #tpu.memory_space<vmem>> -> memref<1x10x128xi32, #tpu.memory_space<vmem>>
    %dma_start3A_58 = tpu.memref_squeeze %dma_start3A_57 : memref<1x10x128xi32, #tpu.memory_space<vmem>> -> memref<10x128xi32, #tpu.memory_space<vmem>>
    %dma_start3A_59 = arith.constant 0 : i32
    %dma_start3A_60 = tpu.memref_slice %dma_start3A_58[%dma_start3A_46, %dma_start3A_59] : memref<10x128xi32, #tpu.memory_space<vmem>> -> memref<1x128xi32, #tpu.memory_space<vmem>>
    %dma_start3A_61 = tpu.memref_squeeze %dma_start3A_60 : memref<1x128xi32, #tpu.memory_space<vmem>> -> memref<128xi32, #tpu.memory_space<vmem>>
    %dma_start3A_62 = arith.constant 0 : i32
    %dma_start3A_63 = arith.constant 0 : i32
    %dma_start3A_64 = tpu.memref_slice %arg2[%dma_start3A_62, %dma_start3A_63] : memref<10240x32xf32, #tpu.memory_space<hbm>> -> memref<10240x32xf32, #tpu.memory_space<hbm>>
    tpu.enqueue_indirect_dma source(%dma_start3A_64 : memref<10240x32xf32, #tpu.memory_space<hbm>>) target(%dma_start3A_54 : memref<128x32xf32, #tpu.memory_space<vmem>>) offsets(%dma_start3A_61 : memref<128xi32, #tpu.memory_space<vmem>>) semaphore(%arg11 : memref<!tpu.dma_semaphore, #tpu.memory_space<semaphore_mem>>)
    %dma_start3A_65 = arith.constant 0 : i32
    %dma_start3A_66 = arith.constant 3 : i32
    %dma_start3A_67 = arith.constant 0 : i32
    %dma_start3A_68 = arith.constant 0 : i32
    %dma_start3A_69 = arith.constant 0 : i32
    %dma_start3A_70 = tpu.memref_slice %arg9[%dma_start3A_67, %dma_start3A_68, %dma_start3A_69] : memref<2x1280x32xf32, #tpu.memory_space<vmem>> -> memref<1x1280x32xf32, #tpu.memory_space<vmem>>
    %dma_start3A_71 = tpu.memref_squeeze %dma_start3A_70 : memref<1x1280x32xf32, #tpu.memory_space<vmem>> -> memref<1280x32xf32, #tpu.memory_space<vmem>>
    %dma_start3A_72 = arith.constant 384 : i32
    %dma_start3A_73 = arith.constant 0 : i32
    %dma_start3A_74 = tpu.memref_slice %dma_start3A_71[%dma_start3A_72, %dma_start3A_73] : memref<1280x32xf32, #tpu.memory_space<vmem>> -> memref<128x32xf32, #tpu.memory_space<vmem>>
    %dma_start3A_75 = arith.constant 0 : i32
    %dma_start3A_76 = arith.constant 0 : i32
    %dma_start3A_77 = tpu.memref_slice %arg7[%dma_start3A_65, %dma_start3A_75, %dma_start3A_76] : memref<2x10x128xi32, #tpu.memory_space<vmem>> -> memref<1x10x128xi32, #tpu.memory_space<vmem>>
    %dma_start3A_78 = tpu.memref_squeeze %dma_start3A_77 : memref<1x10x128xi32, #tpu.memory_space<vmem>> -> memref<10x128xi32, #tpu.memory_space<vmem>>
    %dma_start3A_79 = arith.constant 0 : i32
    %dma_start3A_80 = tpu.memref_slice %dma_start3A_78[%dma_start3A_66, %dma_start3A_79] : memref<10x128xi32, #tpu.memory_space<vmem>> -> memref<1x128xi32, #tpu.memory_space<vmem>>
    %dma_start3A_81 = tpu.memref_squeeze %dma_start3A_80 : memref<1x128xi32, #tpu.memory_space<vmem>> -> memref<128xi32, #tpu.memory_space<vmem>>
    %dma_start3A_82 = arith.constant 0 : i32
    %dma_start3A_83 = arith.constant 0 : i32
    %dma_start3A_84 = tpu.memref_slice %arg2[%dma_start3A_82, %dma_start3A_83] : memref<10240x32xf32, #tpu.memory_space<hbm>> -> memref<10240x32xf32, #tpu.memory_space<hbm>>
    tpu.enqueue_indirect_dma source(%dma_start3A_84 : memref<10240x32xf32, #tpu.memory_space<hbm>>) target(%dma_start3A_74 : memref<128x32xf32, #tpu.memory_space<vmem>>) offsets(%dma_start3A_81 : memref<128xi32, #tpu.memory_space<vmem>>) semaphore(%arg11 : memref<!tpu.dma_semaphore, #tpu.memory_space<semaphore_mem>>)
    %dma_start3A_85 = arith.constant 0 : i32
    %dma_start3A_86 = arith.constant 4 : i32
    %dma_start3A_87 = arith.constant 0 : i32
    %dma_start3A_88 = arith.constant 0 : i32
    %dma_start3A_89 = arith.constant 0 : i32
    %dma_start3A_90 = tpu.memref_slice %arg9[%dma_start3A_87, %dma_start3A_88, %dma_start3A_89] : memref<2x1280x32xf32, #tpu.memory_space<vmem>> -> memref<1x1280x32xf32, #tpu.memory_space<vmem>>
    %dma_start3A_91 = tpu.memref_squeeze %dma_start3A_90 : memref<1x1280x32xf32, #tpu.memory_space<vmem>> -> memref<1280x32xf32, #tpu.memory_space<vmem>>
    %dma_start3A_92 = arith.constant 512 : i32
    %dma_start3A_93 = arith.constant 0 : i32
    %dma_start3A_94 = tpu.memref_slice %dma_start3A_91[%dma_start3A_92, %dma_start3A_93] : memref<1280x32xf32, #tpu.memory_space<vmem>> -> memref<128x32xf32, #tpu.memory_space<vmem>>
    %dma_start3A_95 = arith.constant 0 : i32
    %dma_start3A_96 = arith.constant 0 : i32
    %dma_start3A_97 = tpu.memref_slice %arg7[%dma_start3A_85, %dma_start3A_95, %dma_start3A_96] : memref<2x10x128xi32, #tpu.memory_space<vmem>> -> memref<1x10x128xi32, #tpu.memory_space<vmem>>
    %dma_start3A_98 = tpu.memref_squeeze %dma_start3A_97 : memref<1x10x128xi32, #tpu.memory_space<vmem>> -> memref<10x128xi32, #tpu.memory_space<vmem>>
    %dma_start3A_99 = arith.constant 0 : i32
    %dma_start3A_100 = tpu.memref_slice %dma_start3A_98[%dma_start3A_86, %dma_start3A_99] : memref<10x128xi32, #tpu.memory_space<vmem>> -> memref<1x128xi32, #tpu.memory_space<vmem>>
    %dma_start3A_101 = tpu.memref_squeeze %dma_start3A_100 : memref<1x128xi32, #tpu.memory_space<vmem>> -> memref<128xi32, #tpu.memory_space<vmem>>
    %dma_start3A_102 = arith.constant 0 : i32
    %dma_start3A_103 = arith.constant 0 : i32
    %dma_start3A_104 = tpu.memref_slice %arg2[%dma_start3A_102, %dma_start3A_103] : memref<10240x32xf32, #tpu.memory_space<hbm>> -> memref<10240x32xf32, #tpu.memory_space<hbm>>
    tpu.enqueue_indirect_dma source(%dma_start3A_104 : memref<10240x32xf32, #tpu.memory_space<hbm>>) target(%dma_start3A_94 : memref<128x32xf32, #tpu.memory_space<vmem>>) offsets(%dma_start3A_101 : memref<128xi32, #tpu.memory_space<vmem>>) semaphore(%arg11 : memref<!tpu.dma_semaphore, #tpu.memory_space<semaphore_mem>>)
    %dma_start3A_105 = arith.constant 0 : i32
    %dma_start3A_106 = arith.constant 5 : i32
    %dma_start3A_107 = arith.constant 0 : i32
    %dma_start3A_108 = arith.constant 0 : i32
    %dma_start3A_109 = arith.constant 0 : i32
    %dma_start3A_110 = tpu.memref_slice %arg9[%dma_start3A_107, %dma_start3A_108, %dma_start3A_109] : memref<2x1280x32xf32, #tpu.memory_space<vmem>> -> memref<1x1280x32xf32, #tpu.memory_space<vmem>>
    %dma_start3A_111 = tpu.memref_squeeze %dma_start3A_110 : memref<1x1280x32xf32, #tpu.memory_space<vmem>> -> memref<1280x32xf32, #tpu.memory_space<vmem>>
    %dma_start3A_112 = arith.constant 640 : i32
    %dma_start3A_113 = arith.constant 0 : i32
    %dma_start3A_114 = tpu.memref_slice %dma_start3A_111[%dma_start3A_112, %dma_start3A_113] : memref<1280x32xf32, #tpu.memory_space<vmem>> -> memref<128x32xf32, #tpu.memory_space<vmem>>
    %dma_start3A_115 = arith.constant 0 : i32
    %dma_start3A_116 = arith.constant 0 : i32
    %dma_start3A_117 = tpu.memref_slice %arg7[%dma_start3A_105, %dma_start3A_115, %dma_start3A_116] : memref<2x10x128xi32, #tpu.memory_space<vmem>> -> memref<1x10x128xi32, #tpu.memory_space<vmem>>
    %dma_start3A_118 = tpu.memref_squeeze %dma_start3A_117 : memref<1x10x128xi32, #tpu.memory_space<vmem>> -> memref<10x128xi32, #tpu.memory_space<vmem>>
    %dma_start3A_119 = arith.constant 0 : i32
    %dma_start3A_120 = tpu.memref_slice %dma_start3A_118[%dma_start3A_106, %dma_start3A_119] : memref<10x128xi32, #tpu.memory_space<vmem>> -> memref<1x128xi32, #tpu.memory_space<vmem>>
    %dma_start3A_121 = tpu.memref_squeeze %dma_start3A_120 : memref<1x128xi32, #tpu.memory_space<vmem>> -> memref<128xi32, #tpu.memory_space<vmem>>
    %dma_start3A_122 = arith.constant 0 : i32
    %dma_start3A_123 = arith.constant 0 : i32
    %dma_start3A_124 = tpu.memref_slice %arg2[%dma_start3A_122, %dma_start3A_123] : memref<10240x32xf32, #tpu.memory_space<hbm>> -> memref<10240x32xf32, #tpu.memory_space<hbm>>
    tpu.enqueue_indirect_dma source(%dma_start3A_124 : memref<10240x32xf32, #tpu.memory_space<hbm>>) target(%dma_start3A_114 : memref<128x32xf32, #tpu.memory_space<vmem>>) offsets(%dma_start3A_121 : memref<128xi32, #tpu.memory_space<vmem>>) semaphore(%arg11 : memref<!tpu.dma_semaphore, #tpu.memory_space<semaphore_mem>>)
    %dma_start3A_125 = arith.constant 0 : i32
    %dma_start3A_126 = arith.constant 6 : i32
    %dma_start3A_127 = arith.constant 0 : i32
    %dma_start3A_128 = arith.constant 0 : i32
    %dma_start3A_129 = arith.constant 0 : i32
    %dma_start3A_130 = tpu.memref_slice %arg9[%dma_start3A_127, %dma_start3A_128, %dma_start3A_129] : memref<2x1280x32xf32, #tpu.memory_space<vmem>> -> memref<1x1280x32xf32, #tpu.memory_space<vmem>>
    %dma_start3A_131 = tpu.memref_squeeze %dma_start3A_130 : memref<1x1280x32xf32, #tpu.memory_space<vmem>> -> memref<1280x32xf32, #tpu.memory_space<vmem>>
    %dma_start3A_132 = arith.constant 768 : i32
    %dma_start3A_133 = arith.constant 0 : i32
    %dma_start3A_134 = tpu.memref_slice %dma_start3A_131[%dma_start3A_132, %dma_start3A_133] : memref<1280x32xf32, #tpu.memory_space<vmem>> -> memref<128x32xf32, #tpu.memory_space<vmem>>
    %dma_start3A_135 = arith.constant 0 : i32
    %dma_start3A_136 = arith.constant 0 : i32
    %dma_start3A_137 = tpu.memref_slice %arg7[%dma_start3A_125, %dma_start3A_135, %dma_start3A_136] : memref<2x10x128xi32, #tpu.memory_space<vmem>> -> memref<1x10x128xi32, #tpu.memory_space<vmem>>
    %dma_start3A_138 = tpu.memref_squeeze %dma_start3A_137 : memref<1x10x128xi32, #tpu.memory_space<vmem>> -> memref<10x128xi32, #tpu.memory_space<vmem>>
    %dma_start3A_139 = arith.constant 0 : i32
    %dma_start3A_140 = tpu.memref_slice %dma_start3A_138[%dma_start3A_126, %dma_start3A_139] : memref<10x128xi32, #tpu.memory_space<vmem>> -> memref<1x128xi32, #tpu.memory_space<vmem>>
    %dma_start3A_141 = tpu.memref_squeeze %dma_start3A_140 : memref<1x128xi32, #tpu.memory_space<vmem>> -> memref<128xi32, #tpu.memory_space<vmem>>
    %dma_start3A_142 = arith.constant 0 : i32
    %dma_start3A_143 = arith.constant 0 : i32
    %dma_start3A_144 = tpu.memref_slice %arg2[%dma_start3A_142, %dma_start3A_143] : memref<10240x32xf32, #tpu.memory_space<hbm>> -> memref<10240x32xf32, #tpu.memory_space<hbm>>
    tpu.enqueue_indirect_dma source(%dma_start3A_144 : memref<10240x32xf32, #tpu.memory_space<hbm>>) target(%dma_start3A_134 : memref<128x32xf32, #tpu.memory_space<vmem>>) offsets(%dma_start3A_141 : memref<128xi32, #tpu.memory_space<vmem>>) semaphore(%arg11 : memref<!tpu.dma_semaphore, #tpu.memory_space<semaphore_mem>>)
    %dma_start3A_145 = arith.constant 0 : i32
    %dma_start3A_146 = arith.constant 7 : i32
    %dma_start3A_147 = arith.constant 0 : i32
    %dma_start3A_148 = arith.constant 0 : i32
    %dma_start3A_149 = arith.constant 0 : i32
    %dma_start3A_150 = tpu.memref_slice %arg9[%dma_start3A_147, %dma_start3A_148, %dma_start3A_149] : memref<2x1280x32xf32, #tpu.memory_space<vmem>> -> memref<1x1280x32xf32, #tpu.memory_space<vmem>>
    %dma_start3A_151 = tpu.memref_squeeze %dma_start3A_150 : memref<1x1280x32xf32, #tpu.memory_space<vmem>> -> memref<1280x32xf32, #tpu.memory_space<vmem>>
    %dma_start3A_152 = arith.constant 896 : i32
    %dma_start3A_153 = arith.constant 0 : i32
    %dma_start3A_154 = tpu.memref_slice %dma_start3A_151[%dma_start3A_152, %dma_start3A_153] : memref<1280x32xf32, #tpu.memory_space<vmem>> -> memref<128x32xf32, #tpu.memory_space<vmem>>
    %dma_start3A_155 = arith.constant 0 : i32
    %dma_start3A_156 = arith.constant 0 : i32
    %dma_start3A_157 = tpu.memref_slice %arg7[%dma_start3A_145, %dma_start3A_155, %dma_start3A_156] : memref<2x10x128xi32, #tpu.memory_space<vmem>> -> memref<1x10x128xi32, #tpu.memory_space<vmem>>
    %dma_start3A_158 = tpu.memref_squeeze %dma_start3A_157 : memref<1x10x128xi32, #tpu.memory_space<vmem>> -> memref<10x128xi32, #tpu.memory_space<vmem>>
    %dma_start3A_159 = arith.constant 0 : i32
    %dma_start3A_160 = tpu.memref_slice %dma_start3A_158[%dma_start3A_146, %dma_start3A_159] : memref<10x128xi32, #tpu.memory_space<vmem>> -> memref<1x128xi32, #tpu.memory_space<vmem>>
    %dma_start3A_161 = tpu.memref_squeeze %dma_start3A_160 : memref<1x128xi32, #tpu.memory_space<vmem>> -> memref<128xi32, #tpu.memory_space<vmem>>
    %dma_start3A_162 = arith.constant 0 : i32
    %dma_start3A_163 = arith.constant 0 : i32
    %dma_start3A_164 = tpu.memref_slice %arg2[%dma_start3A_162, %dma_start3A_163] : memref<10240x32xf32, #tpu.memory_space<hbm>> -> memref<10240x32xf32, #tpu.memory_space<hbm>>
    tpu.enqueue_indirect_dma source(%dma_start3A_164 : memref<10240x32xf32, #tpu.memory_space<hbm>>) target(%dma_start3A_154 : memref<128x32xf32, #tpu.memory_space<vmem>>) offsets(%dma_start3A_161 : memref<128xi32, #tpu.memory_space<vmem>>) semaphore(%arg11 : memref<!tpu.dma_semaphore, #tpu.memory_space<semaphore_mem>>)
    %dma_start3A_165 = arith.constant 0 : i32
    %dma_start3A_166 = arith.constant 8 : i32
    %dma_start3A_167 = arith.constant 0 : i32
    %dma_start3A_168 = arith.constant 0 : i32
    %dma_start3A_169 = arith.constant 0 : i32
    %dma_start3A_170 = tpu.memref_slice %arg9[%dma_start3A_167, %dma_start3A_168, %dma_start3A_169] : memref<2x1280x32xf32, #tpu.memory_space<vmem>> -> memref<1x1280x32xf32, #tpu.memory_space<vmem>>
    %dma_start3A_171 = tpu.memref_squeeze %dma_start3A_170 : memref<1x1280x32xf32, #tpu.memory_space<vmem>> -> memref<1280x32xf32, #tpu.memory_space<vmem>>
    %dma_start3A_172 = arith.constant 1024 : i32
    %dma_start3A_173 = arith.constant 0 : i32
    %dma_start3A_174 = tpu.memref_slice %dma_start3A_171[%dma_start3A_172, %dma_start3A_173] : memref<1280x32xf32, #tpu.memory_space<vmem>> -> memref<128x32xf32, #tpu.memory_space<vmem>>
    %dma_start3A_175 = arith.constant 0 : i32
    %dma_start3A_176 = arith.constant 0 : i32
    %dma_start3A_177 = tpu.memref_slice %arg7[%dma_start3A_165, %dma_start3A_175, %dma_start3A_176] : memref<2x10x128xi32, #tpu.memory_space<vmem>> -> memref<1x10x128xi32, #tpu.memory_space<vmem>>
    %dma_start3A_178 = tpu.memref_squeeze %dma_start3A_177 : memref<1x10x128xi32, #tpu.memory_space<vmem>> -> memref<10x128xi32, #tpu.memory_space<vmem>>
    %dma_start3A_179 = arith.constant 0 : i32
    %dma_start3A_180 = tpu.memref_slice %dma_start3A_178[%dma_start3A_166, %dma_start3A_179] : memref<10x128xi32, #tpu.memory_space<vmem>> -> memref<1x128xi32, #tpu.memory_space<vmem>>
    %dma_start3A_181 = tpu.memref_squeeze %dma_start3A_180 : memref<1x128xi32, #tpu.memory_space<vmem>> -> memref<128xi32, #tpu.memory_space<vmem>>
    %dma_start3A_182 = arith.constant 0 : i32
    %dma_start3A_183 = arith.constant 0 : i32
    %dma_start3A_184 = tpu.memref_slice %arg2[%dma_start3A_182, %dma_start3A_183] : memref<10240x32xf32, #tpu.memory_space<hbm>> -> memref<10240x32xf32, #tpu.memory_space<hbm>>
    tpu.enqueue_indirect_dma source(%dma_start3A_184 : memref<10240x32xf32, #tpu.memory_space<hbm>>) target(%dma_start3A_174 : memref<128x32xf32, #tpu.memory_space<vmem>>) offsets(%dma_start3A_181 : memref<128xi32, #tpu.memory_space<vmem>>) semaphore(%arg11 : memref<!tpu.dma_semaphore, #tpu.memory_space<semaphore_mem>>)
    %dma_start3A_185 = arith.constant 0 : i32
    %dma_start3A_186 = arith.constant 9 : i32
    %dma_start3A_187 = arith.constant 0 : i32
    %dma_start3A_188 = arith.constant 0 : i32
    %dma_start3A_189 = arith.constant 0 : i32
    %dma_start3A_190 = tpu.memref_slice %arg9[%dma_start3A_187, %dma_start3A_188, %dma_start3A_189] : memref<2x1280x32xf32, #tpu.memory_space<vmem>> -> memref<1x1280x32xf32, #tpu.memory_space<vmem>>
    %dma_start3A_191 = tpu.memref_squeeze %dma_start3A_190 : memref<1x1280x32xf32, #tpu.memory_space<vmem>> -> memref<1280x32xf32, #tpu.memory_space<vmem>>
    %dma_start3A_192 = arith.constant 1152 : i32
    %dma_start3A_193 = arith.constant 0 : i32
    %dma_start3A_194 = tpu.memref_slice %dma_start3A_191[%dma_start3A_192, %dma_start3A_193] : memref<1280x32xf32, #tpu.memory_space<vmem>> -> memref<128x32xf32, #tpu.memory_space<vmem>>
    %dma_start3A_195 = arith.constant 0 : i32
    %dma_start3A_196 = arith.constant 0 : i32
    %dma_start3A_197 = tpu.memref_slice %arg7[%dma_start3A_185, %dma_start3A_195, %dma_start3A_196] : memref<2x10x128xi32, #tpu.memory_space<vmem>> -> memref<1x10x128xi32, #tpu.memory_space<vmem>>
    %dma_start3A_198 = tpu.memref_squeeze %dma_start3A_197 : memref<1x10x128xi32, #tpu.memory_space<vmem>> -> memref<10x128xi32, #tpu.memory_space<vmem>>
    %dma_start3A_199 = arith.constant 0 : i32
    %dma_start3A_200 = tpu.memref_slice %dma_start3A_198[%dma_start3A_186, %dma_start3A_199] : memref<10x128xi32, #tpu.memory_space<vmem>> -> memref<1x128xi32, #tpu.memory_space<vmem>>
    %dma_start3A_201 = tpu.memref_squeeze %dma_start3A_200 : memref<1x128xi32, #tpu.memory_space<vmem>> -> memref<128xi32, #tpu.memory_space<vmem>>
    %dma_start3A_202 = arith.constant 0 : i32
    %dma_start3A_203 = arith.constant 0 : i32
    %dma_start3A_204 = tpu.memref_slice %arg2[%dma_start3A_202, %dma_start3A_203] : memref<10240x32xf32, #tpu.memory_space<hbm>> -> memref<10240x32xf32, #tpu.memory_space<hbm>>
    tpu.enqueue_indirect_dma source(%dma_start3A_204 : memref<10240x32xf32, #tpu.memory_space<hbm>>) target(%dma_start3A_194 : memref<128x32xf32, #tpu.memory_space<vmem>>) offsets(%dma_start3A_201 : memref<128xi32, #tpu.memory_space<vmem>>) semaphore(%arg11 : memref<!tpu.dma_semaphore, #tpu.memory_space<semaphore_mem>>)
    %scan3A = arith.constant 0 : i32
    %scan3A_205 = arith.constant 0 : i32
    %scan3A_206 = arith.constant 8 : i32
    %scan3A_207 = arith.addi %scan3A_205, %scan3A_206 : i32
    %scan3A_208 = arith.constant 1 : i32
    scf.for %scan3A_229 = %scan3A_205 to %scan3A_207 step %scan3A_208  : i32 {
      %and3A = arith.constant 1 : i32
      %and3A_230 = arith.andi %scan3A_229, %and3A : i32
      %sub3A = arith.constant 1 : i32
      %sub3A_231 = arith.subi %sub3A, %and3A_230 : i32
      %gt3A = arith.constant 0 : i32
      %gt3A_232 = arith.cmpi sgt, %scan3A_229, %gt3A : i32
      %convert_element_type3A = arith.extui %gt3A_232 : i1 to i32
      %cond3A = arith.constant 0 : i32
      %cond3A_233 = arith.cmpi ne, %convert_element_type3A, %cond3A : i32
      scf.if %cond3A_233 {
        %dma_wait3A_441 = arith.constant 0 : i32
        %dma_wait3A_442 = arith.constant 0 : i32
        %dma_wait3A_443 = tpu.memref_slice %arg9[%sub3A_231, %dma_wait3A_441, %dma_wait3A_442] : memref<2x1280x32xf32, #tpu.memory_space<vmem>> -> memref<1x1280x32xf32, #tpu.memory_space<vmem>>
        %dma_wait3A_444 = tpu.memref_squeeze %dma_wait3A_443 : memref<1x1280x32xf32, #tpu.memory_space<vmem>> -> memref<1280x32xf32, #tpu.memory_space<vmem>>
        %dma_wait3A_445 = arith.constant 0 : i32
        %dma_wait3A_446 = arith.constant 0 : i32
        %dma_wait3A_447 = tpu.memref_slice %arg2[%dma_wait3A_445, %dma_wait3A_446] : memref<10240x32xf32, #tpu.memory_space<hbm>> -> memref<1280x32xf32, #tpu.memory_space<hbm>>
        %dma_wait3A_448 = arith.constant 0 : i32
        %dma_wait3A_449 = arith.constant 0 : i32
        %dma_wait3A_450 = tpu.memref_slice %arg9[%sub3A_231, %dma_wait3A_448, %dma_wait3A_449] : memref<2x1280x32xf32, #tpu.memory_space<vmem>> -> memref<1x1280x32xf32, #tpu.memory_space<vmem>>
        %dma_wait3A_451 = tpu.memref_squeeze %dma_wait3A_450 : memref<1x1280x32xf32, #tpu.memory_space<vmem>> -> memref<1280x32xf32, #tpu.memory_space<vmem>>
        %dma_wait3A_452 = arith.constant 0 : i32
        %dma_wait3A_453 = arith.constant 0 : i32
        %dma_wait3A_454 = tpu.memref_slice %arg2[%dma_wait3A_452, %dma_wait3A_453] : memref<10240x32xf32, #tpu.memory_space<hbm>> -> memref<1280x32xf32, #tpu.memory_space<hbm>>
        tpu.wait_dma2 semaphore(%arg12 : memref<!tpu.dma_semaphore, #tpu.memory_space<semaphore_mem>>) src(%dma_wait3A_454 : memref<1280x32xf32, #tpu.memory_space<hbm>>) dst(%dma_wait3A_451 : memref<1280x32xf32, #tpu.memory_space<vmem>>)
      } else {
      }
      %add3A_234 = arith.constant 1 : i32
      %add3A_235 = arith.addi %scan3A_229, %add3A_234 : i32
      %lt3A = arith.constant 8 : i32
      %lt3A_236 = arith.cmpi slt, %add3A_235, %lt3A : i32
      %convert_element_type3A_237 = arith.extui %lt3A_236 : i1 to i32
      %cond3A_238 = arith.constant 0 : i32
      %cond3A_239 = arith.cmpi ne, %convert_element_type3A_237, %cond3A_238 : i32
      scf.if %cond3A_239 {
        %add3A_441 = arith.constant 1 : i32
        %add3A_442 = arith.addi %scan3A_229, %add3A_441 : i32
        "tpu.region"() ({
          %run_scoped3A_445 = tpu.sem_alloc : memref<!tpu.dma_semaphore, #tpu.memory_space<semaphore_mem>>
          %dma_start3A_446 = arith.constant 0 : i32
          %dma_start3A_447 = arith.constant 0 : i32
          %dma_start3A_448 = tpu.memref_slice %arg7[%sub3A_231, %dma_start3A_446, %dma_start3A_447] : memref<2x10x128xi32, #tpu.memory_space<vmem>> -> memref<1x10x128xi32, #tpu.memory_space<vmem>>
          %dma_start3A_449 = tpu.memref_squeeze %dma_start3A_448 : memref<1x10x128xi32, #tpu.memory_space<vmem>> -> memref<10x128xi32, #tpu.memory_space<vmem>>
          %dma_start3A_450 = arith.constant 0 : i32
          %dma_start3A_451 = arith.constant 0 : i32
          %dma_start3A_452 = tpu.memref_slice %arg3[%add3A, %add3A_442, %dma_start3A_450, %dma_start3A_451] : memref<32x8x10x128xi32, #tpu.memory_space<hbm>> -> memref<1x1x10x128xi32, #tpu.memory_space<hbm>>
          %dma_start3A_453 = tpu.memref_squeeze %dma_start3A_452 : memref<1x1x10x128xi32, #tpu.memory_space<hbm>> -> memref<10x128xi32, #tpu.memory_space<hbm>>
          %dma_start3A_454 = arith.constant 0 : i32
          %dma_start3A_455 = arith.constant 0 : i32
          %dma_start3A_456 = tpu.memref_slice %arg7[%sub3A_231, %dma_start3A_454, %dma_start3A_455] : memref<2x10x128xi32, #tpu.memory_space<vmem>> -> memref<1x10x128xi32, #tpu.memory_space<vmem>>
          %dma_start3A_457 = tpu.memref_squeeze %dma_start3A_456 : memref<1x10x128xi32, #tpu.memory_space<vmem>> -> memref<10x128xi32, #tpu.memory_space<vmem>>
          %dma_start3A_458 = arith.constant 0 : i32
          %dma_start3A_459 = arith.constant 0 : i32
          %dma_start3A_460 = tpu.memref_slice %arg3[%add3A, %add3A_442, %dma_start3A_458, %dma_start3A_459] : memref<32x8x10x128xi32, #tpu.memory_space<hbm>> -> memref<1x1x10x128xi32, #tpu.memory_space<hbm>>
          %dma_start3A_461 = tpu.memref_squeeze %dma_start3A_460 : memref<1x1x10x128xi32, #tpu.memory_space<hbm>> -> memref<10x128xi32, #tpu.memory_space<hbm>>
          tpu.enqueue_dma source(%dma_start3A_461 : memref<10x128xi32, #tpu.memory_space<hbm>>) target(%dma_start3A_457 : memref<10x128xi32, #tpu.memory_space<vmem>>) target_semaphore(%run_scoped3A_445 : memref<!tpu.dma_semaphore, #tpu.memory_space<semaphore_mem>>)
          %dma_wait3A_462 = arith.constant 0 : i32
          %dma_wait3A_463 = arith.constant 0 : i32
          %dma_wait3A_464 = tpu.memref_slice %arg7[%sub3A_231, %dma_wait3A_462, %dma_wait3A_463] : memref<2x10x128xi32, #tpu.memory_space<vmem>> -> memref<1x10x128xi32, #tpu.memory_space<vmem>>
          %dma_wait3A_465 = tpu.memref_squeeze %dma_wait3A_464 : memref<1x10x128xi32, #tpu.memory_space<vmem>> -> memref<10x128xi32, #tpu.memory_space<vmem>>
          %dma_wait3A_466 = arith.constant 0 : i32
          %dma_wait3A_467 = arith.constant 0 : i32
          %dma_wait3A_468 = tpu.memref_slice %arg3[%add3A, %add3A_442, %dma_wait3A_466, %dma_wait3A_467] : memref<32x8x10x128xi32, #tpu.memory_space<hbm>> -> memref<1x1x10x128xi32, #tpu.memory_space<hbm>>
          %dma_wait3A_469 = tpu.memref_squeeze %dma_wait3A_468 : memref<1x1x10x128xi32, #tpu.memory_space<hbm>> -> memref<10x128xi32, #tpu.memory_space<hbm>>
          %dma_wait3A_470 = arith.constant 0 : i32
          %dma_wait3A_471 = arith.constant 0 : i32
          %dma_wait3A_472 = tpu.memref_slice %arg7[%sub3A_231, %dma_wait3A_470, %dma_wait3A_471] : memref<2x10x128xi32, #tpu.memory_space<vmem>> -> memref<1x10x128xi32, #tpu.memory_space<vmem>>
          %dma_wait3A_473 = tpu.memref_squeeze %dma_wait3A_472 : memref<1x10x128xi32, #tpu.memory_space<vmem>> -> memref<10x128xi32, #tpu.memory_space<vmem>>
          %dma_wait3A_474 = arith.constant 0 : i32
          %dma_wait3A_475 = arith.constant 0 : i32
          %dma_wait3A_476 = tpu.memref_slice %arg3[%add3A, %add3A_442, %dma_wait3A_474, %dma_wait3A_475] : memref<32x8x10x128xi32, #tpu.memory_space<hbm>> -> memref<1x1x10x128xi32, #tpu.memory_space<hbm>>
          %dma_wait3A_477 = tpu.memref_squeeze %dma_wait3A_476 : memref<1x1x10x128xi32, #tpu.memory_space<hbm>> -> memref<10x128xi32, #tpu.memory_space<hbm>>
          tpu.wait_dma2 semaphore(%run_scoped3A_445 : memref<!tpu.dma_semaphore, #tpu.memory_space<semaphore_mem>>) src(%dma_wait3A_477 : memref<10x128xi32, #tpu.memory_space<hbm>>) dst(%dma_wait3A_473 : memref<10x128xi32, #tpu.memory_space<vmem>>)
          tpu.yield
        }) : () -> ()
        %add3A_443 = arith.constant 1 : i32
        %add3A_444 = arith.addi %scan3A_229, %add3A_443 : i32
        "tpu.region"() ({
          %run_scoped3A_445 = tpu.sem_alloc : memref<!tpu.dma_semaphore, #tpu.memory_space<semaphore_mem>>
          %dma_start3A_446 = arith.constant 0 : i32
          %dma_start3A_447 = arith.constant 0 : i32
          %dma_start3A_448 = tpu.memref_slice %arg8[%sub3A_231, %dma_start3A_446, %dma_start3A_447] : memref<2x10x128xi32, #tpu.memory_space<vmem>> -> memref<1x10x128xi32, #tpu.memory_space<vmem>>
          %dma_start3A_449 = tpu.memref_squeeze %dma_start3A_448 : memref<1x10x128xi32, #tpu.memory_space<vmem>> -> memref<10x128xi32, #tpu.memory_space<vmem>>
          %dma_start3A_450 = arith.constant 0 : i32
          %dma_start3A_451 = arith.constant 0 : i32
          %dma_start3A_452 = tpu.memref_slice %arg4[%add3A, %add3A_444, %dma_start3A_450, %dma_start3A_451] : memref<32x8x10x128xi32, #tpu.memory_space<hbm>> -> memref<1x1x10x128xi32, #tpu.memory_space<hbm>>
          %dma_start3A_453 = tpu.memref_squeeze %dma_start3A_452 : memref<1x1x10x128xi32, #tpu.memory_space<hbm>> -> memref<10x128xi32, #tpu.memory_space<hbm>>
          %dma_start3A_454 = arith.constant 0 : i32
          %dma_start3A_455 = arith.constant 0 : i32
          %dma_start3A_456 = tpu.memref_slice %arg8[%sub3A_231, %dma_start3A_454, %dma_start3A_455] : memref<2x10x128xi32, #tpu.memory_space<vmem>> -> memref<1x10x128xi32, #tpu.memory_space<vmem>>
          %dma_start3A_457 = tpu.memref_squeeze %dma_start3A_456 : memref<1x10x128xi32, #tpu.memory_space<vmem>> -> memref<10x128xi32, #tpu.memory_space<vmem>>
          %dma_start3A_458 = arith.constant 0 : i32
          %dma_start3A_459 = arith.constant 0 : i32
          %dma_start3A_460 = tpu.memref_slice %arg4[%add3A, %add3A_444, %dma_start3A_458, %dma_start3A_459] : memref<32x8x10x128xi32, #tpu.memory_space<hbm>> -> memref<1x1x10x128xi32, #tpu.memory_space<hbm>>
          %dma_start3A_461 = tpu.memref_squeeze %dma_start3A_460 : memref<1x1x10x128xi32, #tpu.memory_space<hbm>> -> memref<10x128xi32, #tpu.memory_space<hbm>>
          tpu.enqueue_dma source(%dma_start3A_461 : memref<10x128xi32, #tpu.memory_space<hbm>>) target(%dma_start3A_457 : memref<10x128xi32, #tpu.memory_space<vmem>>) target_semaphore(%run_scoped3A_445 : memref<!tpu.dma_semaphore, #tpu.memory_space<semaphore_mem>>)
          %dma_wait3A_462 = arith.constant 0 : i32
          %dma_wait3A_463 = arith.constant 0 : i32
          %dma_wait3A_464 = tpu.memref_slice %arg8[%sub3A_231, %dma_wait3A_462, %dma_wait3A_463] : memref<2x10x128xi32, #tpu.memory_space<vmem>> -> memref<1x10x128xi32, #tpu.memory_space<vmem>>
          %dma_wait3A_465 = tpu.memref_squeeze %dma_wait3A_464 : memref<1x10x128xi32, #tpu.memory_space<vmem>> -> memref<10x128xi32, #tpu.memory_space<vmem>>
          %dma_wait3A_466 = arith.constant 0 : i32
          %dma_wait3A_467 = arith.constant 0 : i32
          %dma_wait3A_468 = tpu.memref_slice %arg4[%add3A, %add3A_444, %dma_wait3A_466, %dma_wait3A_467] : memref<32x8x10x128xi32, #tpu.memory_space<hbm>> -> memref<1x1x10x128xi32, #tpu.memory_space<hbm>>
          %dma_wait3A_469 = tpu.memref_squeeze %dma_wait3A_468 : memref<1x1x10x128xi32, #tpu.memory_space<hbm>> -> memref<10x128xi32, #tpu.memory_space<hbm>>
          %dma_wait3A_470 = arith.constant 0 : i32
          %dma_wait3A_471 = arith.constant 0 : i32
          %dma_wait3A_472 = tpu.memref_slice %arg8[%sub3A_231, %dma_wait3A_470, %dma_wait3A_471] : memref<2x10x128xi32, #tpu.memory_space<vmem>> -> memref<1x10x128xi32, #tpu.memory_space<vmem>>
          %dma_wait3A_473 = tpu.memref_squeeze %dma_wait3A_472 : memref<1x10x128xi32, #tpu.memory_space<vmem>> -> memref<10x128xi32, #tpu.memory_space<vmem>>
          %dma_wait3A_474 = arith.constant 0 : i32
          %dma_wait3A_475 = arith.constant 0 : i32
          %dma_wait3A_476 = tpu.memref_slice %arg4[%add3A, %add3A_444, %dma_wait3A_474, %dma_wait3A_475] : memref<32x8x10x128xi32, #tpu.memory_space<hbm>> -> memref<1x1x10x128xi32, #tpu.memory_space<hbm>>
          %dma_wait3A_477 = tpu.memref_squeeze %dma_wait3A_476 : memref<1x1x10x128xi32, #tpu.memory_space<hbm>> -> memref<10x128xi32, #tpu.memory_space<hbm>>
          tpu.wait_dma2 semaphore(%run_scoped3A_445 : memref<!tpu.dma_semaphore, #tpu.memory_space<semaphore_mem>>) src(%dma_wait3A_477 : memref<10x128xi32, #tpu.memory_space<hbm>>) dst(%dma_wait3A_473 : memref<10x128xi32, #tpu.memory_space<vmem>>)
          tpu.yield
        }) : () -> ()
      } else {
      }
      %dma_wait3A_240 = arith.constant 0 : i32
      %dma_wait3A_241 = arith.constant 0 : i32
      %dma_wait3A_242 = tpu.memref_slice %arg9[%and3A_230, %dma_wait3A_240, %dma_wait3A_241] : memref<2x1280x32xf32, #tpu.memory_space<vmem>> -> memref<1x1280x32xf32, #tpu.memory_space<vmem>>
      %dma_wait3A_243 = tpu.memref_squeeze %dma_wait3A_242 : memref<1x1280x32xf32, #tpu.memory_space<vmem>> -> memref<1280x32xf32, #tpu.memory_space<vmem>>
      %dma_wait3A_244 = arith.constant 0 : i32
      %dma_wait3A_245 = arith.constant 0 : i32
      %dma_wait3A_246 = tpu.memref_slice %arg2[%dma_wait3A_244, %dma_wait3A_245] : memref<10240x32xf32, #tpu.memory_space<hbm>> -> memref<1280x32xf32, #tpu.memory_space<hbm>>
      %dma_wait3A_247 = arith.constant 0 : i32
      %dma_wait3A_248 = arith.constant 0 : i32
      %dma_wait3A_249 = tpu.memref_slice %arg9[%and3A_230, %dma_wait3A_247, %dma_wait3A_248] : memref<2x1280x32xf32, #tpu.memory_space<vmem>> -> memref<1x1280x32xf32, #tpu.memory_space<vmem>>
      %dma_wait3A_250 = tpu.memref_squeeze %dma_wait3A_249 : memref<1x1280x32xf32, #tpu.memory_space<vmem>> -> memref<1280x32xf32, #tpu.memory_space<vmem>>
      %dma_wait3A_251 = arith.constant 0 : i32
      %dma_wait3A_252 = arith.constant 0 : i32
      %dma_wait3A_253 = tpu.memref_slice %arg2[%dma_wait3A_251, %dma_wait3A_252] : memref<10240x32xf32, #tpu.memory_space<hbm>> -> memref<1280x32xf32, #tpu.memory_space<hbm>>
      tpu.wait_dma2 semaphore(%arg11 : memref<!tpu.dma_semaphore, #tpu.memory_space<semaphore_mem>>) src(%dma_wait3A_253 : memref<1280x32xf32, #tpu.memory_space<hbm>>) dst(%dma_wait3A_250 : memref<1280x32xf32, #tpu.memory_space<vmem>>)
      %add3A_254 = arith.constant 1 : i32
      %add3A_255 = arith.addi %scan3A_229, %add3A_254 : i32
      %lt3A_256 = arith.constant 8 : i32
      %lt3A_257 = arith.cmpi slt, %add3A_255, %lt3A_256 : i32
      %convert_element_type3A_258 = arith.extui %lt3A_257 : i1 to i32
      %cond3A_259 = arith.constant 0 : i32
      %cond3A_260 = arith.cmpi ne, %convert_element_type3A_258, %cond3A_259 : i32
      scf.if %cond3A_260 {
        %dma_start3A_441 = arith.constant 0 : i32
        %dma_start3A_442 = arith.constant 0 : i32
        %dma_start3A_443 = arith.constant 0 : i32
        %dma_start3A_444 = tpu.memref_slice %arg9[%sub3A_231, %dma_start3A_442, %dma_start3A_443] : memref<2x1280x32xf32, #tpu.memory_space<vmem>> -> memref<1x1280x32xf32, #tpu.memory_space<vmem>>
        %dma_start3A_445 = tpu.memref_squeeze %dma_start3A_444 : memref<1x1280x32xf32, #tpu.memory_space<vmem>> -> memref<1280x32xf32, #tpu.memory_space<vmem>>
        %dma_start3A_446 = arith.constant 0 : i32
        %dma_start3A_447 = arith.constant 0 : i32
        %dma_start3A_448 = tpu.memref_slice %dma_start3A_445[%dma_start3A_446, %dma_start3A_447] : memref<1280x32xf32, #tpu.memory_space<vmem>> -> memref<128x32xf32, #tpu.memory_space<vmem>>
        %dma_start3A_449 = arith.constant 0 : i32
        %dma_start3A_450 = arith.constant 0 : i32
        %dma_start3A_451 = tpu.memref_slice %arg7[%sub3A_231, %dma_start3A_449, %dma_start3A_450] : memref<2x10x128xi32, #tpu.memory_space<vmem>> -> memref<1x10x128xi32, #tpu.memory_space<vmem>>
        %dma_start3A_452 = tpu.memref_squeeze %dma_start3A_451 : memref<1x10x128xi32, #tpu.memory_space<vmem>> -> memref<10x128xi32, #tpu.memory_space<vmem>>
        %dma_start3A_453 = arith.constant 0 : i32
        %dma_start3A_454 = tpu.memref_slice %dma_start3A_452[%dma_start3A_441, %dma_start3A_453] : memref<10x128xi32, #tpu.memory_space<vmem>> -> memref<1x128xi32, #tpu.memory_space<vmem>>
        %dma_start3A_455 = tpu.memref_squeeze %dma_start3A_454 : memref<1x128xi32, #tpu.memory_space<vmem>> -> memref<128xi32, #tpu.memory_space<vmem>>
        %dma_start3A_456 = arith.constant 0 : i32
        %dma_start3A_457 = arith.constant 0 : i32
        %dma_start3A_458 = tpu.memref_slice %arg2[%dma_start3A_456, %dma_start3A_457] : memref<10240x32xf32, #tpu.memory_space<hbm>> -> memref<10240x32xf32, #tpu.memory_space<hbm>>
        tpu.enqueue_indirect_dma source(%dma_start3A_458 : memref<10240x32xf32, #tpu.memory_space<hbm>>) target(%dma_start3A_448 : memref<128x32xf32, #tpu.memory_space<vmem>>) offsets(%dma_start3A_455 : memref<128xi32, #tpu.memory_space<vmem>>) semaphore(%arg11 : memref<!tpu.dma_semaphore, #tpu.memory_space<semaphore_mem>>)
        %dma_start3A_459 = arith.constant 1 : i32
        %dma_start3A_460 = arith.constant 0 : i32
        %dma_start3A_461 = arith.constant 0 : i32
        %dma_start3A_462 = tpu.memref_slice %arg9[%sub3A_231, %dma_start3A_460, %dma_start3A_461] : memref<2x1280x32xf32, #tpu.memory_space<vmem>> -> memref<1x1280x32xf32, #tpu.memory_space<vmem>>
        %dma_start3A_463 = tpu.memref_squeeze %dma_start3A_462 : memref<1x1280x32xf32, #tpu.memory_space<vmem>> -> memref<1280x32xf32, #tpu.memory_space<vmem>>
        %dma_start3A_464 = arith.constant 128 : i32
        %dma_start3A_465 = arith.constant 0 : i32
        %dma_start3A_466 = tpu.memref_slice %dma_start3A_463[%dma_start3A_464, %dma_start3A_465] : memref<1280x32xf32, #tpu.memory_space<vmem>> -> memref<128x32xf32, #tpu.memory_space<vmem>>
        %dma_start3A_467 = arith.constant 0 : i32
        %dma_start3A_468 = arith.constant 0 : i32
        %dma_start3A_469 = tpu.memref_slice %arg7[%sub3A_231, %dma_start3A_467, %dma_start3A_468] : memref<2x10x128xi32, #tpu.memory_space<vmem>> -> memref<1x10x128xi32, #tpu.memory_space<vmem>>
        %dma_start3A_470 = tpu.memref_squeeze %dma_start3A_469 : memref<1x10x128xi32, #tpu.memory_space<vmem>> -> memref<10x128xi32, #tpu.memory_space<vmem>>
        %dma_start3A_471 = arith.constant 0 : i32
        %dma_start3A_472 = tpu.memref_slice %dma_start3A_470[%dma_start3A_459, %dma_start3A_471] : memref<10x128xi32, #tpu.memory_space<vmem>> -> memref<1x128xi32, #tpu.memory_space<vmem>>
        %dma_start3A_473 = tpu.memref_squeeze %dma_start3A_472 : memref<1x128xi32, #tpu.memory_space<vmem>> -> memref<128xi32, #tpu.memory_space<vmem>>
        %dma_start3A_474 = arith.constant 0 : i32
        %dma_start3A_475 = arith.constant 0 : i32
        %dma_start3A_476 = tpu.memref_slice %arg2[%dma_start3A_474, %dma_start3A_475] : memref<10240x32xf32, #tpu.memory_space<hbm>> -> memref<10240x32xf32, #tpu.memory_space<hbm>>
        tpu.enqueue_indirect_dma source(%dma_start3A_476 : memref<10240x32xf32, #tpu.memory_space<hbm>>) target(%dma_start3A_466 : memref<128x32xf32, #tpu.memory_space<vmem>>) offsets(%dma_start3A_473 : memref<128xi32, #tpu.memory_space<vmem>>) semaphore(%arg11 : memref<!tpu.dma_semaphore, #tpu.memory_space<semaphore_mem>>)
        %dma_start3A_477 = arith.constant 2 : i32
        %dma_start3A_478 = arith.constant 0 : i32
        %dma_start3A_479 = arith.constant 0 : i32
        %dma_start3A_480 = tpu.memref_slice %arg9[%sub3A_231, %dma_start3A_478, %dma_start3A_479] : memref<2x1280x32xf32, #tpu.memory_space<vmem>> -> memref<1x1280x32xf32, #tpu.memory_space<vmem>>
        %dma_start3A_481 = tpu.memref_squeeze %dma_start3A_480 : memref<1x1280x32xf32, #tpu.memory_space<vmem>> -> memref<1280x32xf32, #tpu.memory_space<vmem>>
        %dma_start3A_482 = arith.constant 256 : i32
        %dma_start3A_483 = arith.constant 0 : i32
        %dma_start3A_484 = tpu.memref_slice %dma_start3A_481[%dma_start3A_482, %dma_start3A_483] : memref<1280x32xf32, #tpu.memory_space<vmem>> -> memref<128x32xf32, #tpu.memory_space<vmem>>
        %dma_start3A_485 = arith.constant 0 : i32
        %dma_start3A_486 = arith.constant 0 : i32
        %dma_start3A_487 = tpu.memref_slice %arg7[%sub3A_231, %dma_start3A_485, %dma_start3A_486] : memref<2x10x128xi32, #tpu.memory_space<vmem>> -> memref<1x10x128xi32, #tpu.memory_space<vmem>>
        %dma_start3A_488 = tpu.memref_squeeze %dma_start3A_487 : memref<1x10x128xi32, #tpu.memory_space<vmem>> -> memref<10x128xi32, #tpu.memory_space<vmem>>
        %dma_start3A_489 = arith.constant 0 : i32
        %dma_start3A_490 = tpu.memref_slice %dma_start3A_488[%dma_start3A_477, %dma_start3A_489] : memref<10x128xi32, #tpu.memory_space<vmem>> -> memref<1x128xi32, #tpu.memory_space<vmem>>
        %dma_start3A_491 = tpu.memref_squeeze %dma_start3A_490 : memref<1x128xi32, #tpu.memory_space<vmem>> -> memref<128xi32, #tpu.memory_space<vmem>>
        %dma_start3A_492 = arith.constant 0 : i32
        %dma_start3A_493 = arith.constant 0 : i32
        %dma_start3A_494 = tpu.memref_slice %arg2[%dma_start3A_492, %dma_start3A_493] : memref<10240x32xf32, #tpu.memory_space<hbm>> -> memref<10240x32xf32, #tpu.memory_space<hbm>>
        tpu.enqueue_indirect_dma source(%dma_start3A_494 : memref<10240x32xf32, #tpu.memory_space<hbm>>) target(%dma_start3A_484 : memref<128x32xf32, #tpu.memory_space<vmem>>) offsets(%dma_start3A_491 : memref<128xi32, #tpu.memory_space<vmem>>) semaphore(%arg11 : memref<!tpu.dma_semaphore, #tpu.memory_space<semaphore_mem>>)
        %dma_start3A_495 = arith.constant 3 : i32
        %dma_start3A_496 = arith.constant 0 : i32
        %dma_start3A_497 = arith.constant 0 : i32
        %dma_start3A_498 = tpu.memref_slice %arg9[%sub3A_231, %dma_start3A_496, %dma_start3A_497] : memref<2x1280x32xf32, #tpu.memory_space<vmem>> -> memref<1x1280x32xf32, #tpu.memory_space<vmem>>
        %dma_start3A_499 = tpu.memref_squeeze %dma_start3A_498 : memref<1x1280x32xf32, #tpu.memory_space<vmem>> -> memref<1280x32xf32, #tpu.memory_space<vmem>>
        %dma_start3A_500 = arith.constant 384 : i32
        %dma_start3A_501 = arith.constant 0 : i32
        %dma_start3A_502 = tpu.memref_slice %dma_start3A_499[%dma_start3A_500, %dma_start3A_501] : memref<1280x32xf32, #tpu.memory_space<vmem>> -> memref<128x32xf32, #tpu.memory_space<vmem>>
        %dma_start3A_503 = arith.constant 0 : i32
        %dma_start3A_504 = arith.constant 0 : i32
        %dma_start3A_505 = tpu.memref_slice %arg7[%sub3A_231, %dma_start3A_503, %dma_start3A_504] : memref<2x10x128xi32, #tpu.memory_space<vmem>> -> memref<1x10x128xi32, #tpu.memory_space<vmem>>
        %dma_start3A_506 = tpu.memref_squeeze %dma_start3A_505 : memref<1x10x128xi32, #tpu.memory_space<vmem>> -> memref<10x128xi32, #tpu.memory_space<vmem>>
        %dma_start3A_507 = arith.constant 0 : i32
        %dma_start3A_508 = tpu.memref_slice %dma_start3A_506[%dma_start3A_495, %dma_start3A_507] : memref<10x128xi32, #tpu.memory_space<vmem>> -> memref<1x128xi32, #tpu.memory_space<vmem>>
        %dma_start3A_509 = tpu.memref_squeeze %dma_start3A_508 : memref<1x128xi32, #tpu.memory_space<vmem>> -> memref<128xi32, #tpu.memory_space<vmem>>
        %dma_start3A_510 = arith.constant 0 : i32
        %dma_start3A_511 = arith.constant 0 : i32
        %dma_start3A_512 = tpu.memref_slice %arg2[%dma_start3A_510, %dma_start3A_511] : memref<10240x32xf32, #tpu.memory_space<hbm>> -> memref<10240x32xf32, #tpu.memory_space<hbm>>
        tpu.enqueue_indirect_dma source(%dma_start3A_512 : memref<10240x32xf32, #tpu.memory_space<hbm>>) target(%dma_start3A_502 : memref<128x32xf32, #tpu.memory_space<vmem>>) offsets(%dma_start3A_509 : memref<128xi32, #tpu.memory_space<vmem>>) semaphore(%arg11 : memref<!tpu.dma_semaphore, #tpu.memory_space<semaphore_mem>>)
        %dma_start3A_513 = arith.constant 4 : i32
        %dma_start3A_514 = arith.constant 0 : i32
        %dma_start3A_515 = arith.constant 0 : i32
        %dma_start3A_516 = tpu.memref_slice %arg9[%sub3A_231, %dma_start3A_514, %dma_start3A_515] : memref<2x1280x32xf32, #tpu.memory_space<vmem>> -> memref<1x1280x32xf32, #tpu.memory_space<vmem>>
        %dma_start3A_517 = tpu.memref_squeeze %dma_start3A_516 : memref<1x1280x32xf32, #tpu.memory_space<vmem>> -> memref<1280x32xf32, #tpu.memory_space<vmem>>
        %dma_start3A_518 = arith.constant 512 : i32
        %dma_start3A_519 = arith.constant 0 : i32
        %dma_start3A_520 = tpu.memref_slice %dma_start3A_517[%dma_start3A_518, %dma_start3A_519] : memref<1280x32xf32, #tpu.memory_space<vmem>> -> memref<128x32xf32, #tpu.memory_space<vmem>>
        %dma_start3A_521 = arith.constant 0 : i32
        %dma_start3A_522 = arith.constant 0 : i32
        %dma_start3A_523 = tpu.memref_slice %arg7[%sub3A_231, %dma_start3A_521, %dma_start3A_522] : memref<2x10x128xi32, #tpu.memory_space<vmem>> -> memref<1x10x128xi32, #tpu.memory_space<vmem>>
        %dma_start3A_524 = tpu.memref_squeeze %dma_start3A_523 : memref<1x10x128xi32, #tpu.memory_space<vmem>> -> memref<10x128xi32, #tpu.memory_space<vmem>>
        %dma_start3A_525 = arith.constant 0 : i32
        %dma_start3A_526 = tpu.memref_slice %dma_start3A_524[%dma_start3A_513, %dma_start3A_525] : memref<10x128xi32, #tpu.memory_space<vmem>> -> memref<1x128xi32, #tpu.memory_space<vmem>>
        %dma_start3A_527 = tpu.memref_squeeze %dma_start3A_526 : memref<1x128xi32, #tpu.memory_space<vmem>> -> memref<128xi32, #tpu.memory_space<vmem>>
        %dma_start3A_528 = arith.constant 0 : i32
        %dma_start3A_529 = arith.constant 0 : i32
        %dma_start3A_530 = tpu.memref_slice %arg2[%dma_start3A_528, %dma_start3A_529] : memref<10240x32xf32, #tpu.memory_space<hbm>> -> memref<10240x32xf32, #tpu.memory_space<hbm>>
        tpu.enqueue_indirect_dma source(%dma_start3A_530 : memref<10240x32xf32, #tpu.memory_space<hbm>>) target(%dma_start3A_520 : memref<128x32xf32, #tpu.memory_space<vmem>>) offsets(%dma_start3A_527 : memref<128xi32, #tpu.memory_space<vmem>>) semaphore(%arg11 : memref<!tpu.dma_semaphore, #tpu.memory_space<semaphore_mem>>)
        %dma_start3A_531 = arith.constant 5 : i32
        %dma_start3A_532 = arith.constant 0 : i32
        %dma_start3A_533 = arith.constant 0 : i32
        %dma_start3A_534 = tpu.memref_slice %arg9[%sub3A_231, %dma_start3A_532, %dma_start3A_533] : memref<2x1280x32xf32, #tpu.memory_space<vmem>> -> memref<1x1280x32xf32, #tpu.memory_space<vmem>>
        %dma_start3A_535 = tpu.memref_squeeze %dma_start3A_534 : memref<1x1280x32xf32, #tpu.memory_space<vmem>> -> memref<1280x32xf32, #tpu.memory_space<vmem>>
        %dma_start3A_536 = arith.constant 640 : i32
        %dma_start3A_537 = arith.constant 0 : i32
        %dma_start3A_538 = tpu.memref_slice %dma_start3A_535[%dma_start3A_536, %dma_start3A_537] : memref<1280x32xf32, #tpu.memory_space<vmem>> -> memref<128x32xf32, #tpu.memory_space<vmem>>
        %dma_start3A_539 = arith.constant 0 : i32
        %dma_start3A_540 = arith.constant 0 : i32
        %dma_start3A_541 = tpu.memref_slice %arg7[%sub3A_231, %dma_start3A_539, %dma_start3A_540] : memref<2x10x128xi32, #tpu.memory_space<vmem>> -> memref<1x10x128xi32, #tpu.memory_space<vmem>>
        %dma_start3A_542 = tpu.memref_squeeze %dma_start3A_541 : memref<1x10x128xi32, #tpu.memory_space<vmem>> -> memref<10x128xi32, #tpu.memory_space<vmem>>
        %dma_start3A_543 = arith.constant 0 : i32
        %dma_start3A_544 = tpu.memref_slice %dma_start3A_542[%dma_start3A_531, %dma_start3A_543] : memref<10x128xi32, #tpu.memory_space<vmem>> -> memref<1x128xi32, #tpu.memory_space<vmem>>
        %dma_start3A_545 = tpu.memref_squeeze %dma_start3A_544 : memref<1x128xi32, #tpu.memory_space<vmem>> -> memref<128xi32, #tpu.memory_space<vmem>>
        %dma_start3A_546 = arith.constant 0 : i32
        %dma_start3A_547 = arith.constant 0 : i32
        %dma_start3A_548 = tpu.memref_slice %arg2[%dma_start3A_546, %dma_start3A_547] : memref<10240x32xf32, #tpu.memory_space<hbm>> -> memref<10240x32xf32, #tpu.memory_space<hbm>>
        tpu.enqueue_indirect_dma source(%dma_start3A_548 : memref<10240x32xf32, #tpu.memory_space<hbm>>) target(%dma_start3A_538 : memref<128x32xf32, #tpu.memory_space<vmem>>) offsets(%dma_start3A_545 : memref<128xi32, #tpu.memory_space<vmem>>) semaphore(%arg11 : memref<!tpu.dma_semaphore, #tpu.memory_space<semaphore_mem>>)
        %dma_start3A_549 = arith.constant 6 : i32
        %dma_start3A_550 = arith.constant 0 : i32
        %dma_start3A_551 = arith.constant 0 : i32
        %dma_start3A_552 = tpu.memref_slice %arg9[%sub3A_231, %dma_start3A_550, %dma_start3A_551] : memref<2x1280x32xf32, #tpu.memory_space<vmem>> -> memref<1x1280x32xf32, #tpu.memory_space<vmem>>
        %dma_start3A_553 = tpu.memref_squeeze %dma_start3A_552 : memref<1x1280x32xf32, #tpu.memory_space<vmem>> -> memref<1280x32xf32, #tpu.memory_space<vmem>>
        %dma_start3A_554 = arith.constant 768 : i32
        %dma_start3A_555 = arith.constant 0 : i32
        %dma_start3A_556 = tpu.memref_slice %dma_start3A_553[%dma_start3A_554, %dma_start3A_555] : memref<1280x32xf32, #tpu.memory_space<vmem>> -> memref<128x32xf32, #tpu.memory_space<vmem>>
        %dma_start3A_557 = arith.constant 0 : i32
        %dma_start3A_558 = arith.constant 0 : i32
        %dma_start3A_559 = tpu.memref_slice %arg7[%sub3A_231, %dma_start3A_557, %dma_start3A_558] : memref<2x10x128xi32, #tpu.memory_space<vmem>> -> memref<1x10x128xi32, #tpu.memory_space<vmem>>
        %dma_start3A_560 = tpu.memref_squeeze %dma_start3A_559 : memref<1x10x128xi32, #tpu.memory_space<vmem>> -> memref<10x128xi32, #tpu.memory_space<vmem>>
        %dma_start3A_561 = arith.constant 0 : i32
        %dma_start3A_562 = tpu.memref_slice %dma_start3A_560[%dma_start3A_549, %dma_start3A_561] : memref<10x128xi32, #tpu.memory_space<vmem>> -> memref<1x128xi32, #tpu.memory_space<vmem>>
        %dma_start3A_563 = tpu.memref_squeeze %dma_start3A_562 : memref<1x128xi32, #tpu.memory_space<vmem>> -> memref<128xi32, #tpu.memory_space<vmem>>
        %dma_start3A_564 = arith.constant 0 : i32
        %dma_start3A_565 = arith.constant 0 : i32
        %dma_start3A_566 = tpu.memref_slice %arg2[%dma_start3A_564, %dma_start3A_565] : memref<10240x32xf32, #tpu.memory_space<hbm>> -> memref<10240x32xf32, #tpu.memory_space<hbm>>
        tpu.enqueue_indirect_dma source(%dma_start3A_566 : memref<10240x32xf32, #tpu.memory_space<hbm>>) target(%dma_start3A_556 : memref<128x32xf32, #tpu.memory_space<vmem>>) offsets(%dma_start3A_563 : memref<128xi32, #tpu.memory_space<vmem>>) semaphore(%arg11 : memref<!tpu.dma_semaphore, #tpu.memory_space<semaphore_mem>>)
        %dma_start3A_567 = arith.constant 7 : i32
        %dma_start3A_568 = arith.constant 0 : i32
        %dma_start3A_569 = arith.constant 0 : i32
        %dma_start3A_570 = tpu.memref_slice %arg9[%sub3A_231, %dma_start3A_568, %dma_start3A_569] : memref<2x1280x32xf32, #tpu.memory_space<vmem>> -> memref<1x1280x32xf32, #tpu.memory_space<vmem>>
        %dma_start3A_571 = tpu.memref_squeeze %dma_start3A_570 : memref<1x1280x32xf32, #tpu.memory_space<vmem>> -> memref<1280x32xf32, #tpu.memory_space<vmem>>
        %dma_start3A_572 = arith.constant 896 : i32
        %dma_start3A_573 = arith.constant 0 : i32
        %dma_start3A_574 = tpu.memref_slice %dma_start3A_571[%dma_start3A_572, %dma_start3A_573] : memref<1280x32xf32, #tpu.memory_space<vmem>> -> memref<128x32xf32, #tpu.memory_space<vmem>>
        %dma_start3A_575 = arith.constant 0 : i32
        %dma_start3A_576 = arith.constant 0 : i32
        %dma_start3A_577 = tpu.memref_slice %arg7[%sub3A_231, %dma_start3A_575, %dma_start3A_576] : memref<2x10x128xi32, #tpu.memory_space<vmem>> -> memref<1x10x128xi32, #tpu.memory_space<vmem>>
        %dma_start3A_578 = tpu.memref_squeeze %dma_start3A_577 : memref<1x10x128xi32, #tpu.memory_space<vmem>> -> memref<10x128xi32, #tpu.memory_space<vmem>>
        %dma_start3A_579 = arith.constant 0 : i32
        %dma_start3A_580 = tpu.memref_slice %dma_start3A_578[%dma_start3A_567, %dma_start3A_579] : memref<10x128xi32, #tpu.memory_space<vmem>> -> memref<1x128xi32, #tpu.memory_space<vmem>>
        %dma_start3A_581 = tpu.memref_squeeze %dma_start3A_580 : memref<1x128xi32, #tpu.memory_space<vmem>> -> memref<128xi32, #tpu.memory_space<vmem>>
        %dma_start3A_582 = arith.constant 0 : i32
        %dma_start3A_583 = arith.constant 0 : i32
        %dma_start3A_584 = tpu.memref_slice %arg2[%dma_start3A_582, %dma_start3A_583] : memref<10240x32xf32, #tpu.memory_space<hbm>> -> memref<10240x32xf32, #tpu.memory_space<hbm>>
        tpu.enqueue_indirect_dma source(%dma_start3A_584 : memref<10240x32xf32, #tpu.memory_space<hbm>>) target(%dma_start3A_574 : memref<128x32xf32, #tpu.memory_space<vmem>>) offsets(%dma_start3A_581 : memref<128xi32, #tpu.memory_space<vmem>>) semaphore(%arg11 : memref<!tpu.dma_semaphore, #tpu.memory_space<semaphore_mem>>)
        %dma_start3A_585 = arith.constant 8 : i32
        %dma_start3A_586 = arith.constant 0 : i32
        %dma_start3A_587 = arith.constant 0 : i32
        %dma_start3A_588 = tpu.memref_slice %arg9[%sub3A_231, %dma_start3A_586, %dma_start3A_587] : memref<2x1280x32xf32, #tpu.memory_space<vmem>> -> memref<1x1280x32xf32, #tpu.memory_space<vmem>>
        %dma_start3A_589 = tpu.memref_squeeze %dma_start3A_588 : memref<1x1280x32xf32, #tpu.memory_space<vmem>> -> memref<1280x32xf32, #tpu.memory_space<vmem>>
        %dma_start3A_590 = arith.constant 1024 : i32
        %dma_start3A_591 = arith.constant 0 : i32
        %dma_start3A_592 = tpu.memref_slice %dma_start3A_589[%dma_start3A_590, %dma_start3A_591] : memref<1280x32xf32, #tpu.memory_space<vmem>> -> memref<128x32xf32, #tpu.memory_space<vmem>>
        %dma_start3A_593 = arith.constant 0 : i32
        %dma_start3A_594 = arith.constant 0 : i32
        %dma_start3A_595 = tpu.memref_slice %arg7[%sub3A_231, %dma_start3A_593, %dma_start3A_594] : memref<2x10x128xi32, #tpu.memory_space<vmem>> -> memref<1x10x128xi32, #tpu.memory_space<vmem>>
        %dma_start3A_596 = tpu.memref_squeeze %dma_start3A_595 : memref<1x10x128xi32, #tpu.memory_space<vmem>> -> memref<10x128xi32, #tpu.memory_space<vmem>>
        %dma_start3A_597 = arith.constant 0 : i32
        %dma_start3A_598 = tpu.memref_slice %dma_start3A_596[%dma_start3A_585, %dma_start3A_597] : memref<10x128xi32, #tpu.memory_space<vmem>> -> memref<1x128xi32, #tpu.memory_space<vmem>>
        %dma_start3A_599 = tpu.memref_squeeze %dma_start3A_598 : memref<1x128xi32, #tpu.memory_space<vmem>> -> memref<128xi32, #tpu.memory_space<vmem>>
        %dma_start3A_600 = arith.constant 0 : i32
        %dma_start3A_601 = arith.constant 0 : i32
        %dma_start3A_602 = tpu.memref_slice %arg2[%dma_start3A_600, %dma_start3A_601] : memref<10240x32xf32, #tpu.memory_space<hbm>> -> memref<10240x32xf32, #tpu.memory_space<hbm>>
        tpu.enqueue_indirect_dma source(%dma_start3A_602 : memref<10240x32xf32, #tpu.memory_space<hbm>>) target(%dma_start3A_592 : memref<128x32xf32, #tpu.memory_space<vmem>>) offsets(%dma_start3A_599 : memref<128xi32, #tpu.memory_space<vmem>>) semaphore(%arg11 : memref<!tpu.dma_semaphore, #tpu.memory_space<semaphore_mem>>)
        %dma_start3A_603 = arith.constant 9 : i32
        %dma_start3A_604 = arith.constant 0 : i32
        %dma_start3A_605 = arith.constant 0 : i32
        %dma_start3A_606 = tpu.memref_slice %arg9[%sub3A_231, %dma_start3A_604, %dma_start3A_605] : memref<2x1280x32xf32, #tpu.memory_space<vmem>> -> memref<1x1280x32xf32, #tpu.memory_space<vmem>>
        %dma_start3A_607 = tpu.memref_squeeze %dma_start3A_606 : memref<1x1280x32xf32, #tpu.memory_space<vmem>> -> memref<1280x32xf32, #tpu.memory_space<vmem>>
        %dma_start3A_608 = arith.constant 1152 : i32
        %dma_start3A_609 = arith.constant 0 : i32
        %dma_start3A_610 = tpu.memref_slice %dma_start3A_607[%dma_start3A_608, %dma_start3A_609] : memref<1280x32xf32, #tpu.memory_space<vmem>> -> memref<128x32xf32, #tpu.memory_space<vmem>>
        %dma_start3A_611 = arith.constant 0 : i32
        %dma_start3A_612 = arith.constant 0 : i32
        %dma_start3A_613 = tpu.memref_slice %arg7[%sub3A_231, %dma_start3A_611, %dma_start3A_612] : memref<2x10x128xi32, #tpu.memory_space<vmem>> -> memref<1x10x128xi32, #tpu.memory_space<vmem>>
        %dma_start3A_614 = tpu.memref_squeeze %dma_start3A_613 : memref<1x10x128xi32, #tpu.memory_space<vmem>> -> memref<10x128xi32, #tpu.memory_space<vmem>>
        %dma_start3A_615 = arith.constant 0 : i32
        %dma_start3A_616 = tpu.memref_slice %dma_start3A_614[%dma_start3A_603, %dma_start3A_615] : memref<10x128xi32, #tpu.memory_space<vmem>> -> memref<1x128xi32, #tpu.memory_space<vmem>>
        %dma_start3A_617 = tpu.memref_squeeze %dma_start3A_616 : memref<1x128xi32, #tpu.memory_space<vmem>> -> memref<128xi32, #tpu.memory_space<vmem>>
        %dma_start3A_618 = arith.constant 0 : i32
        %dma_start3A_619 = arith.constant 0 : i32
        %dma_start3A_620 = tpu.memref_slice %arg2[%dma_start3A_618, %dma_start3A_619] : memref<10240x32xf32, #tpu.memory_space<hbm>> -> memref<10240x32xf32, #tpu.memory_space<hbm>>
        tpu.enqueue_indirect_dma source(%dma_start3A_620 : memref<10240x32xf32, #tpu.memory_space<hbm>>) target(%dma_start3A_610 : memref<128x32xf32, #tpu.memory_space<vmem>>) offsets(%dma_start3A_617 : memref<128xi32, #tpu.memory_space<vmem>>) semaphore(%arg11 : memref<!tpu.dma_semaphore, #tpu.memory_space<semaphore_mem>>)
      } else {
      }
      %dma_start3A_261 = arith.constant 0 : i32
      %dma_start3A_262 = arith.constant 0 : i32
      %dma_start3A_263 = arith.constant 0 : i32
      %dma_start3A_264 = tpu.memref_slice %arg9[%and3A_230, %dma_start3A_262, %dma_start3A_263] : memref<2x1280x32xf32, #tpu.memory_space<vmem>> -> memref<1x1280x32xf32, #tpu.memory_space<vmem>>
      %dma_start3A_265 = tpu.memref_squeeze %dma_start3A_264 : memref<1x1280x32xf32, #tpu.memory_space<vmem>> -> memref<1280x32xf32, #tpu.memory_space<vmem>>
      %dma_start3A_266 = arith.constant 0 : i32
      %dma_start3A_267 = arith.constant 0 : i32
      %dma_start3A_268 = tpu.memref_slice %dma_start3A_265[%dma_start3A_266, %dma_start3A_267] : memref<1280x32xf32, #tpu.memory_space<vmem>> -> memref<128x32xf32, #tpu.memory_space<vmem>>
      %dma_start3A_269 = arith.constant 0 : i32
      %dma_start3A_270 = arith.constant 0 : i32
      %dma_start3A_271 = tpu.memref_slice %arg8[%and3A_230, %dma_start3A_269, %dma_start3A_270] : memref<2x10x128xi32, #tpu.memory_space<vmem>> -> memref<1x10x128xi32, #tpu.memory_space<vmem>>
      %dma_start3A_272 = tpu.memref_squeeze %dma_start3A_271 : memref<1x10x128xi32, #tpu.memory_space<vmem>> -> memref<10x128xi32, #tpu.memory_space<vmem>>
      %dma_start3A_273 = arith.constant 0 : i32
      %dma_start3A_274 = tpu.memref_slice %dma_start3A_272[%dma_start3A_261, %dma_start3A_273] : memref<10x128xi32, #tpu.memory_space<vmem>> -> memref<1x128xi32, #tpu.memory_space<vmem>>
      %dma_start3A_275 = tpu.memref_squeeze %dma_start3A_274 : memref<1x128xi32, #tpu.memory_space<vmem>> -> memref<128xi32, #tpu.memory_space<vmem>>
      %dma_start3A_276 = arith.constant 0 : i32
      %dma_start3A_277 = arith.constant 0 : i32
      %dma_start3A_278 = tpu.memref_slice %arg10[%dma_start3A_276, %dma_start3A_277] : memref<10240x32xf32, #tpu.memory_space<vmem_shared>> -> memref<10240x32xf32, #tpu.memory_space<vmem_shared>>
      tpu.enqueue_indirect_dma source(%dma_start3A_268 : memref<128x32xf32, #tpu.memory_space<vmem>>) target(%dma_start3A_278 : memref<10240x32xf32, #tpu.memory_space<vmem_shared>>) offsets(%dma_start3A_275 : memref<128xi32, #tpu.memory_space<vmem>>) semaphore(%arg12 : memref<!tpu.dma_semaphore, #tpu.memory_space<semaphore_mem>>) {add = true}
      %dma_start3A_279 = arith.constant 1 : i32
      %dma_start3A_280 = arith.constant 0 : i32
      %dma_start3A_281 = arith.constant 0 : i32
      %dma_start3A_282 = tpu.memref_slice %arg9[%and3A_230, %dma_start3A_280, %dma_start3A_281] : memref<2x1280x32xf32, #tpu.memory_space<vmem>> -> memref<1x1280x32xf32, #tpu.memory_space<vmem>>
      %dma_start3A_283 = tpu.memref_squeeze %dma_start3A_282 : memref<1x1280x32xf32, #tpu.memory_space<vmem>> -> memref<1280x32xf32, #tpu.memory_space<vmem>>
      %dma_start3A_284 = arith.constant 128 : i32
      %dma_start3A_285 = arith.constant 0 : i32
      %dma_start3A_286 = tpu.memref_slice %dma_start3A_283[%dma_start3A_284, %dma_start3A_285] : memref<1280x32xf32, #tpu.memory_space<vmem>> -> memref<128x32xf32, #tpu.memory_space<vmem>>
      %dma_start3A_287 = arith.constant 0 : i32
      %dma_start3A_288 = arith.constant 0 : i32
      %dma_start3A_289 = tpu.memref_slice %arg8[%and3A_230, %dma_start3A_287, %dma_start3A_288] : memref<2x10x128xi32, #tpu.memory_space<vmem>> -> memref<1x10x128xi32, #tpu.memory_space<vmem>>
      %dma_start3A_290 = tpu.memref_squeeze %dma_start3A_289 : memref<1x10x128xi32, #tpu.memory_space<vmem>> -> memref<10x128xi32, #tpu.memory_space<vmem>>
      %dma_start3A_291 = arith.constant 0 : i32
      %dma_start3A_292 = tpu.memref_slice %dma_start3A_290[%dma_start3A_279, %dma_start3A_291] : memref<10x128xi32, #tpu.memory_space<vmem>> -> memref<1x128xi32, #tpu.memory_space<vmem>>
      %dma_start3A_293 = tpu.memref_squeeze %dma_start3A_292 : memref<1x128xi32, #tpu.memory_space<vmem>> -> memref<128xi32, #tpu.memory_space<vmem>>
      %dma_start3A_294 = arith.constant 0 : i32
      %dma_start3A_295 = arith.constant 0 : i32
      %dma_start3A_296 = tpu.memref_slice %arg10[%dma_start3A_294, %dma_start3A_295] : memref<10240x32xf32, #tpu.memory_space<vmem_shared>> -> memref<10240x32xf32, #tpu.memory_space<vmem_shared>>
      tpu.enqueue_indirect_dma source(%dma_start3A_286 : memref<128x32xf32, #tpu.memory_space<vmem>>) target(%dma_start3A_296 : memref<10240x32xf32, #tpu.memory_space<vmem_shared>>) offsets(%dma_start3A_293 : memref<128xi32, #tpu.memory_space<vmem>>) semaphore(%arg12 : memref<!tpu.dma_semaphore, #tpu.memory_space<semaphore_mem>>) {add = true}
      %dma_start3A_297 = arith.constant 2 : i32
      %dma_start3A_298 = arith.constant 0 : i32
      %dma_start3A_299 = arith.constant 0 : i32
      %dma_start3A_300 = tpu.memref_slice %arg9[%and3A_230, %dma_start3A_298, %dma_start3A_299] : memref<2x1280x32xf32, #tpu.memory_space<vmem>> -> memref<1x1280x32xf32, #tpu.memory_space<vmem>>
      %dma_start3A_301 = tpu.memref_squeeze %dma_start3A_300 : memref<1x1280x32xf32, #tpu.memory_space<vmem>> -> memref<1280x32xf32, #tpu.memory_space<vmem>>
      %dma_start3A_302 = arith.constant 256 : i32
      %dma_start3A_303 = arith.constant 0 : i32
      %dma_start3A_304 = tpu.memref_slice %dma_start3A_301[%dma_start3A_302, %dma_start3A_303] : memref<1280x32xf32, #tpu.memory_space<vmem>> -> memref<128x32xf32, #tpu.memory_space<vmem>>
      %dma_start3A_305 = arith.constant 0 : i32
      %dma_start3A_306 = arith.constant 0 : i32
      %dma_start3A_307 = tpu.memref_slice %arg8[%and3A_230, %dma_start3A_305, %dma_start3A_306] : memref<2x10x128xi32, #tpu.memory_space<vmem>> -> memref<1x10x128xi32, #tpu.memory_space<vmem>>
      %dma_start3A_308 = tpu.memref_squeeze %dma_start3A_307 : memref<1x10x128xi32, #tpu.memory_space<vmem>> -> memref<10x128xi32, #tpu.memory_space<vmem>>
      %dma_start3A_309 = arith.constant 0 : i32
      %dma_start3A_310 = tpu.memref_slice %dma_start3A_308[%dma_start3A_297, %dma_start3A_309] : memref<10x128xi32, #tpu.memory_space<vmem>> -> memref<1x128xi32, #tpu.memory_space<vmem>>
      %dma_start3A_311 = tpu.memref_squeeze %dma_start3A_310 : memref<1x128xi32, #tpu.memory_space<vmem>> -> memref<128xi32, #tpu.memory_space<vmem>>
      %dma_start3A_312 = arith.constant 0 : i32
      %dma_start3A_313 = arith.constant 0 : i32
      %dma_start3A_314 = tpu.memref_slice %arg10[%dma_start3A_312, %dma_start3A_313] : memref<10240x32xf32, #tpu.memory_space<vmem_shared>> -> memref<10240x32xf32, #tpu.memory_space<vmem_shared>>
      tpu.enqueue_indirect_dma source(%dma_start3A_304 : memref<128x32xf32, #tpu.memory_space<vmem>>) target(%dma_start3A_314 : memref<10240x32xf32, #tpu.memory_space<vmem_shared>>) offsets(%dma_start3A_311 : memref<128xi32, #tpu.memory_space<vmem>>) semaphore(%arg12 : memref<!tpu.dma_semaphore, #tpu.memory_space<semaphore_mem>>) {add = true}
      %dma_start3A_315 = arith.constant 3 : i32
      %dma_start3A_316 = arith.constant 0 : i32
      %dma_start3A_317 = arith.constant 0 : i32
      %dma_start3A_318 = tpu.memref_slice %arg9[%and3A_230, %dma_start3A_316, %dma_start3A_317] : memref<2x1280x32xf32, #tpu.memory_space<vmem>> -> memref<1x1280x32xf32, #tpu.memory_space<vmem>>
      %dma_start3A_319 = tpu.memref_squeeze %dma_start3A_318 : memref<1x1280x32xf32, #tpu.memory_space<vmem>> -> memref<1280x32xf32, #tpu.memory_space<vmem>>
      %dma_start3A_320 = arith.constant 384 : i32
      %dma_start3A_321 = arith.constant 0 : i32
      %dma_start3A_322 = tpu.memref_slice %dma_start3A_319[%dma_start3A_320, %dma_start3A_321] : memref<1280x32xf32, #tpu.memory_space<vmem>> -> memref<128x32xf32, #tpu.memory_space<vmem>>
      %dma_start3A_323 = arith.constant 0 : i32
      %dma_start3A_324 = arith.constant 0 : i32
      %dma_start3A_325 = tpu.memref_slice %arg8[%and3A_230, %dma_start3A_323, %dma_start3A_324] : memref<2x10x128xi32, #tpu.memory_space<vmem>> -> memref<1x10x128xi32, #tpu.memory_space<vmem>>
      %dma_start3A_326 = tpu.memref_squeeze %dma_start3A_325 : memref<1x10x128xi32, #tpu.memory_space<vmem>> -> memref<10x128xi32, #tpu.memory_space<vmem>>
      %dma_start3A_327 = arith.constant 0 : i32
      %dma_start3A_328 = tpu.memref_slice %dma_start3A_326[%dma_start3A_315, %dma_start3A_327] : memref<10x128xi32, #tpu.memory_space<vmem>> -> memref<1x128xi32, #tpu.memory_space<vmem>>
      %dma_start3A_329 = tpu.memref_squeeze %dma_start3A_328 : memref<1x128xi32, #tpu.memory_space<vmem>> -> memref<128xi32, #tpu.memory_space<vmem>>
      %dma_start3A_330 = arith.constant 0 : i32
      %dma_start3A_331 = arith.constant 0 : i32
      %dma_start3A_332 = tpu.memref_slice %arg10[%dma_start3A_330, %dma_start3A_331] : memref<10240x32xf32, #tpu.memory_space<vmem_shared>> -> memref<10240x32xf32, #tpu.memory_space<vmem_shared>>
      tpu.enqueue_indirect_dma source(%dma_start3A_322 : memref<128x32xf32, #tpu.memory_space<vmem>>) target(%dma_start3A_332 : memref<10240x32xf32, #tpu.memory_space<vmem_shared>>) offsets(%dma_start3A_329 : memref<128xi32, #tpu.memory_space<vmem>>) semaphore(%arg12 : memref<!tpu.dma_semaphore, #tpu.memory_space<semaphore_mem>>) {add = true}
      %dma_start3A_333 = arith.constant 4 : i32
      %dma_start3A_334 = arith.constant 0 : i32
      %dma_start3A_335 = arith.constant 0 : i32
      %dma_start3A_336 = tpu.memref_slice %arg9[%and3A_230, %dma_start3A_334, %dma_start3A_335] : memref<2x1280x32xf32, #tpu.memory_space<vmem>> -> memref<1x1280x32xf32, #tpu.memory_space<vmem>>
      %dma_start3A_337 = tpu.memref_squeeze %dma_start3A_336 : memref<1x1280x32xf32, #tpu.memory_space<vmem>> -> memref<1280x32xf32, #tpu.memory_space<vmem>>
      %dma_start3A_338 = arith.constant 512 : i32
      %dma_start3A_339 = arith.constant 0 : i32
      %dma_start3A_340 = tpu.memref_slice %dma_start3A_337[%dma_start3A_338, %dma_start3A_339] : memref<1280x32xf32, #tpu.memory_space<vmem>> -> memref<128x32xf32, #tpu.memory_space<vmem>>
      %dma_start3A_341 = arith.constant 0 : i32
      %dma_start3A_342 = arith.constant 0 : i32
      %dma_start3A_343 = tpu.memref_slice %arg8[%and3A_230, %dma_start3A_341, %dma_start3A_342] : memref<2x10x128xi32, #tpu.memory_space<vmem>> -> memref<1x10x128xi32, #tpu.memory_space<vmem>>
      %dma_start3A_344 = tpu.memref_squeeze %dma_start3A_343 : memref<1x10x128xi32, #tpu.memory_space<vmem>> -> memref<10x128xi32, #tpu.memory_space<vmem>>
      %dma_start3A_345 = arith.constant 0 : i32
      %dma_start3A_346 = tpu.memref_slice %dma_start3A_344[%dma_start3A_333, %dma_start3A_345] : memref<10x128xi32, #tpu.memory_space<vmem>> -> memref<1x128xi32, #tpu.memory_space<vmem>>
      %dma_start3A_347 = tpu.memref_squeeze %dma_start3A_346 : memref<1x128xi32, #tpu.memory_space<vmem>> -> memref<128xi32, #tpu.memory_space<vmem>>
      %dma_start3A_348 = arith.constant 0 : i32
      %dma_start3A_349 = arith.constant 0 : i32
      %dma_start3A_350 = tpu.memref_slice %arg10[%dma_start3A_348, %dma_start3A_349] : memref<10240x32xf32, #tpu.memory_space<vmem_shared>> -> memref<10240x32xf32, #tpu.memory_space<vmem_shared>>
      tpu.enqueue_indirect_dma source(%dma_start3A_340 : memref<128x32xf32, #tpu.memory_space<vmem>>) target(%dma_start3A_350 : memref<10240x32xf32, #tpu.memory_space<vmem_shared>>) offsets(%dma_start3A_347 : memref<128xi32, #tpu.memory_space<vmem>>) semaphore(%arg12 : memref<!tpu.dma_semaphore, #tpu.memory_space<semaphore_mem>>) {add = true}
      %dma_start3A_351 = arith.constant 5 : i32
      %dma_start3A_352 = arith.constant 0 : i32
      %dma_start3A_353 = arith.constant 0 : i32
      %dma_start3A_354 = tpu.memref_slice %arg9[%and3A_230, %dma_start3A_352, %dma_start3A_353] : memref<2x1280x32xf32, #tpu.memory_space<vmem>> -> memref<1x1280x32xf32, #tpu.memory_space<vmem>>
      %dma_start3A_355 = tpu.memref_squeeze %dma_start3A_354 : memref<1x1280x32xf32, #tpu.memory_space<vmem>> -> memref<1280x32xf32, #tpu.memory_space<vmem>>
      %dma_start3A_356 = arith.constant 640 : i32
      %dma_start3A_357 = arith.constant 0 : i32
      %dma_start3A_358 = tpu.memref_slice %dma_start3A_355[%dma_start3A_356, %dma_start3A_357] : memref<1280x32xf32, #tpu.memory_space<vmem>> -> memref<128x32xf32, #tpu.memory_space<vmem>>
      %dma_start3A_359 = arith.constant 0 : i32
      %dma_start3A_360 = arith.constant 0 : i32
      %dma_start3A_361 = tpu.memref_slice %arg8[%and3A_230, %dma_start3A_359, %dma_start3A_360] : memref<2x10x128xi32, #tpu.memory_space<vmem>> -> memref<1x10x128xi32, #tpu.memory_space<vmem>>
      %dma_start3A_362 = tpu.memref_squeeze %dma_start3A_361 : memref<1x10x128xi32, #tpu.memory_space<vmem>> -> memref<10x128xi32, #tpu.memory_space<vmem>>
      %dma_start3A_363 = arith.constant 0 : i32
      %dma_start3A_364 = tpu.memref_slice %dma_start3A_362[%dma_start3A_351, %dma_start3A_363] : memref<10x128xi32, #tpu.memory_space<vmem>> -> memref<1x128xi32, #tpu.memory_space<vmem>>
      %dma_start3A_365 = tpu.memref_squeeze %dma_start3A_364 : memref<1x128xi32, #tpu.memory_space<vmem>> -> memref<128xi32, #tpu.memory_space<vmem>>
      %dma_start3A_366 = arith.constant 0 : i32
      %dma_start3A_367 = arith.constant 0 : i32
      %dma_start3A_368 = tpu.memref_slice %arg10[%dma_start3A_366, %dma_start3A_367] : memref<10240x32xf32, #tpu.memory_space<vmem_shared>> -> memref<10240x32xf32, #tpu.memory_space<vmem_shared>>
      tpu.enqueue_indirect_dma source(%dma_start3A_358 : memref<128x32xf32, #tpu.memory_space<vmem>>) target(%dma_start3A_368 : memref<10240x32xf32, #tpu.memory_space<vmem_shared>>) offsets(%dma_start3A_365 : memref<128xi32, #tpu.memory_space<vmem>>) semaphore(%arg12 : memref<!tpu.dma_semaphore, #tpu.memory_space<semaphore_mem>>) {add = true}
      %dma_start3A_369 = arith.constant 6 : i32
      %dma_start3A_370 = arith.constant 0 : i32
      %dma_start3A_371 = arith.constant 0 : i32
      %dma_start3A_372 = tpu.memref_slice %arg9[%and3A_230, %dma_start3A_370, %dma_start3A_371] : memref<2x1280x32xf32, #tpu.memory_space<vmem>> -> memref<1x1280x32xf32, #tpu.memory_space<vmem>>
      %dma_start3A_373 = tpu.memref_squeeze %dma_start3A_372 : memref<1x1280x32xf32, #tpu.memory_space<vmem>> -> memref<1280x32xf32, #tpu.memory_space<vmem>>
      %dma_start3A_374 = arith.constant 768 : i32
      %dma_start3A_375 = arith.constant 0 : i32
      %dma_start3A_376 = tpu.memref_slice %dma_start3A_373[%dma_start3A_374, %dma_start3A_375] : memref<1280x32xf32, #tpu.memory_space<vmem>> -> memref<128x32xf32, #tpu.memory_space<vmem>>
      %dma_start3A_377 = arith.constant 0 : i32
      %dma_start3A_378 = arith.constant 0 : i32
      %dma_start3A_379 = tpu.memref_slice %arg8[%and3A_230, %dma_start3A_377, %dma_start3A_378] : memref<2x10x128xi32, #tpu.memory_space<vmem>> -> memref<1x10x128xi32, #tpu.memory_space<vmem>>
      %dma_start3A_380 = tpu.memref_squeeze %dma_start3A_379 : memref<1x10x128xi32, #tpu.memory_space<vmem>> -> memref<10x128xi32, #tpu.memory_space<vmem>>
      %dma_start3A_381 = arith.constant 0 : i32
      %dma_start3A_382 = tpu.memref_slice %dma_start3A_380[%dma_start3A_369, %dma_start3A_381] : memref<10x128xi32, #tpu.memory_space<vmem>> -> memref<1x128xi32, #tpu.memory_space<vmem>>
      %dma_start3A_383 = tpu.memref_squeeze %dma_start3A_382 : memref<1x128xi32, #tpu.memory_space<vmem>> -> memref<128xi32, #tpu.memory_space<vmem>>
      %dma_start3A_384 = arith.constant 0 : i32
      %dma_start3A_385 = arith.constant 0 : i32
      %dma_start3A_386 = tpu.memref_slice %arg10[%dma_start3A_384, %dma_start3A_385] : memref<10240x32xf32, #tpu.memory_space<vmem_shared>> -> memref<10240x32xf32, #tpu.memory_space<vmem_shared>>
      tpu.enqueue_indirect_dma source(%dma_start3A_376 : memref<128x32xf32, #tpu.memory_space<vmem>>) target(%dma_start3A_386 : memref<10240x32xf32, #tpu.memory_space<vmem_shared>>) offsets(%dma_start3A_383 : memref<128xi32, #tpu.memory_space<vmem>>) semaphore(%arg12 : memref<!tpu.dma_semaphore, #tpu.memory_space<semaphore_mem>>) {add = true}
      %dma_start3A_387 = arith.constant 7 : i32
      %dma_start3A_388 = arith.constant 0 : i32
      %dma_start3A_389 = arith.constant 0 : i32
      %dma_start3A_390 = tpu.memref_slice %arg9[%and3A_230, %dma_start3A_388, %dma_start3A_389] : memref<2x1280x32xf32, #tpu.memory_space<vmem>> -> memref<1x1280x32xf32, #tpu.memory_space<vmem>>
      %dma_start3A_391 = tpu.memref_squeeze %dma_start3A_390 : memref<1x1280x32xf32, #tpu.memory_space<vmem>> -> memref<1280x32xf32, #tpu.memory_space<vmem>>
      %dma_start3A_392 = arith.constant 896 : i32
      %dma_start3A_393 = arith.constant 0 : i32
      %dma_start3A_394 = tpu.memref_slice %dma_start3A_391[%dma_start3A_392, %dma_start3A_393] : memref<1280x32xf32, #tpu.memory_space<vmem>> -> memref<128x32xf32, #tpu.memory_space<vmem>>
      %dma_start3A_395 = arith.constant 0 : i32
      %dma_start3A_396 = arith.constant 0 : i32
      %dma_start3A_397 = tpu.memref_slice %arg8[%and3A_230, %dma_start3A_395, %dma_start3A_396] : memref<2x10x128xi32, #tpu.memory_space<vmem>> -> memref<1x10x128xi32, #tpu.memory_space<vmem>>
      %dma_start3A_398 = tpu.memref_squeeze %dma_start3A_397 : memref<1x10x128xi32, #tpu.memory_space<vmem>> -> memref<10x128xi32, #tpu.memory_space<vmem>>
      %dma_start3A_399 = arith.constant 0 : i32
      %dma_start3A_400 = tpu.memref_slice %dma_start3A_398[%dma_start3A_387, %dma_start3A_399] : memref<10x128xi32, #tpu.memory_space<vmem>> -> memref<1x128xi32, #tpu.memory_space<vmem>>
      %dma_start3A_401 = tpu.memref_squeeze %dma_start3A_400 : memref<1x128xi32, #tpu.memory_space<vmem>> -> memref<128xi32, #tpu.memory_space<vmem>>
      %dma_start3A_402 = arith.constant 0 : i32
      %dma_start3A_403 = arith.constant 0 : i32
      %dma_start3A_404 = tpu.memref_slice %arg10[%dma_start3A_402, %dma_start3A_403] : memref<10240x32xf32, #tpu.memory_space<vmem_shared>> -> memref<10240x32xf32, #tpu.memory_space<vmem_shared>>
      tpu.enqueue_indirect_dma source(%dma_start3A_394 : memref<128x32xf32, #tpu.memory_space<vmem>>) target(%dma_start3A_404 : memref<10240x32xf32, #tpu.memory_space<vmem_shared>>) offsets(%dma_start3A_401 : memref<128xi32, #tpu.memory_space<vmem>>) semaphore(%arg12 : memref<!tpu.dma_semaphore, #tpu.memory_space<semaphore_mem>>) {add = true}
      %dma_start3A_405 = arith.constant 8 : i32
      %dma_start3A_406 = arith.constant 0 : i32
      %dma_start3A_407 = arith.constant 0 : i32
      %dma_start3A_408 = tpu.memref_slice %arg9[%and3A_230, %dma_start3A_406, %dma_start3A_407] : memref<2x1280x32xf32, #tpu.memory_space<vmem>> -> memref<1x1280x32xf32, #tpu.memory_space<vmem>>
      %dma_start3A_409 = tpu.memref_squeeze %dma_start3A_408 : memref<1x1280x32xf32, #tpu.memory_space<vmem>> -> memref<1280x32xf32, #tpu.memory_space<vmem>>
      %dma_start3A_410 = arith.constant 1024 : i32
      %dma_start3A_411 = arith.constant 0 : i32
      %dma_start3A_412 = tpu.memref_slice %dma_start3A_409[%dma_start3A_410, %dma_start3A_411] : memref<1280x32xf32, #tpu.memory_space<vmem>> -> memref<128x32xf32, #tpu.memory_space<vmem>>
      %dma_start3A_413 = arith.constant 0 : i32
      %dma_start3A_414 = arith.constant 0 : i32
      %dma_start3A_415 = tpu.memref_slice %arg8[%and3A_230, %dma_start3A_413, %dma_start3A_414] : memref<2x10x128xi32, #tpu.memory_space<vmem>> -> memref<1x10x128xi32, #tpu.memory_space<vmem>>
      %dma_start3A_416 = tpu.memref_squeeze %dma_start3A_415 : memref<1x10x128xi32, #tpu.memory_space<vmem>> -> memref<10x128xi32, #tpu.memory_space<vmem>>
      %dma_start3A_417 = arith.constant 0 : i32
      %dma_start3A_418 = tpu.memref_slice %dma_start3A_416[%dma_start3A_405, %dma_start3A_417] : memref<10x128xi32, #tpu.memory_space<vmem>> -> memref<1x128xi32, #tpu.memory_space<vmem>>
      %dma_start3A_419 = tpu.memref_squeeze %dma_start3A_418 : memref<1x128xi32, #tpu.memory_space<vmem>> -> memref<128xi32, #tpu.memory_space<vmem>>
      %dma_start3A_420 = arith.constant 0 : i32
      %dma_start3A_421 = arith.constant 0 : i32
      %dma_start3A_422 = tpu.memref_slice %arg10[%dma_start3A_420, %dma_start3A_421] : memref<10240x32xf32, #tpu.memory_space<vmem_shared>> -> memref<10240x32xf32, #tpu.memory_space<vmem_shared>>
      tpu.enqueue_indirect_dma source(%dma_start3A_412 : memref<128x32xf32, #tpu.memory_space<vmem>>) target(%dma_start3A_422 : memref<10240x32xf32, #tpu.memory_space<vmem_shared>>) offsets(%dma_start3A_419 : memref<128xi32, #tpu.memory_space<vmem>>) semaphore(%arg12 : memref<!tpu.dma_semaphore, #tpu.memory_space<semaphore_mem>>) {add = true}
      %dma_start3A_423 = arith.constant 9 : i32
      %dma_start3A_424 = arith.constant 0 : i32
      %dma_start3A_425 = arith.constant 0 : i32
      %dma_start3A_426 = tpu.memref_slice %arg9[%and3A_230, %dma_start3A_424, %dma_start3A_425] : memref<2x1280x32xf32, #tpu.memory_space<vmem>> -> memref<1x1280x32xf32, #tpu.memory_space<vmem>>
      %dma_start3A_427 = tpu.memref_squeeze %dma_start3A_426 : memref<1x1280x32xf32, #tpu.memory_space<vmem>> -> memref<1280x32xf32, #tpu.memory_space<vmem>>
      %dma_start3A_428 = arith.constant 1152 : i32
      %dma_start3A_429 = arith.constant 0 : i32
      %dma_start3A_430 = tpu.memref_slice %dma_start3A_427[%dma_start3A_428, %dma_start3A_429] : memref<1280x32xf32, #tpu.memory_space<vmem>> -> memref<128x32xf32, #tpu.memory_space<vmem>>
      %dma_start3A_431 = arith.constant 0 : i32
      %dma_start3A_432 = arith.constant 0 : i32
      %dma_start3A_433 = tpu.memref_slice %arg8[%and3A_230, %dma_start3A_431, %dma_start3A_432] : memref<2x10x128xi32, #tpu.memory_space<vmem>> -> memref<1x10x128xi32, #tpu.memory_space<vmem>>
      %dma_start3A_434 = tpu.memref_squeeze %dma_start3A_433 : memref<1x10x128xi32, #tpu.memory_space<vmem>> -> memref<10x128xi32, #tpu.memory_space<vmem>>
      %dma_start3A_435 = arith.constant 0 : i32
      %dma_start3A_436 = tpu.memref_slice %dma_start3A_434[%dma_start3A_423, %dma_start3A_435] : memref<10x128xi32, #tpu.memory_space<vmem>> -> memref<1x128xi32, #tpu.memory_space<vmem>>
      %dma_start3A_437 = tpu.memref_squeeze %dma_start3A_436 : memref<1x128xi32, #tpu.memory_space<vmem>> -> memref<128xi32, #tpu.memory_space<vmem>>
      %dma_start3A_438 = arith.constant 0 : i32
      %dma_start3A_439 = arith.constant 0 : i32
      %dma_start3A_440 = tpu.memref_slice %arg10[%dma_start3A_438, %dma_start3A_439] : memref<10240x32xf32, #tpu.memory_space<vmem_shared>> -> memref<10240x32xf32, #tpu.memory_space<vmem_shared>>
      tpu.enqueue_indirect_dma source(%dma_start3A_430 : memref<128x32xf32, #tpu.memory_space<vmem>>) target(%dma_start3A_440 : memref<10240x32xf32, #tpu.memory_space<vmem_shared>>) offsets(%dma_start3A_437 : memref<128xi32, #tpu.memory_space<vmem>>) semaphore(%arg12 : memref<!tpu.dma_semaphore, #tpu.memory_space<semaphore_mem>>) {add = true}
    }
    %scan3A_209 = arith.constant 8 : i32
    %dma_wait3A = arith.constant 1 : i32
    %dma_wait3A_210 = arith.constant 0 : i32
    %dma_wait3A_211 = arith.constant 0 : i32
    %dma_wait3A_212 = tpu.memref_slice %arg9[%dma_wait3A, %dma_wait3A_210, %dma_wait3A_211] : memref<2x1280x32xf32, #tpu.memory_space<vmem>> -> memref<1x1280x32xf32, #tpu.memory_space<vmem>>
    %dma_wait3A_213 = tpu.memref_squeeze %dma_wait3A_212 : memref<1x1280x32xf32, #tpu.memory_space<vmem>> -> memref<1280x32xf32, #tpu.memory_space<vmem>>
    %dma_wait3A_214 = arith.constant 0 : i32
    %dma_wait3A_215 = arith.constant 0 : i32
    %dma_wait3A_216 = tpu.memref_slice %arg2[%dma_wait3A_214, %dma_wait3A_215] : memref<10240x32xf32, #tpu.memory_space<hbm>> -> memref<1280x32xf32, #tpu.memory_space<hbm>>
    %dma_wait3A_217 = arith.constant 0 : i32
    %dma_wait3A_218 = arith.constant 0 : i32
    %dma_wait3A_219 = tpu.memref_slice %arg9[%dma_wait3A, %dma_wait3A_217, %dma_wait3A_218] : memref<2x1280x32xf32, #tpu.memory_space<vmem>> -> memref<1x1280x32xf32, #tpu.memory_space<vmem>>
    %dma_wait3A_220 = tpu.memref_squeeze %dma_wait3A_219 : memref<1x1280x32xf32, #tpu.memory_space<vmem>> -> memref<1280x32xf32, #tpu.memory_space<vmem>>
    %dma_wait3A_221 = arith.constant 0 : i32
    %dma_wait3A_222 = arith.constant 0 : i32
    %dma_wait3A_223 = tpu.memref_slice %arg2[%dma_wait3A_221, %dma_wait3A_222] : memref<10240x32xf32, #tpu.memory_space<hbm>> -> memref<1280x32xf32, #tpu.memory_space<hbm>>
    tpu.wait_dma2 semaphore(%arg12 : memref<!tpu.dma_semaphore, #tpu.memory_space<semaphore_mem>>) src(%dma_wait3A_223 : memref<1280x32xf32, #tpu.memory_space<hbm>>) dst(%dma_wait3A_220 : memref<1280x32xf32, #tpu.memory_space<vmem>>)
    %barrier3A_224 = arith.constant 0 : index
    tpu.barrier barrier_id(%barrier3A_224)
    %mul3A_225 = arith.constant 640 : i32
    %mul3A_226 = arith.muli %arg1, %mul3A_225 : i32
    %mul3A_227 = arith.constant 640 : i32
    %mul3A_228 = arith.muli %arg1, %mul3A_227 : i32
    "tpu.region"() ({
      %run_scoped3A_229 = tpu.sem_alloc : memref<!tpu.dma_semaphore, #tpu.memory_space<semaphore_mem>>
      %dma_start3A_230 = arith.constant 0 : i32
      %dma_start3A_231 = tpu.memref_slice %arg6[%arg0, %mul3A_228, %dma_start3A_230] : memref<2x10240x32xf32, #tpu.memory_space<hbm>> -> memref<1x640x32xf32, #tpu.memory_space<hbm>>
      %dma_start3A_232 = tpu.memref_squeeze %dma_start3A_231 : memref<1x640x32xf32, #tpu.memory_space<hbm>> -> memref<640x32xf32, #tpu.memory_space<hbm>>
      %dma_start3A_233 = arith.constant 0 : i32
      %dma_start3A_234 = tpu.memref_slice %arg10[%mul3A_226, %dma_start3A_233] : memref<10240x32xf32, #tpu.memory_space<vmem_shared>> -> memref<640x32xf32, #tpu.memory_space<vmem_shared>>
      tpu.enqueue_dma source(%dma_start3A_234 : memref<640x32xf32, #tpu.memory_space<vmem_shared>>) target(%dma_start3A_232 : memref<640x32xf32, #tpu.memory_space<hbm>>) target_semaphore(%run_scoped3A_229 : memref<!tpu.dma_semaphore, #tpu.memory_space<semaphore_mem>>)
      %dma_wait3A_235 = arith.constant 0 : i32
      %dma_wait3A_236 = tpu.memref_slice %arg6[%arg0, %mul3A_228, %dma_wait3A_235] : memref<2x10240x32xf32, #tpu.memory_space<hbm>> -> memref<1x640x32xf32, #tpu.memory_space<hbm>>
      %dma_wait3A_237 = tpu.memref_squeeze %dma_wait3A_236 : memref<1x640x32xf32, #tpu.memory_space<hbm>> -> memref<640x32xf32, #tpu.memory_space<hbm>>
      %dma_wait3A_238 = arith.constant 0 : i32
      %dma_wait3A_239 = tpu.memref_slice %arg10[%mul3A_226, %dma_wait3A_238] : memref<10240x32xf32, #tpu.memory_space<vmem_shared>> -> memref<640x32xf32, #tpu.memory_space<vmem_shared>>
      tpu.wait_dma2 semaphore(%run_scoped3A_229 : memref<!tpu.dma_semaphore, #tpu.memory_space<semaphore_mem>>) src(%dma_wait3A_239 : memref<640x32xf32, #tpu.memory_space<vmem_shared>>) dst(%dma_wait3A_237 : memref<640x32xf32, #tpu.memory_space<hbm>>)
      tpu.yield
    }) : () -> ()
    return
  }
}

module attributes {stable_mosaic.version = 14 : i64} {
  func.func @body(%arg0: memref<10000x128xf32, #tpu.memory_space<vmem>>, %arg1: memref<32x128xf32, #tpu.memory_space<vmem>>, %arg2: memref<32x128xf32, #tpu.memory_space<vmem>>, %arg3: memref<1x32xf32, #tpu.memory_space<vmem>>, %arg4: memref<10000x32xf32, #tpu.memory_space<vmem>>, %arg5: memref<10000x32xf32, #tpu.memory_space<vmem>>) attributes {dimension_semantics = [], scalar_prefetch = 0 : i64, scratch_operands = 0 : i64, tpu.core_type = #tpu.core_type<tc>} {
    %get3A = arith.constant 0 : index
    %get3A_0 = arith.constant 0 : index
    %get3A_1 = vector.load %arg0[%get3A, %get3A_0] : memref<10000x128xf32, #tpu.memory_space<vmem>>, vector<10000x128xf32>
    %get3A_2 = arith.constant 0 : index
    %get3A_3 = arith.constant 0 : index
    %get3A_4 = vector.load %arg1[%get3A_2, %get3A_3] : memref<32x128xf32, #tpu.memory_space<vmem>>, vector<32x128xf32>
    %dot_general3A = arith.constant dense<0.000000e+00> : vector<10000x32xf32>
    %dot_general3A_5 = tpu.matmul %get3A_1, %get3A_4, %dot_general3A {dimension_numbers = #tpu.dot_dimension_numbers<[1], [1], [0], [0], [0, 0, 1, 0], [], []>, transpose_lhs_hint = false} : vector<10000x128xf32>, vector<32x128xf32>, vector<10000x32xf32> -> vector<10000x32xf32>
    %iota3A = tpu.iota {dimensions = array<i32: 1>} : vector<10000x32xi32>
    %eq3A = arith.constant 24 : i32
    %eq3A_6 = vector.broadcast %eq3A : i32 to vector<10000x32xi32>
    %eq3A_7 = arith.cmpi eq, %iota3A, %eq3A_6 : vector<10000x32xi32>
    %jit3A = arith.constant 1.000000e+00 : f32
    %jit3A_8 = arith.constant 0.000000e+00 : f32
    %broadcast_in_dim3A = vector.broadcast %jit3A : f32 to vector<10000x32xf32>
    %broadcast_in_dim3A_9 = vector.broadcast %jit3A_8 : f32 to vector<10000x32xf32>
    %select_n3A = arith.select %eq3A_7, %broadcast_in_dim3A, %broadcast_in_dim3A_9 : vector<10000x32xi1>, vector<10000x32xf32>
    %add3A = arith.addf %dot_general3A_5, %select_n3A : vector<10000x32xf32>
    %swap3A = arith.constant 0 : index
    %swap3A_10 = arith.constant 0 : index
    %swap3A_11 = vector.load %arg4[%swap3A, %swap3A_10] : memref<10000x32xf32, #tpu.memory_space<vmem>>, vector<10000x32xf32>
    tpu.vector_store %arg4[%swap3A, %swap3A_10], %add3A {strides = array<i32>} : memref<10000x32xf32, #tpu.memory_space<vmem>>, vector<10000x32xf32>,
    %get3A_12 = arith.constant 0 : index
    %get3A_13 = arith.constant 0 : index
    %get3A_14 = vector.load %arg2[%get3A_12, %get3A_13] : memref<32x128xf32, #tpu.memory_space<vmem>>, vector<32x128xf32>
    %dot_general3A_15 = arith.constant dense<0.000000e+00> : vector<10000x32xf32>
    %dot_general3A_16 = tpu.matmul %get3A_1, %get3A_14, %dot_general3A_15 {dimension_numbers = #tpu.dot_dimension_numbers<[1], [1], [0], [0], [0, 0, 1, 0], [], []>, transpose_lhs_hint = false} : vector<10000x128xf32>, vector<32x128xf32>, vector<10000x32xf32> -> vector<10000x32xf32>
    %get3A_17 = arith.constant 0 : index
    %get3A_18 = arith.constant 0 : index
    %get3A_19 = vector.load %arg3[%get3A_17, %get3A_18] : memref<1x32xf32, #tpu.memory_space<vmem>>, vector<1x32xf32>
    %add3A_20 = vector.broadcast %get3A_19 : vector<1x32xf32> to vector<10000x32xf32>
    %add3A_21 = arith.addf %dot_general3A_16, %add3A_20 : vector<10000x32xf32>
    %swap3A_22 = arith.constant 0 : index
    %swap3A_23 = arith.constant 0 : index
    %swap3A_24 = vector.load %arg5[%swap3A_22, %swap3A_23] : memref<10000x32xf32, #tpu.memory_space<vmem>>, vector<10000x32xf32>
    tpu.vector_store %arg5[%swap3A_22, %swap3A_23], %add3A_21 {strides = array<i32>} : memref<10000x32xf32, #tpu.memory_space<vmem>>, vector<10000x32xf32>,
    return
  }
}

module attributes {stable_mosaic.version = 14 : i64} {
  func.func @body(%arg0: memref<2x2560x128xf32, #tpu.memory_space<vmem>>, %arg1: memref<2560x128xf32, #tpu.memory_space<vmem>>, %arg2: memref<128x128xf32, #tpu.memory_space<vmem>>, %arg3: memref<128x128xf32, #tpu.memory_space<vmem>>, %arg4: memref<128x128xf32, #tpu.memory_space<vmem>>, %arg5: memref<1x128xf32, #tpu.memory_space<vmem>>, %arg6: memref<1x128xf32, #tpu.memory_space<vmem>>, %arg7: memref<2560x128xf32, #tpu.memory_space<vmem>>, %arg8: memref<2560x128xf32, #tpu.memory_space<vmem>>) attributes {dimension_semantics = [], scalar_prefetch = 0 : i64, scratch_operands = 0 : i64, tpu.core_type = #tpu.core_type<tc>} {
    %get3A = arith.constant 0 : index
    %get3A_0 = arith.constant 0 : index
    %get3A_1 = arith.constant 0 : index
    %get3A_2 = vector.load %arg0[%get3A, %get3A_0, %get3A_1] : memref<2x2560x128xf32, #tpu.memory_space<vmem>>, vector<1x2560x128xf32>
    %get3A_3 = vector.shape_cast %get3A_2 : vector<1x2560x128xf32> to vector<2560x128xf32>
    %get3A_4 = arith.constant 1 : index
    %get3A_5 = arith.constant 0 : index
    %get3A_6 = arith.constant 0 : index
    %get3A_7 = vector.load %arg0[%get3A_4, %get3A_5, %get3A_6] : memref<2x2560x128xf32, #tpu.memory_space<vmem>>, vector<1x2560x128xf32>
    %get3A_8 = vector.shape_cast %get3A_7 : vector<1x2560x128xf32> to vector<2560x128xf32>
    %add3A = arith.addf %get3A_3, %get3A_8 : vector<2560x128xf32>
    %get3A_9 = arith.constant 0 : index
    %get3A_10 = arith.constant 0 : index
    %get3A_11 = vector.load %arg1[%get3A_9, %get3A_10] : memref<2560x128xf32, #tpu.memory_space<vmem>>, vector<2560x128xf32>
    %get3A_12 = arith.constant 0 : index
    %get3A_13 = arith.constant 0 : index
    %get3A_14 = vector.load %arg4[%get3A_12, %get3A_13] : memref<128x128xf32, #tpu.memory_space<vmem>>, vector<128x128xf32>
    %dot_general3A = arith.constant dense<0.000000e+00> : vector<2560x128xf32>
    %dot_general3A_15 = tpu.matmul %add3A, %get3A_14, %dot_general3A {dimension_numbers = #tpu.dot_dimension_numbers<[1], [0], [0], [1], [0, 0, 1, 1], [], []>, transpose_lhs_hint = false} : vector<2560x128xf32>, vector<128x128xf32>, vector<2560x128xf32> -> vector<2560x128xf32>
    %max3A = arith.constant 1.000000e+00 : f32
    %max3A_16 = vector.broadcast %max3A : f32 to vector<2560x128xf32>
    %max3A_17 = arith.maximumf %dot_general3A_15, %max3A_16 : vector<2560x128xf32>
    %div3A = arith.constant 1.000000e+00 : f32
    %div3A_18 = vector.broadcast %div3A : f32 to vector<2560x128xf32>
    %div3A_19 = arith.divf %div3A_18, %max3A_17 : vector<2560x128xf32>
    %mul3A = arith.mulf %add3A, %div3A_19 : vector<2560x128xf32>
    %add3A_20 = arith.addf %mul3A, %get3A_11 : vector<2560x128xf32>
    %gt3A = arith.constant 0.000000e+00 : f32
    %gt3A_21 = vector.broadcast %gt3A : f32 to vector<2560x128xf32>
    %gt3A_22 = arith.cmpf ogt, %add3A_20, %gt3A_21 : vector<2560x128xf32>
    %mul3A_23 = arith.constant 0.00999999977 : f32
    %mul3A_24 = vector.broadcast %mul3A_23 : f32 to vector<2560x128xf32>
    %mul3A_25 = arith.mulf %mul3A_24, %add3A_20 : vector<2560x128xf32>
    %select_n3A = arith.select %gt3A_22, %add3A_20, %mul3A_25 : vector<2560x128xi1>, vector<2560x128xf32>
    %get3A_26 = arith.constant 0 : index
    %get3A_27 = arith.constant 0 : index
    %get3A_28 = vector.load %arg2[%get3A_26, %get3A_27] : memref<128x128xf32, #tpu.memory_space<vmem>>, vector<128x128xf32>
    %dot_general3A_29 = arith.constant dense<0.000000e+00> : vector<2560x128xf32>
    %dot_general3A_30 = tpu.matmul %select_n3A, %get3A_28, %dot_general3A_29 {dimension_numbers = #tpu.dot_dimension_numbers<[1], [0], [0], [1], [0, 0, 1, 1], [], []>, transpose_lhs_hint = false} : vector<2560x128xf32>, vector<128x128xf32>, vector<2560x128xf32> -> vector<2560x128xf32>
    %swap3A = arith.constant 0 : index
    %swap3A_31 = arith.constant 0 : index
    %swap3A_32 = vector.load %arg7[%swap3A, %swap3A_31] : memref<2560x128xf32, #tpu.memory_space<vmem>>, vector<2560x128xf32>
    tpu.vector_store %arg7[%swap3A, %swap3A_31], %dot_general3A_30 {strides = array<i32>} : memref<2560x128xf32, #tpu.memory_space<vmem>>, vector<2560x128xf32>,
    %get3A_33 = arith.constant 0 : index
    %get3A_34 = arith.constant 0 : index
    %get3A_35 = vector.load %arg3[%get3A_33, %get3A_34] : memref<128x128xf32, #tpu.memory_space<vmem>>, vector<128x128xf32>
    %dot_general3A_36 = arith.constant dense<0.000000e+00> : vector<2560x128xf32>
    %dot_general3A_37 = tpu.matmul %select_n3A, %get3A_35, %dot_general3A_36 {dimension_numbers = #tpu.dot_dimension_numbers<[1], [0], [0], [1], [0, 0, 1, 1], [], []>, transpose_lhs_hint = false} : vector<2560x128xf32>, vector<128x128xf32>, vector<2560x128xf32> -> vector<2560x128xf32>
    %get3A_38 = arith.constant 0 : index
    %get3A_39 = arith.constant 0 : index
    %get3A_40 = vector.load %arg5[%get3A_38, %get3A_39] : memref<1x128xf32, #tpu.memory_space<vmem>>, vector<1x128xf32>
    %add3A_41 = vector.broadcast %get3A_40 : vector<1x128xf32> to vector<2560x128xf32>
    %add3A_42 = arith.addf %dot_general3A_37, %add3A_41 : vector<2560x128xf32>
    %get3A_43 = arith.constant 0 : index
    %get3A_44 = arith.constant 0 : index
    %get3A_45 = vector.load %arg6[%get3A_43, %get3A_44] : memref<1x128xf32, #tpu.memory_space<vmem>>, vector<1x128xf32>
    %sub3A = arith.constant 1.000000e+00 : f32
    %sub3A_46 = vector.broadcast %sub3A : f32 to vector<1x128xf32>
    %sub3A_47 = arith.subf %sub3A_46, %get3A_45 : vector<1x128xf32>
    %mul3A_48 = vector.broadcast %sub3A_47 : vector<1x128xf32> to vector<2560x128xf32>
    %mul3A_49 = arith.mulf %add3A_42, %mul3A_48 : vector<2560x128xf32>
    %mul3A_50 = vector.broadcast %get3A_45 : vector<1x128xf32> to vector<2560x128xf32>
    %mul3A_51 = arith.mulf %div3A_19, %mul3A_50 : vector<2560x128xf32>
    %add3A_52 = arith.addf %mul3A_49, %mul3A_51 : vector<2560x128xf32>
    %swap3A_53 = arith.constant 0 : index
    %swap3A_54 = arith.constant 0 : index
    %swap3A_55 = vector.load %arg8[%swap3A_53, %swap3A_54] : memref<2560x128xf32, #tpu.memory_space<vmem>>, vector<2560x128xf32>
    tpu.vector_store %arg8[%swap3A_53, %swap3A_54], %add3A_52 {strides = array<i32>} : memref<2560x128xf32, #tpu.memory_space<vmem>>, vector<2560x128xf32>,
    return
  }
}

module attributes {stable_mosaic.version = 14 : i64} {
  func.func @body(%arg0: memref<2x2560x128xf32, #tpu.memory_space<vmem>>, %arg1: memref<2560x128xf32, #tpu.memory_space<vmem>>, %arg2: memref<128x128xf32, #tpu.memory_space<vmem>>, %arg3: memref<128x128xf32, #tpu.memory_space<vmem>>, %arg4: memref<128x128xf32, #tpu.memory_space<vmem>>, %arg5: memref<1x128xf32, #tpu.memory_space<vmem>>, %arg6: memref<1x128xf32, #tpu.memory_space<vmem>>, %arg7: memref<2560x128xf32, #tpu.memory_space<vmem>>, %arg8: memref<2560x128xf32, #tpu.memory_space<vmem>>) attributes {dimension_semantics = [], scalar_prefetch = 0 : i64, scratch_operands = 0 : i64, tpu.core_type = #tpu.core_type<tc>} {
    %get3A = arith.constant 0 : index
    %get3A_0 = arith.constant 0 : index
    %get3A_1 = arith.constant 0 : index
    %get3A_2 = vector.load %arg0[%get3A, %get3A_0, %get3A_1] : memref<2x2560x128xf32, #tpu.memory_space<vmem>>, vector<1x2560x128xf32>
    %get3A_3 = vector.shape_cast %get3A_2 : vector<1x2560x128xf32> to vector<2560x128xf32>
    %get3A_4 = arith.constant 1 : index
    %get3A_5 = arith.constant 0 : index
    %get3A_6 = arith.constant 0 : index
    %get3A_7 = vector.load %arg0[%get3A_4, %get3A_5, %get3A_6] : memref<2x2560x128xf32, #tpu.memory_space<vmem>>, vector<1x2560x128xf32>
    %get3A_8 = vector.shape_cast %get3A_7 : vector<1x2560x128xf32> to vector<2560x128xf32>
    %add3A = arith.addf %get3A_3, %get3A_8 : vector<2560x128xf32>
    %get3A_9 = arith.constant 0 : index
    %get3A_10 = arith.constant 0 : index
    %get3A_11 = vector.load %arg1[%get3A_9, %get3A_10] : memref<2560x128xf32, #tpu.memory_space<vmem>>, vector<2560x128xf32>
    %get3A_12 = arith.constant 0 : index
    %get3A_13 = arith.constant 0 : index
    %get3A_14 = vector.load %arg4[%get3A_12, %get3A_13] : memref<128x128xf32, #tpu.memory_space<vmem>>, vector<128x128xf32>
    %dot_general3A = arith.constant dense<0.000000e+00> : vector<2560x128xf32>
    %dot_general3A_15 = tpu.matmul %get3A_11, %get3A_14, %dot_general3A {dimension_numbers = #tpu.dot_dimension_numbers<[1], [0], [0], [1], [0, 0, 1, 1], [], []>, transpose_lhs_hint = false} : vector<2560x128xf32>, vector<128x128xf32>, vector<2560x128xf32> -> vector<2560x128xf32>
    %mul3A = arith.mulf %add3A, %dot_general3A_15 : vector<2560x128xf32>
    %add3A_16 = arith.addf %mul3A, %get3A_11 : vector<2560x128xf32>
    %gt3A = arith.constant 0.000000e+00 : f32
    %gt3A_17 = vector.broadcast %gt3A : f32 to vector<2560x128xf32>
    %gt3A_18 = arith.cmpf ogt, %add3A_16, %gt3A_17 : vector<2560x128xf32>
    %mul3A_19 = arith.constant 0.00999999977 : f32
    %mul3A_20 = vector.broadcast %mul3A_19 : f32 to vector<2560x128xf32>
    %mul3A_21 = arith.mulf %mul3A_20, %add3A_16 : vector<2560x128xf32>
    %select_n3A = arith.select %gt3A_18, %add3A_16, %mul3A_21 : vector<2560x128xi1>, vector<2560x128xf32>
    %get3A_22 = arith.constant 0 : index
    %get3A_23 = arith.constant 0 : index
    %get3A_24 = vector.load %arg2[%get3A_22, %get3A_23] : memref<128x128xf32, #tpu.memory_space<vmem>>, vector<128x128xf32>
    %dot_general3A_25 = arith.constant dense<0.000000e+00> : vector<2560x128xf32>
    %dot_general3A_26 = tpu.matmul %select_n3A, %get3A_24, %dot_general3A_25 {dimension_numbers = #tpu.dot_dimension_numbers<[1], [0], [0], [1], [0, 0, 1, 1], [], []>, transpose_lhs_hint = false} : vector<2560x128xf32>, vector<128x128xf32>, vector<2560x128xf32> -> vector<2560x128xf32>
    %swap3A = arith.constant 0 : index
    %swap3A_27 = arith.constant 0 : index
    %swap3A_28 = vector.load %arg7[%swap3A, %swap3A_27] : memref<2560x128xf32, #tpu.memory_space<vmem>>, vector<2560x128xf32>
    tpu.vector_store %arg7[%swap3A, %swap3A_27], %dot_general3A_26 {strides = array<i32>} : memref<2560x128xf32, #tpu.memory_space<vmem>>, vector<2560x128xf32>,
    %get3A_29 = arith.constant 0 : index
    %get3A_30 = arith.constant 0 : index
    %get3A_31 = vector.load %arg3[%get3A_29, %get3A_30] : memref<128x128xf32, #tpu.memory_space<vmem>>, vector<128x128xf32>
    %dot_general3A_32 = arith.constant dense<0.000000e+00> : vector<2560x128xf32>
    %dot_general3A_33 = tpu.matmul %select_n3A, %get3A_31, %dot_general3A_32 {dimension_numbers = #tpu.dot_dimension_numbers<[1], [0], [0], [1], [0, 0, 1, 1], [], []>, transpose_lhs_hint = false} : vector<2560x128xf32>, vector<128x128xf32>, vector<2560x128xf32> -> vector<2560x128xf32>
    %get3A_34 = arith.constant 0 : index
    %get3A_35 = arith.constant 0 : index
    %get3A_36 = vector.load %arg5[%get3A_34, %get3A_35] : memref<1x128xf32, #tpu.memory_space<vmem>>, vector<1x128xf32>
    %add3A_37 = vector.broadcast %get3A_36 : vector<1x128xf32> to vector<2560x128xf32>
    %add3A_38 = arith.addf %dot_general3A_33, %add3A_37 : vector<2560x128xf32>
    %get3A_39 = arith.constant 0 : index
    %get3A_40 = arith.constant 0 : index
    %get3A_41 = vector.load %arg6[%get3A_39, %get3A_40] : memref<1x128xf32, #tpu.memory_space<vmem>>, vector<1x128xf32>
    %sub3A = arith.constant 1.000000e+00 : f32
    %sub3A_42 = vector.broadcast %sub3A : f32 to vector<1x128xf32>
    %sub3A_43 = arith.subf %sub3A_42, %get3A_41 : vector<1x128xf32>
    %mul3A_44 = vector.broadcast %sub3A_43 : vector<1x128xf32> to vector<2560x128xf32>
    %mul3A_45 = arith.mulf %add3A_38, %mul3A_44 : vector<2560x128xf32>
    %mul3A_46 = vector.broadcast %get3A_41 : vector<1x128xf32> to vector<2560x128xf32>
    %mul3A_47 = arith.mulf %dot_general3A_15, %mul3A_46 : vector<2560x128xf32>
    %add3A_48 = arith.addf %mul3A_45, %mul3A_47 : vector<2560x128xf32>
    %swap3A_49 = arith.constant 0 : index
    %swap3A_50 = arith.constant 0 : index
    %swap3A_51 = vector.load %arg8[%swap3A_49, %swap3A_50] : memref<2560x128xf32, #tpu.memory_space<vmem>>, vector<2560x128xf32>
    tpu.vector_store %arg8[%swap3A_49, %swap3A_50], %add3A_48 {strides = array<i32>} : memref<2560x128xf32, #tpu.memory_space<vmem>>, vector<2560x128xf32>,
    return
  }
}

module attributes {stable_mosaic.version = 14 : i64} {
  func.func @body(%arg0: memref<2x2560x128xf32, #tpu.memory_space<vmem>>, %arg1: memref<2560x128xf32, #tpu.memory_space<vmem>>, %arg2: memref<128x128xf32, #tpu.memory_space<vmem>>, %arg3: memref<128x128xf32, #tpu.memory_space<vmem>>, %arg4: memref<1x128xf32, #tpu.memory_space<vmem>>, %arg5: memref<2560x128xf32, #tpu.memory_space<vmem>>) attributes {dimension_semantics = [], scalar_prefetch = 0 : i64, scratch_operands = 0 : i64, tpu.core_type = #tpu.core_type<tc>} {
    %get3A = arith.constant 0 : index
    %get3A_0 = arith.constant 0 : index
    %get3A_1 = arith.constant 0 : index
    %get3A_2 = vector.load %arg0[%get3A, %get3A_0, %get3A_1] : memref<2x2560x128xf32, #tpu.memory_space<vmem>>, vector<1x2560x128xf32>
    %get3A_3 = vector.shape_cast %get3A_2 : vector<1x2560x128xf32> to vector<2560x128xf32>
    %get3A_4 = arith.constant 1 : index
    %get3A_5 = arith.constant 0 : index
    %get3A_6 = arith.constant 0 : index
    %get3A_7 = vector.load %arg0[%get3A_4, %get3A_5, %get3A_6] : memref<2x2560x128xf32, #tpu.memory_space<vmem>>, vector<1x2560x128xf32>
    %get3A_8 = vector.shape_cast %get3A_7 : vector<1x2560x128xf32> to vector<2560x128xf32>
    %add3A = arith.addf %get3A_3, %get3A_8 : vector<2560x128xf32>
    %get3A_9 = arith.constant 0 : index
    %get3A_10 = arith.constant 0 : index
    %get3A_11 = vector.load %arg1[%get3A_9, %get3A_10] : memref<2560x128xf32, #tpu.memory_space<vmem>>, vector<2560x128xf32>
    %get3A_12 = arith.constant 0 : index
    %get3A_13 = arith.constant 0 : index
    %get3A_14 = vector.load %arg3[%get3A_12, %get3A_13] : memref<128x128xf32, #tpu.memory_space<vmem>>, vector<128x128xf32>
    %dot_general3A = arith.constant dense<0.000000e+00> : vector<2560x128xf32>
    %dot_general3A_15 = tpu.matmul %get3A_11, %get3A_14, %dot_general3A {dimension_numbers = #tpu.dot_dimension_numbers<[1], [0], [0], [1], [0, 0, 1, 1], [], []>, transpose_lhs_hint = false} : vector<2560x128xf32>, vector<128x128xf32>, vector<2560x128xf32> -> vector<2560x128xf32>
    %mul3A = arith.mulf %add3A, %dot_general3A_15 : vector<2560x128xf32>
    %add3A_16 = arith.addf %mul3A, %get3A_11 : vector<2560x128xf32>
    %gt3A = arith.constant 0.000000e+00 : f32
    %gt3A_17 = vector.broadcast %gt3A : f32 to vector<2560x128xf32>
    %gt3A_18 = arith.cmpf ogt, %add3A_16, %gt3A_17 : vector<2560x128xf32>
    %mul3A_19 = arith.constant 0.00999999977 : f32
    %mul3A_20 = vector.broadcast %mul3A_19 : f32 to vector<2560x128xf32>
    %mul3A_21 = arith.mulf %mul3A_20, %add3A_16 : vector<2560x128xf32>
    %select_n3A = arith.select %gt3A_18, %add3A_16, %mul3A_21 : vector<2560x128xi1>, vector<2560x128xf32>
    %get3A_22 = arith.constant 0 : index
    %get3A_23 = arith.constant 0 : index
    %get3A_24 = vector.load %arg2[%get3A_22, %get3A_23] : memref<128x128xf32, #tpu.memory_space<vmem>>, vector<128x128xf32>
    %dot_general3A_25 = arith.constant dense<0.000000e+00> : vector<2560x128xf32>
    %dot_general3A_26 = tpu.matmul %select_n3A, %get3A_24, %dot_general3A_25 {dimension_numbers = #tpu.dot_dimension_numbers<[1], [0], [0], [1], [0, 0, 1, 1], [], []>, transpose_lhs_hint = false} : vector<2560x128xf32>, vector<128x128xf32>, vector<2560x128xf32> -> vector<2560x128xf32>
    %get3A_27 = arith.constant 0 : index
    %get3A_28 = arith.constant 0 : index
    %get3A_29 = vector.load %arg4[%get3A_27, %get3A_28] : memref<1x128xf32, #tpu.memory_space<vmem>>, vector<1x128xf32>
    %add3A_30 = vector.broadcast %get3A_29 : vector<1x128xf32> to vector<2560x128xf32>
    %add3A_31 = arith.addf %dot_general3A_26, %add3A_30 : vector<2560x128xf32>
    %logistic3A = arith.negf %add3A_31 : vector<2560x128xf32>
    %logistic3A_32 = math.exp %logistic3A : vector<2560x128xf32>
    %logistic3A_33 = arith.constant 1.000000e+00 : f32
    %logistic3A_34 = vector.broadcast %logistic3A_33 : f32 to vector<2560x128xf32>
    %logistic3A_35 = arith.addf %logistic3A_34, %logistic3A_32 : vector<2560x128xf32>
    %logistic3A_36 = arith.divf %logistic3A_34, %logistic3A_35 : vector<2560x128xf32>
    %swap3A = arith.constant 0 : index
    %swap3A_37 = arith.constant 0 : index
    %swap3A_38 = vector.load %arg5[%swap3A, %swap3A_37] : memref<2560x128xf32, #tpu.memory_space<vmem>>, vector<2560x128xf32>
    tpu.vector_store %arg5[%swap3A, %swap3A_37], %logistic3A_36 {strides = array<i32>} : memref<2560x128xf32, #tpu.memory_space<vmem>>, vector<2560x128xf32>,
    return
  }
}

</mosaic_0001>

<sc_bundles>
// kernel: kernel.12.cloned.1.call-start
scs
__scs_entry_jumppad:
0x0: {  	(pc) =	sbr.rel $0x88, $3  }
0x1: {  	(tag) =	ssettag $0x0;
	lr =	simm.s32 $0x1  }
0x2: {  	[smem:$0x3F94] =	sst lr;
	_ =	strace $0xD0000000  }
0x3: {  	_ = 	snop  }
0x4: {  	_ = 	snop  }
0x5: {  	_ = 	snop  }
0x6: {  	_ = 	snop  }
0x7: {  	_ = 	snop  }
__scs_overlays_trampoline_lowered:
0x8: {  	[smem:$0x3FA3] =	sst s0  }
0x9: {  	[smem:$0x3FA4] =	sst s1  }
0xa: {  	[smem:$0x3FA5] =	sst s2  }
0xb: {  	[smem:$0x3FA6] =	sst s3  }
0xc: {  	[smem:$0x3FA7] =	sst s4  }
0xd: {  	[smem:$0x3FA8] =	sst s5  }
0xe: {  	[smem:$0x3FA9] =	sst s6  }
0xf: {  	[smem:$0x3FAA] =	sst s7  }
0x10: {  	[smem:$0x3FAB] =	sst s8  }
0x11: {  	[smem:$0x3FAC] =	sst s9;
	s0 =	simm.s32 @!p0 $0x0  }
0x12: {  	s1 =	sld [smem:$0x3F92];
	s0 =	simm.s32 @p0 $0x1  }
0x13: {  	[smem:$0x3FAD] =	sst s0;
	s0 =	simm.s32 @!p1 $0x0  }
0x14: {  	s2 =	sld [smem:$0x3F91];
	s0 =	simm.s32 @p1 $0x1  }
0x15: {  	[smem:$0x3FAE] =	sst s0;
	s0 =	simm.s32 @!p2 $0x0  }
0x16: {  	s3 =	sld [smem:$0x3FDB];
	s0 =	simm.s32 @p2 $0x1  }
0x17: {  	s4 =	simm.s32 $0x1BF5;
	[smem:$0x3FB0] =	sst s0  }
0x18: {  	s0 =	sld [smem:$0x3F93];
	_ =	swait.ge [sflag:s4], $0x0  }
0x19: {  	s7 =	sld [smem:$0x3F94]  }
0x1a: {  	s8 =	sadd.s32 $0xFFFFE003, lr  }
0x1b: {  	s9 =	sadd.s32 $0xFFFFFEF7, lr;
	s5 =	simm.s32 $0xFFFFFFFF;
	p2 =	slt.u32 s8, $0xFFFFF086  }
0x1c: {  	p1 =	slt.u32 s9, $0xF7A;
	s5 =	simm.s32 @!p2 $0x0  }
0x1d: {  	s5 =	simm.s32 @p1 $0x1;
	p0 =	seq.s32 s7, s2  }
0x1e: {  	s7 =	smul.u32 @!p0 $0xF7A, s2;
	p2 =	seq.s32 @!p0 s5, $0x0  }
0x1f: {  	s9 =	smul.u32 $0xF7A, s1;
	s8 =	simm.s32 @!p0 $0x1BF5;
	p2 =	por !p2, p0  }
0x20: {  	[sflag:s8] =	ssyncset.s32 @!p0 $0xFFFFF086;
	s6 =	sadd.s32 @!p0 s3, s7;
	s7 =	simm.s32 @!p0 $0x108  }
0x21: {  	s3 =	sadd.s32 s3, s9;
	s6 =	sadd.s32 @!p0 $0x88, s6;
	s7 =	simm.s32 @p2 $0x1082  }
0x22: {  	[simem:s7], [sflag:s8] =	dma.local @!p0 [hbm:s6], $0xF7A  }
0x23: {  	s9 =	sor.u32 $0xD0000000, s2;
	s6 =	simm.s32 $0x108;
	_ =	swait.ge @!p0 [sflag:s8], $0x0  }
0x24: {  	s3 =	sadd.s32 $0x88, s3;
	s6 =	simm.s32 @!p1 $0x1082;
	[sflag:s4] =	ssyncset.s32 $0xFFFFF086  }
0x25: {  	[simem:s6], [sflag:s4] =	dma.local [hbm:s3], $0xF7A  }
0x26: {  	[smem:$0x3F94] =	sst s1;
	(tag) =	ssettag s2;
	_ =	strace s9  }
0x27: {  	s1 =	sld [smem:$0x3FA4]  }
0x28: {  	s2 =	sld [smem:$0x3FA5]  }
0x29: {  	s4 =	sld [smem:$0x3FA7]  }
0x2a: {  	p0 =	seq.s32 s5, $0x0;
	s5 =	sld [smem:$0x3FA8]  }
0x2b: {  	s6 =	sld [smem:$0x3FA9]  }
0x2c: {  	s7 =	sld [smem:$0x3FAA]  }
0x2d: {  	s3 =	simm.s32 $0x108;
	s8 =	sld [smem:$0x3FAB]  }
0x2e: {  	s3 =	simm.s32 @!p0 $0x1082;
	s9 =	sld [smem:$0x3FAC]  }
0x2f: {  	lr =	sadd.s32 s0, s3;
	s0 =	sld [smem:$0x3FA3]  }
0x30: {  	s3 =	sld [smem:$0x3FA6]  }
0x31: {  	[smem:$0x3FAF] =	sst s10  }
0x32: {  	s10 =	sld [smem:$0x3FAD];
	_ =	sdelay $0x3  }
0x33: {  	p0 =	seq.s32 s10, $0x1;
	s10 =	sld [smem:$0x3FAF];
	_ =	sdelay $0x3  }
0x34: {  	[smem:$0x3FAF] =	sst s10  }
0x35: {  	s10 =	sld [smem:$0x3FAE];
	_ =	sdelay $0x3  }
0x36: {  	p1 =	seq.s32 s10, $0x1;
	s10 =	sld [smem:$0x3FAF];
	_ =	sdelay $0x3  }
0x37: {  	[smem:$0x3FAF] =	sst s10  }
0x38: {  	s10 =	sld [smem:$0x3FB0]  }
0x39: {  	_ = 	snop;
	(pc) =	sbr.ind lr, $3  }
0x3a: {  	_ = 	snop  }
0x3b: {  	_ = 	snop  }
0x3c: {  	p2 =	seq.s32 s10, $0x1;
	s10 =	sld [smem:$0x3FAF]  }
0x3d: {  	_ =	shalt  }
0x3e: {  	_ =	shalt  }
0x3f: {  	_ =	shalt  }
0x40: {  	_ =	shalt  }
0x41: {  	_ =	shalt  }
0x42: {  	_ =	shalt  }
0x43: {  	_ =	shalt  }
0x44: {  	_ =	shalt  }
0x45: {  	_ =	shalt  }
0x46: {  	_ =	shalt  }
0x47: {  	_ =	shalt  }
0x48: {  	_ =	shalt  }
0x49: {  	_ =	shalt  }
0x4a: {  	_ =	shalt  }
0x4b: {  	_ =	shalt  }
0x4c: {  	_ =	shalt  }
0x4d: {  	_ =	shalt  }
0x4e: {  	_ =	shalt  }
0x4f: {  	_ =	shalt  }
0x50: {  	_ =	shalt  }
0x51: {  	_ =	shalt  }
0x52: {  	_ =	shalt  }
0x53: {  	_ =	shalt  }
0x54: {  	_ =	shalt  }
0x55: {  	_ =	shalt  }
0x56: {  	_ =	shalt  }
0x57: {  	_ =	shalt  }
0x58: {  	_ =	shalt  }
0x59: {  	_ =	shalt  }
0x5a: {  	_ =	shalt  }
0x5b: {  	_ =	shalt  }
0x5c: {  	_ =	shalt  }
0x5d: {  	_ =	shalt  }
0x5e: {  	_ =	shalt  }
0x5f: {  	_ =	shalt  }
0x60: {  	_ =	shalt  }
0x61: {  	_ =	shalt  }
0x62: {  	_ =	shalt  }
0x63: {  	_ =	shalt  }
0x64: {  	_ =	shalt  }
0x65: {  	_ =	shalt  }
0x66: {  	_ =	shalt  }
0x67: {  	_ =	shalt  }
0x68: {  	_ =	shalt  }
0x69: {  	_ =	shalt  }
0x6a: {  	_ =	shalt  }
0x6b: {  	_ =	shalt  }
0x6c: {  	_ =	shalt  }
0x6d: {  	_ =	shalt  }
0x6e: {  	_ =	shalt  }
0x6f: {  	_ =	shalt  }
0x70: {  	_ =	shalt  }
0x71: {  	_ =	shalt  }
0x72: {  	_ =	shalt  }
0x73: {  	_ =	shalt  }
0x74: {  	_ =	shalt  }
0x75: {  	_ =	shalt  }
0x76: {  	_ =	shalt  }
0x77: {  	_ =	shalt  }
0x78: {  	_ =	shalt  }
0x79: {  	_ =	shalt  }
0x7a: {  	_ =	shalt  }
0x7b: {  	_ =	shalt  }
0x7c: {  	_ =	shalt  }
0x7d: {  	_ =	shalt  }
0x7e: {  	_ =	shalt  }
0x7f: {  	_ =	shalt  }
0x80: {  	_ =	shalt  }
0x81: {  	_ =	shalt  }
0x82: {  	_ =	shalt  }
0x83: {  	_ =	shalt  }
0x84: {  	_ =	shalt  }
0x85: {  	_ =	shalt  }
0x86: {  	_ =	shalt  }
0x87: {  	_ =	shalt  }
.Lfunc_end0:
.L_simem_size_0:
called_computation.1_lowered:
.L_overlay_start_0:
0x88: {  	s2 =	sld [smem:$0x3FD9]  }
0x89: {  	s3 =	sld [smem:$0x3FFE];
	_ =	sdelay $0x1  }
0x8a: {  	s1 =	srdreg.scid  }
0x8b: {  	s0 =	sand.u32 $0x1, s1  }
0x8c: {  	s16 =	sshll.u32 s0, $0xA;
	s2 =	sadd.s32 s3, s2  }
0x8d: {  	s2 =	sadd.s32 s2, s16  }
0x8e: {  	[smem:$0x3FBB] =	sst s2  }
0x8f: {  	_ = 	snop  }
0x90: {  	(tm) =	ssettm $0x1  }
0x91: {  	s17 =	sld [smem:$0x3FFB];
	_ =	sdelay $0x3  }
0x92: {  	_ =	strace s17  }
0x93: {  	s2 =	sld [smem:$0x3FFC];
	_ =	sdelay $0x3  }
0x94: {  	_ =	strace s2  }
0x95: {  	s2 =	sld [smem:$0x3FFD];
	_ =	sdelay $0x3  }
0x96: {  	_ =	strace s2  }
0x97: {  	_ =	strace $0x8FFFFFFF  }
0x98: {  	s18 =	sld [smem:$0x3FDB];
	_ =	sdelay $0x1  }
0x99: {  	s19 =	simm.s32 $_scs_section_size  }
0x9a: {  	s4 =	simm.s32 $_size__tile_overlayer_lowered;
	s5 =	simm.s32 $_tile_overlayer_lowered  }
0x9b: {  	s22 =	simm.s32 $0x1BFF;
	s21 =	sshll.u32 s5, $0x1;
	s2 =	sadd.s32 s19, s18  }
0x9c: {  	s6 =	simm.s32 $0x0;
	s20 =	sshll.u32 s4, $0x1;
	s4 =	sadd.s32 s21, s2  }
0x9d: {  	[timem:s6], [sflag:s22] =	dma.local [hbm:s4], s20  }
0x9e: {  	_ =	swait.ge [sflag:s22], s20  }
0x9f: {  	s3 =	ssub.s32 $0x0, s20;
	[sflag:s22] =	ssyncset.done $0x0  }
0xa0: {  	[sflag:s22] =	ssyncadd.s32 s3;
	_ =	sdelay $0x1  }
0xa1: {  	s23 =	simm.s32 $0x1B8B  }
0xa2: {  	_ =	swait.ge [sflag:s23], $0x1  }
0xa3: {  	[sflag:s23] =	ssyncset.done $0x0  }
0xa4: {  	s25 =	simm.s32 $0x1B8E;
	s24 =	sld [smem:$0x3FFE];
	[sflag:s23] =	ssyncadd.s32 $0xFFFFFFFF  }
0xa5: {  	s26 =	simm.s32 $execute0_lowered;
	[smem:$0x3FD2] =	sst s25  }
0xa6: {  	s4 =	sshll.u32 s26, $0x1;
	_ =	strace $0x80000049;
	[dreg:$0x1] =	wrdreg $0xFFFFFFFF  }
0xa7: {  	s28 =	simm.s32 $_size_execute0_lowered;
	s2 =	sadd.s32 s2, s4;
	[dreg:$0x0] =	wrdreg $0x0  }
0xa8: {  	s4 =	sshll.u32 s28, $0x1;
	[dreg:$0x2] =	wrdreg s2  }
0xa9: {  	[dreg:$0x3] =	wrdreg s4  }
0xaa: {  	[dreg:$0x4] =	wrdreg $0xC0  }
0xab: {  	_ =	task [dreg:s6], $0x5FFFF  }
0xac: {  	[dreg:$0x1] =	wrdreg $0xFFFFFFFF  }
0xad: {  	[dreg:$0x0] =	wrdreg $0x60  }
0xae: {  	[dreg:$0x2] =	wrdreg s24  }
0xaf: {  	[dreg:$0x3] =	wrdreg $0x154000  }
0xb0: {  	[dreg:$0x4] =	wrdreg $0x9  }
0xb1: {  	_ =	task.clear_ibuf [dreg:s6], $0x5FFFF;
	_ =	strace $0x90000049  }
0xb2: {  	s29 =	simm.s32 $0x9;
	_ =	strace $0x8000004B  }
0xb3: {  	_ =	swait.ge [sflag:s29], $0x1  }
0xb4: {  	[sflag:s29] =	ssyncadd.s32 $0xFFFFFFFF  }
0xb5: {  	_ =	strace $0x9000004B  }
0xb6: {  	_ =	sfence  }
0xb7: {  	s30 =	sld [smem:$0x0];
	_ =	sdelay $0x2  }
0xb8: {  	s31 =	sshll.u32 s1, $0xD;
	s1 =	sshrl.u32 s1, $0x2  }
0xb9: {  	s3 =	sand.u32 $0x4000, s31;
	s1 =	sadd.s32 s1, s30  }
0xba: {  	s0 =	sor.u32 s3, s0;
	s1 =	sshll.u32 s1, $0x11  }
0xbb: {  	s0 =	sor.u32 s1, s0  }
0xbc: {  	s0 =	sadd.s32 $0x8F2B, s0  }
0xbd: {  	[sflag:s0] =	ssyncadd.remote.s32 $0x1  }
0xbe: {  	_ =	sfence.sel $0xFFFF  }
0xbf: {  	[dreg:$0x0] =	wrdreg $0xFFFFFFFF;
	(pc) =	sbr.abs _section_cstart, $3  }
0xc0: {  	[dreg:$0x1] =	wrdreg $0xFFFFFFFF  }
0xc1: {  	_ =	task.clear_ibuf [dreg:s6], $0x2FFFF;
	_ =	strace $0x9FFFFFFF  }
0xc2: {  	(tm) =	ssettm $0x7FFFFFFF  }
0xc3: {  	_ =	shalt  }
tec
execute0_lowered:
.L_overlay_start_1:
0x0: {  	(tag) =	ssettag $0x1  }
0x1: {  	s0 =	rddreg [dreg:$0x0]  }
0x2: {  	s2 =	rddreg [dreg:$0x1];
	s3 =	simm.s32 $0x0;
	s1 =	srdreg.scid  }
0x3: {  	s13 =	stileid.u32;
	s15 =	simm.s32 $0x3;
	s17 =	simm.s32 $0x80  }
0x4: {  	s16 =	simm.s32 $0x9400;
	s18 =	simm.s32 $0x480;
	s19 =	simm.s32 $0xA400  }
0x5: {  	s20 =	simm.s32 $0x1;
	s21 =	simm.s32 $0x2;
	s22 =	simm.s32 $0x0  }
0x6: {  	[smem:$0x7FF] =	sst s3;
	s1 =	sand.u32 $0x1, s1;
	s9 =	smul.u32 $0x5000, s13  }
0x7: {  	s4 =	sadd.s32 $0x2400, s0;
	s5 =	sadd.s32 $0xC400, s0;
	s6 =	sadd.s32 $0x16400, s0  }
0x8: {  	s8 =	sshll.u32 s13, $0x1;
	s30 =	sshll.u32 s13, $0x6;
	_ =	strace $0x8000004A  }
0x9: {  	s7 =	smul.u32 $0x50000, s1;
	s10 =	ssub.s32 $0x2, s1;
	s1 =	sor.u32 s1, s8  }
0xa: {  	s8 =	sadd.s32 $0x20400, s0;
	s12 =	sshrl.u32 s10, $0x1;
	s14 =	sadd.s32 s9, s2  }
.Ltmp0:
0xb: {  	s7 =	sadd.s32 s9, s7;
	s29 =	ssub.s32 s10, s12;
	(pc) =	sbr.rel .LBB2_1-.Ltmp0, $4  }
0xc: {  	s9 =	sor.u32 $0x1C03, s30;
	s11 =	sshrl.u32 s7, $0x3;
	s7 =	smul.u32 $0x2800, s1  }
0xd: {  	s14 =	sshrl.u32 s14, $0x3;
	s13 =	smax.u32 s29, $0x1;
	s0 =	sadd.s32 s11, s0  }
0xe: {  	s1 =	simm.s32 $0x400;
	s31 =	sshrl.u32 s7, $0x3;
	s12 =	sadd.s32 $0x20E00, s0  }
0xf: {  	s0 =	simm.s32 $0x8400;
	s10 =	sadd.s32 s5, s31;
	s11 =	sadd.s32 s6, s31  }
.LBB2_6:
0x10: {  	_ =	swait.ge [sflag:s21], $0xA000  }
0x11: {  	s22 =	sadd.s32 $0x1, s22;
	[sflag:s21] =	ssyncset.done $0x0  }
0x12: {  	p0 =	sne.s32 s22, s13;
	[sflag:s21] =	ssyncadd.s32 $0xFFFF6000  }
.Ltmp1:
0x13: {  	[bflag:$0x0] =	sbarrier.arrive $0xFFFF;
	(pc) =	sbr.rel @!p0 .LBB2_7-.Ltmp1, $4  }
0x14: {  	[hbm:s12], [sflag:s9] =	dma.local [spmem:s14], $0xA00  }
0x15: {  	_ =	swait.ge [sflag:s15], $0xA00  }
0x16: {  	[sflag:s15] =	ssyncset.done $0x0  }
0x17: {  	[sflag:s15] =	ssyncadd.s32 $0xFFFFF600  }
.LBB2_1:
0x18: {  	[spmem:s14], [sflag:s9] =	dma.local [hbm:s8], $0xA00  }
0x19: {  	_ =	swait.ge [sflag:s15], $0xA00  }
0x1a: {  	[sflag:s15] =	ssyncset.done $0x0  }
0x1b: {  	[sflag:s15] =	ssyncadd.s32 $0xFFFFF600  }
0x1c: {  	[bflag:$0x0] =	sbarrier.arrive $0xFFFF  }
0x1d: {  	[tilespmem:s3], [sflag:$0x3] =	stream.linear.gather [hbm4b:s10+s3], $0x500, $0x38;
	[tilespmem:$0x1A400] =	vst v63  }
0x1e: {  	_ =	swait.ge [sflag:s15], $0x500  }
0x1f: {  	[sflag:s15] =	ssyncset.done $0x0  }
0x20: {  	s23 =	simm.s32 $0xA00;
	[sflag:s15] =	ssyncadd.s32 $0xFFFFFB00  }
0x21: {  	[tilespmem:s23], [sflag:$0x3] =	stream.linear.gather [hbm4b:s11+s3], $0x500, $0x38;
	[tilespmem:$0x1A400] =	vst v63  }
0x22: {  	_ =	swait.ge [sflag:s15], $0x500  }
0x23: {  	[sflag:s15] =	ssyncset.done $0x0  }
0x24: {  	s26 =	simm.s32 $0x1400;
	[sflag:s15] =	ssyncadd.s32 $0xFFFFFB00  }
0x25: {  	[tilespmem:s26], [sflag:$0x1] =	stream.indirect.gather [hbm4b:s4+s17], $0x20, s3, s17, $0xb8;
	[tilespmem:$0x1A400] =	vst v63  }
0x26: {  	s28 =	simm.s32 $0x2400  }
0x27: {  	[tilespmem:s28], [sflag:$0x1] =	stream.indirect.gather [hbm4b:s4+s17], $0x20, s17, s17, $0xb8;
	[tilespmem:$0x1A400] =	vst v63  }
0x28: {  	s29 =	simm.s32 $0x100;
	s24 =	simm.s32 $0x3400  }
0x29: {  	[tilespmem:s24], [sflag:$0x1] =	stream.indirect.gather [hbm4b:s4+s17], $0x20, s29, s17, $0xb8;
	[tilespmem:$0x1A400] =	vst v63  }
0x2a: {  	s30 =	simm.s32 $0x180;
	s31 =	simm.s32 $0x4400  }
0x2b: {  	[tilespmem:s31], [sflag:$0x1] =	stream.indirect.gather [hbm4b:s4+s17], $0x20, s30, s17, $0xb8;
	[tilespmem:$0x1A400] =	vst v63  }
0x2c: {  	s25 =	simm.s32 $0x5400;
	s24 =	simm.s32 $0x200  }
0x2d: {  	[tilespmem:s25], [sflag:$0x1] =	stream.indirect.gather [hbm4b:s4+s17], $0x20, s24, s17, $0xb8;
	[tilespmem:$0x1A400] =	vst v63  }
0x2e: {  	s26 =	simm.s32 $0x280;
	s28 =	simm.s32 $0x6400  }
0x2f: {  	[tilespmem:s28], [sflag:$0x1] =	stream.indirect.gather [hbm4b:s4+s17], $0x20, s26, s17, $0xb8;
	[tilespmem:$0x1A400] =	vst v63  }
0x30: {  	s29 =	simm.s32 $0x300;
	s30 =	simm.s32 $0x7400  }
0x31: {  	[tilespmem:s30], [sflag:$0x1] =	stream.indirect.gather [hbm4b:s4+s17], $0x20, s29, s17, $0xb8;
	[tilespmem:$0x1A400] =	vst v63  }
0x32: {  	s31 =	simm.s32 $0x380  }
0x33: {  	[tilespmem:s0], [sflag:$0x1] =	stream.indirect.gather [hbm4b:s4+s17], $0x20, s31, s17, $0xb8;
	[tilespmem:$0x1A400] =	vst v63  }
.Ltmp2:
0x34: {  	_ = 	snop;
	(pc) =	sbr.rel .LBB2_2-.Ltmp2, $4  }
0x35: {  	_ = 	snop  }
0x36: {  	[tilespmem:s16], [sflag:$0x1] =	stream.indirect.gather [hbm4b:s4+s17], $0x20, s1, s17, $0xb8;
	[tilespmem:$0x1A400] =	vst v63  }
0x37: {  	s23 =	simm.s32 $0x0  }
0x38: {  	[tilespmem:s19], [sflag:$0x1] =	stream.indirect.gather [hbm4b:s4+s17], $0x20, s18, s17, $0xb8;
	[tilespmem:$0x1A400] =	vst v63  }
.LBB2_4:
0x39: {  	s23 =	sadd.s32 @!p0 $0x1, s23  }
0x3a: {  	s23 =	simm.s32 @p0 $0x1  }
0x3b: {  	s26 =	smul.u32 $0x500, s23;
	_ =	sdelay $0x1  }
0x3c: {  	s26 =	sadd.s32 s7, s26  }
0x3d: {  	s28 =	smul.u32 $0x500, s25;
	s26 =	sshrl.u32 s26, $0x3  }
0x3e: {  	s29 =	sadd.s32 s5, s26  }
0x3f: {  	[tilespmem:s28], [sflag:$0x3] =	stream.linear.gather [hbm4b:s29+s3], $0x500, $0x38;
	[tilespmem:$0x1A400] =	vst v63  }
0x40: {  	_ =	swait.ge [sflag:s15], $0x500  }
0x41: {  	[sflag:s15] =	ssyncset.done $0x0  }
0x42: {  	s26 =	sadd.s32 s6, s26;
	s28 =	sadd.s32 $0xA00, s28;
	[sflag:s15] =	ssyncadd.s32 $0xFFFFFB00  }
0x43: {  	[tilespmem:s28], [sflag:$0x3] =	stream.linear.gather [hbm4b:s26+s3], $0x500, $0x38;
	[tilespmem:$0x1A400] =	vst v63  }
0x44: {  	_ =	swait.ge [sflag:s15], $0x500  }
0x45: {  	[sflag:s15] =	ssyncset.done $0x0  }
0x46: {  	p0 =	por $0x0, $0x0;
	[sflag:s15] =	ssyncadd.s32 $0xFFFFFB00  }
.LBB2_5:
0x47: {  	s26 =	smul.u32 @!p0 $0x28000, s25  }
0x48: {  	_ =	swait.ge [sflag:s20], $0xA000;
	s25 =	smul.u32 @!p0 $0x1400, s25  }
0x49: {  	s29 =	simm.s32 @!p0 $0x80;
	[sflag:s20] =	ssyncset.done $0x0;
	s26 =	sshrl.u32 @!p0 s26, $0x2  }
0x4a: {  	[sflag:s20] =	ssyncadd.s32 $0xFFFF6000;
	s25 =	sshrl.u32 @!p0 s25, $0x2;
	s28 =	sor.u32 @!p0 $0x1400, s26  }
0x4b: {  	[tilespmem:s28], [sflag:$0x1] =	stream.indirect.gather @!p0 [hbm4b:s4+s29], $0x20, s25, s29, $0xb8;
	[tilespmem:$0x1A400] =	vst v63  }
0x4c: {  	s30 =	sor.u32 @!p0 $0x80, s25;
	s28 =	sadd.s32 @!p0 $0x2400, s26  }
0x4d: {  	[tilespmem:s28], [sflag:$0x1] =	stream.indirect.gather @!p0 [hbm4b:s4+s29], $0x20, s30, s29, $0xb8;
	[tilespmem:$0x1A400] =	vst v63  }
0x4e: {  	s28 =	sadd.s32 @!p0 $0x3400, s26;
	s30 =	sadd.s32 @!p0 $0x100, s25  }
0x4f: {  	[tilespmem:s28], [sflag:$0x1] =	stream.indirect.gather @!p0 [hbm4b:s4+s29], $0x20, s30, s29, $0xb8;
	[tilespmem:$0x1A400] =	vst v63  }
0x50: {  	s28 =	sadd.s32 @!p0 $0x4400, s26;
	s30 =	sadd.s32 @!p0 $0x180, s25  }
0x51: {  	[tilespmem:s28], [sflag:$0x1] =	stream.indirect.gather @!p0 [hbm4b:s4+s29], $0x20, s30, s29, $0xb8;
	[tilespmem:$0x1A400] =	vst v63  }
0x52: {  	s28 =	sadd.s32 @!p0 $0x5400, s26;
	s30 =	sadd.s32 @!p0 $0x200, s25  }
0x53: {  	[tilespmem:s28], [sflag:$0x1] =	stream.indirect.gather @!p0 [hbm4b:s4+s29], $0x20, s30, s29, $0xb8;
	[tilespmem:$0x1A400] =	vst v63  }
0x54: {  	s28 =	sadd.s32 @!p0 $0x6400, s26;
	s30 =	sadd.s32 @!p0 $0x280, s25  }
0x55: {  	[tilespmem:s28], [sflag:$0x1] =	stream.indirect.gather @!p0 [hbm4b:s4+s29], $0x20, s30, s29, $0xb8;
	[tilespmem:$0x1A400] =	vst v63  }
0x56: {  	s28 =	sadd.s32 @!p0 $0x7400, s26;
	s30 =	sadd.s32 @!p0 $0x300, s25  }
0x57: {  	[tilespmem:s28], [sflag:$0x1] =	stream.indirect.gather @!p0 [hbm4b:s4+s29], $0x20, s30, s29, $0xb8;
	[tilespmem:$0x1A400] =	vst v63  }
0x58: {  	s28 =	sadd.s32 @!p0 $0x8400, s26;
	s30 =	sadd.s32 @!p0 $0x380, s25  }
0x59: {  	[tilespmem:s28], [sflag:$0x1] =	stream.indirect.gather @!p0 [hbm4b:s4+s29], $0x20, s30, s29, $0xb8;
	[tilespmem:$0x1A400] =	vst v63  }
0x5a: {  	s31 =	sadd.s32 @!p0 $0x400, s25;
	s28 =	smul.u32 $0x28000, s24;
	s30 =	sadd.s32 @!p0 $0x9400, s26  }
0x5b: {  	[tilespmem:s30], [sflag:$0x1] =	stream.indirect.gather @!p0 [hbm4b:s4+s29], $0x20, s31, s29, $0xb8;
	[tilespmem:$0x1A400] =	vst v63  }
0x5c: {  	s25 =	sadd.s32 @!p0 $0x480, s25;
	s26 =	sadd.s32 @!p0 $0xA400, s26;
	s31 =	smul.u32 $0x1400, s24  }
0x5d: {  	[tilespmem:s26], [sflag:$0x1] =	stream.indirect.gather @!p0 [hbm4b:s4+s29], $0x20, s25, s29, $0xb8;
	[tilespmem:$0x1A400] =	vst v63  }
0x5e: {  	s25 =	sshrl.u32 s28, $0x2;
	s24 =	sshrl.u32 s31, $0x2  }
0x5f: {  	s29 =	sor.u32 $0x1400, s25;
	s30 =	sadd.s32 $0xA00, s24  }
0x60: {  	[spmem:s2] =	stream.indirect.scatter.add.f32 [tilespmem:s29], [sflag:$0x2], $0x20, s30, s17, $0xb8;
	[tilespmem:$0x1A400] =	vst v63  }
0x61: {  	s31 =	sadd.s32 $0x2400, s25;
	s29 =	sadd.s32 $0xA80, s24  }
0x62: {  	[spmem:s2] =	stream.indirect.scatter.add.f32 [tilespmem:s31], [sflag:$0x2], $0x20, s29, s17, $0xb8;
	[tilespmem:$0x1A400] =	vst v63  }
0x63: {  	s30 =	sadd.s32 $0x3400, s25;
	s31 =	sadd.s32 $0xB00, s24  }
0x64: {  	[spmem:s2] =	stream.indirect.scatter.add.f32 [tilespmem:s30], [sflag:$0x2], $0x20, s31, s17, $0xb8;
	[tilespmem:$0x1A400] =	vst v63  }
0x65: {  	s29 =	sadd.s32 $0x4400, s25;
	s30 =	sadd.s32 $0xB80, s24  }
0x66: {  	[spmem:s2] =	stream.indirect.scatter.add.f32 [tilespmem:s29], [sflag:$0x2], $0x20, s30, s17, $0xb8;
	[tilespmem:$0x1A400] =	vst v63  }
0x67: {  	s31 =	sadd.s32 $0x5400, s25;
	s29 =	sadd.s32 $0xC00, s24  }
0x68: {  	[spmem:s2] =	stream.indirect.scatter.add.f32 [tilespmem:s31], [sflag:$0x2], $0x20, s29, s17, $0xb8;
	[tilespmem:$0x1A400] =	vst v63  }
0x69: {  	s30 =	sadd.s32 $0x6400, s25;
	s31 =	sadd.s32 $0xC80, s24  }
0x6a: {  	[spmem:s2] =	stream.indirect.scatter.add.f32 [tilespmem:s30], [sflag:$0x2], $0x20, s31, s17, $0xb8;
	[tilespmem:$0x1A400] =	vst v63  }
0x6b: {  	s29 =	sadd.s32 $0x7400, s25;
	s30 =	sadd.s32 $0xD00, s24  }
0x6c: {  	[spmem:s2] =	stream.indirect.scatter.add.f32 [tilespmem:s29], [sflag:$0x2], $0x20, s30, s17, $0xb8;
	[tilespmem:$0x1A400] =	vst v63  }
0x6d: {  	p0 =	slt.u32 s23, $0x8;
	s31 =	sadd.s32 $0x8400, s25;
	s29 =	sadd.s32 $0xD80, s24  }
0x6e: {  	[spmem:s2] =	stream.indirect.scatter.add.f32 [tilespmem:s31], [sflag:$0x2], $0x20, s29, s17, $0xb8;
	[tilespmem:$0x1A400] =	vst v63  }
.Ltmp3:
0x6f: {  	_ = 	snop;
	(pc) =	sbr.rel @!p0 .LBB2_6-.Ltmp3, $4  }
0x70: {  	s30 =	sadd.s32 $0x9400, s25;
	s31 =	sadd.s32 $0xE00, s24  }
0x71: {  	[spmem:s2] =	stream.indirect.scatter.add.f32 [tilespmem:s30], [sflag:$0x2], $0x20, s31, s17, $0xb8;
	[tilespmem:$0x1A400] =	vst v63  }
0x72: {  	s25 =	sadd.s32 $0xA400, s25;
	s24 =	sadd.s32 $0xE80, s24  }
0x73: {  	[spmem:s2] =	stream.indirect.scatter.add.f32 [tilespmem:s25], [sflag:$0x2], $0x20, s24, s17, $0xb8;
	[tilespmem:$0x1A400] =	vst v63  }
.LBB2_2:
0x74: {  	p0 =	seq.s32 s23, $0x0  }
0x75: {  	p1 =	seq.s32 @!p0 s23, $0x7  }
0x76: {  	p1 =	por p0, !p1  }
.Ltmp4:
0x77: {  	_ = 	snop;
	(pc) =	sbr.rel @p1 .LBB2_4-.Ltmp4, $4  }
0x78: {  	s26 =	simm.s32 @!p0 $0x2  }
0x79: {  	_ =	swait.ge @!p0 [sflag:s26], $0xA000  }
0x7a: {  	s24 =	sand.u32 $0x1, s23;
	[sflag:s26] =	ssyncset.done @!p0 $0x0  }
0x7b: {  	s25 =	sxor.u32 $0x1, s24;
	[sflag:s26] =	ssyncadd.s32 @!p0 $0xFFFF6000  }
.Ltmp5:
0x7c: {  	(pc) =	sbr.rel .LBB2_5-.Ltmp5, $2  }
0x7d: {  	_ =	sdelay $0x2  }
0x7e: {  	s23 =	simm.s32 @!p0 $0x8;
	p0 =	por @!p0 $0x1, $0x1  }
.LBB2_7:
0x7f: {  	_ =	sfence.sel $0x180000  }
0x80: {  	[bflag:$0x0] =	sbarrier.arrive $0xFFFF  }
0x81: {  	_ =	strace $0x9000004A  }
0x82: {  	s0 =	stileid.u32;
	[bflag:$0x2] =	sbarrier.arrive $0xFFFF  }
0x83: {  	p0 =	sne.s32 s0, $0x0;
	s0 =	rddreg [dreg:$0x2]  }
0x84: {  	s0 =	sadd.s32 @!p0 $0x100000, s0  }
0x85: {  	[sflag:s0] =	ssyncadd.tile.s32 @!p0 $0x1;
	_ =	shalt  }
.Lfunc_end2:
_tile_overlayer_lowered:
.L_overlay_start_2:
0x86: {  	(tag) =	ssettag $0x2  }
0x87: {  	s0 =	rddreg [dreg:$0x0];
	s2 =	stileid.u32  }
0x88: {  	s1 =	rddreg [dreg:$0x1];
	p0 =	sne.s32 s2, $0x0  }
0x89: {  	s3 =	rddreg [dreg:$0x2];
	[bflag:$0x3] =	sbarrier.arrive $0xFFFF;
	s2 =	simm.s32 @!p0 $0x1C03  }
0x8a: {  	[timem:s3], [sflag:s2] =	dma.local @!p0 [hbm:s0], s1  }
0x8b: {  	s0 =	simm.s32 @!p0 $0x3  }
0x8c: {  	_ =	swait.ge @!p0 [sflag:s0], s1  }
0x8d: {  	s1 =	ssub.s32 @!p0 $0x0, s1;
	[sflag:s0] =	ssyncset.done @!p0 $0x0  }
0x8e: {  	[sflag:s0] =	ssyncadd.s32 @!p0 s1  }
0x8f: {  	[bflag:$0x3] =	sbarrier.arrive $0xFFFF  }
0x90: {  	_ =	shalt  }

// kernel: kernel.15.cloned.1.call-start
scs
__scs_entry_jumppad:
0x0: {  	(pc) =	sbr.rel $0x88, $3  }
0x1: {  	(tag) =	ssettag $0x0;
	lr =	simm.s32 $0x1  }
0x2: {  	[smem:$0x3F94] =	sst lr;
	_ =	strace $0xD0000000  }
0x3: {  	_ = 	snop  }
0x4: {  	_ = 	snop  }
0x5: {  	_ = 	snop  }
0x6: {  	_ = 	snop  }
0x7: {  	_ = 	snop  }
__scs_overlays_trampoline_lowered:
0x8: {  	[smem:$0x3FA3] =	sst s0  }
0x9: {  	[smem:$0x3FA4] =	sst s1  }
0xa: {  	[smem:$0x3FA5] =	sst s2  }
0xb: {  	[smem:$0x3FA6] =	sst s3  }
0xc: {  	[smem:$0x3FA7] =	sst s4  }
0xd: {  	[smem:$0x3FA8] =	sst s5  }
0xe: {  	[smem:$0x3FA9] =	sst s6  }
0xf: {  	[smem:$0x3FAA] =	sst s7  }
0x10: {  	[smem:$0x3FAB] =	sst s8  }
0x11: {  	[smem:$0x3FAC] =	sst s9;
	s0 =	simm.s32 @!p0 $0x0  }
0x12: {  	s1 =	sld [smem:$0x3F92];
	s0 =	simm.s32 @p0 $0x1  }
0x13: {  	[smem:$0x3FAD] =	sst s0;
	s0 =	simm.s32 @!p1 $0x0  }
0x14: {  	s2 =	sld [smem:$0x3F91];
	s0 =	simm.s32 @p1 $0x1  }
0x15: {  	[smem:$0x3FAE] =	sst s0;
	s0 =	simm.s32 @!p2 $0x0  }
0x16: {  	s3 =	sld [smem:$0x3FDB];
	s0 =	simm.s32 @p2 $0x1  }
0x17: {  	s4 =	simm.s32 $0x1BF5;
	[smem:$0x3FB0] =	sst s0  }
0x18: {  	s0 =	sld [smem:$0x3F93];
	_ =	swait.ge [sflag:s4], $0x0  }
0x19: {  	s7 =	sld [smem:$0x3F94]  }
0x1a: {  	s8 =	sadd.s32 $0xFFFFE003, lr  }
0x1b: {  	s9 =	sadd.s32 $0xFFFFFEF7, lr;
	s5 =	simm.s32 $0xFFFFFFFF;
	p2 =	slt.u32 s8, $0xFFFFF086  }
0x1c: {  	p1 =	slt.u32 s9, $0xF7A;
	s5 =	simm.s32 @!p2 $0x0  }
0x1d: {  	s5 =	simm.s32 @p1 $0x1;
	p0 =	seq.s32 s7, s2  }
0x1e: {  	s7 =	smul.u32 @!p0 $0xF7A, s2;
	p2 =	seq.s32 @!p0 s5, $0x0  }
0x1f: {  	s9 =	smul.u32 $0xF7A, s1;
	s8 =	simm.s32 @!p0 $0x1BF5;
	p2 =	por !p2, p0  }
0x20: {  	[sflag:s8] =	ssyncset.s32 @!p0 $0xFFFFF086;
	s6 =	sadd.s32 @!p0 s3, s7;
	s7 =	simm.s32 @!p0 $0x108  }
0x21: {  	s3 =	sadd.s32 s3, s9;
	s6 =	sadd.s32 @!p0 $0x88, s6;
	s7 =	simm.s32 @p2 $0x1082  }
0x22: {  	[simem:s7], [sflag:s8] =	dma.local @!p0 [hbm:s6], $0xF7A  }
0x23: {  	s9 =	sor.u32 $0xD0000000, s2;
	s6 =	simm.s32 $0x108;
	_ =	swait.ge @!p0 [sflag:s8], $0x0  }
0x24: {  	s3 =	sadd.s32 $0x88, s3;
	s6 =	simm.s32 @!p1 $0x1082;
	[sflag:s4] =	ssyncset.s32 $0xFFFFF086  }
0x25: {  	[simem:s6], [sflag:s4] =	dma.local [hbm:s3], $0xF7A  }
0x26: {  	[smem:$0x3F94] =	sst s1;
	(tag) =	ssettag s2;
	_ =	strace s9  }
0x27: {  	s1 =	sld [smem:$0x3FA4]  }
0x28: {  	s2 =	sld [smem:$0x3FA5]  }
0x29: {  	s4 =	sld [smem:$0x3FA7]  }
0x2a: {  	p0 =	seq.s32 s5, $0x0;
	s5 =	sld [smem:$0x3FA8]  }
0x2b: {  	s6 =	sld [smem:$0x3FA9]  }
0x2c: {  	s7 =	sld [smem:$0x3FAA]  }
0x2d: {  	s3 =	simm.s32 $0x108;
	s8 =	sld [smem:$0x3FAB]  }
0x2e: {  	s3 =	simm.s32 @!p0 $0x1082;
	s9 =	sld [smem:$0x3FAC]  }
0x2f: {  	lr =	sadd.s32 s0, s3;
	s0 =	sld [smem:$0x3FA3]  }
0x30: {  	s3 =	sld [smem:$0x3FA6]  }
0x31: {  	[smem:$0x3FAF] =	sst s10  }
0x32: {  	s10 =	sld [smem:$0x3FAD];
	_ =	sdelay $0x3  }
0x33: {  	p0 =	seq.s32 s10, $0x1;
	s10 =	sld [smem:$0x3FAF];
	_ =	sdelay $0x3  }
0x34: {  	[smem:$0x3FAF] =	sst s10  }
0x35: {  	s10 =	sld [smem:$0x3FAE];
	_ =	sdelay $0x3  }
0x36: {  	p1 =	seq.s32 s10, $0x1;
	s10 =	sld [smem:$0x3FAF];
	_ =	sdelay $0x3  }
0x37: {  	[smem:$0x3FAF] =	sst s10  }
0x38: {  	s10 =	sld [smem:$0x3FB0]  }
0x39: {  	_ = 	snop;
	(pc) =	sbr.ind lr, $3  }
0x3a: {  	_ = 	snop  }
0x3b: {  	_ = 	snop  }
0x3c: {  	p2 =	seq.s32 s10, $0x1;
	s10 =	sld [smem:$0x3FAF]  }
0x3d: {  	_ =	shalt  }
0x3e: {  	_ =	shalt  }
0x3f: {  	_ =	shalt  }
0x40: {  	_ =	shalt  }
0x41: {  	_ =	shalt  }
0x42: {  	_ =	shalt  }
0x43: {  	_ =	shalt  }
0x44: {  	_ =	shalt  }
0x45: {  	_ =	shalt  }
0x46: {  	_ =	shalt  }
0x47: {  	_ =	shalt  }
0x48: {  	_ =	shalt  }
0x49: {  	_ =	shalt  }
0x4a: {  	_ =	shalt  }
0x4b: {  	_ =	shalt  }
0x4c: {  	_ =	shalt  }
0x4d: {  	_ =	shalt  }
0x4e: {  	_ =	shalt  }
0x4f: {  	_ =	shalt  }
0x50: {  	_ =	shalt  }
0x51: {  	_ =	shalt  }
0x52: {  	_ =	shalt  }
0x53: {  	_ =	shalt  }
0x54: {  	_ =	shalt  }
0x55: {  	_ =	shalt  }
0x56: {  	_ =	shalt  }
0x57: {  	_ =	shalt  }
0x58: {  	_ =	shalt  }
0x59: {  	_ =	shalt  }
0x5a: {  	_ =	shalt  }
0x5b: {  	_ =	shalt  }
0x5c: {  	_ =	shalt  }
0x5d: {  	_ =	shalt  }
0x5e: {  	_ =	shalt  }
0x5f: {  	_ =	shalt  }
0x60: {  	_ =	shalt  }
0x61: {  	_ =	shalt  }
0x62: {  	_ =	shalt  }
0x63: {  	_ =	shalt  }
0x64: {  	_ =	shalt  }
0x65: {  	_ =	shalt  }
0x66: {  	_ =	shalt  }
0x67: {  	_ =	shalt  }
0x68: {  	_ =	shalt  }
0x69: {  	_ =	shalt  }
0x6a: {  	_ =	shalt  }
0x6b: {  	_ =	shalt  }
0x6c: {  	_ =	shalt  }
0x6d: {  	_ =	shalt  }
0x6e: {  	_ =	shalt  }
0x6f: {  	_ =	shalt  }
0x70: {  	_ =	shalt  }
0x71: {  	_ =	shalt  }
0x72: {  	_ =	shalt  }
0x73: {  	_ =	shalt  }
0x74: {  	_ =	shalt  }
0x75: {  	_ =	shalt  }
0x76: {  	_ =	shalt  }
0x77: {  	_ =	shalt  }
0x78: {  	_ =	shalt  }
0x79: {  	_ =	shalt  }
0x7a: {  	_ =	shalt  }
0x7b: {  	_ =	shalt  }
0x7c: {  	_ =	shalt  }
0x7d: {  	_ =	shalt  }
0x7e: {  	_ =	shalt  }
0x7f: {  	_ =	shalt  }
0x80: {  	_ =	shalt  }
0x81: {  	_ =	shalt  }
0x82: {  	_ =	shalt  }
0x83: {  	_ =	shalt  }
0x84: {  	_ =	shalt  }
0x85: {  	_ =	shalt  }
0x86: {  	_ =	shalt  }
0x87: {  	_ =	shalt  }
.Lfunc_end0:
.L_simem_size_0:
called_computation.2_lowered:
.L_overlay_start_0:
0x88: {  	s2 =	sld [smem:$0x3FD9]  }
0x89: {  	s3 =	sld [smem:$0x3FFE];
	_ =	sdelay $0x1  }
0x8a: {  	s1 =	srdreg.scid  }
0x8b: {  	s0 =	sand.u32 $0x1, s1  }
0x8c: {  	s16 =	sshll.u32 s0, $0xA;
	s2 =	sadd.s32 s3, s2  }
0x8d: {  	s2 =	sadd.s32 s2, s16  }
0x8e: {  	[smem:$0x3FBB] =	sst s2  }
0x8f: {  	_ = 	snop  }
0x90: {  	(tm) =	ssettm $0x1  }
0x91: {  	s17 =	sld [smem:$0x3FFB];
	_ =	sdelay $0x3  }
0x92: {  	_ =	strace s17  }
0x93: {  	s2 =	sld [smem:$0x3FFC];
	_ =	sdelay $0x3  }
0x94: {  	_ =	strace s2  }
0x95: {  	s2 =	sld [smem:$0x3FFD];
	_ =	sdelay $0x3  }
0x96: {  	_ =	strace s2  }
0x97: {  	_ =	strace $0x8FFFFFFF  }
0x98: {  	s18 =	sld [smem:$0x3FDB];
	_ =	sdelay $0x1  }
0x99: {  	s19 =	simm.s32 $_scs_section_size  }
0x9a: {  	s4 =	simm.s32 $_size__tile_overlayer_lowered;
	s5 =	simm.s32 $_tile_overlayer_lowered  }
0x9b: {  	s22 =	simm.s32 $0x1BFF;
	s21 =	sshll.u32 s5, $0x1;
	s2 =	sadd.s32 s19, s18  }
0x9c: {  	s6 =	simm.s32 $0x0;
	s20 =	sshll.u32 s4, $0x1;
	s4 =	sadd.s32 s21, s2  }
0x9d: {  	[timem:s6], [sflag:s22] =	dma.local [hbm:s4], s20  }
0x9e: {  	_ =	swait.ge [sflag:s22], s20  }
0x9f: {  	s3 =	ssub.s32 $0x0, s20;
	[sflag:s22] =	ssyncset.done $0x0  }
0xa0: {  	[sflag:s22] =	ssyncadd.s32 s3;
	_ =	sdelay $0x1  }
0xa1: {  	s23 =	simm.s32 $0x1B8B  }
0xa2: {  	_ =	swait.ge [sflag:s23], $0x1  }
0xa3: {  	[sflag:s23] =	ssyncset.done $0x0  }
0xa4: {  	s25 =	simm.s32 $0x1B8E;
	s24 =	sld [smem:$0x3FFE];
	[sflag:s23] =	ssyncadd.s32 $0xFFFFFFFF  }
0xa5: {  	s26 =	simm.s32 $execute0_lowered;
	[smem:$0x3FD2] =	sst s25  }
0xa6: {  	s4 =	sshll.u32 s26, $0x1;
	_ =	strace $0x8000004C;
	[dreg:$0x1] =	wrdreg $0xFFFFFFFF  }
0xa7: {  	s28 =	simm.s32 $_size_execute0_lowered;
	s2 =	sadd.s32 s2, s4;
	[dreg:$0x0] =	wrdreg $0x0  }
0xa8: {  	s4 =	sshll.u32 s28, $0x1;
	[dreg:$0x2] =	wrdreg s2  }
0xa9: {  	[dreg:$0x3] =	wrdreg s4  }
0xaa: {  	[dreg:$0x4] =	wrdreg $0xC0  }
0xab: {  	_ =	task [dreg:s6], $0x5FFFF  }
0xac: {  	[dreg:$0x1] =	wrdreg $0xFFFFFFFF  }
0xad: {  	[dreg:$0x0] =	wrdreg $0x60  }
0xae: {  	[dreg:$0x2] =	wrdreg s24  }
0xaf: {  	[dreg:$0x3] =	wrdreg $0x154000  }
0xb0: {  	[dreg:$0x4] =	wrdreg $0x9  }
0xb1: {  	_ =	task.clear_ibuf [dreg:s6], $0x5FFFF;
	_ =	strace $0x9000004C  }
0xb2: {  	s29 =	simm.s32 $0x9;
	_ =	strace $0x8000004E  }
0xb3: {  	_ =	swait.ge [sflag:s29], $0x1  }
0xb4: {  	[sflag:s29] =	ssyncadd.s32 $0xFFFFFFFF  }
0xb5: {  	_ =	strace $0x9000004E  }
0xb6: {  	_ =	sfence  }
0xb7: {  	s30 =	sld [smem:$0x0];
	_ =	sdelay $0x2  }
0xb8: {  	s31 =	sshll.u32 s1, $0xD;
	s1 =	sshrl.u32 s1, $0x2  }
0xb9: {  	s3 =	sand.u32 $0x4000, s31;
	s1 =	sadd.s32 s1, s30  }
0xba: {  	s0 =	sor.u32 s3, s0;
	s1 =	sshll.u32 s1, $0x11  }
0xbb: {  	s0 =	sor.u32 s1, s0  }
0xbc: {  	s0 =	sadd.s32 $0x8F2B, s0  }
0xbd: {  	[sflag:s0] =	ssyncadd.remote.s32 $0x1  }
0xbe: {  	_ =	sfence.sel $0xFFFF  }
0xbf: {  	[dreg:$0x0] =	wrdreg $0xFFFFFFFF;
	(pc) =	sbr.abs _section_cstart, $3  }
0xc0: {  	[dreg:$0x1] =	wrdreg $0xFFFFFFFF  }
0xc1: {  	_ =	task.clear_ibuf [dreg:s6], $0x2FFFF;
	_ =	strace $0x9FFFFFFF  }
0xc2: {  	(tm) =	ssettm $0x7FFFFFFF  }
0xc3: {  	_ =	shalt  }
tec
execute0_lowered:
.L_overlay_start_1:
0x0: {  	(tag) =	ssettag $0x1  }
0x1: {  	s0 =	rddreg [dreg:$0x0]  }
0x2: {  	s2 =	rddreg [dreg:$0x1];
	s3 =	simm.s32 $0x0;
	s1 =	srdreg.scid  }
0x3: {  	s13 =	stileid.u32;
	s15 =	simm.s32 $0x3;
	s17 =	simm.s32 $0x80  }
0x4: {  	s16 =	simm.s32 $0x9400;
	s18 =	simm.s32 $0x480;
	s19 =	simm.s32 $0xA400  }
0x5: {  	s20 =	simm.s32 $0x1;
	s21 =	simm.s32 $0x2;
	s22 =	simm.s32 $0x0  }
0x6: {  	[smem:$0x7FF] =	sst s3;
	s1 =	sand.u32 $0x1, s1;
	s9 =	smul.u32 $0x5000, s13  }
0x7: {  	s4 =	sadd.s32 $0x2400, s0;
	s5 =	sadd.s32 $0xC400, s0;
	s6 =	sadd.s32 $0x16400, s0  }
0x8: {  	s8 =	sshll.u32 s13, $0x1;
	s30 =	sshll.u32 s13, $0x6;
	_ =	strace $0x8000004D  }
0x9: {  	s7 =	smul.u32 $0x50000, s1;
	s10 =	ssub.s32 $0x2, s1;
	s1 =	sor.u32 s1, s8  }
0xa: {  	s8 =	sadd.s32 $0x20400, s0;
	s12 =	sshrl.u32 s10, $0x1;
	s14 =	sadd.s32 s9, s2  }
.Ltmp0:
0xb: {  	s7 =	sadd.s32 s9, s7;
	s29 =	ssub.s32 s10, s12;
	(pc) =	sbr.rel .LBB2_1-.Ltmp0, $4  }
0xc: {  	s9 =	sor.u32 $0x1C03, s30;
	s11 =	sshrl.u32 s7, $0x3;
	s7 =	smul.u32 $0x2800, s1  }
0xd: {  	s14 =	sshrl.u32 s14, $0x3;
	s13 =	smax.u32 s29, $0x1;
	s0 =	sadd.s32 s11, s0  }
0xe: {  	s1 =	simm.s32 $0x400;
	s31 =	sshrl.u32 s7, $0x3;
	s12 =	sadd.s32 $0x20E00, s0  }
0xf: {  	s0 =	simm.s32 $0x8400;
	s10 =	sadd.s32 s5, s31;
	s11 =	sadd.s32 s6, s31  }
.LBB2_6:
0x10: {  	_ =	swait.ge [sflag:s21], $0xA000  }
0x11: {  	s22 =	sadd.s32 $0x1, s22;
	[sflag:s21] =	ssyncset.done $0x0  }
0x12: {  	p0 =	sne.s32 s22, s13;
	[sflag:s21] =	ssyncadd.s32 $0xFFFF6000  }
.Ltmp1:
0x13: {  	[bflag:$0x0] =	sbarrier.arrive $0xFFFF;
	(pc) =	sbr.rel @!p0 .LBB2_7-.Ltmp1, $4  }
0x14: {  	[hbm:s12], [sflag:s9] =	dma.local [spmem:s14], $0xA00  }
0x15: {  	_ =	swait.ge [sflag:s15], $0xA00  }
0x16: {  	[sflag:s15] =	ssyncset.done $0x0  }
0x17: {  	[sflag:s15] =	ssyncadd.s32 $0xFFFFF600  }
.LBB2_1:
0x18: {  	[spmem:s14], [sflag:s9] =	dma.local [hbm:s8], $0xA00  }
0x19: {  	_ =	swait.ge [sflag:s15], $0xA00  }
0x1a: {  	[sflag:s15] =	ssyncset.done $0x0  }
0x1b: {  	[sflag:s15] =	ssyncadd.s32 $0xFFFFF600  }
0x1c: {  	[bflag:$0x0] =	sbarrier.arrive $0xFFFF  }
0x1d: {  	[tilespmem:s3], [sflag:$0x3] =	stream.linear.gather [hbm4b:s10+s3], $0x500, $0x38;
	[tilespmem:$0x1A400] =	vst v63  }
0x1e: {  	_ =	swait.ge [sflag:s15], $0x500  }
0x1f: {  	[sflag:s15] =	ssyncset.done $0x0  }
0x20: {  	s23 =	simm.s32 $0xA00;
	[sflag:s15] =	ssyncadd.s32 $0xFFFFFB00  }
0x21: {  	[tilespmem:s23], [sflag:$0x3] =	stream.linear.gather [hbm4b:s11+s3], $0x500, $0x38;
	[tilespmem:$0x1A400] =	vst v63  }
0x22: {  	_ =	swait.ge [sflag:s15], $0x500  }
0x23: {  	[sflag:s15] =	ssyncset.done $0x0  }
0x24: {  	s26 =	simm.s32 $0x1400;
	[sflag:s15] =	ssyncadd.s32 $0xFFFFFB00  }
0x25: {  	[tilespmem:s26], [sflag:$0x1] =	stream.indirect.gather [hbm4b:s4+s17], $0x20, s3, s17, $0xb8;
	[tilespmem:$0x1A400] =	vst v63  }
0x26: {  	s28 =	simm.s32 $0x2400  }
0x27: {  	[tilespmem:s28], [sflag:$0x1] =	stream.indirect.gather [hbm4b:s4+s17], $0x20, s17, s17, $0xb8;
	[tilespmem:$0x1A400] =	vst v63  }
0x28: {  	s29 =	simm.s32 $0x100;
	s24 =	simm.s32 $0x3400  }
0x29: {  	[tilespmem:s24], [sflag:$0x1] =	stream.indirect.gather [hbm4b:s4+s17], $0x20, s29, s17, $0xb8;
	[tilespmem:$0x1A400] =	vst v63  }
0x2a: {  	s30 =	simm.s32 $0x180;
	s31 =	simm.s32 $0x4400  }
0x2b: {  	[tilespmem:s31], [sflag:$0x1] =	stream.indirect.gather [hbm4b:s4+s17], $0x20, s30, s17, $0xb8;
	[tilespmem:$0x1A400] =	vst v63  }
0x2c: {  	s25 =	simm.s32 $0x5400;
	s24 =	simm.s32 $0x200  }
0x2d: {  	[tilespmem:s25], [sflag:$0x1] =	stream.indirect.gather [hbm4b:s4+s17], $0x20, s24, s17, $0xb8;
	[tilespmem:$0x1A400] =	vst v63  }
0x2e: {  	s26 =	simm.s32 $0x280;
	s28 =	simm.s32 $0x6400  }
0x2f: {  	[tilespmem:s28], [sflag:$0x1] =	stream.indirect.gather [hbm4b:s4+s17], $0x20, s26, s17, $0xb8;
	[tilespmem:$0x1A400] =	vst v63  }
0x30: {  	s29 =	simm.s32 $0x300;
	s30 =	simm.s32 $0x7400  }
0x31: {  	[tilespmem:s30], [sflag:$0x1] =	stream.indirect.gather [hbm4b:s4+s17], $0x20, s29, s17, $0xb8;
	[tilespmem:$0x1A400] =	vst v63  }
0x32: {  	s31 =	simm.s32 $0x380  }
0x33: {  	[tilespmem:s0], [sflag:$0x1] =	stream.indirect.gather [hbm4b:s4+s17], $0x20, s31, s17, $0xb8;
	[tilespmem:$0x1A400] =	vst v63  }
.Ltmp2:
0x34: {  	_ = 	snop;
	(pc) =	sbr.rel .LBB2_2-.Ltmp2, $4  }
0x35: {  	_ = 	snop  }
0x36: {  	[tilespmem:s16], [sflag:$0x1] =	stream.indirect.gather [hbm4b:s4+s17], $0x20, s1, s17, $0xb8;
	[tilespmem:$0x1A400] =	vst v63  }
0x37: {  	s23 =	simm.s32 $0x0  }
0x38: {  	[tilespmem:s19], [sflag:$0x1] =	stream.indirect.gather [hbm4b:s4+s17], $0x20, s18, s17, $0xb8;
	[tilespmem:$0x1A400] =	vst v63  }
.LBB2_4:
0x39: {  	s23 =	sadd.s32 @!p0 $0x1, s23  }
0x3a: {  	s23 =	simm.s32 @p0 $0x1  }
0x3b: {  	s26 =	smul.u32 $0x500, s23;
	_ =	sdelay $0x1  }
0x3c: {  	s26 =	sadd.s32 s7, s26  }
0x3d: {  	s28 =	smul.u32 $0x500, s25;
	s26 =	sshrl.u32 s26, $0x3  }
0x3e: {  	s29 =	sadd.s32 s5, s26  }
0x3f: {  	[tilespmem:s28], [sflag:$0x3] =	stream.linear.gather [hbm4b:s29+s3], $0x500, $0x38;
	[tilespmem:$0x1A400] =	vst v63  }
0x40: {  	_ =	swait.ge [sflag:s15], $0x500  }
0x41: {  	[sflag:s15] =	ssyncset.done $0x0  }
0x42: {  	s26 =	sadd.s32 s6, s26;
	s28 =	sadd.s32 $0xA00, s28;
	[sflag:s15] =	ssyncadd.s32 $0xFFFFFB00  }
0x43: {  	[tilespmem:s28], [sflag:$0x3] =	stream.linear.gather [hbm4b:s26+s3], $0x500, $0x38;
	[tilespmem:$0x1A400] =	vst v63  }
0x44: {  	_ =	swait.ge [sflag:s15], $0x500  }
0x45: {  	[sflag:s15] =	ssyncset.done $0x0  }
0x46: {  	p0 =	por $0x0, $0x0;
	[sflag:s15] =	ssyncadd.s32 $0xFFFFFB00  }
.LBB2_5:
0x47: {  	s26 =	smul.u32 @!p0 $0x28000, s25  }
0x48: {  	_ =	swait.ge [sflag:s20], $0xA000;
	s25 =	smul.u32 @!p0 $0x1400, s25  }
0x49: {  	s29 =	simm.s32 @!p0 $0x80;
	[sflag:s20] =	ssyncset.done $0x0;
	s26 =	sshrl.u32 @!p0 s26, $0x2  }
0x4a: {  	[sflag:s20] =	ssyncadd.s32 $0xFFFF6000;
	s25 =	sshrl.u32 @!p0 s25, $0x2;
	s28 =	sor.u32 @!p0 $0x1400, s26  }
0x4b: {  	[tilespmem:s28], [sflag:$0x1] =	stream.indirect.gather @!p0 [hbm4b:s4+s29], $0x20, s25, s29, $0xb8;
	[tilespmem:$0x1A400] =	vst v63  }
0x4c: {  	s30 =	sor.u32 @!p0 $0x80, s25;
	s28 =	sadd.s32 @!p0 $0x2400, s26  }
0x4d: {  	[tilespmem:s28], [sflag:$0x1] =	stream.indirect.gather @!p0 [hbm4b:s4+s29], $0x20, s30, s29, $0xb8;
	[tilespmem:$0x1A400] =	vst v63  }
0x4e: {  	s28 =	sadd.s32 @!p0 $0x3400, s26;
	s30 =	sadd.s32 @!p0 $0x100, s25  }
0x4f: {  	[tilespmem:s28], [sflag:$0x1] =	stream.indirect.gather @!p0 [hbm4b:s4+s29], $0x20, s30, s29, $0xb8;
	[tilespmem:$0x1A400] =	vst v63  }
0x50: {  	s28 =	sadd.s32 @!p0 $0x4400, s26;
	s30 =	sadd.s32 @!p0 $0x180, s25  }
0x51: {  	[tilespmem:s28], [sflag:$0x1] =	stream.indirect.gather @!p0 [hbm4b:s4+s29], $0x20, s30, s29, $0xb8;
	[tilespmem:$0x1A400] =	vst v63  }
0x52: {  	s28 =	sadd.s32 @!p0 $0x5400, s26;
	s30 =	sadd.s32 @!p0 $0x200, s25  }
0x53: {  	[tilespmem:s28], [sflag:$0x1] =	stream.indirect.gather @!p0 [hbm4b:s4+s29], $0x20, s30, s29, $0xb8;
	[tilespmem:$0x1A400] =	vst v63  }
0x54: {  	s28 =	sadd.s32 @!p0 $0x6400, s26;
	s30 =	sadd.s32 @!p0 $0x280, s25  }
0x55: {  	[tilespmem:s28], [sflag:$0x1] =	stream.indirect.gather @!p0 [hbm4b:s4+s29], $0x20, s30, s29, $0xb8;
	[tilespmem:$0x1A400] =	vst v63  }
0x56: {  	s28 =	sadd.s32 @!p0 $0x7400, s26;
	s30 =	sadd.s32 @!p0 $0x300, s25  }
0x57: {  	[tilespmem:s28], [sflag:$0x1] =	stream.indirect.gather @!p0 [hbm4b:s4+s29], $0x20, s30, s29, $0xb8;
	[tilespmem:$0x1A400] =	vst v63  }
0x58: {  	s28 =	sadd.s32 @!p0 $0x8400, s26;
	s30 =	sadd.s32 @!p0 $0x380, s25  }
0x59: {  	[tilespmem:s28], [sflag:$0x1] =	stream.indirect.gather @!p0 [hbm4b:s4+s29], $0x20, s30, s29, $0xb8;
	[tilespmem:$0x1A400] =	vst v63  }
0x5a: {  	s31 =	sadd.s32 @!p0 $0x400, s25;
	s28 =	smul.u32 $0x28000, s24;
	s30 =	sadd.s32 @!p0 $0x9400, s26  }
0x5b: {  	[tilespmem:s30], [sflag:$0x1] =	stream.indirect.gather @!p0 [hbm4b:s4+s29], $0x20, s31, s29, $0xb8;
	[tilespmem:$0x1A400] =	vst v63  }
0x5c: {  	s25 =	sadd.s32 @!p0 $0x480, s25;
	s26 =	sadd.s32 @!p0 $0xA400, s26;
	s31 =	smul.u32 $0x1400, s24  }
0x5d: {  	[tilespmem:s26], [sflag:$0x1] =	stream.indirect.gather @!p0 [hbm4b:s4+s29], $0x20, s25, s29, $0xb8;
	[tilespmem:$0x1A400] =	vst v63  }
0x5e: {  	s25 =	sshrl.u32 s28, $0x2;
	s24 =	sshrl.u32 s31, $0x2  }
0x5f: {  	s29 =	sor.u32 $0x1400, s25;
	s30 =	sadd.s32 $0xA00, s24  }
0x60: {  	[spmem:s2] =	stream.indirect.scatter.add.f32 [tilespmem:s29], [sflag:$0x2], $0x20, s30, s17, $0xb8;
	[tilespmem:$0x1A400] =	vst v63  }
0x61: {  	s31 =	sadd.s32 $0x2400, s25;
	s29 =	sadd.s32 $0xA80, s24  }
0x62: {  	[spmem:s2] =	stream.indirect.scatter.add.f32 [tilespmem:s31], [sflag:$0x2], $0x20, s29, s17, $0xb8;
	[tilespmem:$0x1A400] =	vst v63  }
0x63: {  	s30 =	sadd.s32 $0x3400, s25;
	s31 =	sadd.s32 $0xB00, s24  }
0x64: {  	[spmem:s2] =	stream.indirect.scatter.add.f32 [tilespmem:s30], [sflag:$0x2], $0x20, s31, s17, $0xb8;
	[tilespmem:$0x1A400] =	vst v63  }
0x65: {  	s29 =	sadd.s32 $0x4400, s25;
	s30 =	sadd.s32 $0xB80, s24  }
0x66: {  	[spmem:s2] =	stream.indirect.scatter.add.f32 [tilespmem:s29], [sflag:$0x2], $0x20, s30, s17, $0xb8;
	[tilespmem:$0x1A400] =	vst v63  }
0x67: {  	s31 =	sadd.s32 $0x5400, s25;
	s29 =	sadd.s32 $0xC00, s24  }
0x68: {  	[spmem:s2] =	stream.indirect.scatter.add.f32 [tilespmem:s31], [sflag:$0x2], $0x20, s29, s17, $0xb8;
	[tilespmem:$0x1A400] =	vst v63  }
0x69: {  	s30 =	sadd.s32 $0x6400, s25;
	s31 =	sadd.s32 $0xC80, s24  }
0x6a: {  	[spmem:s2] =	stream.indirect.scatter.add.f32 [tilespmem:s30], [sflag:$0x2], $0x20, s31, s17, $0xb8;
	[tilespmem:$0x1A400] =	vst v63  }
0x6b: {  	s29 =	sadd.s32 $0x7400, s25;
	s30 =	sadd.s32 $0xD00, s24  }
0x6c: {  	[spmem:s2] =	stream.indirect.scatter.add.f32 [tilespmem:s29], [sflag:$0x2], $0x20, s30, s17, $0xb8;
	[tilespmem:$0x1A400] =	vst v63  }
0x6d: {  	p0 =	slt.u32 s23, $0x8;
	s31 =	sadd.s32 $0x8400, s25;
	s29 =	sadd.s32 $0xD80, s24  }
0x6e: {  	[spmem:s2] =	stream.indirect.scatter.add.f32 [tilespmem:s31], [sflag:$0x2], $0x20, s29, s17, $0xb8;
	[tilespmem:$0x1A400] =	vst v63  }
.Ltmp3:
0x6f: {  	_ = 	snop;
	(pc) =	sbr.rel @!p0 .LBB2_6-.Ltmp3, $4  }
0x70: {  	s30 =	sadd.s32 $0x9400, s25;
	s31 =	sadd.s32 $0xE00, s24  }
0x71: {  	[spmem:s2] =	stream.indirect.scatter.add.f32 [tilespmem:s30], [sflag:$0x2], $0x20, s31, s17, $0xb8;
	[tilespmem:$0x1A400] =	vst v63  }
0x72: {  	s25 =	sadd.s32 $0xA400, s25;
	s24 =	sadd.s32 $0xE80, s24  }
0x73: {  	[spmem:s2] =	stream.indirect.scatter.add.f32 [tilespmem:s25], [sflag:$0x2], $0x20, s24, s17, $0xb8;
	[tilespmem:$0x1A400] =	vst v63  }
.LBB2_2:
0x74: {  	p0 =	seq.s32 s23, $0x0  }
0x75: {  	p1 =	seq.s32 @!p0 s23, $0x7  }
0x76: {  	p1 =	por p0, !p1  }
.Ltmp4:
0x77: {  	_ = 	snop;
	(pc) =	sbr.rel @p1 .LBB2_4-.Ltmp4, $4  }
0x78: {  	s26 =	simm.s32 @!p0 $0x2  }
0x79: {  	_ =	swait.ge @!p0 [sflag:s26], $0xA000  }
0x7a: {  	s24 =	sand.u32 $0x1, s23;
	[sflag:s26] =	ssyncset.done @!p0 $0x0  }
0x7b: {  	s25 =	sxor.u32 $0x1, s24;
	[sflag:s26] =	ssyncadd.s32 @!p0 $0xFFFF6000  }
.Ltmp5:
0x7c: {  	(pc) =	sbr.rel .LBB2_5-.Ltmp5, $2  }
0x7d: {  	_ =	sdelay $0x2  }
0x7e: {  	s23 =	simm.s32 @!p0 $0x8;
	p0 =	por @!p0 $0x1, $0x1  }
.LBB2_7:
0x7f: {  	_ =	sfence.sel $0x180000  }
0x80: {  	[bflag:$0x0] =	sbarrier.arrive $0xFFFF  }
0x81: {  	_ =	strace $0x9000004D  }
0x82: {  	s0 =	stileid.u32;
	[bflag:$0x2] =	sbarrier.arrive $0xFFFF  }
0x83: {  	p0 =	sne.s32 s0, $0x0;
	s0 =	rddreg [dreg:$0x2]  }
0x84: {  	s0 =	sadd.s32 @!p0 $0x100000, s0  }
0x85: {  	[sflag:s0] =	ssyncadd.tile.s32 @!p0 $0x1;
	_ =	shalt  }
.Lfunc_end2:
_tile_overlayer_lowered:
.L_overlay_start_2:
0x86: {  	(tag) =	ssettag $0x2  }
0x87: {  	s0 =	rddreg [dreg:$0x0];
	s2 =	stileid.u32  }
0x88: {  	s1 =	rddreg [dreg:$0x1];
	p0 =	sne.s32 s2, $0x0  }
0x89: {  	s3 =	rddreg [dreg:$0x2];
	[bflag:$0x3] =	sbarrier.arrive $0xFFFF;
	s2 =	simm.s32 @!p0 $0x1C03  }
0x8a: {  	[timem:s3], [sflag:s2] =	dma.local @!p0 [hbm:s0], s1  }
0x8b: {  	s0 =	simm.s32 @!p0 $0x3  }
0x8c: {  	_ =	swait.ge @!p0 [sflag:s0], s1  }
0x8d: {  	s1 =	ssub.s32 @!p0 $0x0, s1;
	[sflag:s0] =	ssyncset.done @!p0 $0x0  }
0x8e: {  	[sflag:s0] =	ssyncadd.s32 @!p0 s1  }
0x8f: {  	[bflag:$0x3] =	sbarrier.arrive $0xFFFF  }
0x90: {  	_ =	shalt  }

// kernel: kernel.9.cloned.1.call-start
scs
__scs_entry_jumppad:
0x0: {  	(pc) =	sbr.rel $0x88, $3  }
0x1: {  	(tag) =	ssettag $0x0;
	lr =	simm.s32 $0x1  }
0x2: {  	[smem:$0x3F94] =	sst lr;
	_ =	strace $0xD0000000  }
0x3: {  	_ = 	snop  }
0x4: {  	_ = 	snop  }
0x5: {  	_ = 	snop  }
0x6: {  	_ = 	snop  }
0x7: {  	_ = 	snop  }
__scs_overlays_trampoline_lowered:
0x8: {  	[smem:$0x3FA3] =	sst s0  }
0x9: {  	[smem:$0x3FA4] =	sst s1  }
0xa: {  	[smem:$0x3FA5] =	sst s2  }
0xb: {  	[smem:$0x3FA6] =	sst s3  }
0xc: {  	[smem:$0x3FA7] =	sst s4  }
0xd: {  	[smem:$0x3FA8] =	sst s5  }
0xe: {  	[smem:$0x3FA9] =	sst s6  }
0xf: {  	[smem:$0x3FAA] =	sst s7  }
0x10: {  	[smem:$0x3FAB] =	sst s8  }
0x11: {  	[smem:$0x3FAC] =	sst s9;
	s0 =	simm.s32 @!p0 $0x0  }
0x12: {  	s1 =	sld [smem:$0x3F92];
	s0 =	simm.s32 @p0 $0x1  }
0x13: {  	[smem:$0x3FAD] =	sst s0;
	s0 =	simm.s32 @!p1 $0x0  }
0x14: {  	s2 =	sld [smem:$0x3F91];
	s0 =	simm.s32 @p1 $0x1  }
0x15: {  	[smem:$0x3FAE] =	sst s0;
	s0 =	simm.s32 @!p2 $0x0  }
0x16: {  	s3 =	sld [smem:$0x3FDB];
	s0 =	simm.s32 @p2 $0x1  }
0x17: {  	s4 =	simm.s32 $0x1BF5;
	[smem:$0x3FB0] =	sst s0  }
0x18: {  	s0 =	sld [smem:$0x3F93];
	_ =	swait.ge [sflag:s4], $0x0  }
0x19: {  	s7 =	sld [smem:$0x3F94]  }
0x1a: {  	s8 =	sadd.s32 $0xFFFFE003, lr  }
0x1b: {  	s9 =	sadd.s32 $0xFFFFFEF7, lr;
	s5 =	simm.s32 $0xFFFFFFFF;
	p2 =	slt.u32 s8, $0xFFFFF086  }
0x1c: {  	p1 =	slt.u32 s9, $0xF7A;
	s5 =	simm.s32 @!p2 $0x0  }
0x1d: {  	s5 =	simm.s32 @p1 $0x1;
	p0 =	seq.s32 s7, s2  }
0x1e: {  	s7 =	smul.u32 @!p0 $0xF7A, s2;
	p2 =	seq.s32 @!p0 s5, $0x0  }
0x1f: {  	s9 =	smul.u32 $0xF7A, s1;
	s8 =	simm.s32 @!p0 $0x1BF5;
	p2 =	por !p2, p0  }
0x20: {  	[sflag:s8] =	ssyncset.s32 @!p0 $0xFFFFF086;
	s6 =	sadd.s32 @!p0 s3, s7;
	s7 =	simm.s32 @!p0 $0x108  }
0x21: {  	s3 =	sadd.s32 s3, s9;
	s6 =	sadd.s32 @!p0 $0x88, s6;
	s7 =	simm.s32 @p2 $0x1082  }
0x22: {  	[simem:s7], [sflag:s8] =	dma.local @!p0 [hbm:s6], $0xF7A  }
0x23: {  	s9 =	sor.u32 $0xD0000000, s2;
	s6 =	simm.s32 $0x108;
	_ =	swait.ge @!p0 [sflag:s8], $0x0  }
0x24: {  	s3 =	sadd.s32 $0x88, s3;
	s6 =	simm.s32 @!p1 $0x1082;
	[sflag:s4] =	ssyncset.s32 $0xFFFFF086  }
0x25: {  	[simem:s6], [sflag:s4] =	dma.local [hbm:s3], $0xF7A  }
0x26: {  	[smem:$0x3F94] =	sst s1;
	(tag) =	ssettag s2;
	_ =	strace s9  }
0x27: {  	s1 =	sld [smem:$0x3FA4]  }
0x28: {  	s2 =	sld [smem:$0x3FA5]  }
0x29: {  	s4 =	sld [smem:$0x3FA7]  }
0x2a: {  	p0 =	seq.s32 s5, $0x0;
	s5 =	sld [smem:$0x3FA8]  }
0x2b: {  	s6 =	sld [smem:$0x3FA9]  }
0x2c: {  	s7 =	sld [smem:$0x3FAA]  }
0x2d: {  	s3 =	simm.s32 $0x108;
	s8 =	sld [smem:$0x3FAB]  }
0x2e: {  	s3 =	simm.s32 @!p0 $0x1082;
	s9 =	sld [smem:$0x3FAC]  }
0x2f: {  	lr =	sadd.s32 s0, s3;
	s0 =	sld [smem:$0x3FA3]  }
0x30: {  	s3 =	sld [smem:$0x3FA6]  }
0x31: {  	[smem:$0x3FAF] =	sst s10  }
0x32: {  	s10 =	sld [smem:$0x3FAD];
	_ =	sdelay $0x3  }
0x33: {  	p0 =	seq.s32 s10, $0x1;
	s10 =	sld [smem:$0x3FAF];
	_ =	sdelay $0x3  }
0x34: {  	[smem:$0x3FAF] =	sst s10  }
0x35: {  	s10 =	sld [smem:$0x3FAE];
	_ =	sdelay $0x3  }
0x36: {  	p1 =	seq.s32 s10, $0x1;
	s10 =	sld [smem:$0x3FAF];
	_ =	sdelay $0x3  }
0x37: {  	[smem:$0x3FAF] =	sst s10  }
0x38: {  	s10 =	sld [smem:$0x3FB0]  }
0x39: {  	_ = 	snop;
	(pc) =	sbr.ind lr, $3  }
0x3a: {  	_ = 	snop  }
0x3b: {  	_ = 	snop  }
0x3c: {  	p2 =	seq.s32 s10, $0x1;
	s10 =	sld [smem:$0x3FAF]  }
0x3d: {  	_ =	shalt  }
0x3e: {  	_ =	shalt  }
0x3f: {  	_ =	shalt  }
0x40: {  	_ =	shalt  }
0x41: {  	_ =	shalt  }
0x42: {  	_ =	shalt  }
0x43: {  	_ =	shalt  }
0x44: {  	_ =	shalt  }
0x45: {  	_ =	shalt  }
0x46: {  	_ =	shalt  }
0x47: {  	_ =	shalt  }
0x48: {  	_ =	shalt  }
0x49: {  	_ =	shalt  }
0x4a: {  	_ =	shalt  }
0x4b: {  	_ =	shalt  }
0x4c: {  	_ =	shalt  }
0x4d: {  	_ =	shalt  }
0x4e: {  	_ =	shalt  }
0x4f: {  	_ =	shalt  }
0x50: {  	_ =	shalt  }
0x51: {  	_ =	shalt  }
0x52: {  	_ =	shalt  }
0x53: {  	_ =	shalt  }
0x54: {  	_ =	shalt  }
0x55: {  	_ =	shalt  }
0x56: {  	_ =	shalt  }
0x57: {  	_ =	shalt  }
0x58: {  	_ =	shalt  }
0x59: {  	_ =	shalt  }
0x5a: {  	_ =	shalt  }
0x5b: {  	_ =	shalt  }
0x5c: {  	_ =	shalt  }
0x5d: {  	_ =	shalt  }
0x5e: {  	_ =	shalt  }
0x5f: {  	_ =	shalt  }
0x60: {  	_ =	shalt  }
0x61: {  	_ =	shalt  }
0x62: {  	_ =	shalt  }
0x63: {  	_ =	shalt  }
0x64: {  	_ =	shalt  }
0x65: {  	_ =	shalt  }
0x66: {  	_ =	shalt  }
0x67: {  	_ =	shalt  }
0x68: {  	_ =	shalt  }
0x69: {  	_ =	shalt  }
0x6a: {  	_ =	shalt  }
0x6b: {  	_ =	shalt  }
0x6c: {  	_ =	shalt  }
0x6d: {  	_ =	shalt  }
0x6e: {  	_ =	shalt  }
0x6f: {  	_ =	shalt  }
0x70: {  	_ =	shalt  }
0x71: {  	_ =	shalt  }
0x72: {  	_ =	shalt  }
0x73: {  	_ =	shalt  }
0x74: {  	_ =	shalt  }
0x75: {  	_ =	shalt  }
0x76: {  	_ =	shalt  }
0x77: {  	_ =	shalt  }
0x78: {  	_ =	shalt  }
0x79: {  	_ =	shalt  }
0x7a: {  	_ =	shalt  }
0x7b: {  	_ =	shalt  }
0x7c: {  	_ =	shalt  }
0x7d: {  	_ =	shalt  }
0x7e: {  	_ =	shalt  }
0x7f: {  	_ =	shalt  }
0x80: {  	_ =	shalt  }
0x81: {  	_ =	shalt  }
0x82: {  	_ =	shalt  }
0x83: {  	_ =	shalt  }
0x84: {  	_ =	shalt  }
0x85: {  	_ =	shalt  }
0x86: {  	_ =	shalt  }
0x87: {  	_ =	shalt  }
.Lfunc_end0:
.L_simem_size_0:
called_computation_lowered:
.L_overlay_start_0:
0x88: {  	s2 =	sld [smem:$0x3FD9]  }
0x89: {  	s3 =	sld [smem:$0x3FFE];
	_ =	sdelay $0x1  }
0x8a: {  	s1 =	srdreg.scid  }
0x8b: {  	s0 =	sand.u32 $0x1, s1  }
0x8c: {  	s16 =	sshll.u32 s0, $0xA;
	s2 =	sadd.s32 s3, s2  }
0x8d: {  	s2 =	sadd.s32 s2, s16  }
0x8e: {  	[smem:$0x3FBB] =	sst s2  }
0x8f: {  	_ = 	snop  }
0x90: {  	(tm) =	ssettm $0x1  }
0x91: {  	s17 =	sld [smem:$0x3FFB];
	_ =	sdelay $0x3  }
0x92: {  	_ =	strace s17  }
0x93: {  	s2 =	sld [smem:$0x3FFC];
	_ =	sdelay $0x3  }
0x94: {  	_ =	strace s2  }
0x95: {  	s2 =	sld [smem:$0x3FFD];
	_ =	sdelay $0x3  }
0x96: {  	_ =	strace s2  }
0x97: {  	_ =	strace $0x8FFFFFFF  }
0x98: {  	s18 =	sld [smem:$0x3FDB];
	_ =	sdelay $0x1  }
0x99: {  	s19 =	simm.s32 $_scs_section_size  }
0x9a: {  	s4 =	simm.s32 $_size__tile_overlayer_lowered;
	s5 =	simm.s32 $_tile_overlayer_lowered  }
0x9b: {  	s22 =	simm.s32 $0x1BFF;
	s21 =	sshll.u32 s5, $0x1;
	s2 =	sadd.s32 s19, s18  }
0x9c: {  	s6 =	simm.s32 $0x0;
	s20 =	sshll.u32 s4, $0x1;
	s4 =	sadd.s32 s21, s2  }
0x9d: {  	[timem:s6], [sflag:s22] =	dma.local [hbm:s4], s20  }
0x9e: {  	_ =	swait.ge [sflag:s22], s20  }
0x9f: {  	s3 =	ssub.s32 $0x0, s20;
	[sflag:s22] =	ssyncset.done $0x0  }
0xa0: {  	[sflag:s22] =	ssyncadd.s32 s3;
	_ =	sdelay $0x1  }
0xa1: {  	s23 =	simm.s32 $0x1B8B  }
0xa2: {  	_ =	swait.ge [sflag:s23], $0x1  }
0xa3: {  	[sflag:s23] =	ssyncset.done $0x0  }
0xa4: {  	s25 =	simm.s32 $0x1B8E;
	s24 =	sld [smem:$0x3FFE];
	[sflag:s23] =	ssyncadd.s32 $0xFFFFFFFF  }
0xa5: {  	s26 =	simm.s32 $execute0_lowered;
	[smem:$0x3FD2] =	sst s25  }
0xa6: {  	s4 =	sshll.u32 s26, $0x1;
	_ =	strace $0x80000046;
	[dreg:$0x1] =	wrdreg $0xFFFFFFFF  }
0xa7: {  	s28 =	simm.s32 $_size_execute0_lowered;
	s2 =	sadd.s32 s2, s4;
	[dreg:$0x0] =	wrdreg $0x0  }
0xa8: {  	s4 =	sshll.u32 s28, $0x1;
	[dreg:$0x2] =	wrdreg s2  }
0xa9: {  	[dreg:$0x3] =	wrdreg s4  }
0xaa: {  	[dreg:$0x4] =	wrdreg $0xC0  }
0xab: {  	_ =	task [dreg:s6], $0x5FFFF  }
0xac: {  	[dreg:$0x1] =	wrdreg $0xFFFFFFFF  }
0xad: {  	[dreg:$0x0] =	wrdreg $0x60  }
0xae: {  	[dreg:$0x2] =	wrdreg s24  }
0xaf: {  	[dreg:$0x3] =	wrdreg $0x154000  }
0xb0: {  	[dreg:$0x4] =	wrdreg $0x9  }
0xb1: {  	_ =	task.clear_ibuf [dreg:s6], $0x5FFFF;
	_ =	strace $0x90000046  }
0xb2: {  	s29 =	simm.s32 $0x9;
	_ =	strace $0x80000048  }
0xb3: {  	_ =	swait.ge [sflag:s29], $0x1  }
0xb4: {  	[sflag:s29] =	ssyncadd.s32 $0xFFFFFFFF  }
0xb5: {  	_ =	strace $0x90000048  }
0xb6: {  	_ =	sfence  }
0xb7: {  	s30 =	sld [smem:$0x0];
	_ =	sdelay $0x2  }
0xb8: {  	s31 =	sshll.u32 s1, $0xD;
	s1 =	sshrl.u32 s1, $0x2  }
0xb9: {  	s3 =	sand.u32 $0x4000, s31;
	s1 =	sadd.s32 s1, s30  }
0xba: {  	s0 =	sor.u32 s3, s0;
	s1 =	sshll.u32 s1, $0x11  }
0xbb: {  	s0 =	sor.u32 s1, s0  }
0xbc: {  	s0 =	sadd.s32 $0x8F2B, s0  }
0xbd: {  	[sflag:s0] =	ssyncadd.remote.s32 $0x1  }
0xbe: {  	_ =	sfence.sel $0xFFFF  }
0xbf: {  	[dreg:$0x0] =	wrdreg $0xFFFFFFFF;
	(pc) =	sbr.abs _section_cstart, $3  }
0xc0: {  	[dreg:$0x1] =	wrdreg $0xFFFFFFFF  }
0xc1: {  	_ =	task.clear_ibuf [dreg:s6], $0x2FFFF;
	_ =	strace $0x9FFFFFFF  }
0xc2: {  	(tm) =	ssettm $0x7FFFFFFF  }
0xc3: {  	_ =	shalt  }
tec
execute0_lowered:
.L_overlay_start_1:
0x0: {  	(tag) =	ssettag $0x1  }
0x1: {  	s0 =	rddreg [dreg:$0x0]  }
0x2: {  	s2 =	rddreg [dreg:$0x1];
	s3 =	simm.s32 $0x0;
	s1 =	srdreg.scid  }
0x3: {  	s13 =	stileid.u32;
	s15 =	simm.s32 $0x3;
	s17 =	simm.s32 $0x80  }
0x4: {  	s16 =	simm.s32 $0x9400;
	s18 =	simm.s32 $0x480;
	s19 =	simm.s32 $0xA400  }
0x5: {  	s20 =	simm.s32 $0x1;
	s21 =	simm.s32 $0x2;
	s22 =	simm.s32 $0x0  }
0x6: {  	[smem:$0x7FF] =	sst s3;
	s1 =	sand.u32 $0x1, s1;
	s9 =	smul.u32 $0x5000, s13  }
0x7: {  	s4 =	sadd.s32 $0x2400, s0;
	s5 =	sadd.s32 $0xC400, s0;
	s6 =	sadd.s32 $0x16400, s0  }
0x8: {  	s8 =	sshll.u32 s13, $0x1;
	s30 =	sshll.u32 s13, $0x6;
	_ =	strace $0x80000047  }
0x9: {  	s7 =	smul.u32 $0x50000, s1;
	s10 =	ssub.s32 $0x2, s1;
	s1 =	sor.u32 s1, s8  }
0xa: {  	s8 =	sadd.s32 $0x20400, s0;
	s12 =	sshrl.u32 s10, $0x1;
	s14 =	sadd.s32 s9, s2  }
.Ltmp0:
0xb: {  	s7 =	sadd.s32 s9, s7;
	s29 =	ssub.s32 s10, s12;
	(pc) =	sbr.rel .LBB2_1-.Ltmp0, $4  }
0xc: {  	s9 =	sor.u32 $0x1C03, s30;
	s11 =	sshrl.u32 s7, $0x3;
	s7 =	smul.u32 $0x2800, s1  }
0xd: {  	s14 =	sshrl.u32 s14, $0x3;
	s13 =	smax.u32 s29, $0x1;
	s0 =	sadd.s32 s11, s0  }
0xe: {  	s1 =	simm.s32 $0x400;
	s31 =	sshrl.u32 s7, $0x3;
	s12 =	sadd.s32 $0x20E00, s0  }
0xf: {  	s0 =	simm.s32 $0x8400;
	s10 =	sadd.s32 s5, s31;
	s11 =	sadd.s32 s6, s31  }
.LBB2_6:
0x10: {  	_ =	swait.ge [sflag:s21], $0xA000  }
0x11: {  	s22 =	sadd.s32 $0x1, s22;
	[sflag:s21] =	ssyncset.done $0x0  }
0x12: {  	p0 =	sne.s32 s22, s13;
	[sflag:s21] =	ssyncadd.s32 $0xFFFF6000  }
.Ltmp1:
0x13: {  	[bflag:$0x0] =	sbarrier.arrive $0xFFFF;
	(pc) =	sbr.rel @!p0 .LBB2_7-.Ltmp1, $4  }
0x14: {  	[hbm:s12], [sflag:s9] =	dma.local [spmem:s14], $0xA00  }
0x15: {  	_ =	swait.ge [sflag:s15], $0xA00  }
0x16: {  	[sflag:s15] =	ssyncset.done $0x0  }
0x17: {  	[sflag:s15] =	ssyncadd.s32 $0xFFFFF600  }
.LBB2_1:
0x18: {  	[spmem:s14], [sflag:s9] =	dma.local [hbm:s8], $0xA00  }
0x19: {  	_ =	swait.ge [sflag:s15], $0xA00  }
0x1a: {  	[sflag:s15] =	ssyncset.done $0x0  }
0x1b: {  	[sflag:s15] =	ssyncadd.s32 $0xFFFFF600  }
0x1c: {  	[bflag:$0x0] =	sbarrier.arrive $0xFFFF  }
0x1d: {  	[tilespmem:s3], [sflag:$0x3] =	stream.linear.gather [hbm4b:s10+s3], $0x500, $0x38;
	[tilespmem:$0x1A400] =	vst v63  }
0x1e: {  	_ =	swait.ge [sflag:s15], $0x500  }
0x1f: {  	[sflag:s15] =	ssyncset.done $0x0  }
0x20: {  	s23 =	simm.s32 $0xA00;
	[sflag:s15] =	ssyncadd.s32 $0xFFFFFB00  }
0x21: {  	[tilespmem:s23], [sflag:$0x3] =	stream.linear.gather [hbm4b:s11+s3], $0x500, $0x38;
	[tilespmem:$0x1A400] =	vst v63  }
0x22: {  	_ =	swait.ge [sflag:s15], $0x500  }
0x23: {  	[sflag:s15] =	ssyncset.done $0x0  }
0x24: {  	s26 =	simm.s32 $0x1400;
	[sflag:s15] =	ssyncadd.s32 $0xFFFFFB00  }
0x25: {  	[tilespmem:s26], [sflag:$0x1] =	stream.indirect.gather [hbm4b:s4+s17], $0x20, s3, s17, $0xb8;
	[tilespmem:$0x1A400] =	vst v63  }
0x26: {  	s28 =	simm.s32 $0x2400  }
0x27: {  	[tilespmem:s28], [sflag:$0x1] =	stream.indirect.gather [hbm4b:s4+s17], $0x20, s17, s17, $0xb8;
	[tilespmem:$0x1A400] =	vst v63  }
0x28: {  	s29 =	simm.s32 $0x100;
	s24 =	simm.s32 $0x3400  }
0x29: {  	[tilespmem:s24], [sflag:$0x1] =	stream.indirect.gather [hbm4b:s4+s17], $0x20, s29, s17, $0xb8;
	[tilespmem:$0x1A400] =	vst v63  }
0x2a: {  	s30 =	simm.s32 $0x180;
	s31 =	simm.s32 $0x4400  }
0x2b: {  	[tilespmem:s31], [sflag:$0x1] =	stream.indirect.gather [hbm4b:s4+s17], $0x20, s30, s17, $0xb8;
	[tilespmem:$0x1A400] =	vst v63  }
0x2c: {  	s25 =	simm.s32 $0x5400;
	s24 =	simm.s32 $0x200  }
0x2d: {  	[tilespmem:s25], [sflag:$0x1] =	stream.indirect.gather [hbm4b:s4+s17], $0x20, s24, s17, $0xb8;
	[tilespmem:$0x1A400] =	vst v63  }
0x2e: {  	s26 =	simm.s32 $0x280;
	s28 =	simm.s32 $0x6400  }
0x2f: {  	[tilespmem:s28], [sflag:$0x1] =	stream.indirect.gather [hbm4b:s4+s17], $0x20, s26, s17, $0xb8;
	[tilespmem:$0x1A400] =	vst v63  }
0x30: {  	s29 =	simm.s32 $0x300;
	s30 =	simm.s32 $0x7400  }
0x31: {  	[tilespmem:s30], [sflag:$0x1] =	stream.indirect.gather [hbm4b:s4+s17], $0x20, s29, s17, $0xb8;
	[tilespmem:$0x1A400] =	vst v63  }
0x32: {  	s31 =	simm.s32 $0x380  }
0x33: {  	[tilespmem:s0], [sflag:$0x1] =	stream.indirect.gather [hbm4b:s4+s17], $0x20, s31, s17, $0xb8;
	[tilespmem:$0x1A400] =	vst v63  }
.Ltmp2:
0x34: {  	_ = 	snop;
	(pc) =	sbr.rel .LBB2_2-.Ltmp2, $4  }
0x35: {  	_ = 	snop  }
0x36: {  	[tilespmem:s16], [sflag:$0x1] =	stream.indirect.gather [hbm4b:s4+s17], $0x20, s1, s17, $0xb8;
	[tilespmem:$0x1A400] =	vst v63  }
0x37: {  	s23 =	simm.s32 $0x0  }
0x38: {  	[tilespmem:s19], [sflag:$0x1] =	stream.indirect.gather [hbm4b:s4+s17], $0x20, s18, s17, $0xb8;
	[tilespmem:$0x1A400] =	vst v63  }
.LBB2_4:
0x39: {  	s23 =	sadd.s32 @!p0 $0x1, s23  }
0x3a: {  	s23 =	simm.s32 @p0 $0x1  }
0x3b: {  	s26 =	smul.u32 $0x500, s23;
	_ =	sdelay $0x1  }
0x3c: {  	s26 =	sadd.s32 s7, s26  }
0x3d: {  	s28 =	smul.u32 $0x500, s25;
	s26 =	sshrl.u32 s26, $0x3  }
0x3e: {  	s29 =	sadd.s32 s5, s26  }
0x3f: {  	[tilespmem:s28], [sflag:$0x3] =	stream.linear.gather [hbm4b:s29+s3], $0x500, $0x38;
	[tilespmem:$0x1A400] =	vst v63  }
0x40: {  	_ =	swait.ge [sflag:s15], $0x500  }
0x41: {  	[sflag:s15] =	ssyncset.done $0x0  }
0x42: {  	s26 =	sadd.s32 s6, s26;
	s28 =	sadd.s32 $0xA00, s28;
	[sflag:s15] =	ssyncadd.s32 $0xFFFFFB00  }
0x43: {  	[tilespmem:s28], [sflag:$0x3] =	stream.linear.gather [hbm4b:s26+s3], $0x500, $0x38;
	[tilespmem:$0x1A400] =	vst v63  }
0x44: {  	_ =	swait.ge [sflag:s15], $0x500  }
0x45: {  	[sflag:s15] =	ssyncset.done $0x0  }
0x46: {  	p0 =	por $0x0, $0x0;
	[sflag:s15] =	ssyncadd.s32 $0xFFFFFB00  }
.LBB2_5:
0x47: {  	s26 =	smul.u32 @!p0 $0x28000, s25  }
0x48: {  	_ =	swait.ge [sflag:s20], $0xA000;
	s25 =	smul.u32 @!p0 $0x1400, s25  }
0x49: {  	s29 =	simm.s32 @!p0 $0x80;
	[sflag:s20] =	ssyncset.done $0x0;
	s26 =	sshrl.u32 @!p0 s26, $0x2  }
0x4a: {  	[sflag:s20] =	ssyncadd.s32 $0xFFFF6000;
	s25 =	sshrl.u32 @!p0 s25, $0x2;
	s28 =	sor.u32 @!p0 $0x1400, s26  }
0x4b: {  	[tilespmem:s28], [sflag:$0x1] =	stream.indirect.gather @!p0 [hbm4b:s4+s29], $0x20, s25, s29, $0xb8;
	[tilespmem:$0x1A400] =	vst v63  }
0x4c: {  	s30 =	sor.u32 @!p0 $0x80, s25;
	s28 =	sadd.s32 @!p0 $0x2400, s26  }
0x4d: {  	[tilespmem:s28], [sflag:$0x1] =	stream.indirect.gather @!p0 [hbm4b:s4+s29], $0x20, s30, s29, $0xb8;
	[tilespmem:$0x1A400] =	vst v63  }
0x4e: {  	s28 =	sadd.s32 @!p0 $0x3400, s26;
	s30 =	sadd.s32 @!p0 $0x100, s25  }
0x4f: {  	[tilespmem:s28], [sflag:$0x1] =	stream.indirect.gather @!p0 [hbm4b:s4+s29], $0x20, s30, s29, $0xb8;
	[tilespmem:$0x1A400] =	vst v63  }
0x50: {  	s28 =	sadd.s32 @!p0 $0x4400, s26;
	s30 =	sadd.s32 @!p0 $0x180, s25  }
0x51: {  	[tilespmem:s28], [sflag:$0x1] =	stream.indirect.gather @!p0 [hbm4b:s4+s29], $0x20, s30, s29, $0xb8;
	[tilespmem:$0x1A400] =	vst v63  }
0x52: {  	s28 =	sadd.s32 @!p0 $0x5400, s26;
	s30 =	sadd.s32 @!p0 $0x200, s25  }
0x53: {  	[tilespmem:s28], [sflag:$0x1] =	stream.indirect.gather @!p0 [hbm4b:s4+s29], $0x20, s30, s29, $0xb8;
	[tilespmem:$0x1A400] =	vst v63  }
0x54: {  	s28 =	sadd.s32 @!p0 $0x6400, s26;
	s30 =	sadd.s32 @!p0 $0x280, s25  }
0x55: {  	[tilespmem:s28], [sflag:$0x1] =	stream.indirect.gather @!p0 [hbm4b:s4+s29], $0x20, s30, s29, $0xb8;
	[tilespmem:$0x1A400] =	vst v63  }
0x56: {  	s28 =	sadd.s32 @!p0 $0x7400, s26;
	s30 =	sadd.s32 @!p0 $0x300, s25  }
0x57: {  	[tilespmem:s28], [sflag:$0x1] =	stream.indirect.gather @!p0 [hbm4b:s4+s29], $0x20, s30, s29, $0xb8;
	[tilespmem:$0x1A400] =	vst v63  }
0x58: {  	s28 =	sadd.s32 @!p0 $0x8400, s26;
	s30 =	sadd.s32 @!p0 $0x380, s25  }
0x59: {  	[tilespmem:s28], [sflag:$0x1] =	stream.indirect.gather @!p0 [hbm4b:s4+s29], $0x20, s30, s29, $0xb8;
	[tilespmem:$0x1A400] =	vst v63  }
0x5a: {  	s31 =	sadd.s32 @!p0 $0x400, s25;
	s28 =	smul.u32 $0x28000, s24;
	s30 =	sadd.s32 @!p0 $0x9400, s26  }
0x5b: {  	[tilespmem:s30], [sflag:$0x1] =	stream.indirect.gather @!p0 [hbm4b:s4+s29], $0x20, s31, s29, $0xb8;
	[tilespmem:$0x1A400] =	vst v63  }
0x5c: {  	s25 =	sadd.s32 @!p0 $0x480, s25;
	s26 =	sadd.s32 @!p0 $0xA400, s26;
	s31 =	smul.u32 $0x1400, s24  }
0x5d: {  	[tilespmem:s26], [sflag:$0x1] =	stream.indirect.gather @!p0 [hbm4b:s4+s29], $0x20, s25, s29, $0xb8;
	[tilespmem:$0x1A400] =	vst v63  }
0x5e: {  	s25 =	sshrl.u32 s28, $0x2;
	s24 =	sshrl.u32 s31, $0x2  }
0x5f: {  	s29 =	sor.u32 $0x1400, s25;
	s30 =	sadd.s32 $0xA00, s24  }
0x60: {  	[spmem:s2] =	stream.indirect.scatter.add.f32 [tilespmem:s29], [sflag:$0x2], $0x20, s30, s17, $0xb8;
	[tilespmem:$0x1A400] =	vst v63  }
0x61: {  	s31 =	sadd.s32 $0x2400, s25;
	s29 =	sadd.s32 $0xA80, s24  }
0x62: {  	[spmem:s2] =	stream.indirect.scatter.add.f32 [tilespmem:s31], [sflag:$0x2], $0x20, s29, s17, $0xb8;
	[tilespmem:$0x1A400] =	vst v63  }
0x63: {  	s30 =	sadd.s32 $0x3400, s25;
	s31 =	sadd.s32 $0xB00, s24  }
0x64: {  	[spmem:s2] =	stream.indirect.scatter.add.f32 [tilespmem:s30], [sflag:$0x2], $0x20, s31, s17, $0xb8;
	[tilespmem:$0x1A400] =	vst v63  }
0x65: {  	s29 =	sadd.s32 $0x4400, s25;
	s30 =	sadd.s32 $0xB80, s24  }
0x66: {  	[spmem:s2] =	stream.indirect.scatter.add.f32 [tilespmem:s29], [sflag:$0x2], $0x20, s30, s17, $0xb8;
	[tilespmem:$0x1A400] =	vst v63  }
0x67: {  	s31 =	sadd.s32 $0x5400, s25;
	s29 =	sadd.s32 $0xC00, s24  }
0x68: {  	[spmem:s2] =	stream.indirect.scatter.add.f32 [tilespmem:s31], [sflag:$0x2], $0x20, s29, s17, $0xb8;
	[tilespmem:$0x1A400] =	vst v63  }
0x69: {  	s30 =	sadd.s32 $0x6400, s25;
	s31 =	sadd.s32 $0xC80, s24  }
0x6a: {  	[spmem:s2] =	stream.indirect.scatter.add.f32 [tilespmem:s30], [sflag:$0x2], $0x20, s31, s17, $0xb8;
	[tilespmem:$0x1A400] =	vst v63  }
0x6b: {  	s29 =	sadd.s32 $0x7400, s25;
	s30 =	sadd.s32 $0xD00, s24  }
0x6c: {  	[spmem:s2] =	stream.indirect.scatter.add.f32 [tilespmem:s29], [sflag:$0x2], $0x20, s30, s17, $0xb8;
	[tilespmem:$0x1A400] =	vst v63  }
0x6d: {  	p0 =	slt.u32 s23, $0x8;
	s31 =	sadd.s32 $0x8400, s25;
	s29 =	sadd.s32 $0xD80, s24  }
0x6e: {  	[spmem:s2] =	stream.indirect.scatter.add.f32 [tilespmem:s31], [sflag:$0x2], $0x20, s29, s17, $0xb8;
	[tilespmem:$0x1A400] =	vst v63  }
.Ltmp3:
0x6f: {  	_ = 	snop;
	(pc) =	sbr.rel @!p0 .LBB2_6-.Ltmp3, $4  }
0x70: {  	s30 =	sadd.s32 $0x9400, s25;
	s31 =	sadd.s32 $0xE00, s24  }
0x71: {  	[spmem:s2] =	stream.indirect.scatter.add.f32 [tilespmem:s30], [sflag:$0x2], $0x20, s31, s17, $0xb8;
	[tilespmem:$0x1A400] =	vst v63  }
0x72: {  	s25 =	sadd.s32 $0xA400, s25;
	s24 =	sadd.s32 $0xE80, s24  }
0x73: {  	[spmem:s2] =	stream.indirect.scatter.add.f32 [tilespmem:s25], [sflag:$0x2], $0x20, s24, s17, $0xb8;
	[tilespmem:$0x1A400] =	vst v63  }
.LBB2_2:
0x74: {  	p0 =	seq.s32 s23, $0x0  }
0x75: {  	p1 =	seq.s32 @!p0 s23, $0x7  }
0x76: {  	p1 =	por p0, !p1  }
.Ltmp4:
0x77: {  	_ = 	snop;
	(pc) =	sbr.rel @p1 .LBB2_4-.Ltmp4, $4  }
0x78: {  	s26 =	simm.s32 @!p0 $0x2  }
0x79: {  	_ =	swait.ge @!p0 [sflag:s26], $0xA000  }
0x7a: {  	s24 =	sand.u32 $0x1, s23;
	[sflag:s26] =	ssyncset.done @!p0 $0x0  }
0x7b: {  	s25 =	sxor.u32 $0x1, s24;
	[sflag:s26] =	ssyncadd.s32 @!p0 $0xFFFF6000  }
.Ltmp5:
0x7c: {  	(pc) =	sbr.rel .LBB2_5-.Ltmp5, $2  }
0x7d: {  	_ =	sdelay $0x2  }
0x7e: {  	s23 =	simm.s32 @!p0 $0x8;
	p0 =	por @!p0 $0x1, $0x1  }
.LBB2_7:
0x7f: {  	_ =	sfence.sel $0x180000  }
0x80: {  	[bflag:$0x0] =	sbarrier.arrive $0xFFFF  }
0x81: {  	_ =	strace $0x90000047  }
0x82: {  	s0 =	stileid.u32;
	[bflag:$0x2] =	sbarrier.arrive $0xFFFF  }
0x83: {  	p0 =	sne.s32 s0, $0x0;
	s0 =	rddreg [dreg:$0x2]  }
0x84: {  	s0 =	sadd.s32 @!p0 $0x100000, s0  }
0x85: {  	[sflag:s0] =	ssyncadd.tile.s32 @!p0 $0x1;
	_ =	shalt  }
.Lfunc_end2:
_tile_overlayer_lowered:
.L_overlay_start_2:
0x86: {  	(tag) =	ssettag $0x2  }
0x87: {  	s0 =	rddreg [dreg:$0x0];
	s2 =	stileid.u32  }
0x88: {  	s1 =	rddreg [dreg:$0x1];
	p0 =	sne.s32 s2, $0x0  }
0x89: {  	s3 =	rddreg [dreg:$0x2];
	[bflag:$0x3] =	sbarrier.arrive $0xFFFF;
	s2 =	simm.s32 @!p0 $0x1C03  }
0x8a: {  	[timem:s3], [sflag:s2] =	dma.local @!p0 [hbm:s0], s1  }
0x8b: {  	s0 =	simm.s32 @!p0 $0x3  }
0x8c: {  	_ =	swait.ge @!p0 [sflag:s0], s1  }
0x8d: {  	s1 =	ssub.s32 @!p0 $0x0, s1;
	[sflag:s0] =	ssyncset.done @!p0 $0x0  }
0x8e: {  	[sflag:s0] =	ssyncadd.s32 @!p0 s1  }
0x8f: {  	[bflag:$0x3] =	sbarrier.arrive $0xFFFF  }
0x90: {  	_ =	shalt  }

</sc_bundles>
